<compile_context>
chip_gen: v7x
topology: tpu7x:2x2x1
jax: 0.10.2.dev20260603
libtpu: 0.0.44.dev20260713+nightly
codegen_flags: <defaults>
</compile_context>

<pallas_src>
import functools

import jax
import jax.numpy as jnp
from jax import lax
from jax.experimental import pallas as pl
from jax.experimental.pallas import tpu as pltpu
from jax.experimental.pallas import tpu_sc as plsc

_N = 10000
_E = 320000
_D = 128
_HID = 128
_NCLS = 64

_NSC = 2
_NTEC = 16
_NW = _NSC * _NTEC
_EPT = _E // _NW
_C = 80
_ITERS = _EPT // _C
_NB = 3

_R_STEP = 624
_R_LEN = 640

_mesh = plsc.VectorSubcoreMesh(core_axis_name="c", subcore_axis_name="s")



@functools.partial(
    pl.kernel,
    out_type=jax.ShapeDtypeStruct((_NSC * 2 * _N,), jnp.float32),
    mesh=_mesh,
    scratch_types=[
        pltpu.VMEM((_EPT,), jnp.int32),
        pltpu.VMEM((_EPT,), jnp.int32),
        pltpu.VMEM((_C,), jnp.float32),
        pltpu.VMEM((_R_LEN,), jnp.float32),
        pltpu.VMEM_SHARED((_N,), jnp.float32),
        pltpu.VMEM_SHARED((_N,), jnp.float32),
        pltpu.SemaphoreType.DMA,
        pltpu.SemaphoreType.DMA,
    ],
)
def _deg_kernel(src_h, dst_h, out_h,
                sidx, didx, ones_v, stage_v, dego_sp, degi_sp, sem0, sem1):
    cid = lax.axis_index("c")
    sid = lax.axis_index("s")
    wid = sid * _NSC + cid
    r0 = pl.multiple_of(sid * _R_STEP, 8)
    ebase = pl.multiple_of(wid * _EPT, 8)
    pltpu.sync_copy(src_h.at[pl.ds(ebase, _EPT)], sidx)
    pltpu.sync_copy(dst_h.at[pl.ds(ebase, _EPT)], didx)
    for j in range(_C // 16):
        ones_v[pl.ds(j * 16, 16)] = jnp.ones((16,), jnp.float32)
    for j in range(_R_LEN // 16):
        stage_v[pl.ds(j * 16, 16)] = jnp.zeros((16,), jnp.float32)
    pltpu.sync_copy(stage_v, dego_sp.at[pl.ds(r0, _R_LEN)])
    pltpu.sync_copy(stage_v, degi_sp.at[pl.ds(r0, _R_LEN)])
    plsc.subcore_barrier()

    def chunk(i):
        return pl.ds(pl.multiple_of(i * _C, 8), _C)

    def body(i, carry):
        pltpu.async_copy(ones_v, dego_sp.at[sidx.at[chunk(i)]], sem0, add=True)
        pltpu.async_copy(ones_v, degi_sp.at[didx.at[chunk(i)]], sem1, add=True)
        return carry

    lax.fori_loop(0, _ITERS, body, 0)

    def drain(i, carry):
        pltpu.make_async_copy(ones_v, dego_sp.at[sidx.at[chunk(0)]], sem0).wait()
        pltpu.make_async_copy(ones_v, degi_sp.at[didx.at[chunk(0)]], sem1).wait()
        return carry

    lax.fori_loop(0, _ITERS, drain, 0)
    plsc.subcore_barrier()
    o_base = pl.multiple_of(cid * (2 * _N) + r0, 8)
    pltpu.sync_copy(dego_sp.at[pl.ds(r0, _R_LEN)], stage_v)
    pltpu.sync_copy(stage_v, out_h.at[pl.ds(o_base, _R_LEN)])
    pltpu.sync_copy(degi_sp.at[pl.ds(r0, _R_LEN)], stage_v)
    pltpu.sync_copy(stage_v, out_h.at[pl.ds(o_base + _N, _R_LEN)])


def _make_agg(d):

    @functools.partial(
        pl.kernel,
        out_type=jax.ShapeDtypeStruct((_NSC, _N, d), jnp.float32),
        mesh=_mesh,
        scratch_types=[
            pltpu.VMEM((_EPT,), jnp.int32),
            pltpu.VMEM((_EPT,), jnp.int32),
            [pltpu.VMEM((_C, d), jnp.float32) for _ in range(_NB)],
            [pltpu.SemaphoreType.DMA for _ in range(_NB)],
            [pltpu.SemaphoreType.DMA for _ in range(_NB)],
            pltpu.VMEM_SHARED((_N, d), jnp.float32),
        ],
    )
    def _agg(p_h, src_h, dst_h, out_h, sidx, didx, rows, gsem, ssem, agg_sp):
        cid = lax.axis_index("c")
        sid = lax.axis_index("s")
        wid = sid * _NSC + cid
        r0 = pl.multiple_of(sid * _R_STEP, 8)
        ebase = pl.multiple_of(wid * _EPT, 8)
        pltpu.sync_copy(src_h.at[pl.ds(ebase, _EPT)], sidx)
        pltpu.sync_copy(dst_h.at[pl.ds(ebase, _EPT)], didx)

        def zrow(r, carry):
            for j in range(d // 16):
                rows[0][r, pl.ds(j * 16, 16)] = jnp.zeros((16,), jnp.float32)
            return carry

        lax.fori_loop(0, _C, zrow, 0)
        for k in range(_R_LEN // _C):
            pltpu.sync_copy(rows[0], agg_sp.at[pl.ds(r0 + k * _C, _C)])
        plsc.subcore_barrier()

        def chunk(i):
            return pl.ds(pl.multiple_of(i * _C, 8), _C)

        def gstart(i, b):
            pltpu.async_copy(p_h.at[sidx.at[chunk(i)]], rows[b], gsem[b])

        def gwait(b):
            pltpu.make_async_copy(p_h.at[sidx.at[chunk(0)]], rows[b], gsem[b]).wait()

        def sstart(i, b):
            pltpu.async_copy(rows[b], agg_sp.at[didx.at[chunk(i)]], ssem[b],
                             add=True)

        def swait(b):
            pltpu.make_async_copy(rows[b], agg_sp.at[didx.at[chunk(0)]],
                                  ssem[b]).wait()

        gstart(0, 0)
        for i in range(2):
            gstart(i + 1, (i + 1) % _NB)
            gwait(i % _NB)
            sstart(i, i % _NB)

        def step(i, off):
            b = (2 + off) % _NB
            swait(off % _NB)
            gstart(i + 1, (3 + off) % _NB)
            gwait(b)
            sstart(i, b)

        def body(k, carry):
            for off in range(_NB):
                step(2 + _NB * k + off, off)
            return carry

        n_main = (_ITERS - 3 - 2) // _NB
        lax.fori_loop(0, n_main, body, 0)
        for j in range(_ITERS - 3 - _NB * n_main):
            step(2 + _NB * n_main + j, j)
        i_last = _ITERS - 1
        gwait(i_last % _NB)
        sstart(i_last, i_last % _NB)
        for b in range(_NB):
            swait(b)
        plsc.subcore_barrier()
        for k in range(_R_LEN // _C):
            pltpu.sync_copy(agg_sp.at[pl.ds(r0 + k * _C, _C)], rows[0])
            pltpu.sync_copy(rows[0], out_h.at[cid, pl.ds(r0 + k * _C, _C)])

    return _agg


_agg128 = _make_agg(_D)



_BLK = 1000
_GRID = _N // _BLK


def _norm(deg2):
    return lax.rsqrt(jnp.maximum(deg2[0] + deg2[1], 1.0))


def _tc_a_body(x_ref, w_ref, do_ref, o_ref):
    ns = _norm(do_ref[...])
    m = jnp.dot(x_ref[...], w_ref[...], preferred_element_type=jnp.float32)
    o_ref[...] = m * ns


def _tc_bc_body(a_ref, di_ref, b_ref, w_ref, do_ref, o_ref):
    nd = _norm(di_ref[...])
    h = jnp.maximum((a_ref[0] + a_ref[1]) * nd + b_ref[...], 0.0)
    ns = _norm(do_ref[...])
    o_ref[...] = jnp.dot(h, w_ref[...], preferred_element_type=jnp.float32) * ns


def _tc_d_body(a_ref, di_ref, b_ref, o_ref):
    nd = _norm(di_ref[...])
    s = a_ref[0][:, :_NCLS] + a_ref[1][:, :_NCLS]
    o_ref[...] = s * nd + b_ref[...]


def _row_spec(d):
    return pl.BlockSpec((_BLK, d), lambda i: (i, 0))


def _pair_spec(d):
    return pl.BlockSpec((2, _BLK, d), lambda i: (0, i, 0))


def _full_spec(shape):
    return pl.BlockSpec(shape, lambda i: tuple(0 for _ in shape))


def _tc_a(x, w, dop):
    return pl.pallas_call(
        _tc_a_body,
        grid=(_GRID,),
        in_specs=[_row_spec(_D), _full_spec(w.shape), _pair_spec(1)],
        out_specs=_row_spec(_D),
        out_shape=jax.ShapeDtypeStruct((_N, _D), jnp.float32),
    )(x, w, dop)


def _tc_bc(a, dip, b2d, w, dop):
    d_out = w.shape[1]
    return pl.pallas_call(
        _tc_bc_body,
        grid=(_GRID,),
        in_specs=[_pair_spec(_D), _pair_spec(1), _full_spec(b2d.shape),
                  _full_spec(w.shape), _pair_spec(1)],
        out_specs=_row_spec(d_out),
        out_shape=jax.ShapeDtypeStruct((_N, d_out), jnp.float32),
    )(a, dip, b2d, w, dop)


def _tc_d(a, dip, b2d):
    return pl.pallas_call(
        _tc_d_body,
        grid=(_GRID,),
        in_specs=[_pair_spec(_D), _pair_spec(1), _full_spec(b2d.shape)],
        out_specs=_row_spec(_NCLS),
        out_shape=jax.ShapeDtypeStruct((_N, _NCLS), jnp.float32),
    )(a, dip, b2d)



def kernel(x, edge_index, W1, b1, W2, b2, W3, b3):
    src = edge_index[0]
    dst = edge_index[1]

    degs = _deg_kernel(src, dst).reshape(_NSC, 2, _N)
    dop = degs[:, 0, :, None]
    dip = degs[:, 1, :, None]

    p1 = _tc_a(x, W1, dop)
    a1 = _agg128(p1, src, dst)
    p2 = _tc_bc(a1, dip, b1.reshape(1, -1), W2, dop)
    a2 = _agg128(p2, src, dst)
    w3p = jnp.concatenate([W3, jnp.zeros((_HID, _D - _NCLS), jnp.float32)], axis=1)
    p3 = _tc_bc(a2, dip, b2.reshape(1, -1), w3p, dop)
    a3 = _agg128(p3, src, dst)
    return _tc_d(a3, dip, b3.reshape(1, -1))

# --- scband reference (transcript-rebuilt; emitter-appended) ---
"""Pipeline reference for scband-cldgencoder-16037407884077 (READ-ONLY COPY).

The authoritative reference and input builder live on the scoring server;
editing this copy changes nothing except your own understanding.
"""

import jax, jax.numpy as jnp
import numpy as np

N = 10000
E = 320000
D_IN = 128
HID = 128
N_CLASSES = 64


def setup_inputs(seed: int = 0) -> dict:
    key = jax.random.key(seed)
    ks = jax.random.split(key, 10)
    x = jax.random.normal(ks[0], (N, D_IN), dtype=jnp.float32)
    edge_index = jax.random.randint(ks[1], (2, E), 0, N, dtype=jnp.int32)
    W1 = jax.random.normal(ks[2], (D_IN, HID), dtype=jnp.float32) * 0.1
    b1 = jnp.zeros((HID,), dtype=jnp.float32)
    W2 = jax.random.normal(ks[3], (HID, HID), dtype=jnp.float32) * 0.1
    b2 = jnp.zeros((HID,), dtype=jnp.float32)
    W3 = jax.random.normal(ks[4], (HID, N_CLASSES), dtype=jnp.float32) * 0.1
    b3 = jnp.zeros((N_CLASSES,), dtype=jnp.float32)
    return {"x": x, "edge_index": edge_index, "W1": W1, "b1": b1, "W2": W2, "b2": b2, "W3": W3, "b3": b3}


def _gcn_layer(x, src, dst, W, b, apply_relu):
    # DGL GraphConv with norm='both', allow_zero_in_degree=True:
    # scale src feats by out_degree^{-1/2}, linear transform, sum-aggregate
    # over edges, scale dst feats by in_degree^{-1/2}, add bias, activation.
    ones_e = jnp.ones((src.shape[0],), dtype=jnp.float32)
    deg_out = jax.ops.segment_sum(ones_e, src, num_segments=N)
    deg_in = jax.ops.segment_sum(ones_e, dst, num_segments=N)
    norm_src = jnp.power(jnp.clip(deg_out, 1.0, None), -0.5)
    norm_dst = jnp.power(jnp.clip(deg_in, 1.0, None), -0.5)
    h = x * norm_src[:, None]
    h = h @ W
    msgs = jnp.take(h, src, axis=0)
    agg = jax.ops.segment_sum(msgs, dst, num_segments=N)
    agg = agg * norm_dst[:, None]
    agg = agg + b
    if apply_relu:
        agg = jax.nn.relu(agg)
    return agg


def reference(x, edge_index, W1, b1, W2, b2, W3, b3):
    src = edge_index[0]
    dst = edge_index[1]
    h = _gcn_layer(x, src, dst, W1, b1, True)
    h = _gcn_layer(h, src, dst, W2, b2, True)
    h = _gcn_layer(h, src, dst, W3, b3, False)
    return h

if __name__ == "__main__":
    import jax
    _d = setup_inputs()
    print(jax.jit(kernel)(*tuple(_d.values())))

</pallas_src>

<mosaic_0001>
#map = affine_map<(d0, d1) -> (0, 0)>
#map1 = affine_map<(d0, d1) -> (0)>
#map2 = affine_map<(d0, d1) -> (0, 0, 0)>
module attributes {stable_mosaic.version = 14 : i64} {
  func.func @_agg(%arg0: i32, %arg1: i32, %arg2: memref<10000x128xf32, #tpu.memory_space<hbm>>, %arg3: memref<320000xi32, #tpu.memory_space<hbm>>, %arg4: memref<320000xi32, #tpu.memory_space<hbm>>, %arg5: memref<2x10000x128xf32, #tpu.memory_space<hbm>>, %arg6: memref<10000xi32, #tpu.memory_space<vmem>>, %arg7: memref<10000xi32, #tpu.memory_space<vmem>>, %arg8: memref<80x128xf32, #tpu.memory_space<vmem>>, %arg9: memref<80x128xf32, #tpu.memory_space<vmem>>, %arg10: memref<80x128xf32, #tpu.memory_space<vmem>>, %arg11: memref<!tpu.dma_semaphore, #tpu.memory_space<semaphore_mem>>, %arg12: memref<!tpu.dma_semaphore, #tpu.memory_space<semaphore_mem>>, %arg13: memref<!tpu.dma_semaphore, #tpu.memory_space<semaphore_mem>>, %arg14: memref<!tpu.dma_semaphore, #tpu.memory_space<semaphore_mem>>, %arg15: memref<!tpu.dma_semaphore, #tpu.memory_space<semaphore_mem>>, %arg16: memref<!tpu.dma_semaphore, #tpu.memory_space<semaphore_mem>>, %arg17: memref<10000x128xf32, #tpu.memory_space<vmem_shared>>) attributes {dimension_semantics = [#tpu.dimension_semantics<core_parallel>, #tpu.dimension_semantics<subcore_parallel>], iteration_bounds = array<i64: 2, 16>, scalar_prefetch = 0 : i64, scratch_operands = 12 : i64, tpu.core_type = #tpu.core_type<sc_vector_subcore>, window_params = [{transform_indices = #map}, {transform_indices = #map1}, {transform_indices = #map1}, {transform_indices = #map2}]} {
    %mul3A = arith.constant 2 : i32
    %mul3A_0 = arith.muli %arg1, %mul3A : i32
    %add3A = arith.addi %mul3A_0, %arg0 : i32
    %mul3A_1 = arith.constant 624 : i32
    %mul3A_2 = arith.muli %arg1, %mul3A_1 : i32
    %multiple_of3A = tpu.assume_multiple %mul3A_2, 8 : i32
    %mul3A_3 = arith.constant 10000 : i32
    %mul3A_4 = arith.muli %add3A, %mul3A_3 : i32
    %multiple_of3A_5 = tpu.assume_multiple %mul3A_4, 8 : i32
    "tpu.region"() ({
      %run_scoped3A = tpu.sem_alloc : memref<!tpu.dma_semaphore, #tpu.memory_space<semaphore_mem>>
      %dma_start3A_184 = tpu.memref_slice %arg3[%multiple_of3A_5] : memref<320000xi32, #tpu.memory_space<hbm>> -> memref<10000xi32, #tpu.memory_space<hbm>>
      %dma_start3A_185 = tpu.memref_slice %arg3[%multiple_of3A_5] : memref<320000xi32, #tpu.memory_space<hbm>> -> memref<10000xi32, #tpu.memory_space<hbm>>
      tpu.enqueue_dma source(%dma_start3A_185 : memref<10000xi32, #tpu.memory_space<hbm>>) target(%arg6 : memref<10000xi32, #tpu.memory_space<vmem>>) target_semaphore(%run_scoped3A : memref<!tpu.dma_semaphore, #tpu.memory_space<semaphore_mem>>)
      %dma_wait3A_186 = tpu.memref_slice %arg3[%multiple_of3A_5] : memref<320000xi32, #tpu.memory_space<hbm>> -> memref<10000xi32, #tpu.memory_space<hbm>>
      %dma_wait3A_187 = tpu.memref_slice %arg3[%multiple_of3A_5] : memref<320000xi32, #tpu.memory_space<hbm>> -> memref<10000xi32, #tpu.memory_space<hbm>>
      tpu.wait_dma2 semaphore(%run_scoped3A : memref<!tpu.dma_semaphore, #tpu.memory_space<semaphore_mem>>) src(%dma_wait3A_187 : memref<10000xi32, #tpu.memory_space<hbm>>) dst(%arg6 : memref<10000xi32, #tpu.memory_space<vmem>>)
      tpu.yield
    }) : () -> ()
    "tpu.region"() ({
      %run_scoped3A = tpu.sem_alloc : memref<!tpu.dma_semaphore, #tpu.memory_space<semaphore_mem>>
      %dma_start3A_184 = tpu.memref_slice %arg4[%multiple_of3A_5] : memref<320000xi32, #tpu.memory_space<hbm>> -> memref<10000xi32, #tpu.memory_space<hbm>>
      %dma_start3A_185 = tpu.memref_slice %arg4[%multiple_of3A_5] : memref<320000xi32, #tpu.memory_space<hbm>> -> memref<10000xi32, #tpu.memory_space<hbm>>
      tpu.enqueue_dma source(%dma_start3A_185 : memref<10000xi32, #tpu.memory_space<hbm>>) target(%arg7 : memref<10000xi32, #tpu.memory_space<vmem>>) target_semaphore(%run_scoped3A : memref<!tpu.dma_semaphore, #tpu.memory_space<semaphore_mem>>)
      %dma_wait3A_186 = tpu.memref_slice %arg4[%multiple_of3A_5] : memref<320000xi32, #tpu.memory_space<hbm>> -> memref<10000xi32, #tpu.memory_space<hbm>>
      %dma_wait3A_187 = tpu.memref_slice %arg4[%multiple_of3A_5] : memref<320000xi32, #tpu.memory_space<hbm>> -> memref<10000xi32, #tpu.memory_space<hbm>>
      tpu.wait_dma2 semaphore(%run_scoped3A : memref<!tpu.dma_semaphore, #tpu.memory_space<semaphore_mem>>) src(%dma_wait3A_187 : memref<10000xi32, #tpu.memory_space<hbm>>) dst(%arg7 : memref<10000xi32, #tpu.memory_space<vmem>>)
      tpu.yield
    }) : () -> ()
    %scan3A = arith.constant 0 : i32
    %scan3A_6 = arith.constant 0 : i32
    %scan3A_7 = arith.constant 80 : i32
    %scan3A_8 = arith.addi %scan3A_6, %scan3A_7 : i32
    %scan3A_9 = arith.constant 1 : i32
    scf.for %scan3A_184 = %scan3A_6 to %scan3A_8 step %scan3A_9  : i32 {
      %broadcast_in_dim3A = arith.constant 0.000000e+00 : f32
      %broadcast_in_dim3A_185 = vector.broadcast %broadcast_in_dim3A : f32 to vector<16xf32>
      %swap3A = arith.index_cast %scan3A_184 : i32 to index
      %swap3A_186 = arith.constant 0 : index
      %swap3A_187 = tpu.vector_load %arg8[%swap3A, %swap3A_186] {strides = array<i32>} : memref<80x128xf32, #tpu.memory_space<vmem>>, vector<1x16xf32>,
      %swap3A_188 = vector.shape_cast %swap3A_187 : vector<1x16xf32> to vector<16xf32>
      %swap3A_189 = vector.shape_cast %broadcast_in_dim3A_185 : vector<16xf32> to vector<1x16xf32>
      tpu.vector_store %arg8[%swap3A, %swap3A_186], %swap3A_189 {strides = array<i32>} : memref<80x128xf32, #tpu.memory_space<vmem>>, vector<1x16xf32>,
      %broadcast_in_dim3A_190 = arith.constant 0.000000e+00 : f32
      %broadcast_in_dim3A_191 = vector.broadcast %broadcast_in_dim3A_190 : f32 to vector<16xf32>
      %swap3A_192 = arith.index_cast %scan3A_184 : i32 to index
      %swap3A_193 = arith.constant 16 : index
      %swap3A_194 = tpu.vector_load %arg8[%swap3A_192, %swap3A_193] {strides = array<i32>} : memref<80x128xf32, #tpu.memory_space<vmem>>, vector<1x16xf32>,
      %swap3A_195 = vector.shape_cast %swap3A_194 : vector<1x16xf32> to vector<16xf32>
      %swap3A_196 = vector.shape_cast %broadcast_in_dim3A_191 : vector<16xf32> to vector<1x16xf32>
      tpu.vector_store %arg8[%swap3A_192, %swap3A_193], %swap3A_196 {strides = array<i32>} : memref<80x128xf32, #tpu.memory_space<vmem>>, vector<1x16xf32>,
      %broadcast_in_dim3A_197 = arith.constant 0.000000e+00 : f32
      %broadcast_in_dim3A_198 = vector.broadcast %broadcast_in_dim3A_197 : f32 to vector<16xf32>
      %swap3A_199 = arith.index_cast %scan3A_184 : i32 to index
      %swap3A_200 = arith.constant 32 : index
      %swap3A_201 = tpu.vector_load %arg8[%swap3A_199, %swap3A_200] {strides = array<i32>} : memref<80x128xf32, #tpu.memory_space<vmem>>, vector<1x16xf32>,
      %swap3A_202 = vector.shape_cast %swap3A_201 : vector<1x16xf32> to vector<16xf32>
      %swap3A_203 = vector.shape_cast %broadcast_in_dim3A_198 : vector<16xf32> to vector<1x16xf32>
      tpu.vector_store %arg8[%swap3A_199, %swap3A_200], %swap3A_203 {strides = array<i32>} : memref<80x128xf32, #tpu.memory_space<vmem>>, vector<1x16xf32>,
      %broadcast_in_dim3A_204 = arith.constant 0.000000e+00 : f32
      %broadcast_in_dim3A_205 = vector.broadcast %broadcast_in_dim3A_204 : f32 to vector<16xf32>
      %swap3A_206 = arith.index_cast %scan3A_184 : i32 to index
      %swap3A_207 = arith.constant 48 : index
      %swap3A_208 = tpu.vector_load %arg8[%swap3A_206, %swap3A_207] {strides = array<i32>} : memref<80x128xf32, #tpu.memory_space<vmem>>, vector<1x16xf32>,
      %swap3A_209 = vector.shape_cast %swap3A_208 : vector<1x16xf32> to vector<16xf32>
      %swap3A_210 = vector.shape_cast %broadcast_in_dim3A_205 : vector<16xf32> to vector<1x16xf32>
      tpu.vector_store %arg8[%swap3A_206, %swap3A_207], %swap3A_210 {strides = array<i32>} : memref<80x128xf32, #tpu.memory_space<vmem>>, vector<1x16xf32>,
      %broadcast_in_dim3A_211 = arith.constant 0.000000e+00 : f32
      %broadcast_in_dim3A_212 = vector.broadcast %broadcast_in_dim3A_211 : f32 to vector<16xf32>
      %swap3A_213 = arith.index_cast %scan3A_184 : i32 to index
      %swap3A_214 = arith.constant 64 : index
      %swap3A_215 = tpu.vector_load %arg8[%swap3A_213, %swap3A_214] {strides = array<i32>} : memref<80x128xf32, #tpu.memory_space<vmem>>, vector<1x16xf32>,
      %swap3A_216 = vector.shape_cast %swap3A_215 : vector<1x16xf32> to vector<16xf32>
      %swap3A_217 = vector.shape_cast %broadcast_in_dim3A_212 : vector<16xf32> to vector<1x16xf32>
      tpu.vector_store %arg8[%swap3A_213, %swap3A_214], %swap3A_217 {strides = array<i32>} : memref<80x128xf32, #tpu.memory_space<vmem>>, vector<1x16xf32>,
      %broadcast_in_dim3A_218 = arith.constant 0.000000e+00 : f32
      %broadcast_in_dim3A_219 = vector.broadcast %broadcast_in_dim3A_218 : f32 to vector<16xf32>
      %swap3A_220 = arith.index_cast %scan3A_184 : i32 to index
      %swap3A_221 = arith.constant 80 : index
      %swap3A_222 = tpu.vector_load %arg8[%swap3A_220, %swap3A_221] {strides = array<i32>} : memref<80x128xf32, #tpu.memory_space<vmem>>, vector<1x16xf32>,
      %swap3A_223 = vector.shape_cast %swap3A_222 : vector<1x16xf32> to vector<16xf32>
      %swap3A_224 = vector.shape_cast %broadcast_in_dim3A_219 : vector<16xf32> to vector<1x16xf32>
      tpu.vector_store %arg8[%swap3A_220, %swap3A_221], %swap3A_224 {strides = array<i32>} : memref<80x128xf32, #tpu.memory_space<vmem>>, vector<1x16xf32>,
      %broadcast_in_dim3A_225 = arith.constant 0.000000e+00 : f32
      %broadcast_in_dim3A_226 = vector.broadcast %broadcast_in_dim3A_225 : f32 to vector<16xf32>
      %swap3A_227 = arith.index_cast %scan3A_184 : i32 to index
      %swap3A_228 = arith.constant 96 : index
      %swap3A_229 = tpu.vector_load %arg8[%swap3A_227, %swap3A_228] {strides = array<i32>} : memref<80x128xf32, #tpu.memory_space<vmem>>, vector<1x16xf32>,
      %swap3A_230 = vector.shape_cast %swap3A_229 : vector<1x16xf32> to vector<16xf32>
      %swap3A_231 = vector.shape_cast %broadcast_in_dim3A_226 : vector<16xf32> to vector<1x16xf32>
      tpu.vector_store %arg8[%swap3A_227, %swap3A_228], %swap3A_231 {strides = array<i32>} : memref<80x128xf32, #tpu.memory_space<vmem>>, vector<1x16xf32>,
      %broadcast_in_dim3A_232 = arith.constant 0.000000e+00 : f32
      %broadcast_in_dim3A_233 = vector.broadcast %broadcast_in_dim3A_232 : f32 to vector<16xf32>
      %swap3A_234 = arith.index_cast %scan3A_184 : i32 to index
      %swap3A_235 = arith.constant 112 : index
      %swap3A_236 = tpu.vector_load %arg8[%swap3A_234, %swap3A_235] {strides = array<i32>} : memref<80x128xf32, #tpu.memory_space<vmem>>, vector<1x16xf32>,
      %swap3A_237 = vector.shape_cast %swap3A_236 : vector<1x16xf32> to vector<16xf32>
      %swap3A_238 = vector.shape_cast %broadcast_in_dim3A_233 : vector<16xf32> to vector<1x16xf32>
      tpu.vector_store %arg8[%swap3A_234, %swap3A_235], %swap3A_238 {strides = array<i32>} : memref<80x128xf32, #tpu.memory_space<vmem>>, vector<1x16xf32>,
    }
    %scan3A_10 = arith.constant 80 : i32
    %add3A_11 = arith.constant 0 : i32
    %add3A_12 = arith.addi %multiple_of3A, %add3A_11 : i32
    "tpu.region"() ({
      %run_scoped3A = tpu.sem_alloc : memref<!tpu.dma_semaphore, #tpu.memory_space<semaphore_mem>>
      %dma_start3A_184 = arith.constant 0 : i32
      %dma_start3A_185 = tpu.memref_slice %arg17[%add3A_12, %dma_start3A_184] : memref<10000x128xf32, #tpu.memory_space<vmem_shared>> -> memref<80x128xf32, #tpu.memory_space<vmem_shared>>
      %dma_start3A_186 = arith.constant 0 : i32
      %dma_start3A_187 = tpu.memref_slice %arg17[%add3A_12, %dma_start3A_186] : memref<10000x128xf32, #tpu.memory_space<vmem_shared>> -> memref<80x128xf32, #tpu.memory_space<vmem_shared>>
      tpu.enqueue_dma source(%arg8 : memref<80x128xf32, #tpu.memory_space<vmem>>) target(%dma_start3A_187 : memref<80x128xf32, #tpu.memory_space<vmem_shared>>) target_semaphore(%run_scoped3A : memref<!tpu.dma_semaphore, #tpu.memory_space<semaphore_mem>>)
      %dma_wait3A_188 = arith.constant 0 : i32
      %dma_wait3A_189 = tpu.memref_slice %arg17[%add3A_12, %dma_wait3A_188] : memref<10000x128xf32, #tpu.memory_space<vmem_shared>> -> memref<80x128xf32, #tpu.memory_space<vmem_shared>>
      %dma_wait3A_190 = arith.constant 0 : i32
      %dma_wait3A_191 = tpu.memref_slice %arg17[%add3A_12, %dma_wait3A_190] : memref<10000x128xf32, #tpu.memory_space<vmem_shared>> -> memref<80x128xf32, #tpu.memory_space<vmem_shared>>
      tpu.wait_dma2 semaphore(%run_scoped3A : memref<!tpu.dma_semaphore, #tpu.memory_space<semaphore_mem>>) src(%arg8 : memref<80x128xf32, #tpu.memory_space<vmem>>) dst(%dma_wait3A_191 : memref<80x128xf32, #tpu.memory_space<vmem_shared>>)
      tpu.yield
    }) : () -> ()
    %add3A_13 = arith.constant 80 : i32
    %add3A_14 = arith.addi %multiple_of3A, %add3A_13 : i32
    "tpu.region"() ({
      %run_scoped3A = tpu.sem_alloc : memref<!tpu.dma_semaphore, #tpu.memory_space<semaphore_mem>>
      %dma_start3A_184 = arith.constant 0 : i32
      %dma_start3A_185 = tpu.memref_slice %arg17[%add3A_14, %dma_start3A_184] : memref<10000x128xf32, #tpu.memory_space<vmem_shared>> -> memref<80x128xf32, #tpu.memory_space<vmem_shared>>
      %dma_start3A_186 = arith.constant 0 : i32
      %dma_start3A_187 = tpu.memref_slice %arg17[%add3A_14, %dma_start3A_186] : memref<10000x128xf32, #tpu.memory_space<vmem_shared>> -> memref<80x128xf32, #tpu.memory_space<vmem_shared>>
      tpu.enqueue_dma source(%arg8 : memref<80x128xf32, #tpu.memory_space<vmem>>) target(%dma_start3A_187 : memref<80x128xf32, #tpu.memory_space<vmem_shared>>) target_semaphore(%run_scoped3A : memref<!tpu.dma_semaphore, #tpu.memory_space<semaphore_mem>>)
      %dma_wait3A_188 = arith.constant 0 : i32
      %dma_wait3A_189 = tpu.memref_slice %arg17[%add3A_14, %dma_wait3A_188] : memref<10000x128xf32, #tpu.memory_space<vmem_shared>> -> memref<80x128xf32, #tpu.memory_space<vmem_shared>>
      %dma_wait3A_190 = arith.constant 0 : i32
      %dma_wait3A_191 = tpu.memref_slice %arg17[%add3A_14, %dma_wait3A_190] : memref<10000x128xf32, #tpu.memory_space<vmem_shared>> -> memref<80x128xf32, #tpu.memory_space<vmem_shared>>
      tpu.wait_dma2 semaphore(%run_scoped3A : memref<!tpu.dma_semaphore, #tpu.memory_space<semaphore_mem>>) src(%arg8 : memref<80x128xf32, #tpu.memory_space<vmem>>) dst(%dma_wait3A_191 : memref<80x128xf32, #tpu.memory_space<vmem_shared>>)
      tpu.yield
    }) : () -> ()
    %add3A_15 = arith.constant 160 : i32
    %add3A_16 = arith.addi %multiple_of3A, %add3A_15 : i32
    "tpu.region"() ({
      %run_scoped3A = tpu.sem_alloc : memref<!tpu.dma_semaphore, #tpu.memory_space<semaphore_mem>>
      %dma_start3A_184 = arith.constant 0 : i32
      %dma_start3A_185 = tpu.memref_slice %arg17[%add3A_16, %dma_start3A_184] : memref<10000x128xf32, #tpu.memory_space<vmem_shared>> -> memref<80x128xf32, #tpu.memory_space<vmem_shared>>
      %dma_start3A_186 = arith.constant 0 : i32
      %dma_start3A_187 = tpu.memref_slice %arg17[%add3A_16, %dma_start3A_186] : memref<10000x128xf32, #tpu.memory_space<vmem_shared>> -> memref<80x128xf32, #tpu.memory_space<vmem_shared>>
      tpu.enqueue_dma source(%arg8 : memref<80x128xf32, #tpu.memory_space<vmem>>) target(%dma_start3A_187 : memref<80x128xf32, #tpu.memory_space<vmem_shared>>) target_semaphore(%run_scoped3A : memref<!tpu.dma_semaphore, #tpu.memory_space<semaphore_mem>>)
      %dma_wait3A_188 = arith.constant 0 : i32
      %dma_wait3A_189 = tpu.memref_slice %arg17[%add3A_16, %dma_wait3A_188] : memref<10000x128xf32, #tpu.memory_space<vmem_shared>> -> memref<80x128xf32, #tpu.memory_space<vmem_shared>>
      %dma_wait3A_190 = arith.constant 0 : i32
      %dma_wait3A_191 = tpu.memref_slice %arg17[%add3A_16, %dma_wait3A_190] : memref<10000x128xf32, #tpu.memory_space<vmem_shared>> -> memref<80x128xf32, #tpu.memory_space<vmem_shared>>
      tpu.wait_dma2 semaphore(%run_scoped3A : memref<!tpu.dma_semaphore, #tpu.memory_space<semaphore_mem>>) src(%arg8 : memref<80x128xf32, #tpu.memory_space<vmem>>) dst(%dma_wait3A_191 : memref<80x128xf32, #tpu.memory_space<vmem_shared>>)
      tpu.yield
    }) : () -> ()
    %add3A_17 = arith.constant 240 : i32
    %add3A_18 = arith.addi %multiple_of3A, %add3A_17 : i32
    "tpu.region"() ({
      %run_scoped3A = tpu.sem_alloc : memref<!tpu.dma_semaphore, #tpu.memory_space<semaphore_mem>>
      %dma_start3A_184 = arith.constant 0 : i32
      %dma_start3A_185 = tpu.memref_slice %arg17[%add3A_18, %dma_start3A_184] : memref<10000x128xf32, #tpu.memory_space<vmem_shared>> -> memref<80x128xf32, #tpu.memory_space<vmem_shared>>
      %dma_start3A_186 = arith.constant 0 : i32
      %dma_start3A_187 = tpu.memref_slice %arg17[%add3A_18, %dma_start3A_186] : memref<10000x128xf32, #tpu.memory_space<vmem_shared>> -> memref<80x128xf32, #tpu.memory_space<vmem_shared>>
      tpu.enqueue_dma source(%arg8 : memref<80x128xf32, #tpu.memory_space<vmem>>) target(%dma_start3A_187 : memref<80x128xf32, #tpu.memory_space<vmem_shared>>) target_semaphore(%run_scoped3A : memref<!tpu.dma_semaphore, #tpu.memory_space<semaphore_mem>>)
      %dma_wait3A_188 = arith.constant 0 : i32
      %dma_wait3A_189 = tpu.memref_slice %arg17[%add3A_18, %dma_wait3A_188] : memref<10000x128xf32, #tpu.memory_space<vmem_shared>> -> memref<80x128xf32, #tpu.memory_space<vmem_shared>>
      %dma_wait3A_190 = arith.constant 0 : i32
      %dma_wait3A_191 = tpu.memref_slice %arg17[%add3A_18, %dma_wait3A_190] : memref<10000x128xf32, #tpu.memory_space<vmem_shared>> -> memref<80x128xf32, #tpu.memory_space<vmem_shared>>
      tpu.wait_dma2 semaphore(%run_scoped3A : memref<!tpu.dma_semaphore, #tpu.memory_space<semaphore_mem>>) src(%arg8 : memref<80x128xf32, #tpu.memory_space<vmem>>) dst(%dma_wait3A_191 : memref<80x128xf32, #tpu.memory_space<vmem_shared>>)
      tpu.yield
    }) : () -> ()
    %add3A_19 = arith.constant 320 : i32
    %add3A_20 = arith.addi %multiple_of3A, %add3A_19 : i32
    "tpu.region"() ({
      %run_scoped3A = tpu.sem_alloc : memref<!tpu.dma_semaphore, #tpu.memory_space<semaphore_mem>>
      %dma_start3A_184 = arith.constant 0 : i32
      %dma_start3A_185 = tpu.memref_slice %arg17[%add3A_20, %dma_start3A_184] : memref<10000x128xf32, #tpu.memory_space<vmem_shared>> -> memref<80x128xf32, #tpu.memory_space<vmem_shared>>
      %dma_start3A_186 = arith.constant 0 : i32
      %dma_start3A_187 = tpu.memref_slice %arg17[%add3A_20, %dma_start3A_186] : memref<10000x128xf32, #tpu.memory_space<vmem_shared>> -> memref<80x128xf32, #tpu.memory_space<vmem_shared>>
      tpu.enqueue_dma source(%arg8 : memref<80x128xf32, #tpu.memory_space<vmem>>) target(%dma_start3A_187 : memref<80x128xf32, #tpu.memory_space<vmem_shared>>) target_semaphore(%run_scoped3A : memref<!tpu.dma_semaphore, #tpu.memory_space<semaphore_mem>>)
      %dma_wait3A_188 = arith.constant 0 : i32
      %dma_wait3A_189 = tpu.memref_slice %arg17[%add3A_20, %dma_wait3A_188] : memref<10000x128xf32, #tpu.memory_space<vmem_shared>> -> memref<80x128xf32, #tpu.memory_space<vmem_shared>>
      %dma_wait3A_190 = arith.constant 0 : i32
      %dma_wait3A_191 = tpu.memref_slice %arg17[%add3A_20, %dma_wait3A_190] : memref<10000x128xf32, #tpu.memory_space<vmem_shared>> -> memref<80x128xf32, #tpu.memory_space<vmem_shared>>
      tpu.wait_dma2 semaphore(%run_scoped3A : memref<!tpu.dma_semaphore, #tpu.memory_space<semaphore_mem>>) src(%arg8 : memref<80x128xf32, #tpu.memory_space<vmem>>) dst(%dma_wait3A_191 : memref<80x128xf32, #tpu.memory_space<vmem_shared>>)
      tpu.yield
    }) : () -> ()
    %add3A_21 = arith.constant 400 : i32
    %add3A_22 = arith.addi %multiple_of3A, %add3A_21 : i32
    "tpu.region"() ({
      %run_scoped3A = tpu.sem_alloc : memref<!tpu.dma_semaphore, #tpu.memory_space<semaphore_mem>>
      %dma_start3A_184 = arith.constant 0 : i32
      %dma_start3A_185 = tpu.memref_slice %arg17[%add3A_22, %dma_start3A_184] : memref<10000x128xf32, #tpu.memory_space<vmem_shared>> -> memref<80x128xf32, #tpu.memory_space<vmem_shared>>
      %dma_start3A_186 = arith.constant 0 : i32
      %dma_start3A_187 = tpu.memref_slice %arg17[%add3A_22, %dma_start3A_186] : memref<10000x128xf32, #tpu.memory_space<vmem_shared>> -> memref<80x128xf32, #tpu.memory_space<vmem_shared>>
      tpu.enqueue_dma source(%arg8 : memref<80x128xf32, #tpu.memory_space<vmem>>) target(%dma_start3A_187 : memref<80x128xf32, #tpu.memory_space<vmem_shared>>) target_semaphore(%run_scoped3A : memref<!tpu.dma_semaphore, #tpu.memory_space<semaphore_mem>>)
      %dma_wait3A_188 = arith.constant 0 : i32
      %dma_wait3A_189 = tpu.memref_slice %arg17[%add3A_22, %dma_wait3A_188] : memref<10000x128xf32, #tpu.memory_space<vmem_shared>> -> memref<80x128xf32, #tpu.memory_space<vmem_shared>>
      %dma_wait3A_190 = arith.constant 0 : i32
      %dma_wait3A_191 = tpu.memref_slice %arg17[%add3A_22, %dma_wait3A_190] : memref<10000x128xf32, #tpu.memory_space<vmem_shared>> -> memref<80x128xf32, #tpu.memory_space<vmem_shared>>
      tpu.wait_dma2 semaphore(%run_scoped3A : memref<!tpu.dma_semaphore, #tpu.memory_space<semaphore_mem>>) src(%arg8 : memref<80x128xf32, #tpu.memory_space<vmem>>) dst(%dma_wait3A_191 : memref<80x128xf32, #tpu.memory_space<vmem_shared>>)
      tpu.yield
    }) : () -> ()
    %add3A_23 = arith.constant 480 : i32
    %add3A_24 = arith.addi %multiple_of3A, %add3A_23 : i32
    "tpu.region"() ({
      %run_scoped3A = tpu.sem_alloc : memref<!tpu.dma_semaphore, #tpu.memory_space<semaphore_mem>>
      %dma_start3A_184 = arith.constant 0 : i32
      %dma_start3A_185 = tpu.memref_slice %arg17[%add3A_24, %dma_start3A_184] : memref<10000x128xf32, #tpu.memory_space<vmem_shared>> -> memref<80x128xf32, #tpu.memory_space<vmem_shared>>
      %dma_start3A_186 = arith.constant 0 : i32
      %dma_start3A_187 = tpu.memref_slice %arg17[%add3A_24, %dma_start3A_186] : memref<10000x128xf32, #tpu.memory_space<vmem_shared>> -> memref<80x128xf32, #tpu.memory_space<vmem_shared>>
      tpu.enqueue_dma source(%arg8 : memref<80x128xf32, #tpu.memory_space<vmem>>) target(%dma_start3A_187 : memref<80x128xf32, #tpu.memory_space<vmem_shared>>) target_semaphore(%run_scoped3A : memref<!tpu.dma_semaphore, #tpu.memory_space<semaphore_mem>>)
      %dma_wait3A_188 = arith.constant 0 : i32
      %dma_wait3A_189 = tpu.memref_slice %arg17[%add3A_24, %dma_wait3A_188] : memref<10000x128xf32, #tpu.memory_space<vmem_shared>> -> memref<80x128xf32, #tpu.memory_space<vmem_shared>>
      %dma_wait3A_190 = arith.constant 0 : i32
      %dma_wait3A_191 = tpu.memref_slice %arg17[%add3A_24, %dma_wait3A_190] : memref<10000x128xf32, #tpu.memory_space<vmem_shared>> -> memref<80x128xf32, #tpu.memory_space<vmem_shared>>
      tpu.wait_dma2 semaphore(%run_scoped3A : memref<!tpu.dma_semaphore, #tpu.memory_space<semaphore_mem>>) src(%arg8 : memref<80x128xf32, #tpu.memory_space<vmem>>) dst(%dma_wait3A_191 : memref<80x128xf32, #tpu.memory_space<vmem_shared>>)
      tpu.yield
    }) : () -> ()
    %add3A_25 = arith.constant 560 : i32
    %add3A_26 = arith.addi %multiple_of3A, %add3A_25 : i32
    "tpu.region"() ({
      %run_scoped3A = tpu.sem_alloc : memref<!tpu.dma_semaphore, #tpu.memory_space<semaphore_mem>>
      %dma_start3A_184 = arith.constant 0 : i32
      %dma_start3A_185 = tpu.memref_slice %arg17[%add3A_26, %dma_start3A_184] : memref<10000x128xf32, #tpu.memory_space<vmem_shared>> -> memref<80x128xf32, #tpu.memory_space<vmem_shared>>
      %dma_start3A_186 = arith.constant 0 : i32
      %dma_start3A_187 = tpu.memref_slice %arg17[%add3A_26, %dma_start3A_186] : memref<10000x128xf32, #tpu.memory_space<vmem_shared>> -> memref<80x128xf32, #tpu.memory_space<vmem_shared>>
      tpu.enqueue_dma source(%arg8 : memref<80x128xf32, #tpu.memory_space<vmem>>) target(%dma_start3A_187 : memref<80x128xf32, #tpu.memory_space<vmem_shared>>) target_semaphore(%run_scoped3A : memref<!tpu.dma_semaphore, #tpu.memory_space<semaphore_mem>>)
      %dma_wait3A_188 = arith.constant 0 : i32
      %dma_wait3A_189 = tpu.memref_slice %arg17[%add3A_26, %dma_wait3A_188] : memref<10000x128xf32, #tpu.memory_space<vmem_shared>> -> memref<80x128xf32, #tpu.memory_space<vmem_shared>>
      %dma_wait3A_190 = arith.constant 0 : i32
      %dma_wait3A_191 = tpu.memref_slice %arg17[%add3A_26, %dma_wait3A_190] : memref<10000x128xf32, #tpu.memory_space<vmem_shared>> -> memref<80x128xf32, #tpu.memory_space<vmem_shared>>
      tpu.wait_dma2 semaphore(%run_scoped3A : memref<!tpu.dma_semaphore, #tpu.memory_space<semaphore_mem>>) src(%arg8 : memref<80x128xf32, #tpu.memory_space<vmem>>) dst(%dma_wait3A_191 : memref<80x128xf32, #tpu.memory_space<vmem_shared>>)
      tpu.yield
    }) : () -> ()
    %barrier3A = arith.constant 0 : index
    tpu.barrier barrier_id(%barrier3A)
    %multiple_of3A_27 = arith.constant 0 : i32
    %multiple_of3A_28 = tpu.assume_multiple %multiple_of3A_27, 8 : i32
    %dma_start3A = tpu.memref_slice %arg6[%multiple_of3A_28] : memref<10000xi32, #tpu.memory_space<vmem>> -> memref<80xi32, #tpu.memory_space<vmem>>
    %dma_start3A_29 = arith.constant 0 : i32
    %dma_start3A_30 = arith.constant 0 : i32
    %dma_start3A_31 = tpu.memref_slice %arg2[%dma_start3A_29, %dma_start3A_30] : memref<10000x128xf32, #tpu.memory_space<hbm>> -> memref<10000x128xf32, #tpu.memory_space<hbm>>
    tpu.enqueue_indirect_dma source(%dma_start3A_31 : memref<10000x128xf32, #tpu.memory_space<hbm>>) target(%arg8 : memref<80x128xf32, #tpu.memory_space<vmem>>) offsets(%dma_start3A : memref<80xi32, #tpu.memory_space<vmem>>) semaphore(%arg11 : memref<!tpu.dma_semaphore, #tpu.memory_space<semaphore_mem>>)
    %multiple_of3A_32 = arith.constant 80 : i32
    %multiple_of3A_33 = tpu.assume_multiple %multiple_of3A_32, 8 : i32
    %dma_start3A_34 = tpu.memref_slice %arg6[%multiple_of3A_33] : memref<10000xi32, #tpu.memory_space<vmem>> -> memref<80xi32, #tpu.memory_space<vmem>>
    %dma_start3A_35 = arith.constant 0 : i32
    %dma_start3A_36 = arith.constant 0 : i32
    %dma_start3A_37 = tpu.memref_slice %arg2[%dma_start3A_35, %dma_start3A_36] : memref<10000x128xf32, #tpu.memory_space<hbm>> -> memref<10000x128xf32, #tpu.memory_space<hbm>>
    tpu.enqueue_indirect_dma source(%dma_start3A_37 : memref<10000x128xf32, #tpu.memory_space<hbm>>) target(%arg9 : memref<80x128xf32, #tpu.memory_space<vmem>>) offsets(%dma_start3A_34 : memref<80xi32, #tpu.memory_space<vmem>>) semaphore(%arg12 : memref<!tpu.dma_semaphore, #tpu.memory_space<semaphore_mem>>)
    %multiple_of3A_38 = arith.constant 0 : i32
    %multiple_of3A_39 = tpu.assume_multiple %multiple_of3A_38, 8 : i32
    %dma_wait3A = tpu.memref_slice %arg6[%multiple_of3A_39] : memref<10000xi32, #tpu.memory_space<vmem>> -> memref<80xi32, #tpu.memory_space<vmem>>
    %dma_wait3A_40 = arith.constant 0 : i32
    %dma_wait3A_41 = arith.constant 0 : i32
    %dma_wait3A_42 = tpu.memref_slice %arg2[%dma_wait3A_40, %dma_wait3A_41] : memref<10000x128xf32, #tpu.memory_space<hbm>> -> memref<10000x128xf32, #tpu.memory_space<hbm>>
    tpu.wait_indirect_dma semaphore(%arg11 : memref<!tpu.dma_semaphore, #tpu.memory_space<semaphore_mem>>) src(%dma_wait3A_42 : memref<10000x128xf32, #tpu.memory_space<hbm>>) dst(%arg8 : memref<80x128xf32, #tpu.memory_space<vmem>>)
    %multiple_of3A_43 = arith.constant 0 : i32
    %multiple_of3A_44 = tpu.assume_multiple %multiple_of3A_43, 8 : i32
    %dma_start3A_45 = tpu.memref_slice %arg7[%multiple_of3A_44] : memref<10000xi32, #tpu.memory_space<vmem>> -> memref<80xi32, #tpu.memory_space<vmem>>
    %dma_start3A_46 = arith.constant 0 : i32
    %dma_start3A_47 = arith.constant 0 : i32
    %dma_start3A_48 = tpu.memref_slice %arg17[%dma_start3A_46, %dma_start3A_47] : memref<10000x128xf32, #tpu.memory_space<vmem_shared>> -> memref<10000x128xf32, #tpu.memory_space<vmem_shared>>
    tpu.enqueue_indirect_dma source(%arg8 : memref<80x128xf32, #tpu.memory_space<vmem>>) target(%dma_start3A_48 : memref<10000x128xf32, #tpu.memory_space<vmem_shared>>) offsets(%dma_start3A_45 : memref<80xi32, #tpu.memory_space<vmem>>) semaphore(%arg14 : memref<!tpu.dma_semaphore, #tpu.memory_space<semaphore_mem>>) {add = true}
    %multiple_of3A_49 = arith.constant 160 : i32
    %multiple_of3A_50 = tpu.assume_multiple %multiple_of3A_49, 8 : i32
    %dma_start3A_51 = tpu.memref_slice %arg6[%multiple_of3A_50] : memref<10000xi32, #tpu.memory_space<vmem>> -> memref<80xi32, #tpu.memory_space<vmem>>
    %dma_start3A_52 = arith.constant 0 : i32
    %dma_start3A_53 = arith.constant 0 : i32
    %dma_start3A_54 = tpu.memref_slice %arg2[%dma_start3A_52, %dma_start3A_53] : memref<10000x128xf32, #tpu.memory_space<hbm>> -> memref<10000x128xf32, #tpu.memory_space<hbm>>
    tpu.enqueue_indirect_dma source(%dma_start3A_54 : memref<10000x128xf32, #tpu.memory_space<hbm>>) target(%arg10 : memref<80x128xf32, #tpu.memory_space<vmem>>) offsets(%dma_start3A_51 : memref<80xi32, #tpu.memory_space<vmem>>) semaphore(%arg13 : memref<!tpu.dma_semaphore, #tpu.memory_space<semaphore_mem>>)
    %multiple_of3A_55 = arith.constant 0 : i32
    %multiple_of3A_56 = tpu.assume_multiple %multiple_of3A_55, 8 : i32
    %dma_wait3A_57 = tpu.memref_slice %arg6[%multiple_of3A_56] : memref<10000xi32, #tpu.memory_space<vmem>> -> memref<80xi32, #tpu.memory_space<vmem>>
    %dma_wait3A_58 = arith.constant 0 : i32
    %dma_wait3A_59 = arith.constant 0 : i32
    %dma_wait3A_60 = tpu.memref_slice %arg2[%dma_wait3A_58, %dma_wait3A_59] : memref<10000x128xf32, #tpu.memory_space<hbm>> -> memref<10000x128xf32, #tpu.memory_space<hbm>>
    tpu.wait_indirect_dma semaphore(%arg12 : memref<!tpu.dma_semaphore, #tpu.memory_space<semaphore_mem>>) src(%dma_wait3A_60 : memref<10000x128xf32, #tpu.memory_space<hbm>>) dst(%arg9 : memref<80x128xf32, #tpu.memory_space<vmem>>)
    %multiple_of3A_61 = arith.constant 80 : i32
    %multiple_of3A_62 = tpu.assume_multiple %multiple_of3A_61, 8 : i32
    %dma_start3A_63 = tpu.memref_slice %arg7[%multiple_of3A_62] : memref<10000xi32, #tpu.memory_space<vmem>> -> memref<80xi32, #tpu.memory_space<vmem>>
    %dma_start3A_64 = arith.constant 0 : i32
    %dma_start3A_65 = arith.constant 0 : i32
    %dma_start3A_66 = tpu.memref_slice %arg17[%dma_start3A_64, %dma_start3A_65] : memref<10000x128xf32, #tpu.memory_space<vmem_shared>> -> memref<10000x128xf32, #tpu.memory_space<vmem_shared>>
    tpu.enqueue_indirect_dma source(%arg9 : memref<80x128xf32, #tpu.memory_space<vmem>>) target(%dma_start3A_66 : memref<10000x128xf32, #tpu.memory_space<vmem_shared>>) offsets(%dma_start3A_63 : memref<80xi32, #tpu.memory_space<vmem>>) semaphore(%arg15 : memref<!tpu.dma_semaphore, #tpu.memory_space<semaphore_mem>>) {add = true}
    %scan3A_67 = arith.constant 0 : i32
    %scan3A_68 = arith.constant 0 : i32
    %scan3A_69 = arith.constant 40 : i32
    %scan3A_70 = arith.addi %scan3A_68, %scan3A_69 : i32
    %scan3A_71 = arith.constant 1 : i32
    scf.for %scan3A_184 = %scan3A_68 to %scan3A_70 step %scan3A_71  : i32 {
      %mul3A_185 = arith.constant 3 : i32
      %mul3A_186 = arith.muli %mul3A_185, %scan3A_184 : i32
      %add3A_187 = arith.constant 2 : i32
      %add3A_188 = arith.addi %add3A_187, %mul3A_186 : i32
      %add3A_189 = arith.constant 0 : i32
      %add3A_190 = arith.addi %add3A_188, %add3A_189 : i32
      %multiple_of3A_191 = arith.constant 0 : i32
      %multiple_of3A_192 = tpu.assume_multiple %multiple_of3A_191, 8 : i32
      %dma_wait3A_193 = tpu.memref_slice %arg7[%multiple_of3A_192] : memref<10000xi32, #tpu.memory_space<vmem>> -> memref<80xi32, #tpu.memory_space<vmem>>
      %dma_wait3A_194 = arith.constant 0 : i32
      %dma_wait3A_195 = arith.constant 0 : i32
      %dma_wait3A_196 = tpu.memref_slice %arg17[%dma_wait3A_194, %dma_wait3A_195] : memref<10000x128xf32, #tpu.memory_space<vmem_shared>> -> memref<10000x128xf32, #tpu.memory_space<vmem_shared>>
      tpu.wait_indirect_dma semaphore(%arg14 : memref<!tpu.dma_semaphore, #tpu.memory_space<semaphore_mem>>) src(%arg8 : memref<80x128xf32, #tpu.memory_space<vmem>>) dst(%dma_wait3A_196 : memref<10000x128xf32, #tpu.memory_space<vmem_shared>>)
      %add3A_197 = arith.constant 1 : i32
      %add3A_198 = arith.addi %add3A_190, %add3A_197 : i32
      %mul3A_199 = arith.constant 80 : i32
      %mul3A_200 = arith.muli %add3A_198, %mul3A_199 : i32
      %multiple_of3A_201 = tpu.assume_multiple %mul3A_200, 8 : i32
      %dma_start3A_202 = tpu.memref_slice %arg6[%multiple_of3A_201] : memref<10000xi32, #tpu.memory_space<vmem>> -> memref<80xi32, #tpu.memory_space<vmem>>
      %dma_start3A_203 = arith.constant 0 : i32
      %dma_start3A_204 = arith.constant 0 : i32
      %dma_start3A_205 = tpu.memref_slice %arg2[%dma_start3A_203, %dma_start3A_204] : memref<10000x128xf32, #tpu.memory_space<hbm>> -> memref<10000x128xf32, #tpu.memory_space<hbm>>
      tpu.enqueue_indirect_dma source(%dma_start3A_205 : memref<10000x128xf32, #tpu.memory_space<hbm>>) target(%arg8 : memref<80x128xf32, #tpu.memory_space<vmem>>) offsets(%dma_start3A_202 : memref<80xi32, #tpu.memory_space<vmem>>) semaphore(%arg11 : memref<!tpu.dma_semaphore, #tpu.memory_space<semaphore_mem>>)
      %multiple_of3A_206 = arith.constant 0 : i32
      %multiple_of3A_207 = tpu.assume_multiple %multiple_of3A_206, 8 : i32
      %dma_wait3A_208 = tpu.memref_slice %arg6[%multiple_of3A_207] : memref<10000xi32, #tpu.memory_space<vmem>> -> memref<80xi32, #tpu.memory_space<vmem>>
      %dma_wait3A_209 = arith.constant 0 : i32
      %dma_wait3A_210 = arith.constant 0 : i32
      %dma_wait3A_211 = tpu.memref_slice %arg2[%dma_wait3A_209, %dma_wait3A_210] : memref<10000x128xf32, #tpu.memory_space<hbm>> -> memref<10000x128xf32, #tpu.memory_space<hbm>>
      tpu.wait_indirect_dma semaphore(%arg13 : memref<!tpu.dma_semaphore, #tpu.memory_space<semaphore_mem>>) src(%dma_wait3A_211 : memref<10000x128xf32, #tpu.memory_space<hbm>>) dst(%arg10 : memref<80x128xf32, #tpu.memory_space<vmem>>)
      %mul3A_212 = arith.constant 80 : i32
      %mul3A_213 = arith.muli %add3A_190, %mul3A_212 : i32
      %multiple_of3A_214 = tpu.assume_multiple %mul3A_213, 8 : i32
      %dma_start3A_215 = tpu.memref_slice %arg7[%multiple_of3A_214] : memref<10000xi32, #tpu.memory_space<vmem>> -> memref<80xi32, #tpu.memory_space<vmem>>
      %dma_start3A_216 = arith.constant 0 : i32
      %dma_start3A_217 = arith.constant 0 : i32
      %dma_start3A_218 = tpu.memref_slice %arg17[%dma_start3A_216, %dma_start3A_217] : memref<10000x128xf32, #tpu.memory_space<vmem_shared>> -> memref<10000x128xf32, #tpu.memory_space<vmem_shared>>
      tpu.enqueue_indirect_dma source(%arg10 : memref<80x128xf32, #tpu.memory_space<vmem>>) target(%dma_start3A_218 : memref<10000x128xf32, #tpu.memory_space<vmem_shared>>) offsets(%dma_start3A_215 : memref<80xi32, #tpu.memory_space<vmem>>) semaphore(%arg16 : memref<!tpu.dma_semaphore, #tpu.memory_space<semaphore_mem>>) {add = true}
      %mul3A_219 = arith.constant 3 : i32
      %mul3A_220 = arith.muli %mul3A_219, %scan3A_184 : i32
      %add3A_221 = arith.constant 2 : i32
      %add3A_222 = arith.addi %add3A_221, %mul3A_220 : i32
      %add3A_223 = arith.constant 1 : i32
      %add3A_224 = arith.addi %add3A_222, %add3A_223 : i32
      %multiple_of3A_225 = arith.constant 0 : i32
      %multiple_of3A_226 = tpu.assume_multiple %multiple_of3A_225, 8 : i32
      %dma_wait3A_227 = tpu.memref_slice %arg7[%multiple_of3A_226] : memref<10000xi32, #tpu.memory_space<vmem>> -> memref<80xi32, #tpu.memory_space<vmem>>
      %dma_wait3A_228 = arith.constant 0 : i32
      %dma_wait3A_229 = arith.constant 0 : i32
      %dma_wait3A_230 = tpu.memref_slice %arg17[%dma_wait3A_228, %dma_wait3A_229] : memref<10000x128xf32, #tpu.memory_space<vmem_shared>> -> memref<10000x128xf32, #tpu.memory_space<vmem_shared>>
      tpu.wait_indirect_dma semaphore(%arg15 : memref<!tpu.dma_semaphore, #tpu.memory_space<semaphore_mem>>) src(%arg9 : memref<80x128xf32, #tpu.memory_space<vmem>>) dst(%dma_wait3A_230 : memref<10000x128xf32, #tpu.memory_space<vmem_shared>>)
      %add3A_231 = arith.constant 1 : i32
      %add3A_232 = arith.addi %add3A_224, %add3A_231 : i32
      %mul3A_233 = arith.constant 80 : i32
      %mul3A_234 = arith.muli %add3A_232, %mul3A_233 : i32
      %multiple_of3A_235 = tpu.assume_multiple %mul3A_234, 8 : i32
      %dma_start3A_236 = tpu.memref_slice %arg6[%multiple_of3A_235] : memref<10000xi32, #tpu.memory_space<vmem>> -> memref<80xi32, #tpu.memory_space<vmem>>
      %dma_start3A_237 = arith.constant 0 : i32
      %dma_start3A_238 = arith.constant 0 : i32
      %dma_start3A_239 = tpu.memref_slice %arg2[%dma_start3A_237, %dma_start3A_238] : memref<10000x128xf32, #tpu.memory_space<hbm>> -> memref<10000x128xf32, #tpu.memory_space<hbm>>
      tpu.enqueue_indirect_dma source(%dma_start3A_239 : memref<10000x128xf32, #tpu.memory_space<hbm>>) target(%arg9 : memref<80x128xf32, #tpu.memory_space<vmem>>) offsets(%dma_start3A_236 : memref<80xi32, #tpu.memory_space<vmem>>) semaphore(%arg12 : memref<!tpu.dma_semaphore, #tpu.memory_space<semaphore_mem>>)
      %multiple_of3A_240 = arith.constant 0 : i32
      %multiple_of3A_241 = tpu.assume_multiple %multiple_of3A_240, 8 : i32
      %dma_wait3A_242 = tpu.memref_slice %arg6[%multiple_of3A_241] : memref<10000xi32, #tpu.memory_space<vmem>> -> memref<80xi32, #tpu.memory_space<vmem>>
      %dma_wait3A_243 = arith.constant 0 : i32
      %dma_wait3A_244 = arith.constant 0 : i32
      %dma_wait3A_245 = tpu.memref_slice %arg2[%dma_wait3A_243, %dma_wait3A_244] : memref<10000x128xf32, #tpu.memory_space<hbm>> -> memref<10000x128xf32, #tpu.memory_space<hbm>>
      tpu.wait_indirect_dma semaphore(%arg11 : memref<!tpu.dma_semaphore, #tpu.memory_space<semaphore_mem>>) src(%dma_wait3A_245 : memref<10000x128xf32, #tpu.memory_space<hbm>>) dst(%arg8 : memref<80x128xf32, #tpu.memory_space<vmem>>)
      %mul3A_246 = arith.constant 80 : i32
      %mul3A_247 = arith.muli %add3A_224, %mul3A_246 : i32
      %multiple_of3A_248 = tpu.assume_multiple %mul3A_247, 8 : i32
      %dma_start3A_249 = tpu.memref_slice %arg7[%multiple_of3A_248] : memref<10000xi32, #tpu.memory_space<vmem>> -> memref<80xi32, #tpu.memory_space<vmem>>
      %dma_start3A_250 = arith.constant 0 : i32
      %dma_start3A_251 = arith.constant 0 : i32
      %dma_start3A_252 = tpu.memref_slice %arg17[%dma_start3A_250, %dma_start3A_251] : memref<10000x128xf32, #tpu.memory_space<vmem_shared>> -> memref<10000x128xf32, #tpu.memory_space<vmem_shared>>
      tpu.enqueue_indirect_dma source(%arg8 : memref<80x128xf32, #tpu.memory_space<vmem>>) target(%dma_start3A_252 : memref<10000x128xf32, #tpu.memory_space<vmem_shared>>) offsets(%dma_start3A_249 : memref<80xi32, #tpu.memory_space<vmem>>) semaphore(%arg14 : memref<!tpu.dma_semaphore, #tpu.memory_space<semaphore_mem>>) {add = true}
      %mul3A_253 = arith.constant 3 : i32
      %mul3A_254 = arith.muli %mul3A_253, %scan3A_184 : i32
      %add3A_255 = arith.constant 2 : i32
      %add3A_256 = arith.addi %add3A_255, %mul3A_254 : i32
      %add3A_257 = arith.constant 2 : i32
      %add3A_258 = arith.addi %add3A_256, %add3A_257 : i32
      %multiple_of3A_259 = arith.constant 0 : i32
      %multiple_of3A_260 = tpu.assume_multiple %multiple_of3A_259, 8 : i32
      %dma_wait3A_261 = tpu.memref_slice %arg7[%multiple_of3A_260] : memref<10000xi32, #tpu.memory_space<vmem>> -> memref<80xi32, #tpu.memory_space<vmem>>
      %dma_wait3A_262 = arith.constant 0 : i32
      %dma_wait3A_263 = arith.constant 0 : i32
      %dma_wait3A_264 = tpu.memref_slice %arg17[%dma_wait3A_262, %dma_wait3A_263] : memref<10000x128xf32, #tpu.memory_space<vmem_shared>> -> memref<10000x128xf32, #tpu.memory_space<vmem_shared>>
      tpu.wait_indirect_dma semaphore(%arg16 : memref<!tpu.dma_semaphore, #tpu.memory_space<semaphore_mem>>) src(%arg10 : memref<80x128xf32, #tpu.memory_space<vmem>>) dst(%dma_wait3A_264 : memref<10000x128xf32, #tpu.memory_space<vmem_shared>>)
      %add3A_265 = arith.constant 1 : i32
      %add3A_266 = arith.addi %add3A_258, %add3A_265 : i32
      %mul3A_267 = arith.constant 80 : i32
      %mul3A_268 = arith.muli %add3A_266, %mul3A_267 : i32
      %multiple_of3A_269 = tpu.assume_multiple %mul3A_268, 8 : i32
      %dma_start3A_270 = tpu.memref_slice %arg6[%multiple_of3A_269] : memref<10000xi32, #tpu.memory_space<vmem>> -> memref<80xi32, #tpu.memory_space<vmem>>
      %dma_start3A_271 = arith.constant 0 : i32
      %dma_start3A_272 = arith.constant 0 : i32
      %dma_start3A_273 = tpu.memref_slice %arg2[%dma_start3A_271, %dma_start3A_272] : memref<10000x128xf32, #tpu.memory_space<hbm>> -> memref<10000x128xf32, #tpu.memory_space<hbm>>
      tpu.enqueue_indirect_dma source(%dma_start3A_273 : memref<10000x128xf32, #tpu.memory_space<hbm>>) target(%arg10 : memref<80x128xf32, #tpu.memory_space<vmem>>) offsets(%dma_start3A_270 : memref<80xi32, #tpu.memory_space<vmem>>) semaphore(%arg13 : memref<!tpu.dma_semaphore, #tpu.memory_space<semaphore_mem>>)
      %multiple_of3A_274 = arith.constant 0 : i32
      %multiple_of3A_275 = tpu.assume_multiple %multiple_of3A_274, 8 : i32
      %dma_wait3A_276 = tpu.memref_slice %arg6[%multiple_of3A_275] : memref<10000xi32, #tpu.memory_space<vmem>> -> memref<80xi32, #tpu.memory_space<vmem>>
      %dma_wait3A_277 = arith.constant 0 : i32
      %dma_wait3A_278 = arith.constant 0 : i32
      %dma_wait3A_279 = tpu.memref_slice %arg2[%dma_wait3A_277, %dma_wait3A_278] : memref<10000x128xf32, #tpu.memory_space<hbm>> -> memref<10000x128xf32, #tpu.memory_space<hbm>>
      tpu.wait_indirect_dma semaphore(%arg12 : memref<!tpu.dma_semaphore, #tpu.memory_space<semaphore_mem>>) src(%dma_wait3A_279 : memref<10000x128xf32, #tpu.memory_space<hbm>>) dst(%arg9 : memref<80x128xf32, #tpu.memory_space<vmem>>)
      %mul3A_280 = arith.constant 80 : i32
      %mul3A_281 = arith.muli %add3A_258, %mul3A_280 : i32
      %multiple_of3A_282 = tpu.assume_multiple %mul3A_281, 8 : i32
      %dma_start3A_283 = tpu.memref_slice %arg7[%multiple_of3A_282] : memref<10000xi32, #tpu.memory_space<vmem>> -> memref<80xi32, #tpu.memory_space<vmem>>
      %dma_start3A_284 = arith.constant 0 : i32
      %dma_start3A_285 = arith.constant 0 : i32
      %dma_start3A_286 = tpu.memref_slice %arg17[%dma_start3A_284, %dma_start3A_285] : memref<10000x128xf32, #tpu.memory_space<vmem_shared>> -> memref<10000x128xf32, #tpu.memory_space<vmem_shared>>
      tpu.enqueue_indirect_dma source(%arg9 : memref<80x128xf32, #tpu.memory_space<vmem>>) target(%dma_start3A_286 : memref<10000x128xf32, #tpu.memory_space<vmem_shared>>) offsets(%dma_start3A_283 : memref<80xi32, #tpu.memory_space<vmem>>) semaphore(%arg15 : memref<!tpu.dma_semaphore, #tpu.memory_space<semaphore_mem>>) {add = true}
    }
    %scan3A_72 = arith.constant 40 : i32
    %multiple_of3A_73 = arith.constant 0 : i32
    %multiple_of3A_74 = tpu.assume_multiple %multiple_of3A_73, 8 : i32
    %dma_wait3A_75 = tpu.memref_slice %arg7[%multiple_of3A_74] : memref<10000xi32, #tpu.memory_space<vmem>> -> memref<80xi32, #tpu.memory_space<vmem>>
    %dma_wait3A_76 = arith.constant 0 : i32
    %dma_wait3A_77 = arith.constant 0 : i32
    %dma_wait3A_78 = tpu.memref_slice %arg17[%dma_wait3A_76, %dma_wait3A_77] : memref<10000x128xf32, #tpu.memory_space<vmem_shared>> -> memref<10000x128xf32, #tpu.memory_space<vmem_shared>>
    tpu.wait_indirect_dma semaphore(%arg14 : memref<!tpu.dma_semaphore, #tpu.memory_space<semaphore_mem>>) src(%arg8 : memref<80x128xf32, #tpu.memory_space<vmem>>) dst(%dma_wait3A_78 : memref<10000x128xf32, #tpu.memory_space<vmem_shared>>)
    %multiple_of3A_79 = arith.constant 9840 : i32
    %multiple_of3A_80 = tpu.assume_multiple %multiple_of3A_79, 8 : i32
    %dma_start3A_81 = tpu.memref_slice %arg6[%multiple_of3A_80] : memref<10000xi32, #tpu.memory_space<vmem>> -> memref<80xi32, #tpu.memory_space<vmem>>
    %dma_start3A_82 = arith.constant 0 : i32
    %dma_start3A_83 = arith.constant 0 : i32
    %dma_start3A_84 = tpu.memref_slice %arg2[%dma_start3A_82, %dma_start3A_83] : memref<10000x128xf32, #tpu.memory_space<hbm>> -> memref<10000x128xf32, #tpu.memory_space<hbm>>
    tpu.enqueue_indirect_dma source(%dma_start3A_84 : memref<10000x128xf32, #tpu.memory_space<hbm>>) target(%arg8 : memref<80x128xf32, #tpu.memory_space<vmem>>) offsets(%dma_start3A_81 : memref<80xi32, #tpu.memory_space<vmem>>) semaphore(%arg11 : memref<!tpu.dma_semaphore, #tpu.memory_space<semaphore_mem>>)
    %multiple_of3A_85 = arith.constant 0 : i32
    %multiple_of3A_86 = tpu.assume_multiple %multiple_of3A_85, 8 : i32
    %dma_wait3A_87 = tpu.memref_slice %arg6[%multiple_of3A_86] : memref<10000xi32, #tpu.memory_space<vmem>> -> memref<80xi32, #tpu.memory_space<vmem>>
    %dma_wait3A_88 = arith.constant 0 : i32
    %dma_wait3A_89 = arith.constant 0 : i32
    %dma_wait3A_90 = tpu.memref_slice %arg2[%dma_wait3A_88, %dma_wait3A_89] : memref<10000x128xf32, #tpu.memory_space<hbm>> -> memref<10000x128xf32, #tpu.memory_space<hbm>>
    tpu.wait_indirect_dma semaphore(%arg13 : memref<!tpu.dma_semaphore, #tpu.memory_space<semaphore_mem>>) src(%dma_wait3A_90 : memref<10000x128xf32, #tpu.memory_space<hbm>>) dst(%arg10 : memref<80x128xf32, #tpu.memory_space<vmem>>)
    %multiple_of3A_91 = arith.constant 9760 : i32
    %multiple_of3A_92 = tpu.assume_multiple %multiple_of3A_91, 8 : i32
    %dma_start3A_93 = tpu.memref_slice %arg7[%multiple_of3A_92] : memref<10000xi32, #tpu.memory_space<vmem>> -> memref<80xi32, #tpu.memory_space<vmem>>
    %dma_start3A_94 = arith.constant 0 : i32
    %dma_start3A_95 = arith.constant 0 : i32
    %dma_start3A_96 = tpu.memref_slice %arg17[%dma_start3A_94, %dma_start3A_95] : memref<10000x128xf32, #tpu.memory_space<vmem_shared>> -> memref<10000x128xf32, #tpu.memory_space<vmem_shared>>
    tpu.enqueue_indirect_dma source(%arg10 : memref<80x128xf32, #tpu.memory_space<vmem>>) target(%dma_start3A_96 : memref<10000x128xf32, #tpu.memory_space<vmem_shared>>) offsets(%dma_start3A_93 : memref<80xi32, #tpu.memory_space<vmem>>) semaphore(%arg16 : memref<!tpu.dma_semaphore, #tpu.memory_space<semaphore_mem>>) {add = true}
    %multiple_of3A_97 = arith.constant 0 : i32
    %multiple_of3A_98 = tpu.assume_multiple %multiple_of3A_97, 8 : i32
    %dma_wait3A_99 = tpu.memref_slice %arg7[%multiple_of3A_98] : memref<10000xi32, #tpu.memory_space<vmem>> -> memref<80xi32, #tpu.memory_space<vmem>>
    %dma_wait3A_100 = arith.constant 0 : i32
    %dma_wait3A_101 = arith.constant 0 : i32
    %dma_wait3A_102 = tpu.memref_slice %arg17[%dma_wait3A_100, %dma_wait3A_101] : memref<10000x128xf32, #tpu.memory_space<vmem_shared>> -> memref<10000x128xf32, #tpu.memory_space<vmem_shared>>
    tpu.wait_indirect_dma semaphore(%arg15 : memref<!tpu.dma_semaphore, #tpu.memory_space<semaphore_mem>>) src(%arg9 : memref<80x128xf32, #tpu.memory_space<vmem>>) dst(%dma_wait3A_102 : memref<10000x128xf32, #tpu.memory_space<vmem_shared>>)
    %multiple_of3A_103 = arith.constant 9920 : i32
    %multiple_of3A_104 = tpu.assume_multiple %multiple_of3A_103, 8 : i32
    %dma_start3A_105 = tpu.memref_slice %arg6[%multiple_of3A_104] : memref<10000xi32, #tpu.memory_space<vmem>> -> memref<80xi32, #tpu.memory_space<vmem>>
    %dma_start3A_106 = arith.constant 0 : i32
    %dma_start3A_107 = arith.constant 0 : i32
    %dma_start3A_108 = tpu.memref_slice %arg2[%dma_start3A_106, %dma_start3A_107] : memref<10000x128xf32, #tpu.memory_space<hbm>> -> memref<10000x128xf32, #tpu.memory_space<hbm>>
    tpu.enqueue_indirect_dma source(%dma_start3A_108 : memref<10000x128xf32, #tpu.memory_space<hbm>>) target(%arg9 : memref<80x128xf32, #tpu.memory_space<vmem>>) offsets(%dma_start3A_105 : memref<80xi32, #tpu.memory_space<vmem>>) semaphore(%arg12 : memref<!tpu.dma_semaphore, #tpu.memory_space<semaphore_mem>>)
    %multiple_of3A_109 = arith.constant 0 : i32
    %multiple_of3A_110 = tpu.assume_multiple %multiple_of3A_109, 8 : i32
    %dma_wait3A_111 = tpu.memref_slice %arg6[%multiple_of3A_110] : memref<10000xi32, #tpu.memory_space<vmem>> -> memref<80xi32, #tpu.memory_space<vmem>>
    %dma_wait3A_112 = arith.constant 0 : i32
    %dma_wait3A_113 = arith.constant 0 : i32
    %dma_wait3A_114 = tpu.memref_slice %arg2[%dma_wait3A_112, %dma_wait3A_113] : memref<10000x128xf32, #tpu.memory_space<hbm>> -> memref<10000x128xf32, #tpu.memory_space<hbm>>
    tpu.wait_indirect_dma semaphore(%arg11 : memref<!tpu.dma_semaphore, #tpu.memory_space<semaphore_mem>>) src(%dma_wait3A_114 : memref<10000x128xf32, #tpu.memory_space<hbm>>) dst(%arg8 : memref<80x128xf32, #tpu.memory_space<vmem>>)
    %multiple_of3A_115 = arith.constant 9840 : i32
    %multiple_of3A_116 = tpu.assume_multiple %multiple_of3A_115, 8 : i32
    %dma_start3A_117 = tpu.memref_slice %arg7[%multiple_of3A_116] : memref<10000xi32, #tpu.memory_space<vmem>> -> memref<80xi32, #tpu.memory_space<vmem>>
    %dma_start3A_118 = arith.constant 0 : i32
    %dma_start3A_119 = arith.constant 0 : i32
    %dma_start3A_120 = tpu.memref_slice %arg17[%dma_start3A_118, %dma_start3A_119] : memref<10000x128xf32, #tpu.memory_space<vmem_shared>> -> memref<10000x128xf32, #tpu.memory_space<vmem_shared>>
    tpu.enqueue_indirect_dma source(%arg8 : memref<80x128xf32, #tpu.memory_space<vmem>>) target(%dma_start3A_120 : memref<10000x128xf32, #tpu.memory_space<vmem_shared>>) offsets(%dma_start3A_117 : memref<80xi32, #tpu.memory_space<vmem>>) semaphore(%arg14 : memref<!tpu.dma_semaphore, #tpu.memory_space<semaphore_mem>>) {add = true}
    %multiple_of3A_121 = arith.constant 0 : i32
    %multiple_of3A_122 = tpu.assume_multiple %multiple_of3A_121, 8 : i32
    %dma_wait3A_123 = tpu.memref_slice %arg6[%multiple_of3A_122] : memref<10000xi32, #tpu.memory_space<vmem>> -> memref<80xi32, #tpu.memory_space<vmem>>
    %dma_wait3A_124 = arith.constant 0 : i32
    %dma_wait3A_125 = arith.constant 0 : i32
    %dma_wait3A_126 = tpu.memref_slice %arg2[%dma_wait3A_124, %dma_wait3A_125] : memref<10000x128xf32, #tpu.memory_space<hbm>> -> memref<10000x128xf32, #tpu.memory_space<hbm>>
    tpu.wait_indirect_dma semaphore(%arg12 : memref<!tpu.dma_semaphore, #tpu.memory_space<semaphore_mem>>) src(%dma_wait3A_126 : memref<10000x128xf32, #tpu.memory_space<hbm>>) dst(%arg9 : memref<80x128xf32, #tpu.memory_space<vmem>>)
    %multiple_of3A_127 = arith.constant 9920 : i32
    %multiple_of3A_128 = tpu.assume_multiple %multiple_of3A_127, 8 : i32
    %dma_start3A_129 = tpu.memref_slice %arg7[%multiple_of3A_128] : memref<10000xi32, #tpu.memory_space<vmem>> -> memref<80xi32, #tpu.memory_space<vmem>>
    %dma_start3A_130 = arith.constant 0 : i32
    %dma_start3A_131 = arith.constant 0 : i32
    %dma_start3A_132 = tpu.memref_slice %arg17[%dma_start3A_130, %dma_start3A_131] : memref<10000x128xf32, #tpu.memory_space<vmem_shared>> -> memref<10000x128xf32, #tpu.memory_space<vmem_shared>>
    tpu.enqueue_indirect_dma source(%arg9 : memref<80x128xf32, #tpu.memory_space<vmem>>) target(%dma_start3A_132 : memref<10000x128xf32, #tpu.memory_space<vmem_shared>>) offsets(%dma_start3A_129 : memref<80xi32, #tpu.memory_space<vmem>>) semaphore(%arg15 : memref<!tpu.dma_semaphore, #tpu.memory_space<semaphore_mem>>) {add = true}
    %multiple_of3A_133 = arith.constant 0 : i32
    %multiple_of3A_134 = tpu.assume_multiple %multiple_of3A_133, 8 : i32
    %dma_wait3A_135 = tpu.memref_slice %arg7[%multiple_of3A_134] : memref<10000xi32, #tpu.memory_space<vmem>> -> memref<80xi32, #tpu.memory_space<vmem>>
    %dma_wait3A_136 = arith.constant 0 : i32
    %dma_wait3A_137 = arith.constant 0 : i32
    %dma_wait3A_138 = tpu.memref_slice %arg17[%dma_wait3A_136, %dma_wait3A_137] : memref<10000x128xf32, #tpu.memory_space<vmem_shared>> -> memref<10000x128xf32, #tpu.memory_space<vmem_shared>>
    tpu.wait_indirect_dma semaphore(%arg14 : memref<!tpu.dma_semaphore, #tpu.memory_space<semaphore_mem>>) src(%arg8 : memref<80x128xf32, #tpu.memory_space<vmem>>) dst(%dma_wait3A_138 : memref<10000x128xf32, #tpu.memory_space<vmem_shared>>)
    %multiple_of3A_139 = arith.constant 0 : i32
    %multiple_of3A_140 = tpu.assume_multiple %multiple_of3A_139, 8 : i32
    %dma_wait3A_141 = tpu.memref_slice %arg7[%multiple_of3A_140] : memref<10000xi32, #tpu.memory_space<vmem>> -> memref<80xi32, #tpu.memory_space<vmem>>
    %dma_wait3A_142 = arith.constant 0 : i32
    %dma_wait3A_143 = arith.constant 0 : i32
    %dma_wait3A_144 = tpu.memref_slice %arg17[%dma_wait3A_142, %dma_wait3A_143] : memref<10000x128xf32, #tpu.memory_space<vmem_shared>> -> memref<10000x128xf32, #tpu.memory_space<vmem_shared>>
    tpu.wait_indirect_dma semaphore(%arg15 : memref<!tpu.dma_semaphore, #tpu.memory_space<semaphore_mem>>) src(%arg9 : memref<80x128xf32, #tpu.memory_space<vmem>>) dst(%dma_wait3A_144 : memref<10000x128xf32, #tpu.memory_space<vmem_shared>>)
    %multiple_of3A_145 = arith.constant 0 : i32
    %multiple_of3A_146 = tpu.assume_multiple %multiple_of3A_145, 8 : i32
    %dma_wait3A_147 = tpu.memref_slice %arg7[%multiple_of3A_146] : memref<10000xi32, #tpu.memory_space<vmem>> -> memref<80xi32, #tpu.memory_space<vmem>>
    %dma_wait3A_148 = arith.constant 0 : i32
    %dma_wait3A_149 = arith.constant 0 : i32
    %dma_wait3A_150 = tpu.memref_slice %arg17[%dma_wait3A_148, %dma_wait3A_149] : memref<10000x128xf32, #tpu.memory_space<vmem_shared>> -> memref<10000x128xf32, #tpu.memory_space<vmem_shared>>
    tpu.wait_indirect_dma semaphore(%arg16 : memref<!tpu.dma_semaphore, #tpu.memory_space<semaphore_mem>>) src(%arg10 : memref<80x128xf32, #tpu.memory_space<vmem>>) dst(%dma_wait3A_150 : memref<10000x128xf32, #tpu.memory_space<vmem_shared>>)
    %barrier3A_151 = arith.constant 0 : index
    tpu.barrier barrier_id(%barrier3A_151)
    %add3A_152 = arith.constant 0 : i32
    %add3A_153 = arith.addi %multiple_of3A, %add3A_152 : i32
    "tpu.region"() ({
      %run_scoped3A = tpu.sem_alloc : memref<!tpu.dma_semaphore, #tpu.memory_space<semaphore_mem>>
      %dma_start3A_184 = arith.constant 0 : i32
      %dma_start3A_185 = tpu.memref_slice %arg17[%add3A_153, %dma_start3A_184] : memref<10000x128xf32, #tpu.memory_space<vmem_shared>> -> memref<80x128xf32, #tpu.memory_space<vmem_shared>>
      %dma_start3A_186 = arith.constant 0 : i32
      %dma_start3A_187 = tpu.memref_slice %arg17[%add3A_153, %dma_start3A_186] : memref<10000x128xf32, #tpu.memory_space<vmem_shared>> -> memref<80x128xf32, #tpu.memory_space<vmem_shared>>
      tpu.enqueue_dma source(%dma_start3A_187 : memref<80x128xf32, #tpu.memory_space<vmem_shared>>) target(%arg8 : memref<80x128xf32, #tpu.memory_space<vmem>>) target_semaphore(%run_scoped3A : memref<!tpu.dma_semaphore, #tpu.memory_space<semaphore_mem>>)
      %dma_wait3A_188 = arith.constant 0 : i32
      %dma_wait3A_189 = tpu.memref_slice %arg17[%add3A_153, %dma_wait3A_188] : memref<10000x128xf32, #tpu.memory_space<vmem_shared>> -> memref<80x128xf32, #tpu.memory_space<vmem_shared>>
      %dma_wait3A_190 = arith.constant 0 : i32
      %dma_wait3A_191 = tpu.memref_slice %arg17[%add3A_153, %dma_wait3A_190] : memref<10000x128xf32, #tpu.memory_space<vmem_shared>> -> memref<80x128xf32, #tpu.memory_space<vmem_shared>>
      tpu.wait_dma2 semaphore(%run_scoped3A : memref<!tpu.dma_semaphore, #tpu.memory_space<semaphore_mem>>) src(%dma_wait3A_191 : memref<80x128xf32, #tpu.memory_space<vmem_shared>>) dst(%arg8 : memref<80x128xf32, #tpu.memory_space<vmem>>)
      tpu.yield
    }) : () -> ()
    %add3A_154 = arith.constant 0 : i32
    %add3A_155 = arith.addi %multiple_of3A, %add3A_154 : i32
    "tpu.region"() ({
      %run_scoped3A = tpu.sem_alloc : memref<!tpu.dma_semaphore, #tpu.memory_space<semaphore_mem>>
      %dma_start3A_184 = arith.constant 0 : i32
      %dma_start3A_185 = tpu.memref_slice %arg5[%arg0, %add3A_155, %dma_start3A_184] : memref<2x10000x128xf32, #tpu.memory_space<hbm>> -> memref<1x80x128xf32, #tpu.memory_space<hbm>>
      %dma_start3A_186 = tpu.memref_squeeze %dma_start3A_185 : memref<1x80x128xf32, #tpu.memory_space<hbm>> -> memref<80x128xf32, #tpu.memory_space<hbm>>
      %dma_start3A_187 = arith.constant 0 : i32
      %dma_start3A_188 = tpu.memref_slice %arg5[%arg0, %add3A_155, %dma_start3A_187] : memref<2x10000x128xf32, #tpu.memory_space<hbm>> -> memref<1x80x128xf32, #tpu.memory_space<hbm>>
      %dma_start3A_189 = tpu.memref_squeeze %dma_start3A_188 : memref<1x80x128xf32, #tpu.memory_space<hbm>> -> memref<80x128xf32, #tpu.memory_space<hbm>>
      tpu.enqueue_dma source(%arg8 : memref<80x128xf32, #tpu.memory_space<vmem>>) target(%dma_start3A_189 : memref<80x128xf32, #tpu.memory_space<hbm>>) target_semaphore(%run_scoped3A : memref<!tpu.dma_semaphore, #tpu.memory_space<semaphore_mem>>)
      %dma_wait3A_190 = arith.constant 0 : i32
      %dma_wait3A_191 = tpu.memref_slice %arg5[%arg0, %add3A_155, %dma_wait3A_190] : memref<2x10000x128xf32, #tpu.memory_space<hbm>> -> memref<1x80x128xf32, #tpu.memory_space<hbm>>
      %dma_wait3A_192 = tpu.memref_squeeze %dma_wait3A_191 : memref<1x80x128xf32, #tpu.memory_space<hbm>> -> memref<80x128xf32, #tpu.memory_space<hbm>>
      %dma_wait3A_193 = arith.constant 0 : i32
      %dma_wait3A_194 = tpu.memref_slice %arg5[%arg0, %add3A_155, %dma_wait3A_193] : memref<2x10000x128xf32, #tpu.memory_space<hbm>> -> memref<1x80x128xf32, #tpu.memory_space<hbm>>
      %dma_wait3A_195 = tpu.memref_squeeze %dma_wait3A_194 : memref<1x80x128xf32, #tpu.memory_space<hbm>> -> memref<80x128xf32, #tpu.memory_space<hbm>>
      tpu.wait_dma2 semaphore(%run_scoped3A : memref<!tpu.dma_semaphore, #tpu.memory_space<semaphore_mem>>) src(%arg8 : memref<80x128xf32, #tpu.memory_space<vmem>>) dst(%dma_wait3A_195 : memref<80x128xf32, #tpu.memory_space<hbm>>)
      tpu.yield
    }) : () -> ()
    %add3A_156 = arith.constant 80 : i32
    %add3A_157 = arith.addi %multiple_of3A, %add3A_156 : i32
    "tpu.region"() ({
      %run_scoped3A = tpu.sem_alloc : memref<!tpu.dma_semaphore, #tpu.memory_space<semaphore_mem>>
      %dma_start3A_184 = arith.constant 0 : i32
      %dma_start3A_185 = tpu.memref_slice %arg17[%add3A_157, %dma_start3A_184] : memref<10000x128xf32, #tpu.memory_space<vmem_shared>> -> memref<80x128xf32, #tpu.memory_space<vmem_shared>>
      %dma_start3A_186 = arith.constant 0 : i32
      %dma_start3A_187 = tpu.memref_slice %arg17[%add3A_157, %dma_start3A_186] : memref<10000x128xf32, #tpu.memory_space<vmem_shared>> -> memref<80x128xf32, #tpu.memory_space<vmem_shared>>
      tpu.enqueue_dma source(%dma_start3A_187 : memref<80x128xf32, #tpu.memory_space<vmem_shared>>) target(%arg8 : memref<80x128xf32, #tpu.memory_space<vmem>>) target_semaphore(%run_scoped3A : memref<!tpu.dma_semaphore, #tpu.memory_space<semaphore_mem>>)
      %dma_wait3A_188 = arith.constant 0 : i32
      %dma_wait3A_189 = tpu.memref_slice %arg17[%add3A_157, %dma_wait3A_188] : memref<10000x128xf32, #tpu.memory_space<vmem_shared>> -> memref<80x128xf32, #tpu.memory_space<vmem_shared>>
      %dma_wait3A_190 = arith.constant 0 : i32
      %dma_wait3A_191 = tpu.memref_slice %arg17[%add3A_157, %dma_wait3A_190] : memref<10000x128xf32, #tpu.memory_space<vmem_shared>> -> memref<80x128xf32, #tpu.memory_space<vmem_shared>>
      tpu.wait_dma2 semaphore(%run_scoped3A : memref<!tpu.dma_semaphore, #tpu.memory_space<semaphore_mem>>) src(%dma_wait3A_191 : memref<80x128xf32, #tpu.memory_space<vmem_shared>>) dst(%arg8 : memref<80x128xf32, #tpu.memory_space<vmem>>)
      tpu.yield
    }) : () -> ()
    %add3A_158 = arith.constant 80 : i32
    %add3A_159 = arith.addi %multiple_of3A, %add3A_158 : i32
    "tpu.region"() ({
      %run_scoped3A = tpu.sem_alloc : memref<!tpu.dma_semaphore, #tpu.memory_space<semaphore_mem>>
      %dma_start3A_184 = arith.constant 0 : i32
      %dma_start3A_185 = tpu.memref_slice %arg5[%arg0, %add3A_159, %dma_start3A_184] : memref<2x10000x128xf32, #tpu.memory_space<hbm>> -> memref<1x80x128xf32, #tpu.memory_space<hbm>>
      %dma_start3A_186 = tpu.memref_squeeze %dma_start3A_185 : memref<1x80x128xf32, #tpu.memory_space<hbm>> -> memref<80x128xf32, #tpu.memory_space<hbm>>
      %dma_start3A_187 = arith.constant 0 : i32
      %dma_start3A_188 = tpu.memref_slice %arg5[%arg0, %add3A_159, %dma_start3A_187] : memref<2x10000x128xf32, #tpu.memory_space<hbm>> -> memref<1x80x128xf32, #tpu.memory_space<hbm>>
      %dma_start3A_189 = tpu.memref_squeeze %dma_start3A_188 : memref<1x80x128xf32, #tpu.memory_space<hbm>> -> memref<80x128xf32, #tpu.memory_space<hbm>>
      tpu.enqueue_dma source(%arg8 : memref<80x128xf32, #tpu.memory_space<vmem>>) target(%dma_start3A_189 : memref<80x128xf32, #tpu.memory_space<hbm>>) target_semaphore(%run_scoped3A : memref<!tpu.dma_semaphore, #tpu.memory_space<semaphore_mem>>)
      %dma_wait3A_190 = arith.constant 0 : i32
      %dma_wait3A_191 = tpu.memref_slice %arg5[%arg0, %add3A_159, %dma_wait3A_190] : memref<2x10000x128xf32, #tpu.memory_space<hbm>> -> memref<1x80x128xf32, #tpu.memory_space<hbm>>
      %dma_wait3A_192 = tpu.memref_squeeze %dma_wait3A_191 : memref<1x80x128xf32, #tpu.memory_space<hbm>> -> memref<80x128xf32, #tpu.memory_space<hbm>>
      %dma_wait3A_193 = arith.constant 0 : i32
      %dma_wait3A_194 = tpu.memref_slice %arg5[%arg0, %add3A_159, %dma_wait3A_193] : memref<2x10000x128xf32, #tpu.memory_space<hbm>> -> memref<1x80x128xf32, #tpu.memory_space<hbm>>
      %dma_wait3A_195 = tpu.memref_squeeze %dma_wait3A_194 : memref<1x80x128xf32, #tpu.memory_space<hbm>> -> memref<80x128xf32, #tpu.memory_space<hbm>>
      tpu.wait_dma2 semaphore(%run_scoped3A : memref<!tpu.dma_semaphore, #tpu.memory_space<semaphore_mem>>) src(%arg8 : memref<80x128xf32, #tpu.memory_space<vmem>>) dst(%dma_wait3A_195 : memref<80x128xf32, #tpu.memory_space<hbm>>)
      tpu.yield
    }) : () -> ()
    %add3A_160 = arith.constant 160 : i32
    %add3A_161 = arith.addi %multiple_of3A, %add3A_160 : i32
    "tpu.region"() ({
      %run_scoped3A = tpu.sem_alloc : memref<!tpu.dma_semaphore, #tpu.memory_space<semaphore_mem>>
      %dma_start3A_184 = arith.constant 0 : i32
      %dma_start3A_185 = tpu.memref_slice %arg17[%add3A_161, %dma_start3A_184] : memref<10000x128xf32, #tpu.memory_space<vmem_shared>> -> memref<80x128xf32, #tpu.memory_space<vmem_shared>>
      %dma_start3A_186 = arith.constant 0 : i32
      %dma_start3A_187 = tpu.memref_slice %arg17[%add3A_161, %dma_start3A_186] : memref<10000x128xf32, #tpu.memory_space<vmem_shared>> -> memref<80x128xf32, #tpu.memory_space<vmem_shared>>
      tpu.enqueue_dma source(%dma_start3A_187 : memref<80x128xf32, #tpu.memory_space<vmem_shared>>) target(%arg8 : memref<80x128xf32, #tpu.memory_space<vmem>>) target_semaphore(%run_scoped3A : memref<!tpu.dma_semaphore, #tpu.memory_space<semaphore_mem>>)
      %dma_wait3A_188 = arith.constant 0 : i32
      %dma_wait3A_189 = tpu.memref_slice %arg17[%add3A_161, %dma_wait3A_188] : memref<10000x128xf32, #tpu.memory_space<vmem_shared>> -> memref<80x128xf32, #tpu.memory_space<vmem_shared>>
      %dma_wait3A_190 = arith.constant 0 : i32
      %dma_wait3A_191 = tpu.memref_slice %arg17[%add3A_161, %dma_wait3A_190] : memref<10000x128xf32, #tpu.memory_space<vmem_shared>> -> memref<80x128xf32, #tpu.memory_space<vmem_shared>>
      tpu.wait_dma2 semaphore(%run_scoped3A : memref<!tpu.dma_semaphore, #tpu.memory_space<semaphore_mem>>) src(%dma_wait3A_191 : memref<80x128xf32, #tpu.memory_space<vmem_shared>>) dst(%arg8 : memref<80x128xf32, #tpu.memory_space<vmem>>)
      tpu.yield
    }) : () -> ()
    %add3A_162 = arith.constant 160 : i32
    %add3A_163 = arith.addi %multiple_of3A, %add3A_162 : i32
    "tpu.region"() ({
      %run_scoped3A = tpu.sem_alloc : memref<!tpu.dma_semaphore, #tpu.memory_space<semaphore_mem>>
      %dma_start3A_184 = arith.constant 0 : i32
      %dma_start3A_185 = tpu.memref_slice %arg5[%arg0, %add3A_163, %dma_start3A_184] : memref<2x10000x128xf32, #tpu.memory_space<hbm>> -> memref<1x80x128xf32, #tpu.memory_space<hbm>>
      %dma_start3A_186 = tpu.memref_squeeze %dma_start3A_185 : memref<1x80x128xf32, #tpu.memory_space<hbm>> -> memref<80x128xf32, #tpu.memory_space<hbm>>
      %dma_start3A_187 = arith.constant 0 : i32
      %dma_start3A_188 = tpu.memref_slice %arg5[%arg0, %add3A_163, %dma_start3A_187] : memref<2x10000x128xf32, #tpu.memory_space<hbm>> -> memref<1x80x128xf32, #tpu.memory_space<hbm>>
      %dma_start3A_189 = tpu.memref_squeeze %dma_start3A_188 : memref<1x80x128xf32, #tpu.memory_space<hbm>> -> memref<80x128xf32, #tpu.memory_space<hbm>>
      tpu.enqueue_dma source(%arg8 : memref<80x128xf32, #tpu.memory_space<vmem>>) target(%dma_start3A_189 : memref<80x128xf32, #tpu.memory_space<hbm>>) target_semaphore(%run_scoped3A : memref<!tpu.dma_semaphore, #tpu.memory_space<semaphore_mem>>)
      %dma_wait3A_190 = arith.constant 0 : i32
      %dma_wait3A_191 = tpu.memref_slice %arg5[%arg0, %add3A_163, %dma_wait3A_190] : memref<2x10000x128xf32, #tpu.memory_space<hbm>> -> memref<1x80x128xf32, #tpu.memory_space<hbm>>
      %dma_wait3A_192 = tpu.memref_squeeze %dma_wait3A_191 : memref<1x80x128xf32, #tpu.memory_space<hbm>> -> memref<80x128xf32, #tpu.memory_space<hbm>>
      %dma_wait3A_193 = arith.constant 0 : i32
      %dma_wait3A_194 = tpu.memref_slice %arg5[%arg0, %add3A_163, %dma_wait3A_193] : memref<2x10000x128xf32, #tpu.memory_space<hbm>> -> memref<1x80x128xf32, #tpu.memory_space<hbm>>
      %dma_wait3A_195 = tpu.memref_squeeze %dma_wait3A_194 : memref<1x80x128xf32, #tpu.memory_space<hbm>> -> memref<80x128xf32, #tpu.memory_space<hbm>>
      tpu.wait_dma2 semaphore(%run_scoped3A : memref<!tpu.dma_semaphore, #tpu.memory_space<semaphore_mem>>) src(%arg8 : memref<80x128xf32, #tpu.memory_space<vmem>>) dst(%dma_wait3A_195 : memref<80x128xf32, #tpu.memory_space<hbm>>)
      tpu.yield
    }) : () -> ()
    %add3A_164 = arith.constant 240 : i32
    %add3A_165 = arith.addi %multiple_of3A, %add3A_164 : i32
    "tpu.region"() ({
      %run_scoped3A = tpu.sem_alloc : memref<!tpu.dma_semaphore, #tpu.memory_space<semaphore_mem>>
      %dma_start3A_184 = arith.constant 0 : i32
      %dma_start3A_185 = tpu.memref_slice %arg17[%add3A_165, %dma_start3A_184] : memref<10000x128xf32, #tpu.memory_space<vmem_shared>> -> memref<80x128xf32, #tpu.memory_space<vmem_shared>>
      %dma_start3A_186 = arith.constant 0 : i32
      %dma_start3A_187 = tpu.memref_slice %arg17[%add3A_165, %dma_start3A_186] : memref<10000x128xf32, #tpu.memory_space<vmem_shared>> -> memref<80x128xf32, #tpu.memory_space<vmem_shared>>
      tpu.enqueue_dma source(%dma_start3A_187 : memref<80x128xf32, #tpu.memory_space<vmem_shared>>) target(%arg8 : memref<80x128xf32, #tpu.memory_space<vmem>>) target_semaphore(%run_scoped3A : memref<!tpu.dma_semaphore, #tpu.memory_space<semaphore_mem>>)
      %dma_wait3A_188 = arith.constant 0 : i32
      %dma_wait3A_189 = tpu.memref_slice %arg17[%add3A_165, %dma_wait3A_188] : memref<10000x128xf32, #tpu.memory_space<vmem_shared>> -> memref<80x128xf32, #tpu.memory_space<vmem_shared>>
      %dma_wait3A_190 = arith.constant 0 : i32
      %dma_wait3A_191 = tpu.memref_slice %arg17[%add3A_165, %dma_wait3A_190] : memref<10000x128xf32, #tpu.memory_space<vmem_shared>> -> memref<80x128xf32, #tpu.memory_space<vmem_shared>>
      tpu.wait_dma2 semaphore(%run_scoped3A : memref<!tpu.dma_semaphore, #tpu.memory_space<semaphore_mem>>) src(%dma_wait3A_191 : memref<80x128xf32, #tpu.memory_space<vmem_shared>>) dst(%arg8 : memref<80x128xf32, #tpu.memory_space<vmem>>)
      tpu.yield
    }) : () -> ()
    %add3A_166 = arith.constant 240 : i32
    %add3A_167 = arith.addi %multiple_of3A, %add3A_166 : i32
    "tpu.region"() ({
      %run_scoped3A = tpu.sem_alloc : memref<!tpu.dma_semaphore, #tpu.memory_space<semaphore_mem>>
      %dma_start3A_184 = arith.constant 0 : i32
      %dma_start3A_185 = tpu.memref_slice %arg5[%arg0, %add3A_167, %dma_start3A_184] : memref<2x10000x128xf32, #tpu.memory_space<hbm>> -> memref<1x80x128xf32, #tpu.memory_space<hbm>>
      %dma_start3A_186 = tpu.memref_squeeze %dma_start3A_185 : memref<1x80x128xf32, #tpu.memory_space<hbm>> -> memref<80x128xf32, #tpu.memory_space<hbm>>
      %dma_start3A_187 = arith.constant 0 : i32
      %dma_start3A_188 = tpu.memref_slice %arg5[%arg0, %add3A_167, %dma_start3A_187] : memref<2x10000x128xf32, #tpu.memory_space<hbm>> -> memref<1x80x128xf32, #tpu.memory_space<hbm>>
      %dma_start3A_189 = tpu.memref_squeeze %dma_start3A_188 : memref<1x80x128xf32, #tpu.memory_space<hbm>> -> memref<80x128xf32, #tpu.memory_space<hbm>>
      tpu.enqueue_dma source(%arg8 : memref<80x128xf32, #tpu.memory_space<vmem>>) target(%dma_start3A_189 : memref<80x128xf32, #tpu.memory_space<hbm>>) target_semaphore(%run_scoped3A : memref<!tpu.dma_semaphore, #tpu.memory_space<semaphore_mem>>)
      %dma_wait3A_190 = arith.constant 0 : i32
      %dma_wait3A_191 = tpu.memref_slice %arg5[%arg0, %add3A_167, %dma_wait3A_190] : memref<2x10000x128xf32, #tpu.memory_space<hbm>> -> memref<1x80x128xf32, #tpu.memory_space<hbm>>
      %dma_wait3A_192 = tpu.memref_squeeze %dma_wait3A_191 : memref<1x80x128xf32, #tpu.memory_space<hbm>> -> memref<80x128xf32, #tpu.memory_space<hbm>>
      %dma_wait3A_193 = arith.constant 0 : i32
      %dma_wait3A_194 = tpu.memref_slice %arg5[%arg0, %add3A_167, %dma_wait3A_193] : memref<2x10000x128xf32, #tpu.memory_space<hbm>> -> memref<1x80x128xf32, #tpu.memory_space<hbm>>
      %dma_wait3A_195 = tpu.memref_squeeze %dma_wait3A_194 : memref<1x80x128xf32, #tpu.memory_space<hbm>> -> memref<80x128xf32, #tpu.memory_space<hbm>>
      tpu.wait_dma2 semaphore(%run_scoped3A : memref<!tpu.dma_semaphore, #tpu.memory_space<semaphore_mem>>) src(%arg8 : memref<80x128xf32, #tpu.memory_space<vmem>>) dst(%dma_wait3A_195 : memref<80x128xf32, #tpu.memory_space<hbm>>)
      tpu.yield
    }) : () -> ()
    %add3A_168 = arith.constant 320 : i32
    %add3A_169 = arith.addi %multiple_of3A, %add3A_168 : i32
    "tpu.region"() ({
      %run_scoped3A = tpu.sem_alloc : memref<!tpu.dma_semaphore, #tpu.memory_space<semaphore_mem>>
      %dma_start3A_184 = arith.constant 0 : i32
      %dma_start3A_185 = tpu.memref_slice %arg17[%add3A_169, %dma_start3A_184] : memref<10000x128xf32, #tpu.memory_space<vmem_shared>> -> memref<80x128xf32, #tpu.memory_space<vmem_shared>>
      %dma_start3A_186 = arith.constant 0 : i32
      %dma_start3A_187 = tpu.memref_slice %arg17[%add3A_169, %dma_start3A_186] : memref<10000x128xf32, #tpu.memory_space<vmem_shared>> -> memref<80x128xf32, #tpu.memory_space<vmem_shared>>
      tpu.enqueue_dma source(%dma_start3A_187 : memref<80x128xf32, #tpu.memory_space<vmem_shared>>) target(%arg8 : memref<80x128xf32, #tpu.memory_space<vmem>>) target_semaphore(%run_scoped3A : memref<!tpu.dma_semaphore, #tpu.memory_space<semaphore_mem>>)
      %dma_wait3A_188 = arith.constant 0 : i32
      %dma_wait3A_189 = tpu.memref_slice %arg17[%add3A_169, %dma_wait3A_188] : memref<10000x128xf32, #tpu.memory_space<vmem_shared>> -> memref<80x128xf32, #tpu.memory_space<vmem_shared>>
      %dma_wait3A_190 = arith.constant 0 : i32
      %dma_wait3A_191 = tpu.memref_slice %arg17[%add3A_169, %dma_wait3A_190] : memref<10000x128xf32, #tpu.memory_space<vmem_shared>> -> memref<80x128xf32, #tpu.memory_space<vmem_shared>>
      tpu.wait_dma2 semaphore(%run_scoped3A : memref<!tpu.dma_semaphore, #tpu.memory_space<semaphore_mem>>) src(%dma_wait3A_191 : memref<80x128xf32, #tpu.memory_space<vmem_shared>>) dst(%arg8 : memref<80x128xf32, #tpu.memory_space<vmem>>)
      tpu.yield
    }) : () -> ()
    %add3A_170 = arith.constant 320 : i32
    %add3A_171 = arith.addi %multiple_of3A, %add3A_170 : i32
    "tpu.region"() ({
      %run_scoped3A = tpu.sem_alloc : memref<!tpu.dma_semaphore, #tpu.memory_space<semaphore_mem>>
      %dma_start3A_184 = arith.constant 0 : i32
      %dma_start3A_185 = tpu.memref_slice %arg5[%arg0, %add3A_171, %dma_start3A_184] : memref<2x10000x128xf32, #tpu.memory_space<hbm>> -> memref<1x80x128xf32, #tpu.memory_space<hbm>>
      %dma_start3A_186 = tpu.memref_squeeze %dma_start3A_185 : memref<1x80x128xf32, #tpu.memory_space<hbm>> -> memref<80x128xf32, #tpu.memory_space<hbm>>
      %dma_start3A_187 = arith.constant 0 : i32
      %dma_start3A_188 = tpu.memref_slice %arg5[%arg0, %add3A_171, %dma_start3A_187] : memref<2x10000x128xf32, #tpu.memory_space<hbm>> -> memref<1x80x128xf32, #tpu.memory_space<hbm>>
      %dma_start3A_189 = tpu.memref_squeeze %dma_start3A_188 : memref<1x80x128xf32, #tpu.memory_space<hbm>> -> memref<80x128xf32, #tpu.memory_space<hbm>>
      tpu.enqueue_dma source(%arg8 : memref<80x128xf32, #tpu.memory_space<vmem>>) target(%dma_start3A_189 : memref<80x128xf32, #tpu.memory_space<hbm>>) target_semaphore(%run_scoped3A : memref<!tpu.dma_semaphore, #tpu.memory_space<semaphore_mem>>)
      %dma_wait3A_190 = arith.constant 0 : i32
      %dma_wait3A_191 = tpu.memref_slice %arg5[%arg0, %add3A_171, %dma_wait3A_190] : memref<2x10000x128xf32, #tpu.memory_space<hbm>> -> memref<1x80x128xf32, #tpu.memory_space<hbm>>
      %dma_wait3A_192 = tpu.memref_squeeze %dma_wait3A_191 : memref<1x80x128xf32, #tpu.memory_space<hbm>> -> memref<80x128xf32, #tpu.memory_space<hbm>>
      %dma_wait3A_193 = arith.constant 0 : i32
      %dma_wait3A_194 = tpu.memref_slice %arg5[%arg0, %add3A_171, %dma_wait3A_193] : memref<2x10000x128xf32, #tpu.memory_space<hbm>> -> memref<1x80x128xf32, #tpu.memory_space<hbm>>
      %dma_wait3A_195 = tpu.memref_squeeze %dma_wait3A_194 : memref<1x80x128xf32, #tpu.memory_space<hbm>> -> memref<80x128xf32, #tpu.memory_space<hbm>>
      tpu.wait_dma2 semaphore(%run_scoped3A : memref<!tpu.dma_semaphore, #tpu.memory_space<semaphore_mem>>) src(%arg8 : memref<80x128xf32, #tpu.memory_space<vmem>>) dst(%dma_wait3A_195 : memref<80x128xf32, #tpu.memory_space<hbm>>)
      tpu.yield
    }) : () -> ()
    %add3A_172 = arith.constant 400 : i32
    %add3A_173 = arith.addi %multiple_of3A, %add3A_172 : i32
    "tpu.region"() ({
      %run_scoped3A = tpu.sem_alloc : memref<!tpu.dma_semaphore, #tpu.memory_space<semaphore_mem>>
      %dma_start3A_184 = arith.constant 0 : i32
      %dma_start3A_185 = tpu.memref_slice %arg17[%add3A_173, %dma_start3A_184] : memref<10000x128xf32, #tpu.memory_space<vmem_shared>> -> memref<80x128xf32, #tpu.memory_space<vmem_shared>>
      %dma_start3A_186 = arith.constant 0 : i32
      %dma_start3A_187 = tpu.memref_slice %arg17[%add3A_173, %dma_start3A_186] : memref<10000x128xf32, #tpu.memory_space<vmem_shared>> -> memref<80x128xf32, #tpu.memory_space<vmem_shared>>
      tpu.enqueue_dma source(%dma_start3A_187 : memref<80x128xf32, #tpu.memory_space<vmem_shared>>) target(%arg8 : memref<80x128xf32, #tpu.memory_space<vmem>>) target_semaphore(%run_scoped3A : memref<!tpu.dma_semaphore, #tpu.memory_space<semaphore_mem>>)
      %dma_wait3A_188 = arith.constant 0 : i32
      %dma_wait3A_189 = tpu.memref_slice %arg17[%add3A_173, %dma_wait3A_188] : memref<10000x128xf32, #tpu.memory_space<vmem_shared>> -> memref<80x128xf32, #tpu.memory_space<vmem_shared>>
      %dma_wait3A_190 = arith.constant 0 : i32
      %dma_wait3A_191 = tpu.memref_slice %arg17[%add3A_173, %dma_wait3A_190] : memref<10000x128xf32, #tpu.memory_space<vmem_shared>> -> memref<80x128xf32, #tpu.memory_space<vmem_shared>>
      tpu.wait_dma2 semaphore(%run_scoped3A : memref<!tpu.dma_semaphore, #tpu.memory_space<semaphore_mem>>) src(%dma_wait3A_191 : memref<80x128xf32, #tpu.memory_space<vmem_shared>>) dst(%arg8 : memref<80x128xf32, #tpu.memory_space<vmem>>)
      tpu.yield
    }) : () -> ()
    %add3A_174 = arith.constant 400 : i32
    %add3A_175 = arith.addi %multiple_of3A, %add3A_174 : i32
    "tpu.region"() ({
      %run_scoped3A = tpu.sem_alloc : memref<!tpu.dma_semaphore, #tpu.memory_space<semaphore_mem>>
      %dma_start3A_184 = arith.constant 0 : i32
      %dma_start3A_185 = tpu.memref_slice %arg5[%arg0, %add3A_175, %dma_start3A_184] : memref<2x10000x128xf32, #tpu.memory_space<hbm>> -> memref<1x80x128xf32, #tpu.memory_space<hbm>>
      %dma_start3A_186 = tpu.memref_squeeze %dma_start3A_185 : memref<1x80x128xf32, #tpu.memory_space<hbm>> -> memref<80x128xf32, #tpu.memory_space<hbm>>
      %dma_start3A_187 = arith.constant 0 : i32
      %dma_start3A_188 = tpu.memref_slice %arg5[%arg0, %add3A_175, %dma_start3A_187] : memref<2x10000x128xf32, #tpu.memory_space<hbm>> -> memref<1x80x128xf32, #tpu.memory_space<hbm>>
      %dma_start3A_189 = tpu.memref_squeeze %dma_start3A_188 : memref<1x80x128xf32, #tpu.memory_space<hbm>> -> memref<80x128xf32, #tpu.memory_space<hbm>>
      tpu.enqueue_dma source(%arg8 : memref<80x128xf32, #tpu.memory_space<vmem>>) target(%dma_start3A_189 : memref<80x128xf32, #tpu.memory_space<hbm>>) target_semaphore(%run_scoped3A : memref<!tpu.dma_semaphore, #tpu.memory_space<semaphore_mem>>)
      %dma_wait3A_190 = arith.constant 0 : i32
      %dma_wait3A_191 = tpu.memref_slice %arg5[%arg0, %add3A_175, %dma_wait3A_190] : memref<2x10000x128xf32, #tpu.memory_space<hbm>> -> memref<1x80x128xf32, #tpu.memory_space<hbm>>
      %dma_wait3A_192 = tpu.memref_squeeze %dma_wait3A_191 : memref<1x80x128xf32, #tpu.memory_space<hbm>> -> memref<80x128xf32, #tpu.memory_space<hbm>>
      %dma_wait3A_193 = arith.constant 0 : i32
      %dma_wait3A_194 = tpu.memref_slice %arg5[%arg0, %add3A_175, %dma_wait3A_193] : memref<2x10000x128xf32, #tpu.memory_space<hbm>> -> memref<1x80x128xf32, #tpu.memory_space<hbm>>
      %dma_wait3A_195 = tpu.memref_squeeze %dma_wait3A_194 : memref<1x80x128xf32, #tpu.memory_space<hbm>> -> memref<80x128xf32, #tpu.memory_space<hbm>>
      tpu.wait_dma2 semaphore(%run_scoped3A : memref<!tpu.dma_semaphore, #tpu.memory_space<semaphore_mem>>) src(%arg8 : memref<80x128xf32, #tpu.memory_space<vmem>>) dst(%dma_wait3A_195 : memref<80x128xf32, #tpu.memory_space<hbm>>)
      tpu.yield
    }) : () -> ()
    %add3A_176 = arith.constant 480 : i32
    %add3A_177 = arith.addi %multiple_of3A, %add3A_176 : i32
    "tpu.region"() ({
      %run_scoped3A = tpu.sem_alloc : memref<!tpu.dma_semaphore, #tpu.memory_space<semaphore_mem>>
      %dma_start3A_184 = arith.constant 0 : i32
      %dma_start3A_185 = tpu.memref_slice %arg17[%add3A_177, %dma_start3A_184] : memref<10000x128xf32, #tpu.memory_space<vmem_shared>> -> memref<80x128xf32, #tpu.memory_space<vmem_shared>>
      %dma_start3A_186 = arith.constant 0 : i32
      %dma_start3A_187 = tpu.memref_slice %arg17[%add3A_177, %dma_start3A_186] : memref<10000x128xf32, #tpu.memory_space<vmem_shared>> -> memref<80x128xf32, #tpu.memory_space<vmem_shared>>
      tpu.enqueue_dma source(%dma_start3A_187 : memref<80x128xf32, #tpu.memory_space<vmem_shared>>) target(%arg8 : memref<80x128xf32, #tpu.memory_space<vmem>>) target_semaphore(%run_scoped3A : memref<!tpu.dma_semaphore, #tpu.memory_space<semaphore_mem>>)
      %dma_wait3A_188 = arith.constant 0 : i32
      %dma_wait3A_189 = tpu.memref_slice %arg17[%add3A_177, %dma_wait3A_188] : memref<10000x128xf32, #tpu.memory_space<vmem_shared>> -> memref<80x128xf32, #tpu.memory_space<vmem_shared>>
      %dma_wait3A_190 = arith.constant 0 : i32
      %dma_wait3A_191 = tpu.memref_slice %arg17[%add3A_177, %dma_wait3A_190] : memref<10000x128xf32, #tpu.memory_space<vmem_shared>> -> memref<80x128xf32, #tpu.memory_space<vmem_shared>>
      tpu.wait_dma2 semaphore(%run_scoped3A : memref<!tpu.dma_semaphore, #tpu.memory_space<semaphore_mem>>) src(%dma_wait3A_191 : memref<80x128xf32, #tpu.memory_space<vmem_shared>>) dst(%arg8 : memref<80x128xf32, #tpu.memory_space<vmem>>)
      tpu.yield
    }) : () -> ()
    %add3A_178 = arith.constant 480 : i32
    %add3A_179 = arith.addi %multiple_of3A, %add3A_178 : i32
    "tpu.region"() ({
      %run_scoped3A = tpu.sem_alloc : memref<!tpu.dma_semaphore, #tpu.memory_space<semaphore_mem>>
      %dma_start3A_184 = arith.constant 0 : i32
      %dma_start3A_185 = tpu.memref_slice %arg5[%arg0, %add3A_179, %dma_start3A_184] : memref<2x10000x128xf32, #tpu.memory_space<hbm>> -> memref<1x80x128xf32, #tpu.memory_space<hbm>>
      %dma_start3A_186 = tpu.memref_squeeze %dma_start3A_185 : memref<1x80x128xf32, #tpu.memory_space<hbm>> -> memref<80x128xf32, #tpu.memory_space<hbm>>
      %dma_start3A_187 = arith.constant 0 : i32
      %dma_start3A_188 = tpu.memref_slice %arg5[%arg0, %add3A_179, %dma_start3A_187] : memref<2x10000x128xf32, #tpu.memory_space<hbm>> -> memref<1x80x128xf32, #tpu.memory_space<hbm>>
      %dma_start3A_189 = tpu.memref_squeeze %dma_start3A_188 : memref<1x80x128xf32, #tpu.memory_space<hbm>> -> memref<80x128xf32, #tpu.memory_space<hbm>>
      tpu.enqueue_dma source(%arg8 : memref<80x128xf32, #tpu.memory_space<vmem>>) target(%dma_start3A_189 : memref<80x128xf32, #tpu.memory_space<hbm>>) target_semaphore(%run_scoped3A : memref<!tpu.dma_semaphore, #tpu.memory_space<semaphore_mem>>)
      %dma_wait3A_190 = arith.constant 0 : i32
      %dma_wait3A_191 = tpu.memref_slice %arg5[%arg0, %add3A_179, %dma_wait3A_190] : memref<2x10000x128xf32, #tpu.memory_space<hbm>> -> memref<1x80x128xf32, #tpu.memory_space<hbm>>
      %dma_wait3A_192 = tpu.memref_squeeze %dma_wait3A_191 : memref<1x80x128xf32, #tpu.memory_space<hbm>> -> memref<80x128xf32, #tpu.memory_space<hbm>>
      %dma_wait3A_193 = arith.constant 0 : i32
      %dma_wait3A_194 = tpu.memref_slice %arg5[%arg0, %add3A_179, %dma_wait3A_193] : memref<2x10000x128xf32, #tpu.memory_space<hbm>> -> memref<1x80x128xf32, #tpu.memory_space<hbm>>
      %dma_wait3A_195 = tpu.memref_squeeze %dma_wait3A_194 : memref<1x80x128xf32, #tpu.memory_space<hbm>> -> memref<80x128xf32, #tpu.memory_space<hbm>>
      tpu.wait_dma2 semaphore(%run_scoped3A : memref<!tpu.dma_semaphore, #tpu.memory_space<semaphore_mem>>) src(%arg8 : memref<80x128xf32, #tpu.memory_space<vmem>>) dst(%dma_wait3A_195 : memref<80x128xf32, #tpu.memory_space<hbm>>)
      tpu.yield
    }) : () -> ()
    %add3A_180 = arith.constant 560 : i32
    %add3A_181 = arith.addi %multiple_of3A, %add3A_180 : i32
    "tpu.region"() ({
      %run_scoped3A = tpu.sem_alloc : memref<!tpu.dma_semaphore, #tpu.memory_space<semaphore_mem>>
      %dma_start3A_184 = arith.constant 0 : i32
      %dma_start3A_185 = tpu.memref_slice %arg17[%add3A_181, %dma_start3A_184] : memref<10000x128xf32, #tpu.memory_space<vmem_shared>> -> memref<80x128xf32, #tpu.memory_space<vmem_shared>>
      %dma_start3A_186 = arith.constant 0 : i32
      %dma_start3A_187 = tpu.memref_slice %arg17[%add3A_181, %dma_start3A_186] : memref<10000x128xf32, #tpu.memory_space<vmem_shared>> -> memref<80x128xf32, #tpu.memory_space<vmem_shared>>
      tpu.enqueue_dma source(%dma_start3A_187 : memref<80x128xf32, #tpu.memory_space<vmem_shared>>) target(%arg8 : memref<80x128xf32, #tpu.memory_space<vmem>>) target_semaphore(%run_scoped3A : memref<!tpu.dma_semaphore, #tpu.memory_space<semaphore_mem>>)
      %dma_wait3A_188 = arith.constant 0 : i32
      %dma_wait3A_189 = tpu.memref_slice %arg17[%add3A_181, %dma_wait3A_188] : memref<10000x128xf32, #tpu.memory_space<vmem_shared>> -> memref<80x128xf32, #tpu.memory_space<vmem_shared>>
      %dma_wait3A_190 = arith.constant 0 : i32
      %dma_wait3A_191 = tpu.memref_slice %arg17[%add3A_181, %dma_wait3A_190] : memref<10000x128xf32, #tpu.memory_space<vmem_shared>> -> memref<80x128xf32, #tpu.memory_space<vmem_shared>>
      tpu.wait_dma2 semaphore(%run_scoped3A : memref<!tpu.dma_semaphore, #tpu.memory_space<semaphore_mem>>) src(%dma_wait3A_191 : memref<80x128xf32, #tpu.memory_space<vmem_shared>>) dst(%arg8 : memref<80x128xf32, #tpu.memory_space<vmem>>)
      tpu.yield
    }) : () -> ()
    %add3A_182 = arith.constant 560 : i32
    %add3A_183 = arith.addi %multiple_of3A, %add3A_182 : i32
    "tpu.region"() ({
      %run_scoped3A = tpu.sem_alloc : memref<!tpu.dma_semaphore, #tpu.memory_space<semaphore_mem>>
      %dma_start3A_184 = arith.constant 0 : i32
      %dma_start3A_185 = tpu.memref_slice %arg5[%arg0, %add3A_183, %dma_start3A_184] : memref<2x10000x128xf32, #tpu.memory_space<hbm>> -> memref<1x80x128xf32, #tpu.memory_space<hbm>>
      %dma_start3A_186 = tpu.memref_squeeze %dma_start3A_185 : memref<1x80x128xf32, #tpu.memory_space<hbm>> -> memref<80x128xf32, #tpu.memory_space<hbm>>
      %dma_start3A_187 = arith.constant 0 : i32
      %dma_start3A_188 = tpu.memref_slice %arg5[%arg0, %add3A_183, %dma_start3A_187] : memref<2x10000x128xf32, #tpu.memory_space<hbm>> -> memref<1x80x128xf32, #tpu.memory_space<hbm>>
      %dma_start3A_189 = tpu.memref_squeeze %dma_start3A_188 : memref<1x80x128xf32, #tpu.memory_space<hbm>> -> memref<80x128xf32, #tpu.memory_space<hbm>>
      tpu.enqueue_dma source(%arg8 : memref<80x128xf32, #tpu.memory_space<vmem>>) target(%dma_start3A_189 : memref<80x128xf32, #tpu.memory_space<hbm>>) target_semaphore(%run_scoped3A : memref<!tpu.dma_semaphore, #tpu.memory_space<semaphore_mem>>)
      %dma_wait3A_190 = arith.constant 0 : i32
      %dma_wait3A_191 = tpu.memref_slice %arg5[%arg0, %add3A_183, %dma_wait3A_190] : memref<2x10000x128xf32, #tpu.memory_space<hbm>> -> memref<1x80x128xf32, #tpu.memory_space<hbm>>
      %dma_wait3A_192 = tpu.memref_squeeze %dma_wait3A_191 : memref<1x80x128xf32, #tpu.memory_space<hbm>> -> memref<80x128xf32, #tpu.memory_space<hbm>>
      %dma_wait3A_193 = arith.constant 0 : i32
      %dma_wait3A_194 = tpu.memref_slice %arg5[%arg0, %add3A_183, %dma_wait3A_193] : memref<2x10000x128xf32, #tpu.memory_space<hbm>> -> memref<1x80x128xf32, #tpu.memory_space<hbm>>
      %dma_wait3A_195 = tpu.memref_squeeze %dma_wait3A_194 : memref<1x80x128xf32, #tpu.memory_space<hbm>> -> memref<80x128xf32, #tpu.memory_space<hbm>>
      tpu.wait_dma2 semaphore(%run_scoped3A : memref<!tpu.dma_semaphore, #tpu.memory_space<semaphore_mem>>) src(%arg8 : memref<80x128xf32, #tpu.memory_space<vmem>>) dst(%dma_wait3A_195 : memref<80x128xf32, #tpu.memory_space<hbm>>)
      tpu.yield
    }) : () -> ()
    return
  }
}

#map = affine_map<(d0, d1) -> (0)>
module attributes {stable_mosaic.version = 14 : i64} {
  func.func @_deg_kernel(%arg0: i32, %arg1: i32, %arg2: memref<320000xi32, #tpu.memory_space<hbm>>, %arg3: memref<320000xi32, #tpu.memory_space<hbm>>, %arg4: memref<40000xf32, #tpu.memory_space<hbm>>, %arg5: memref<10000xi32, #tpu.memory_space<vmem>>, %arg6: memref<10000xi32, #tpu.memory_space<vmem>>, %arg7: memref<80xf32, #tpu.memory_space<vmem>>, %arg8: memref<640xf32, #tpu.memory_space<vmem>>, %arg9: memref<10000xf32, #tpu.memory_space<vmem_shared>>, %arg10: memref<10000xf32, #tpu.memory_space<vmem_shared>>, %arg11: memref<!tpu.dma_semaphore, #tpu.memory_space<semaphore_mem>>, %arg12: memref<!tpu.dma_semaphore, #tpu.memory_space<semaphore_mem>>) attributes {dimension_semantics = [#tpu.dimension_semantics<core_parallel>, #tpu.dimension_semantics<subcore_parallel>], iteration_bounds = array<i64: 2, 16>, scalar_prefetch = 0 : i64, scratch_operands = 8 : i64, tpu.core_type = #tpu.core_type<sc_vector_subcore>, window_params = [{transform_indices = #map}, {transform_indices = #map}, {transform_indices = #map}]} {
    %mul3A = arith.constant 2 : i32
    %mul3A_0 = arith.muli %arg1, %mul3A : i32
    %add3A = arith.addi %mul3A_0, %arg0 : i32
    %mul3A_1 = arith.constant 624 : i32
    %mul3A_2 = arith.muli %arg1, %mul3A_1 : i32
    %multiple_of3A = tpu.assume_multiple %mul3A_2, 8 : i32
    %mul3A_3 = arith.constant 10000 : i32
    %mul3A_4 = arith.muli %add3A, %mul3A_3 : i32
    %multiple_of3A_5 = tpu.assume_multiple %mul3A_4, 8 : i32
    "tpu.region"() ({
      %run_scoped3A = tpu.sem_alloc : memref<!tpu.dma_semaphore, #tpu.memory_space<semaphore_mem>>
      %dma_start3A = tpu.memref_slice %arg2[%multiple_of3A_5] : memref<320000xi32, #tpu.memory_space<hbm>> -> memref<10000xi32, #tpu.memory_space<hbm>>
      %dma_start3A_292 = tpu.memref_slice %arg2[%multiple_of3A_5] : memref<320000xi32, #tpu.memory_space<hbm>> -> memref<10000xi32, #tpu.memory_space<hbm>>
      tpu.enqueue_dma source(%dma_start3A_292 : memref<10000xi32, #tpu.memory_space<hbm>>) target(%arg5 : memref<10000xi32, #tpu.memory_space<vmem>>) target_semaphore(%run_scoped3A : memref<!tpu.dma_semaphore, #tpu.memory_space<semaphore_mem>>)
      %dma_wait3A = tpu.memref_slice %arg2[%multiple_of3A_5] : memref<320000xi32, #tpu.memory_space<hbm>> -> memref<10000xi32, #tpu.memory_space<hbm>>
      %dma_wait3A_293 = tpu.memref_slice %arg2[%multiple_of3A_5] : memref<320000xi32, #tpu.memory_space<hbm>> -> memref<10000xi32, #tpu.memory_space<hbm>>
      tpu.wait_dma2 semaphore(%run_scoped3A : memref<!tpu.dma_semaphore, #tpu.memory_space<semaphore_mem>>) src(%dma_wait3A_293 : memref<10000xi32, #tpu.memory_space<hbm>>) dst(%arg5 : memref<10000xi32, #tpu.memory_space<vmem>>)
      tpu.yield
    }) : () -> ()
    "tpu.region"() ({
      %run_scoped3A = tpu.sem_alloc : memref<!tpu.dma_semaphore, #tpu.memory_space<semaphore_mem>>
      %dma_start3A = tpu.memref_slice %arg3[%multiple_of3A_5] : memref<320000xi32, #tpu.memory_space<hbm>> -> memref<10000xi32, #tpu.memory_space<hbm>>
      %dma_start3A_292 = tpu.memref_slice %arg3[%multiple_of3A_5] : memref<320000xi32, #tpu.memory_space<hbm>> -> memref<10000xi32, #tpu.memory_space<hbm>>
      tpu.enqueue_dma source(%dma_start3A_292 : memref<10000xi32, #tpu.memory_space<hbm>>) target(%arg6 : memref<10000xi32, #tpu.memory_space<vmem>>) target_semaphore(%run_scoped3A : memref<!tpu.dma_semaphore, #tpu.memory_space<semaphore_mem>>)
      %dma_wait3A = tpu.memref_slice %arg3[%multiple_of3A_5] : memref<320000xi32, #tpu.memory_space<hbm>> -> memref<10000xi32, #tpu.memory_space<hbm>>
      %dma_wait3A_293 = tpu.memref_slice %arg3[%multiple_of3A_5] : memref<320000xi32, #tpu.memory_space<hbm>> -> memref<10000xi32, #tpu.memory_space<hbm>>
      tpu.wait_dma2 semaphore(%run_scoped3A : memref<!tpu.dma_semaphore, #tpu.memory_space<semaphore_mem>>) src(%dma_wait3A_293 : memref<10000xi32, #tpu.memory_space<hbm>>) dst(%arg6 : memref<10000xi32, #tpu.memory_space<vmem>>)
      tpu.yield
    }) : () -> ()
    %broadcast_in_dim3A = arith.constant 1.000000e+00 : f32
    %broadcast_in_dim3A_6 = vector.broadcast %broadcast_in_dim3A : f32 to vector<16xf32>
    %swap3A = arith.constant 0 : index
    %swap3A_7 = tpu.vector_load %arg7[%swap3A] {strides = array<i32>} : memref<80xf32, #tpu.memory_space<vmem>>, vector<16xf32>,
    %swap3A_8 = vector.shape_cast %swap3A_7 : vector<16xf32> to vector<16xf32>
    %swap3A_9 = vector.shape_cast %broadcast_in_dim3A_6 : vector<16xf32> to vector<16xf32>
    tpu.vector_store %arg7[%swap3A], %swap3A_9 {strides = array<i32>} : memref<80xf32, #tpu.memory_space<vmem>>, vector<16xf32>,
    %broadcast_in_dim3A_10 = arith.constant 1.000000e+00 : f32
    %broadcast_in_dim3A_11 = vector.broadcast %broadcast_in_dim3A_10 : f32 to vector<16xf32>
    %swap3A_12 = arith.constant 16 : index
    %swap3A_13 = tpu.vector_load %arg7[%swap3A_12] {strides = array<i32>} : memref<80xf32, #tpu.memory_space<vmem>>, vector<16xf32>,
    %swap3A_14 = vector.shape_cast %swap3A_13 : vector<16xf32> to vector<16xf32>
    %swap3A_15 = vector.shape_cast %broadcast_in_dim3A_11 : vector<16xf32> to vector<16xf32>
    tpu.vector_store %arg7[%swap3A_12], %swap3A_15 {strides = array<i32>} : memref<80xf32, #tpu.memory_space<vmem>>, vector<16xf32>,
    %broadcast_in_dim3A_16 = arith.constant 1.000000e+00 : f32
    %broadcast_in_dim3A_17 = vector.broadcast %broadcast_in_dim3A_16 : f32 to vector<16xf32>
    %swap3A_18 = arith.constant 32 : index
    %swap3A_19 = tpu.vector_load %arg7[%swap3A_18] {strides = array<i32>} : memref<80xf32, #tpu.memory_space<vmem>>, vector<16xf32>,
    %swap3A_20 = vector.shape_cast %swap3A_19 : vector<16xf32> to vector<16xf32>
    %swap3A_21 = vector.shape_cast %broadcast_in_dim3A_17 : vector<16xf32> to vector<16xf32>
    tpu.vector_store %arg7[%swap3A_18], %swap3A_21 {strides = array<i32>} : memref<80xf32, #tpu.memory_space<vmem>>, vector<16xf32>,
    %broadcast_in_dim3A_22 = arith.constant 1.000000e+00 : f32
    %broadcast_in_dim3A_23 = vector.broadcast %broadcast_in_dim3A_22 : f32 to vector<16xf32>
    %swap3A_24 = arith.constant 48 : index
    %swap3A_25 = tpu.vector_load %arg7[%swap3A_24] {strides = array<i32>} : memref<80xf32, #tpu.memory_space<vmem>>, vector<16xf32>,
    %swap3A_26 = vector.shape_cast %swap3A_25 : vector<16xf32> to vector<16xf32>
    %swap3A_27 = vector.shape_cast %broadcast_in_dim3A_23 : vector<16xf32> to vector<16xf32>
    tpu.vector_store %arg7[%swap3A_24], %swap3A_27 {strides = array<i32>} : memref<80xf32, #tpu.memory_space<vmem>>, vector<16xf32>,
    %broadcast_in_dim3A_28 = arith.constant 1.000000e+00 : f32
    %broadcast_in_dim3A_29 = vector.broadcast %broadcast_in_dim3A_28 : f32 to vector<16xf32>
    %swap3A_30 = arith.constant 64 : index
    %swap3A_31 = tpu.vector_load %arg7[%swap3A_30] {strides = array<i32>} : memref<80xf32, #tpu.memory_space<vmem>>, vector<16xf32>,
    %swap3A_32 = vector.shape_cast %swap3A_31 : vector<16xf32> to vector<16xf32>
    %swap3A_33 = vector.shape_cast %broadcast_in_dim3A_29 : vector<16xf32> to vector<16xf32>
    tpu.vector_store %arg7[%swap3A_30], %swap3A_33 {strides = array<i32>} : memref<80xf32, #tpu.memory_space<vmem>>, vector<16xf32>,
    %broadcast_in_dim3A_34 = arith.constant 0.000000e+00 : f32
    %broadcast_in_dim3A_35 = vector.broadcast %broadcast_in_dim3A_34 : f32 to vector<16xf32>
    %swap3A_36 = arith.constant 0 : index
    %swap3A_37 = tpu.vector_load %arg8[%swap3A_36] {strides = array<i32>} : memref<640xf32, #tpu.memory_space<vmem>>, vector<16xf32>,
    %swap3A_38 = vector.shape_cast %swap3A_37 : vector<16xf32> to vector<16xf32>
    %swap3A_39 = vector.shape_cast %broadcast_in_dim3A_35 : vector<16xf32> to vector<16xf32>
    tpu.vector_store %arg8[%swap3A_36], %swap3A_39 {strides = array<i32>} : memref<640xf32, #tpu.memory_space<vmem>>, vector<16xf32>,
    %broadcast_in_dim3A_40 = arith.constant 0.000000e+00 : f32
    %broadcast_in_dim3A_41 = vector.broadcast %broadcast_in_dim3A_40 : f32 to vector<16xf32>
    %swap3A_42 = arith.constant 16 : index
    %swap3A_43 = tpu.vector_load %arg8[%swap3A_42] {strides = array<i32>} : memref<640xf32, #tpu.memory_space<vmem>>, vector<16xf32>,
    %swap3A_44 = vector.shape_cast %swap3A_43 : vector<16xf32> to vector<16xf32>
    %swap3A_45 = vector.shape_cast %broadcast_in_dim3A_41 : vector<16xf32> to vector<16xf32>
    tpu.vector_store %arg8[%swap3A_42], %swap3A_45 {strides = array<i32>} : memref<640xf32, #tpu.memory_space<vmem>>, vector<16xf32>,
    %broadcast_in_dim3A_46 = arith.constant 0.000000e+00 : f32
    %broadcast_in_dim3A_47 = vector.broadcast %broadcast_in_dim3A_46 : f32 to vector<16xf32>
    %swap3A_48 = arith.constant 32 : index
    %swap3A_49 = tpu.vector_load %arg8[%swap3A_48] {strides = array<i32>} : memref<640xf32, #tpu.memory_space<vmem>>, vector<16xf32>,
    %swap3A_50 = vector.shape_cast %swap3A_49 : vector<16xf32> to vector<16xf32>
    %swap3A_51 = vector.shape_cast %broadcast_in_dim3A_47 : vector<16xf32> to vector<16xf32>
    tpu.vector_store %arg8[%swap3A_48], %swap3A_51 {strides = array<i32>} : memref<640xf32, #tpu.memory_space<vmem>>, vector<16xf32>,
    %broadcast_in_dim3A_52 = arith.constant 0.000000e+00 : f32
    %broadcast_in_dim3A_53 = vector.broadcast %broadcast_in_dim3A_52 : f32 to vector<16xf32>
    %swap3A_54 = arith.constant 48 : index
    %swap3A_55 = tpu.vector_load %arg8[%swap3A_54] {strides = array<i32>} : memref<640xf32, #tpu.memory_space<vmem>>, vector<16xf32>,
    %swap3A_56 = vector.shape_cast %swap3A_55 : vector<16xf32> to vector<16xf32>
    %swap3A_57 = vector.shape_cast %broadcast_in_dim3A_53 : vector<16xf32> to vector<16xf32>
    tpu.vector_store %arg8[%swap3A_54], %swap3A_57 {strides = array<i32>} : memref<640xf32, #tpu.memory_space<vmem>>, vector<16xf32>,
    %broadcast_in_dim3A_58 = arith.constant 0.000000e+00 : f32
    %broadcast_in_dim3A_59 = vector.broadcast %broadcast_in_dim3A_58 : f32 to vector<16xf32>
    %swap3A_60 = arith.constant 64 : index
    %swap3A_61 = tpu.vector_load %arg8[%swap3A_60] {strides = array<i32>} : memref<640xf32, #tpu.memory_space<vmem>>, vector<16xf32>,
    %swap3A_62 = vector.shape_cast %swap3A_61 : vector<16xf32> to vector<16xf32>
    %swap3A_63 = vector.shape_cast %broadcast_in_dim3A_59 : vector<16xf32> to vector<16xf32>
    tpu.vector_store %arg8[%swap3A_60], %swap3A_63 {strides = array<i32>} : memref<640xf32, #tpu.memory_space<vmem>>, vector<16xf32>,
    %broadcast_in_dim3A_64 = arith.constant 0.000000e+00 : f32
    %broadcast_in_dim3A_65 = vector.broadcast %broadcast_in_dim3A_64 : f32 to vector<16xf32>
    %swap3A_66 = arith.constant 80 : index
    %swap3A_67 = tpu.vector_load %arg8[%swap3A_66] {strides = array<i32>} : memref<640xf32, #tpu.memory_space<vmem>>, vector<16xf32>,
    %swap3A_68 = vector.shape_cast %swap3A_67 : vector<16xf32> to vector<16xf32>
    %swap3A_69 = vector.shape_cast %broadcast_in_dim3A_65 : vector<16xf32> to vector<16xf32>
    tpu.vector_store %arg8[%swap3A_66], %swap3A_69 {strides = array<i32>} : memref<640xf32, #tpu.memory_space<vmem>>, vector<16xf32>,
    %broadcast_in_dim3A_70 = arith.constant 0.000000e+00 : f32
    %broadcast_in_dim3A_71 = vector.broadcast %broadcast_in_dim3A_70 : f32 to vector<16xf32>
    %swap3A_72 = arith.constant 96 : index
    %swap3A_73 = tpu.vector_load %arg8[%swap3A_72] {strides = array<i32>} : memref<640xf32, #tpu.memory_space<vmem>>, vector<16xf32>,
    %swap3A_74 = vector.shape_cast %swap3A_73 : vector<16xf32> to vector<16xf32>
    %swap3A_75 = vector.shape_cast %broadcast_in_dim3A_71 : vector<16xf32> to vector<16xf32>
    tpu.vector_store %arg8[%swap3A_72], %swap3A_75 {strides = array<i32>} : memref<640xf32, #tpu.memory_space<vmem>>, vector<16xf32>,
    %broadcast_in_dim3A_76 = arith.constant 0.000000e+00 : f32
    %broadcast_in_dim3A_77 = vector.broadcast %broadcast_in_dim3A_76 : f32 to vector<16xf32>
    %swap3A_78 = arith.constant 112 : index
    %swap3A_79 = tpu.vector_load %arg8[%swap3A_78] {strides = array<i32>} : memref<640xf32, #tpu.memory_space<vmem>>, vector<16xf32>,
    %swap3A_80 = vector.shape_cast %swap3A_79 : vector<16xf32> to vector<16xf32>
    %swap3A_81 = vector.shape_cast %broadcast_in_dim3A_77 : vector<16xf32> to vector<16xf32>
    tpu.vector_store %arg8[%swap3A_78], %swap3A_81 {strides = array<i32>} : memref<640xf32, #tpu.memory_space<vmem>>, vector<16xf32>,
    %broadcast_in_dim3A_82 = arith.constant 0.000000e+00 : f32
    %broadcast_in_dim3A_83 = vector.broadcast %broadcast_in_dim3A_82 : f32 to vector<16xf32>
    %swap3A_84 = arith.constant 128 : index
    %swap3A_85 = tpu.vector_load %arg8[%swap3A_84] {strides = array<i32>} : memref<640xf32, #tpu.memory_space<vmem>>, vector<16xf32>,
    %swap3A_86 = vector.shape_cast %swap3A_85 : vector<16xf32> to vector<16xf32>
    %swap3A_87 = vector.shape_cast %broadcast_in_dim3A_83 : vector<16xf32> to vector<16xf32>
    tpu.vector_store %arg8[%swap3A_84], %swap3A_87 {strides = array<i32>} : memref<640xf32, #tpu.memory_space<vmem>>, vector<16xf32>,
    %broadcast_in_dim3A_88 = arith.constant 0.000000e+00 : f32
    %broadcast_in_dim3A_89 = vector.broadcast %broadcast_in_dim3A_88 : f32 to vector<16xf32>
    %swap3A_90 = arith.constant 144 : index
    %swap3A_91 = tpu.vector_load %arg8[%swap3A_90] {strides = array<i32>} : memref<640xf32, #tpu.memory_space<vmem>>, vector<16xf32>,
    %swap3A_92 = vector.shape_cast %swap3A_91 : vector<16xf32> to vector<16xf32>
    %swap3A_93 = vector.shape_cast %broadcast_in_dim3A_89 : vector<16xf32> to vector<16xf32>
    tpu.vector_store %arg8[%swap3A_90], %swap3A_93 {strides = array<i32>} : memref<640xf32, #tpu.memory_space<vmem>>, vector<16xf32>,
    %broadcast_in_dim3A_94 = arith.constant 0.000000e+00 : f32
    %broadcast_in_dim3A_95 = vector.broadcast %broadcast_in_dim3A_94 : f32 to vector<16xf32>
    %swap3A_96 = arith.constant 160 : index
    %swap3A_97 = tpu.vector_load %arg8[%swap3A_96] {strides = array<i32>} : memref<640xf32, #tpu.memory_space<vmem>>, vector<16xf32>,
    %swap3A_98 = vector.shape_cast %swap3A_97 : vector<16xf32> to vector<16xf32>
    %swap3A_99 = vector.shape_cast %broadcast_in_dim3A_95 : vector<16xf32> to vector<16xf32>
    tpu.vector_store %arg8[%swap3A_96], %swap3A_99 {strides = array<i32>} : memref<640xf32, #tpu.memory_space<vmem>>, vector<16xf32>,
    %broadcast_in_dim3A_100 = arith.constant 0.000000e+00 : f32
    %broadcast_in_dim3A_101 = vector.broadcast %broadcast_in_dim3A_100 : f32 to vector<16xf32>
    %swap3A_102 = arith.constant 176 : index
    %swap3A_103 = tpu.vector_load %arg8[%swap3A_102] {strides = array<i32>} : memref<640xf32, #tpu.memory_space<vmem>>, vector<16xf32>,
    %swap3A_104 = vector.shape_cast %swap3A_103 : vector<16xf32> to vector<16xf32>
    %swap3A_105 = vector.shape_cast %broadcast_in_dim3A_101 : vector<16xf32> to vector<16xf32>
    tpu.vector_store %arg8[%swap3A_102], %swap3A_105 {strides = array<i32>} : memref<640xf32, #tpu.memory_space<vmem>>, vector<16xf32>,
    %broadcast_in_dim3A_106 = arith.constant 0.000000e+00 : f32
    %broadcast_in_dim3A_107 = vector.broadcast %broadcast_in_dim3A_106 : f32 to vector<16xf32>
    %swap3A_108 = arith.constant 192 : index
    %swap3A_109 = tpu.vector_load %arg8[%swap3A_108] {strides = array<i32>} : memref<640xf32, #tpu.memory_space<vmem>>, vector<16xf32>,
    %swap3A_110 = vector.shape_cast %swap3A_109 : vector<16xf32> to vector<16xf32>
    %swap3A_111 = vector.shape_cast %broadcast_in_dim3A_107 : vector<16xf32> to vector<16xf32>
    tpu.vector_store %arg8[%swap3A_108], %swap3A_111 {strides = array<i32>} : memref<640xf32, #tpu.memory_space<vmem>>, vector<16xf32>,
    %broadcast_in_dim3A_112 = arith.constant 0.000000e+00 : f32
    %broadcast_in_dim3A_113 = vector.broadcast %broadcast_in_dim3A_112 : f32 to vector<16xf32>
    %swap3A_114 = arith.constant 208 : index
    %swap3A_115 = tpu.vector_load %arg8[%swap3A_114] {strides = array<i32>} : memref<640xf32, #tpu.memory_space<vmem>>, vector<16xf32>,
    %swap3A_116 = vector.shape_cast %swap3A_115 : vector<16xf32> to vector<16xf32>
    %swap3A_117 = vector.shape_cast %broadcast_in_dim3A_113 : vector<16xf32> to vector<16xf32>
    tpu.vector_store %arg8[%swap3A_114], %swap3A_117 {strides = array<i32>} : memref<640xf32, #tpu.memory_space<vmem>>, vector<16xf32>,
    %broadcast_in_dim3A_118 = arith.constant 0.000000e+00 : f32
    %broadcast_in_dim3A_119 = vector.broadcast %broadcast_in_dim3A_118 : f32 to vector<16xf32>
    %swap3A_120 = arith.constant 224 : index
    %swap3A_121 = tpu.vector_load %arg8[%swap3A_120] {strides = array<i32>} : memref<640xf32, #tpu.memory_space<vmem>>, vector<16xf32>,
    %swap3A_122 = vector.shape_cast %swap3A_121 : vector<16xf32> to vector<16xf32>
    %swap3A_123 = vector.shape_cast %broadcast_in_dim3A_119 : vector<16xf32> to vector<16xf32>
    tpu.vector_store %arg8[%swap3A_120], %swap3A_123 {strides = array<i32>} : memref<640xf32, #tpu.memory_space<vmem>>, vector<16xf32>,
    %broadcast_in_dim3A_124 = arith.constant 0.000000e+00 : f32
    %broadcast_in_dim3A_125 = vector.broadcast %broadcast_in_dim3A_124 : f32 to vector<16xf32>
    %swap3A_126 = arith.constant 240 : index
    %swap3A_127 = tpu.vector_load %arg8[%swap3A_126] {strides = array<i32>} : memref<640xf32, #tpu.memory_space<vmem>>, vector<16xf32>,
    %swap3A_128 = vector.shape_cast %swap3A_127 : vector<16xf32> to vector<16xf32>
    %swap3A_129 = vector.shape_cast %broadcast_in_dim3A_125 : vector<16xf32> to vector<16xf32>
    tpu.vector_store %arg8[%swap3A_126], %swap3A_129 {strides = array<i32>} : memref<640xf32, #tpu.memory_space<vmem>>, vector<16xf32>,
    %broadcast_in_dim3A_130 = arith.constant 0.000000e+00 : f32
    %broadcast_in_dim3A_131 = vector.broadcast %broadcast_in_dim3A_130 : f32 to vector<16xf32>
    %swap3A_132 = arith.constant 256 : index
    %swap3A_133 = tpu.vector_load %arg8[%swap3A_132] {strides = array<i32>} : memref<640xf32, #tpu.memory_space<vmem>>, vector<16xf32>,
    %swap3A_134 = vector.shape_cast %swap3A_133 : vector<16xf32> to vector<16xf32>
    %swap3A_135 = vector.shape_cast %broadcast_in_dim3A_131 : vector<16xf32> to vector<16xf32>
    tpu.vector_store %arg8[%swap3A_132], %swap3A_135 {strides = array<i32>} : memref<640xf32, #tpu.memory_space<vmem>>, vector<16xf32>,
    %broadcast_in_dim3A_136 = arith.constant 0.000000e+00 : f32
    %broadcast_in_dim3A_137 = vector.broadcast %broadcast_in_dim3A_136 : f32 to vector<16xf32>
    %swap3A_138 = arith.constant 272 : index
    %swap3A_139 = tpu.vector_load %arg8[%swap3A_138] {strides = array<i32>} : memref<640xf32, #tpu.memory_space<vmem>>, vector<16xf32>,
    %swap3A_140 = vector.shape_cast %swap3A_139 : vector<16xf32> to vector<16xf32>
    %swap3A_141 = vector.shape_cast %broadcast_in_dim3A_137 : vector<16xf32> to vector<16xf32>
    tpu.vector_store %arg8[%swap3A_138], %swap3A_141 {strides = array<i32>} : memref<640xf32, #tpu.memory_space<vmem>>, vector<16xf32>,
    %broadcast_in_dim3A_142 = arith.constant 0.000000e+00 : f32
    %broadcast_in_dim3A_143 = vector.broadcast %broadcast_in_dim3A_142 : f32 to vector<16xf32>
    %swap3A_144 = arith.constant 288 : index
    %swap3A_145 = tpu.vector_load %arg8[%swap3A_144] {strides = array<i32>} : memref<640xf32, #tpu.memory_space<vmem>>, vector<16xf32>,
    %swap3A_146 = vector.shape_cast %swap3A_145 : vector<16xf32> to vector<16xf32>
    %swap3A_147 = vector.shape_cast %broadcast_in_dim3A_143 : vector<16xf32> to vector<16xf32>
    tpu.vector_store %arg8[%swap3A_144], %swap3A_147 {strides = array<i32>} : memref<640xf32, #tpu.memory_space<vmem>>, vector<16xf32>,
    %broadcast_in_dim3A_148 = arith.constant 0.000000e+00 : f32
    %broadcast_in_dim3A_149 = vector.broadcast %broadcast_in_dim3A_148 : f32 to vector<16xf32>
    %swap3A_150 = arith.constant 304 : index
    %swap3A_151 = tpu.vector_load %arg8[%swap3A_150] {strides = array<i32>} : memref<640xf32, #tpu.memory_space<vmem>>, vector<16xf32>,
    %swap3A_152 = vector.shape_cast %swap3A_151 : vector<16xf32> to vector<16xf32>
    %swap3A_153 = vector.shape_cast %broadcast_in_dim3A_149 : vector<16xf32> to vector<16xf32>
    tpu.vector_store %arg8[%swap3A_150], %swap3A_153 {strides = array<i32>} : memref<640xf32, #tpu.memory_space<vmem>>, vector<16xf32>,
    %broadcast_in_dim3A_154 = arith.constant 0.000000e+00 : f32
    %broadcast_in_dim3A_155 = vector.broadcast %broadcast_in_dim3A_154 : f32 to vector<16xf32>
    %swap3A_156 = arith.constant 320 : index
    %swap3A_157 = tpu.vector_load %arg8[%swap3A_156] {strides = array<i32>} : memref<640xf32, #tpu.memory_space<vmem>>, vector<16xf32>,
    %swap3A_158 = vector.shape_cast %swap3A_157 : vector<16xf32> to vector<16xf32>
    %swap3A_159 = vector.shape_cast %broadcast_in_dim3A_155 : vector<16xf32> to vector<16xf32>
    tpu.vector_store %arg8[%swap3A_156], %swap3A_159 {strides = array<i32>} : memref<640xf32, #tpu.memory_space<vmem>>, vector<16xf32>,
    %broadcast_in_dim3A_160 = arith.constant 0.000000e+00 : f32
    %broadcast_in_dim3A_161 = vector.broadcast %broadcast_in_dim3A_160 : f32 to vector<16xf32>
    %swap3A_162 = arith.constant 336 : index
    %swap3A_163 = tpu.vector_load %arg8[%swap3A_162] {strides = array<i32>} : memref<640xf32, #tpu.memory_space<vmem>>, vector<16xf32>,
    %swap3A_164 = vector.shape_cast %swap3A_163 : vector<16xf32> to vector<16xf32>
    %swap3A_165 = vector.shape_cast %broadcast_in_dim3A_161 : vector<16xf32> to vector<16xf32>
    tpu.vector_store %arg8[%swap3A_162], %swap3A_165 {strides = array<i32>} : memref<640xf32, #tpu.memory_space<vmem>>, vector<16xf32>,
    %broadcast_in_dim3A_166 = arith.constant 0.000000e+00 : f32
    %broadcast_in_dim3A_167 = vector.broadcast %broadcast_in_dim3A_166 : f32 to vector<16xf32>
    %swap3A_168 = arith.constant 352 : index
    %swap3A_169 = tpu.vector_load %arg8[%swap3A_168] {strides = array<i32>} : memref<640xf32, #tpu.memory_space<vmem>>, vector<16xf32>,
    %swap3A_170 = vector.shape_cast %swap3A_169 : vector<16xf32> to vector<16xf32>
    %swap3A_171 = vector.shape_cast %broadcast_in_dim3A_167 : vector<16xf32> to vector<16xf32>
    tpu.vector_store %arg8[%swap3A_168], %swap3A_171 {strides = array<i32>} : memref<640xf32, #tpu.memory_space<vmem>>, vector<16xf32>,
    %broadcast_in_dim3A_172 = arith.constant 0.000000e+00 : f32
    %broadcast_in_dim3A_173 = vector.broadcast %broadcast_in_dim3A_172 : f32 to vector<16xf32>
    %swap3A_174 = arith.constant 368 : index
    %swap3A_175 = tpu.vector_load %arg8[%swap3A_174] {strides = array<i32>} : memref<640xf32, #tpu.memory_space<vmem>>, vector<16xf32>,
    %swap3A_176 = vector.shape_cast %swap3A_175 : vector<16xf32> to vector<16xf32>
    %swap3A_177 = vector.shape_cast %broadcast_in_dim3A_173 : vector<16xf32> to vector<16xf32>
    tpu.vector_store %arg8[%swap3A_174], %swap3A_177 {strides = array<i32>} : memref<640xf32, #tpu.memory_space<vmem>>, vector<16xf32>,
    %broadcast_in_dim3A_178 = arith.constant 0.000000e+00 : f32
    %broadcast_in_dim3A_179 = vector.broadcast %broadcast_in_dim3A_178 : f32 to vector<16xf32>
    %swap3A_180 = arith.constant 384 : index
    %swap3A_181 = tpu.vector_load %arg8[%swap3A_180] {strides = array<i32>} : memref<640xf32, #tpu.memory_space<vmem>>, vector<16xf32>,
    %swap3A_182 = vector.shape_cast %swap3A_181 : vector<16xf32> to vector<16xf32>
    %swap3A_183 = vector.shape_cast %broadcast_in_dim3A_179 : vector<16xf32> to vector<16xf32>
    tpu.vector_store %arg8[%swap3A_180], %swap3A_183 {strides = array<i32>} : memref<640xf32, #tpu.memory_space<vmem>>, vector<16xf32>,
    %broadcast_in_dim3A_184 = arith.constant 0.000000e+00 : f32
    %broadcast_in_dim3A_185 = vector.broadcast %broadcast_in_dim3A_184 : f32 to vector<16xf32>
    %swap3A_186 = arith.constant 400 : index
    %swap3A_187 = tpu.vector_load %arg8[%swap3A_186] {strides = array<i32>} : memref<640xf32, #tpu.memory_space<vmem>>, vector<16xf32>,
    %swap3A_188 = vector.shape_cast %swap3A_187 : vector<16xf32> to vector<16xf32>
    %swap3A_189 = vector.shape_cast %broadcast_in_dim3A_185 : vector<16xf32> to vector<16xf32>
    tpu.vector_store %arg8[%swap3A_186], %swap3A_189 {strides = array<i32>} : memref<640xf32, #tpu.memory_space<vmem>>, vector<16xf32>,
    %broadcast_in_dim3A_190 = arith.constant 0.000000e+00 : f32
    %broadcast_in_dim3A_191 = vector.broadcast %broadcast_in_dim3A_190 : f32 to vector<16xf32>
    %swap3A_192 = arith.constant 416 : index
    %swap3A_193 = tpu.vector_load %arg8[%swap3A_192] {strides = array<i32>} : memref<640xf32, #tpu.memory_space<vmem>>, vector<16xf32>,
    %swap3A_194 = vector.shape_cast %swap3A_193 : vector<16xf32> to vector<16xf32>
    %swap3A_195 = vector.shape_cast %broadcast_in_dim3A_191 : vector<16xf32> to vector<16xf32>
    tpu.vector_store %arg8[%swap3A_192], %swap3A_195 {strides = array<i32>} : memref<640xf32, #tpu.memory_space<vmem>>, vector<16xf32>,
    %broadcast_in_dim3A_196 = arith.constant 0.000000e+00 : f32
    %broadcast_in_dim3A_197 = vector.broadcast %broadcast_in_dim3A_196 : f32 to vector<16xf32>
    %swap3A_198 = arith.constant 432 : index
    %swap3A_199 = tpu.vector_load %arg8[%swap3A_198] {strides = array<i32>} : memref<640xf32, #tpu.memory_space<vmem>>, vector<16xf32>,
    %swap3A_200 = vector.shape_cast %swap3A_199 : vector<16xf32> to vector<16xf32>
    %swap3A_201 = vector.shape_cast %broadcast_in_dim3A_197 : vector<16xf32> to vector<16xf32>
    tpu.vector_store %arg8[%swap3A_198], %swap3A_201 {strides = array<i32>} : memref<640xf32, #tpu.memory_space<vmem>>, vector<16xf32>,
    %broadcast_in_dim3A_202 = arith.constant 0.000000e+00 : f32
    %broadcast_in_dim3A_203 = vector.broadcast %broadcast_in_dim3A_202 : f32 to vector<16xf32>
    %swap3A_204 = arith.constant 448 : index
    %swap3A_205 = tpu.vector_load %arg8[%swap3A_204] {strides = array<i32>} : memref<640xf32, #tpu.memory_space<vmem>>, vector<16xf32>,
    %swap3A_206 = vector.shape_cast %swap3A_205 : vector<16xf32> to vector<16xf32>
    %swap3A_207 = vector.shape_cast %broadcast_in_dim3A_203 : vector<16xf32> to vector<16xf32>
    tpu.vector_store %arg8[%swap3A_204], %swap3A_207 {strides = array<i32>} : memref<640xf32, #tpu.memory_space<vmem>>, vector<16xf32>,
    %broadcast_in_dim3A_208 = arith.constant 0.000000e+00 : f32
    %broadcast_in_dim3A_209 = vector.broadcast %broadcast_in_dim3A_208 : f32 to vector<16xf32>
    %swap3A_210 = arith.constant 464 : index
    %swap3A_211 = tpu.vector_load %arg8[%swap3A_210] {strides = array<i32>} : memref<640xf32, #tpu.memory_space<vmem>>, vector<16xf32>,
    %swap3A_212 = vector.shape_cast %swap3A_211 : vector<16xf32> to vector<16xf32>
    %swap3A_213 = vector.shape_cast %broadcast_in_dim3A_209 : vector<16xf32> to vector<16xf32>
    tpu.vector_store %arg8[%swap3A_210], %swap3A_213 {strides = array<i32>} : memref<640xf32, #tpu.memory_space<vmem>>, vector<16xf32>,
    %broadcast_in_dim3A_214 = arith.constant 0.000000e+00 : f32
    %broadcast_in_dim3A_215 = vector.broadcast %broadcast_in_dim3A_214 : f32 to vector<16xf32>
    %swap3A_216 = arith.constant 480 : index
    %swap3A_217 = tpu.vector_load %arg8[%swap3A_216] {strides = array<i32>} : memref<640xf32, #tpu.memory_space<vmem>>, vector<16xf32>,
    %swap3A_218 = vector.shape_cast %swap3A_217 : vector<16xf32> to vector<16xf32>
    %swap3A_219 = vector.shape_cast %broadcast_in_dim3A_215 : vector<16xf32> to vector<16xf32>
    tpu.vector_store %arg8[%swap3A_216], %swap3A_219 {strides = array<i32>} : memref<640xf32, #tpu.memory_space<vmem>>, vector<16xf32>,
    %broadcast_in_dim3A_220 = arith.constant 0.000000e+00 : f32
    %broadcast_in_dim3A_221 = vector.broadcast %broadcast_in_dim3A_220 : f32 to vector<16xf32>
    %swap3A_222 = arith.constant 496 : index
    %swap3A_223 = tpu.vector_load %arg8[%swap3A_222] {strides = array<i32>} : memref<640xf32, #tpu.memory_space<vmem>>, vector<16xf32>,
    %swap3A_224 = vector.shape_cast %swap3A_223 : vector<16xf32> to vector<16xf32>
    %swap3A_225 = vector.shape_cast %broadcast_in_dim3A_221 : vector<16xf32> to vector<16xf32>
    tpu.vector_store %arg8[%swap3A_222], %swap3A_225 {strides = array<i32>} : memref<640xf32, #tpu.memory_space<vmem>>, vector<16xf32>,
    %broadcast_in_dim3A_226 = arith.constant 0.000000e+00 : f32
    %broadcast_in_dim3A_227 = vector.broadcast %broadcast_in_dim3A_226 : f32 to vector<16xf32>
    %swap3A_228 = arith.constant 512 : index
    %swap3A_229 = tpu.vector_load %arg8[%swap3A_228] {strides = array<i32>} : memref<640xf32, #tpu.memory_space<vmem>>, vector<16xf32>,
    %swap3A_230 = vector.shape_cast %swap3A_229 : vector<16xf32> to vector<16xf32>
    %swap3A_231 = vector.shape_cast %broadcast_in_dim3A_227 : vector<16xf32> to vector<16xf32>
    tpu.vector_store %arg8[%swap3A_228], %swap3A_231 {strides = array<i32>} : memref<640xf32, #tpu.memory_space<vmem>>, vector<16xf32>,
    %broadcast_in_dim3A_232 = arith.constant 0.000000e+00 : f32
    %broadcast_in_dim3A_233 = vector.broadcast %broadcast_in_dim3A_232 : f32 to vector<16xf32>
    %swap3A_234 = arith.constant 528 : index
    %swap3A_235 = tpu.vector_load %arg8[%swap3A_234] {strides = array<i32>} : memref<640xf32, #tpu.memory_space<vmem>>, vector<16xf32>,
    %swap3A_236 = vector.shape_cast %swap3A_235 : vector<16xf32> to vector<16xf32>
    %swap3A_237 = vector.shape_cast %broadcast_in_dim3A_233 : vector<16xf32> to vector<16xf32>
    tpu.vector_store %arg8[%swap3A_234], %swap3A_237 {strides = array<i32>} : memref<640xf32, #tpu.memory_space<vmem>>, vector<16xf32>,
    %broadcast_in_dim3A_238 = arith.constant 0.000000e+00 : f32
    %broadcast_in_dim3A_239 = vector.broadcast %broadcast_in_dim3A_238 : f32 to vector<16xf32>
    %swap3A_240 = arith.constant 544 : index
    %swap3A_241 = tpu.vector_load %arg8[%swap3A_240] {strides = array<i32>} : memref<640xf32, #tpu.memory_space<vmem>>, vector<16xf32>,
    %swap3A_242 = vector.shape_cast %swap3A_241 : vector<16xf32> to vector<16xf32>
    %swap3A_243 = vector.shape_cast %broadcast_in_dim3A_239 : vector<16xf32> to vector<16xf32>
    tpu.vector_store %arg8[%swap3A_240], %swap3A_243 {strides = array<i32>} : memref<640xf32, #tpu.memory_space<vmem>>, vector<16xf32>,
    %broadcast_in_dim3A_244 = arith.constant 0.000000e+00 : f32
    %broadcast_in_dim3A_245 = vector.broadcast %broadcast_in_dim3A_244 : f32 to vector<16xf32>
    %swap3A_246 = arith.constant 560 : index
    %swap3A_247 = tpu.vector_load %arg8[%swap3A_246] {strides = array<i32>} : memref<640xf32, #tpu.memory_space<vmem>>, vector<16xf32>,
    %swap3A_248 = vector.shape_cast %swap3A_247 : vector<16xf32> to vector<16xf32>
    %swap3A_249 = vector.shape_cast %broadcast_in_dim3A_245 : vector<16xf32> to vector<16xf32>
    tpu.vector_store %arg8[%swap3A_246], %swap3A_249 {strides = array<i32>} : memref<640xf32, #tpu.memory_space<vmem>>, vector<16xf32>,
    %broadcast_in_dim3A_250 = arith.constant 0.000000e+00 : f32
    %broadcast_in_dim3A_251 = vector.broadcast %broadcast_in_dim3A_250 : f32 to vector<16xf32>
    %swap3A_252 = arith.constant 576 : index
    %swap3A_253 = tpu.vector_load %arg8[%swap3A_252] {strides = array<i32>} : memref<640xf32, #tpu.memory_space<vmem>>, vector<16xf32>,
    %swap3A_254 = vector.shape_cast %swap3A_253 : vector<16xf32> to vector<16xf32>
    %swap3A_255 = vector.shape_cast %broadcast_in_dim3A_251 : vector<16xf32> to vector<16xf32>
    tpu.vector_store %arg8[%swap3A_252], %swap3A_255 {strides = array<i32>} : memref<640xf32, #tpu.memory_space<vmem>>, vector<16xf32>,
    %broadcast_in_dim3A_256 = arith.constant 0.000000e+00 : f32
    %broadcast_in_dim3A_257 = vector.broadcast %broadcast_in_dim3A_256 : f32 to vector<16xf32>
    %swap3A_258 = arith.constant 592 : index
    %swap3A_259 = tpu.vector_load %arg8[%swap3A_258] {strides = array<i32>} : memref<640xf32, #tpu.memory_space<vmem>>, vector<16xf32>,
    %swap3A_260 = vector.shape_cast %swap3A_259 : vector<16xf32> to vector<16xf32>
    %swap3A_261 = vector.shape_cast %broadcast_in_dim3A_257 : vector<16xf32> to vector<16xf32>
    tpu.vector_store %arg8[%swap3A_258], %swap3A_261 {strides = array<i32>} : memref<640xf32, #tpu.memory_space<vmem>>, vector<16xf32>,
    %broadcast_in_dim3A_262 = arith.constant 0.000000e+00 : f32
    %broadcast_in_dim3A_263 = vector.broadcast %broadcast_in_dim3A_262 : f32 to vector<16xf32>
    %swap3A_264 = arith.constant 608 : index
    %swap3A_265 = tpu.vector_load %arg8[%swap3A_264] {strides = array<i32>} : memref<640xf32, #tpu.memory_space<vmem>>, vector<16xf32>,
    %swap3A_266 = vector.shape_cast %swap3A_265 : vector<16xf32> to vector<16xf32>
    %swap3A_267 = vector.shape_cast %broadcast_in_dim3A_263 : vector<16xf32> to vector<16xf32>
    tpu.vector_store %arg8[%swap3A_264], %swap3A_267 {strides = array<i32>} : memref<640xf32, #tpu.memory_space<vmem>>, vector<16xf32>,
    %broadcast_in_dim3A_268 = arith.constant 0.000000e+00 : f32
    %broadcast_in_dim3A_269 = vector.broadcast %broadcast_in_dim3A_268 : f32 to vector<16xf32>
    %swap3A_270 = arith.constant 624 : index
    %swap3A_271 = tpu.vector_load %arg8[%swap3A_270] {strides = array<i32>} : memref<640xf32, #tpu.memory_space<vmem>>, vector<16xf32>,
    %swap3A_272 = vector.shape_cast %swap3A_271 : vector<16xf32> to vector<16xf32>
    %swap3A_273 = vector.shape_cast %broadcast_in_dim3A_269 : vector<16xf32> to vector<16xf32>
    tpu.vector_store %arg8[%swap3A_270], %swap3A_273 {strides = array<i32>} : memref<640xf32, #tpu.memory_space<vmem>>, vector<16xf32>,
    "tpu.region"() ({
      %run_scoped3A = tpu.sem_alloc : memref<!tpu.dma_semaphore, #tpu.memory_space<semaphore_mem>>
      %dma_start3A = tpu.memref_slice %arg9[%multiple_of3A] : memref<10000xf32, #tpu.memory_space<vmem_shared>> -> memref<640xf32, #tpu.memory_space<vmem_shared>>
      %dma_start3A_292 = tpu.memref_slice %arg9[%multiple_of3A] : memref<10000xf32, #tpu.memory_space<vmem_shared>> -> memref<640xf32, #tpu.memory_space<vmem_shared>>
      tpu.enqueue_dma source(%arg8 : memref<640xf32, #tpu.memory_space<vmem>>) target(%dma_start3A_292 : memref<640xf32, #tpu.memory_space<vmem_shared>>) target_semaphore(%run_scoped3A : memref<!tpu.dma_semaphore, #tpu.memory_space<semaphore_mem>>)
      %dma_wait3A = tpu.memref_slice %arg9[%multiple_of3A] : memref<10000xf32, #tpu.memory_space<vmem_shared>> -> memref<640xf32, #tpu.memory_space<vmem_shared>>
      %dma_wait3A_293 = tpu.memref_slice %arg9[%multiple_of3A] : memref<10000xf32, #tpu.memory_space<vmem_shared>> -> memref<640xf32, #tpu.memory_space<vmem_shared>>
      tpu.wait_dma2 semaphore(%run_scoped3A : memref<!tpu.dma_semaphore, #tpu.memory_space<semaphore_mem>>) src(%arg8 : memref<640xf32, #tpu.memory_space<vmem>>) dst(%dma_wait3A_293 : memref<640xf32, #tpu.memory_space<vmem_shared>>)
      tpu.yield
    }) : () -> ()
    "tpu.region"() ({
      %run_scoped3A = tpu.sem_alloc : memref<!tpu.dma_semaphore, #tpu.memory_space<semaphore_mem>>
      %dma_start3A = tpu.memref_slice %arg10[%multiple_of3A] : memref<10000xf32, #tpu.memory_space<vmem_shared>> -> memref<640xf32, #tpu.memory_space<vmem_shared>>
      %dma_start3A_292 = tpu.memref_slice %arg10[%multiple_of3A] : memref<10000xf32, #tpu.memory_space<vmem_shared>> -> memref<640xf32, #tpu.memory_space<vmem_shared>>
      tpu.enqueue_dma source(%arg8 : memref<640xf32, #tpu.memory_space<vmem>>) target(%dma_start3A_292 : memref<640xf32, #tpu.memory_space<vmem_shared>>) target_semaphore(%run_scoped3A : memref<!tpu.dma_semaphore, #tpu.memory_space<semaphore_mem>>)
      %dma_wait3A = tpu.memref_slice %arg10[%multiple_of3A] : memref<10000xf32, #tpu.memory_space<vmem_shared>> -> memref<640xf32, #tpu.memory_space<vmem_shared>>
      %dma_wait3A_293 = tpu.memref_slice %arg10[%multiple_of3A] : memref<10000xf32, #tpu.memory_space<vmem_shared>> -> memref<640xf32, #tpu.memory_space<vmem_shared>>
      tpu.wait_dma2 semaphore(%run_scoped3A : memref<!tpu.dma_semaphore, #tpu.memory_space<semaphore_mem>>) src(%arg8 : memref<640xf32, #tpu.memory_space<vmem>>) dst(%dma_wait3A_293 : memref<640xf32, #tpu.memory_space<vmem_shared>>)
      tpu.yield
    }) : () -> ()
    %barrier3A = arith.constant 0 : index
    tpu.barrier barrier_id(%barrier3A)
    %scan3A = arith.constant 0 : i32
    %scan3A_274 = arith.constant 0 : i32
    %scan3A_275 = arith.constant 125 : i32
    %scan3A_276 = arith.addi %scan3A_274, %scan3A_275 : i32
    %scan3A_277 = arith.constant 1 : i32
    scf.for %scan3A_292 = %scan3A_274 to %scan3A_276 step %scan3A_277  : i32 {
      %mul3A_293 = arith.constant 80 : i32
      %mul3A_294 = arith.muli %scan3A_292, %mul3A_293 : i32
      %multiple_of3A_295 = tpu.assume_multiple %mul3A_294, 8 : i32
      %dma_start3A = tpu.memref_slice %arg5[%multiple_of3A_295] : memref<10000xi32, #tpu.memory_space<vmem>> -> memref<80xi32, #tpu.memory_space<vmem>>
      %dma_start3A_296 = arith.constant 0 : i32
      %dma_start3A_297 = tpu.memref_slice %arg9[%dma_start3A_296] : memref<10000xf32, #tpu.memory_space<vmem_shared>> -> memref<10000xf32, #tpu.memory_space<vmem_shared>>
      tpu.enqueue_indirect_dma source(%arg7 : memref<80xf32, #tpu.memory_space<vmem>>) target(%dma_start3A_297 : memref<10000xf32, #tpu.memory_space<vmem_shared>>) offsets(%dma_start3A : memref<80xi32, #tpu.memory_space<vmem>>) semaphore(%arg11 : memref<!tpu.dma_semaphore, #tpu.memory_space<semaphore_mem>>) {add = true}
      %mul3A_298 = arith.constant 80 : i32
      %mul3A_299 = arith.muli %scan3A_292, %mul3A_298 : i32
      %multiple_of3A_300 = tpu.assume_multiple %mul3A_299, 8 : i32
      %dma_start3A_301 = tpu.memref_slice %arg6[%multiple_of3A_300] : memref<10000xi32, #tpu.memory_space<vmem>> -> memref<80xi32, #tpu.memory_space<vmem>>
      %dma_start3A_302 = arith.constant 0 : i32
      %dma_start3A_303 = tpu.memref_slice %arg10[%dma_start3A_302] : memref<10000xf32, #tpu.memory_space<vmem_shared>> -> memref<10000xf32, #tpu.memory_space<vmem_shared>>
      tpu.enqueue_indirect_dma source(%arg7 : memref<80xf32, #tpu.memory_space<vmem>>) target(%dma_start3A_303 : memref<10000xf32, #tpu.memory_space<vmem_shared>>) offsets(%dma_start3A_301 : memref<80xi32, #tpu.memory_space<vmem>>) semaphore(%arg12 : memref<!tpu.dma_semaphore, #tpu.memory_space<semaphore_mem>>) {add = true}
    }
    %scan3A_278 = arith.constant 125 : i32
    %scan3A_279 = arith.constant 0 : i32
    %scan3A_280 = arith.constant 0 : i32
    %scan3A_281 = arith.constant 125 : i32
    %scan3A_282 = arith.addi %scan3A_280, %scan3A_281 : i32
    %scan3A_283 = arith.constant 1 : i32
    scf.for %scan3A_292 = %scan3A_280 to %scan3A_282 step %scan3A_283  : i32 {
      %multiple_of3A_293 = arith.constant 0 : i32
      %multiple_of3A_294 = tpu.assume_multiple %multiple_of3A_293, 8 : i32
      %dma_wait3A = tpu.memref_slice %arg5[%multiple_of3A_294] : memref<10000xi32, #tpu.memory_space<vmem>> -> memref<80xi32, #tpu.memory_space<vmem>>
      %dma_wait3A_295 = arith.constant 0 : i32
      %dma_wait3A_296 = tpu.memref_slice %arg9[%dma_wait3A_295] : memref<10000xf32, #tpu.memory_space<vmem_shared>> -> memref<10000xf32, #tpu.memory_space<vmem_shared>>
      tpu.wait_indirect_dma semaphore(%arg11 : memref<!tpu.dma_semaphore, #tpu.memory_space<semaphore_mem>>) src(%arg7 : memref<80xf32, #tpu.memory_space<vmem>>) dst(%dma_wait3A_296 : memref<10000xf32, #tpu.memory_space<vmem_shared>>)
      %multiple_of3A_297 = arith.constant 0 : i32
      %multiple_of3A_298 = tpu.assume_multiple %multiple_of3A_297, 8 : i32
      %dma_wait3A_299 = tpu.memref_slice %arg6[%multiple_of3A_298] : memref<10000xi32, #tpu.memory_space<vmem>> -> memref<80xi32, #tpu.memory_space<vmem>>
      %dma_wait3A_300 = arith.constant 0 : i32
      %dma_wait3A_301 = tpu.memref_slice %arg10[%dma_wait3A_300] : memref<10000xf32, #tpu.memory_space<vmem_shared>> -> memref<10000xf32, #tpu.memory_space<vmem_shared>>
      tpu.wait_indirect_dma semaphore(%arg12 : memref<!tpu.dma_semaphore, #tpu.memory_space<semaphore_mem>>) src(%arg7 : memref<80xf32, #tpu.memory_space<vmem>>) dst(%dma_wait3A_301 : memref<10000xf32, #tpu.memory_space<vmem_shared>>)
    }
    %scan3A_284 = arith.constant 125 : i32
    %barrier3A_285 = arith.constant 0 : index
    tpu.barrier barrier_id(%barrier3A_285)
    %mul3A_286 = arith.constant 20000 : i32
    %mul3A_287 = arith.muli %arg0, %mul3A_286 : i32
    %add3A_288 = arith.addi %mul3A_287, %multiple_of3A : i32
    %multiple_of3A_289 = tpu.assume_multiple %add3A_288, 8 : i32
    "tpu.region"() ({
      %run_scoped3A = tpu.sem_alloc : memref<!tpu.dma_semaphore, #tpu.memory_space<semaphore_mem>>
      %dma_start3A = tpu.memref_slice %arg9[%multiple_of3A] : memref<10000xf32, #tpu.memory_space<vmem_shared>> -> memref<640xf32, #tpu.memory_space<vmem_shared>>
      %dma_start3A_292 = tpu.memref_slice %arg9[%multiple_of3A] : memref<10000xf32, #tpu.memory_space<vmem_shared>> -> memref<640xf32, #tpu.memory_space<vmem_shared>>
      tpu.enqueue_dma source(%dma_start3A_292 : memref<640xf32, #tpu.memory_space<vmem_shared>>) target(%arg8 : memref<640xf32, #tpu.memory_space<vmem>>) target_semaphore(%run_scoped3A : memref<!tpu.dma_semaphore, #tpu.memory_space<semaphore_mem>>)
      %dma_wait3A = tpu.memref_slice %arg9[%multiple_of3A] : memref<10000xf32, #tpu.memory_space<vmem_shared>> -> memref<640xf32, #tpu.memory_space<vmem_shared>>
      %dma_wait3A_293 = tpu.memref_slice %arg9[%multiple_of3A] : memref<10000xf32, #tpu.memory_space<vmem_shared>> -> memref<640xf32, #tpu.memory_space<vmem_shared>>
      tpu.wait_dma2 semaphore(%run_scoped3A : memref<!tpu.dma_semaphore, #tpu.memory_space<semaphore_mem>>) src(%dma_wait3A_293 : memref<640xf32, #tpu.memory_space<vmem_shared>>) dst(%arg8 : memref<640xf32, #tpu.memory_space<vmem>>)
      tpu.yield
    }) : () -> ()
    "tpu.region"() ({
      %run_scoped3A = tpu.sem_alloc : memref<!tpu.dma_semaphore, #tpu.memory_space<semaphore_mem>>
      %dma_start3A = tpu.memref_slice %arg4[%multiple_of3A_289] : memref<40000xf32, #tpu.memory_space<hbm>> -> memref<640xf32, #tpu.memory_space<hbm>>
      %dma_start3A_292 = tpu.memref_slice %arg4[%multiple_of3A_289] : memref<40000xf32, #tpu.memory_space<hbm>> -> memref<640xf32, #tpu.memory_space<hbm>>
      tpu.enqueue_dma source(%arg8 : memref<640xf32, #tpu.memory_space<vmem>>) target(%dma_start3A_292 : memref<640xf32, #tpu.memory_space<hbm>>) target_semaphore(%run_scoped3A : memref<!tpu.dma_semaphore, #tpu.memory_space<semaphore_mem>>)
      %dma_wait3A = tpu.memref_slice %arg4[%multiple_of3A_289] : memref<40000xf32, #tpu.memory_space<hbm>> -> memref<640xf32, #tpu.memory_space<hbm>>
      %dma_wait3A_293 = tpu.memref_slice %arg4[%multiple_of3A_289] : memref<40000xf32, #tpu.memory_space<hbm>> -> memref<640xf32, #tpu.memory_space<hbm>>
      tpu.wait_dma2 semaphore(%run_scoped3A : memref<!tpu.dma_semaphore, #tpu.memory_space<semaphore_mem>>) src(%arg8 : memref<640xf32, #tpu.memory_space<vmem>>) dst(%dma_wait3A_293 : memref<640xf32, #tpu.memory_space<hbm>>)
      tpu.yield
    }) : () -> ()
    "tpu.region"() ({
      %run_scoped3A = tpu.sem_alloc : memref<!tpu.dma_semaphore, #tpu.memory_space<semaphore_mem>>
      %dma_start3A = tpu.memref_slice %arg10[%multiple_of3A] : memref<10000xf32, #tpu.memory_space<vmem_shared>> -> memref<640xf32, #tpu.memory_space<vmem_shared>>
      %dma_start3A_292 = tpu.memref_slice %arg10[%multiple_of3A] : memref<10000xf32, #tpu.memory_space<vmem_shared>> -> memref<640xf32, #tpu.memory_space<vmem_shared>>
      tpu.enqueue_dma source(%dma_start3A_292 : memref<640xf32, #tpu.memory_space<vmem_shared>>) target(%arg8 : memref<640xf32, #tpu.memory_space<vmem>>) target_semaphore(%run_scoped3A : memref<!tpu.dma_semaphore, #tpu.memory_space<semaphore_mem>>)
      %dma_wait3A = tpu.memref_slice %arg10[%multiple_of3A] : memref<10000xf32, #tpu.memory_space<vmem_shared>> -> memref<640xf32, #tpu.memory_space<vmem_shared>>
      %dma_wait3A_293 = tpu.memref_slice %arg10[%multiple_of3A] : memref<10000xf32, #tpu.memory_space<vmem_shared>> -> memref<640xf32, #tpu.memory_space<vmem_shared>>
      tpu.wait_dma2 semaphore(%run_scoped3A : memref<!tpu.dma_semaphore, #tpu.memory_space<semaphore_mem>>) src(%dma_wait3A_293 : memref<640xf32, #tpu.memory_space<vmem_shared>>) dst(%arg8 : memref<640xf32, #tpu.memory_space<vmem>>)
      tpu.yield
    }) : () -> ()
    %add3A_290 = arith.constant 10000 : i32
    %add3A_291 = arith.addi %multiple_of3A_289, %add3A_290 : i32
    "tpu.region"() ({
      %run_scoped3A = tpu.sem_alloc : memref<!tpu.dma_semaphore, #tpu.memory_space<semaphore_mem>>
      %dma_start3A = tpu.memref_slice %arg4[%add3A_291] : memref<40000xf32, #tpu.memory_space<hbm>> -> memref<640xf32, #tpu.memory_space<hbm>>
      %dma_start3A_292 = tpu.memref_slice %arg4[%add3A_291] : memref<40000xf32, #tpu.memory_space<hbm>> -> memref<640xf32, #tpu.memory_space<hbm>>
      tpu.enqueue_dma source(%arg8 : memref<640xf32, #tpu.memory_space<vmem>>) target(%dma_start3A_292 : memref<640xf32, #tpu.memory_space<hbm>>) target_semaphore(%run_scoped3A : memref<!tpu.dma_semaphore, #tpu.memory_space<semaphore_mem>>)
      %dma_wait3A = tpu.memref_slice %arg4[%add3A_291] : memref<40000xf32, #tpu.memory_space<hbm>> -> memref<640xf32, #tpu.memory_space<hbm>>
      %dma_wait3A_293 = tpu.memref_slice %arg4[%add3A_291] : memref<40000xf32, #tpu.memory_space<hbm>> -> memref<640xf32, #tpu.memory_space<hbm>>
      tpu.wait_dma2 semaphore(%run_scoped3A : memref<!tpu.dma_semaphore, #tpu.memory_space<semaphore_mem>>) src(%arg8 : memref<640xf32, #tpu.memory_space<vmem>>) dst(%dma_wait3A_293 : memref<640xf32, #tpu.memory_space<hbm>>)
      tpu.yield
    }) : () -> ()
    return
  }
}

#map = affine_map<(d0, d1) -> (0, 0)>
#map1 = affine_map<(d0, d1) -> (0)>
#map2 = affine_map<(d0, d1) -> (0, 0, 0)>
module attributes {stable_mosaic.version = 14 : i64} {
  func.func @_agg(%arg0: i32, %arg1: i32, %arg2: memref<10000x128xf32, #tpu.memory_space<hbm>>, %arg3: memref<320000xi32, #tpu.memory_space<hbm>>, %arg4: memref<320000xi32, #tpu.memory_space<hbm>>, %arg5: memref<2x10000x128xf32, #tpu.memory_space<hbm>>, %arg6: memref<10000xi32, #tpu.memory_space<vmem>>, %arg7: memref<10000xi32, #tpu.memory_space<vmem>>, %arg8: memref<80x128xf32, #tpu.memory_space<vmem>>, %arg9: memref<80x128xf32, #tpu.memory_space<vmem>>, %arg10: memref<80x128xf32, #tpu.memory_space<vmem>>, %arg11: memref<!tpu.dma_semaphore, #tpu.memory_space<semaphore_mem>>, %arg12: memref<!tpu.dma_semaphore, #tpu.memory_space<semaphore_mem>>, %arg13: memref<!tpu.dma_semaphore, #tpu.memory_space<semaphore_mem>>, %arg14: memref<!tpu.dma_semaphore, #tpu.memory_space<semaphore_mem>>, %arg15: memref<!tpu.dma_semaphore, #tpu.memory_space<semaphore_mem>>, %arg16: memref<!tpu.dma_semaphore, #tpu.memory_space<semaphore_mem>>, %arg17: memref<10000x128xf32, #tpu.memory_space<vmem_shared>>) attributes {dimension_semantics = [#tpu.dimension_semantics<core_parallel>, #tpu.dimension_semantics<subcore_parallel>], iteration_bounds = array<i64: 2, 16>, scalar_prefetch = 0 : i64, scratch_operands = 12 : i64, tpu.core_type = #tpu.core_type<sc_vector_subcore>, window_params = [{transform_indices = #map}, {transform_indices = #map1}, {transform_indices = #map1}, {transform_indices = #map2}]} {
    %mul3A = arith.constant 2 : i32
    %mul3A_0 = arith.muli %arg1, %mul3A : i32
    %add3A = arith.addi %mul3A_0, %arg0 : i32
    %mul3A_1 = arith.constant 624 : i32
    %mul3A_2 = arith.muli %arg1, %mul3A_1 : i32
    %multiple_of3A = tpu.assume_multiple %mul3A_2, 8 : i32
    %mul3A_3 = arith.constant 10000 : i32
    %mul3A_4 = arith.muli %add3A, %mul3A_3 : i32
    %multiple_of3A_5 = tpu.assume_multiple %mul3A_4, 8 : i32
    "tpu.region"() ({
      %run_scoped3A = tpu.sem_alloc : memref<!tpu.dma_semaphore, #tpu.memory_space<semaphore_mem>>
      %dma_start3A_184 = tpu.memref_slice %arg3[%multiple_of3A_5] : memref<320000xi32, #tpu.memory_space<hbm>> -> memref<10000xi32, #tpu.memory_space<hbm>>
      %dma_start3A_185 = tpu.memref_slice %arg3[%multiple_of3A_5] : memref<320000xi32, #tpu.memory_space<hbm>> -> memref<10000xi32, #tpu.memory_space<hbm>>
      tpu.enqueue_dma source(%dma_start3A_185 : memref<10000xi32, #tpu.memory_space<hbm>>) target(%arg6 : memref<10000xi32, #tpu.memory_space<vmem>>) target_semaphore(%run_scoped3A : memref<!tpu.dma_semaphore, #tpu.memory_space<semaphore_mem>>)
      %dma_wait3A_186 = tpu.memref_slice %arg3[%multiple_of3A_5] : memref<320000xi32, #tpu.memory_space<hbm>> -> memref<10000xi32, #tpu.memory_space<hbm>>
      %dma_wait3A_187 = tpu.memref_slice %arg3[%multiple_of3A_5] : memref<320000xi32, #tpu.memory_space<hbm>> -> memref<10000xi32, #tpu.memory_space<hbm>>
      tpu.wait_dma2 semaphore(%run_scoped3A : memref<!tpu.dma_semaphore, #tpu.memory_space<semaphore_mem>>) src(%dma_wait3A_187 : memref<10000xi32, #tpu.memory_space<hbm>>) dst(%arg6 : memref<10000xi32, #tpu.memory_space<vmem>>)
      tpu.yield
    }) : () -> ()
    "tpu.region"() ({
      %run_scoped3A = tpu.sem_alloc : memref<!tpu.dma_semaphore, #tpu.memory_space<semaphore_mem>>
      %dma_start3A_184 = tpu.memref_slice %arg4[%multiple_of3A_5] : memref<320000xi32, #tpu.memory_space<hbm>> -> memref<10000xi32, #tpu.memory_space<hbm>>
      %dma_start3A_185 = tpu.memref_slice %arg4[%multiple_of3A_5] : memref<320000xi32, #tpu.memory_space<hbm>> -> memref<10000xi32, #tpu.memory_space<hbm>>
      tpu.enqueue_dma source(%dma_start3A_185 : memref<10000xi32, #tpu.memory_space<hbm>>) target(%arg7 : memref<10000xi32, #tpu.memory_space<vmem>>) target_semaphore(%run_scoped3A : memref<!tpu.dma_semaphore, #tpu.memory_space<semaphore_mem>>)
      %dma_wait3A_186 = tpu.memref_slice %arg4[%multiple_of3A_5] : memref<320000xi32, #tpu.memory_space<hbm>> -> memref<10000xi32, #tpu.memory_space<hbm>>
      %dma_wait3A_187 = tpu.memref_slice %arg4[%multiple_of3A_5] : memref<320000xi32, #tpu.memory_space<hbm>> -> memref<10000xi32, #tpu.memory_space<hbm>>
      tpu.wait_dma2 semaphore(%run_scoped3A : memref<!tpu.dma_semaphore, #tpu.memory_space<semaphore_mem>>) src(%dma_wait3A_187 : memref<10000xi32, #tpu.memory_space<hbm>>) dst(%arg7 : memref<10000xi32, #tpu.memory_space<vmem>>)
      tpu.yield
    }) : () -> ()
    %scan3A = arith.constant 0 : i32
    %scan3A_6 = arith.constant 0 : i32
    %scan3A_7 = arith.constant 80 : i32
    %scan3A_8 = arith.addi %scan3A_6, %scan3A_7 : i32
    %scan3A_9 = arith.constant 1 : i32
    scf.for %scan3A_184 = %scan3A_6 to %scan3A_8 step %scan3A_9  : i32 {
      %broadcast_in_dim3A = arith.constant 0.000000e+00 : f32
      %broadcast_in_dim3A_185 = vector.broadcast %broadcast_in_dim3A : f32 to vector<16xf32>
      %swap3A = arith.index_cast %scan3A_184 : i32 to index
      %swap3A_186 = arith.constant 0 : index
      %swap3A_187 = tpu.vector_load %arg8[%swap3A, %swap3A_186] {strides = array<i32>} : memref<80x128xf32, #tpu.memory_space<vmem>>, vector<1x16xf32>,
      %swap3A_188 = vector.shape_cast %swap3A_187 : vector<1x16xf32> to vector<16xf32>
      %swap3A_189 = vector.shape_cast %broadcast_in_dim3A_185 : vector<16xf32> to vector<1x16xf32>
      tpu.vector_store %arg8[%swap3A, %swap3A_186], %swap3A_189 {strides = array<i32>} : memref<80x128xf32, #tpu.memory_space<vmem>>, vector<1x16xf32>,
      %broadcast_in_dim3A_190 = arith.constant 0.000000e+00 : f32
      %broadcast_in_dim3A_191 = vector.broadcast %broadcast_in_dim3A_190 : f32 to vector<16xf32>
      %swap3A_192 = arith.index_cast %scan3A_184 : i32 to index
      %swap3A_193 = arith.constant 16 : index
      %swap3A_194 = tpu.vector_load %arg8[%swap3A_192, %swap3A_193] {strides = array<i32>} : memref<80x128xf32, #tpu.memory_space<vmem>>, vector<1x16xf32>,
      %swap3A_195 = vector.shape_cast %swap3A_194 : vector<1x16xf32> to vector<16xf32>
      %swap3A_196 = vector.shape_cast %broadcast_in_dim3A_191 : vector<16xf32> to vector<1x16xf32>
      tpu.vector_store %arg8[%swap3A_192, %swap3A_193], %swap3A_196 {strides = array<i32>} : memref<80x128xf32, #tpu.memory_space<vmem>>, vector<1x16xf32>,
      %broadcast_in_dim3A_197 = arith.constant 0.000000e+00 : f32
      %broadcast_in_dim3A_198 = vector.broadcast %broadcast_in_dim3A_197 : f32 to vector<16xf32>
      %swap3A_199 = arith.index_cast %scan3A_184 : i32 to index
      %swap3A_200 = arith.constant 32 : index
      %swap3A_201 = tpu.vector_load %arg8[%swap3A_199, %swap3A_200] {strides = array<i32>} : memref<80x128xf32, #tpu.memory_space<vmem>>, vector<1x16xf32>,
      %swap3A_202 = vector.shape_cast %swap3A_201 : vector<1x16xf32> to vector<16xf32>
      %swap3A_203 = vector.shape_cast %broadcast_in_dim3A_198 : vector<16xf32> to vector<1x16xf32>
      tpu.vector_store %arg8[%swap3A_199, %swap3A_200], %swap3A_203 {strides = array<i32>} : memref<80x128xf32, #tpu.memory_space<vmem>>, vector<1x16xf32>,
      %broadcast_in_dim3A_204 = arith.constant 0.000000e+00 : f32
      %broadcast_in_dim3A_205 = vector.broadcast %broadcast_in_dim3A_204 : f32 to vector<16xf32>
      %swap3A_206 = arith.index_cast %scan3A_184 : i32 to index
      %swap3A_207 = arith.constant 48 : index
      %swap3A_208 = tpu.vector_load %arg8[%swap3A_206, %swap3A_207] {strides = array<i32>} : memref<80x128xf32, #tpu.memory_space<vmem>>, vector<1x16xf32>,
      %swap3A_209 = vector.shape_cast %swap3A_208 : vector<1x16xf32> to vector<16xf32>
      %swap3A_210 = vector.shape_cast %broadcast_in_dim3A_205 : vector<16xf32> to vector<1x16xf32>
      tpu.vector_store %arg8[%swap3A_206, %swap3A_207], %swap3A_210 {strides = array<i32>} : memref<80x128xf32, #tpu.memory_space<vmem>>, vector<1x16xf32>,
      %broadcast_in_dim3A_211 = arith.constant 0.000000e+00 : f32
      %broadcast_in_dim3A_212 = vector.broadcast %broadcast_in_dim3A_211 : f32 to vector<16xf32>
      %swap3A_213 = arith.index_cast %scan3A_184 : i32 to index
      %swap3A_214 = arith.constant 64 : index
      %swap3A_215 = tpu.vector_load %arg8[%swap3A_213, %swap3A_214] {strides = array<i32>} : memref<80x128xf32, #tpu.memory_space<vmem>>, vector<1x16xf32>,
      %swap3A_216 = vector.shape_cast %swap3A_215 : vector<1x16xf32> to vector<16xf32>
      %swap3A_217 = vector.shape_cast %broadcast_in_dim3A_212 : vector<16xf32> to vector<1x16xf32>
      tpu.vector_store %arg8[%swap3A_213, %swap3A_214], %swap3A_217 {strides = array<i32>} : memref<80x128xf32, #tpu.memory_space<vmem>>, vector<1x16xf32>,
      %broadcast_in_dim3A_218 = arith.constant 0.000000e+00 : f32
      %broadcast_in_dim3A_219 = vector.broadcast %broadcast_in_dim3A_218 : f32 to vector<16xf32>
      %swap3A_220 = arith.index_cast %scan3A_184 : i32 to index
      %swap3A_221 = arith.constant 80 : index
      %swap3A_222 = tpu.vector_load %arg8[%swap3A_220, %swap3A_221] {strides = array<i32>} : memref<80x128xf32, #tpu.memory_space<vmem>>, vector<1x16xf32>,
      %swap3A_223 = vector.shape_cast %swap3A_222 : vector<1x16xf32> to vector<16xf32>
      %swap3A_224 = vector.shape_cast %broadcast_in_dim3A_219 : vector<16xf32> to vector<1x16xf32>
      tpu.vector_store %arg8[%swap3A_220, %swap3A_221], %swap3A_224 {strides = array<i32>} : memref<80x128xf32, #tpu.memory_space<vmem>>, vector<1x16xf32>,
      %broadcast_in_dim3A_225 = arith.constant 0.000000e+00 : f32
      %broadcast_in_dim3A_226 = vector.broadcast %broadcast_in_dim3A_225 : f32 to vector<16xf32>
      %swap3A_227 = arith.index_cast %scan3A_184 : i32 to index
      %swap3A_228 = arith.constant 96 : index
      %swap3A_229 = tpu.vector_load %arg8[%swap3A_227, %swap3A_228] {strides = array<i32>} : memref<80x128xf32, #tpu.memory_space<vmem>>, vector<1x16xf32>,
      %swap3A_230 = vector.shape_cast %swap3A_229 : vector<1x16xf32> to vector<16xf32>
      %swap3A_231 = vector.shape_cast %broadcast_in_dim3A_226 : vector<16xf32> to vector<1x16xf32>
      tpu.vector_store %arg8[%swap3A_227, %swap3A_228], %swap3A_231 {strides = array<i32>} : memref<80x128xf32, #tpu.memory_space<vmem>>, vector<1x16xf32>,
      %broadcast_in_dim3A_232 = arith.constant 0.000000e+00 : f32
      %broadcast_in_dim3A_233 = vector.broadcast %broadcast_in_dim3A_232 : f32 to vector<16xf32>
      %swap3A_234 = arith.index_cast %scan3A_184 : i32 to index
      %swap3A_235 = arith.constant 112 : index
      %swap3A_236 = tpu.vector_load %arg8[%swap3A_234, %swap3A_235] {strides = array<i32>} : memref<80x128xf32, #tpu.memory_space<vmem>>, vector<1x16xf32>,
      %swap3A_237 = vector.shape_cast %swap3A_236 : vector<1x16xf32> to vector<16xf32>
      %swap3A_238 = vector.shape_cast %broadcast_in_dim3A_233 : vector<16xf32> to vector<1x16xf32>
      tpu.vector_store %arg8[%swap3A_234, %swap3A_235], %swap3A_238 {strides = array<i32>} : memref<80x128xf32, #tpu.memory_space<vmem>>, vector<1x16xf32>,
    }
    %scan3A_10 = arith.constant 80 : i32
    %add3A_11 = arith.constant 0 : i32
    %add3A_12 = arith.addi %multiple_of3A, %add3A_11 : i32
    "tpu.region"() ({
      %run_scoped3A = tpu.sem_alloc : memref<!tpu.dma_semaphore, #tpu.memory_space<semaphore_mem>>
      %dma_start3A_184 = arith.constant 0 : i32
      %dma_start3A_185 = tpu.memref_slice %arg17[%add3A_12, %dma_start3A_184] : memref<10000x128xf32, #tpu.memory_space<vmem_shared>> -> memref<80x128xf32, #tpu.memory_space<vmem_shared>>
      %dma_start3A_186 = arith.constant 0 : i32
      %dma_start3A_187 = tpu.memref_slice %arg17[%add3A_12, %dma_start3A_186] : memref<10000x128xf32, #tpu.memory_space<vmem_shared>> -> memref<80x128xf32, #tpu.memory_space<vmem_shared>>
      tpu.enqueue_dma source(%arg8 : memref<80x128xf32, #tpu.memory_space<vmem>>) target(%dma_start3A_187 : memref<80x128xf32, #tpu.memory_space<vmem_shared>>) target_semaphore(%run_scoped3A : memref<!tpu.dma_semaphore, #tpu.memory_space<semaphore_mem>>)
      %dma_wait3A_188 = arith.constant 0 : i32
      %dma_wait3A_189 = tpu.memref_slice %arg17[%add3A_12, %dma_wait3A_188] : memref<10000x128xf32, #tpu.memory_space<vmem_shared>> -> memref<80x128xf32, #tpu.memory_space<vmem_shared>>
      %dma_wait3A_190 = arith.constant 0 : i32
      %dma_wait3A_191 = tpu.memref_slice %arg17[%add3A_12, %dma_wait3A_190] : memref<10000x128xf32, #tpu.memory_space<vmem_shared>> -> memref<80x128xf32, #tpu.memory_space<vmem_shared>>
      tpu.wait_dma2 semaphore(%run_scoped3A : memref<!tpu.dma_semaphore, #tpu.memory_space<semaphore_mem>>) src(%arg8 : memref<80x128xf32, #tpu.memory_space<vmem>>) dst(%dma_wait3A_191 : memref<80x128xf32, #tpu.memory_space<vmem_shared>>)
      tpu.yield
    }) : () -> ()
    %add3A_13 = arith.constant 80 : i32
    %add3A_14 = arith.addi %multiple_of3A, %add3A_13 : i32
    "tpu.region"() ({
      %run_scoped3A = tpu.sem_alloc : memref<!tpu.dma_semaphore, #tpu.memory_space<semaphore_mem>>
      %dma_start3A_184 = arith.constant 0 : i32
      %dma_start3A_185 = tpu.memref_slice %arg17[%add3A_14, %dma_start3A_184] : memref<10000x128xf32, #tpu.memory_space<vmem_shared>> -> memref<80x128xf32, #tpu.memory_space<vmem_shared>>
      %dma_start3A_186 = arith.constant 0 : i32
      %dma_start3A_187 = tpu.memref_slice %arg17[%add3A_14, %dma_start3A_186] : memref<10000x128xf32, #tpu.memory_space<vmem_shared>> -> memref<80x128xf32, #tpu.memory_space<vmem_shared>>
      tpu.enqueue_dma source(%arg8 : memref<80x128xf32, #tpu.memory_space<vmem>>) target(%dma_start3A_187 : memref<80x128xf32, #tpu.memory_space<vmem_shared>>) target_semaphore(%run_scoped3A : memref<!tpu.dma_semaphore, #tpu.memory_space<semaphore_mem>>)
      %dma_wait3A_188 = arith.constant 0 : i32
      %dma_wait3A_189 = tpu.memref_slice %arg17[%add3A_14, %dma_wait3A_188] : memref<10000x128xf32, #tpu.memory_space<vmem_shared>> -> memref<80x128xf32, #tpu.memory_space<vmem_shared>>
      %dma_wait3A_190 = arith.constant 0 : i32
      %dma_wait3A_191 = tpu.memref_slice %arg17[%add3A_14, %dma_wait3A_190] : memref<10000x128xf32, #tpu.memory_space<vmem_shared>> -> memref<80x128xf32, #tpu.memory_space<vmem_shared>>
      tpu.wait_dma2 semaphore(%run_scoped3A : memref<!tpu.dma_semaphore, #tpu.memory_space<semaphore_mem>>) src(%arg8 : memref<80x128xf32, #tpu.memory_space<vmem>>) dst(%dma_wait3A_191 : memref<80x128xf32, #tpu.memory_space<vmem_shared>>)
      tpu.yield
    }) : () -> ()
    %add3A_15 = arith.constant 160 : i32
    %add3A_16 = arith.addi %multiple_of3A, %add3A_15 : i32
    "tpu.region"() ({
      %run_scoped3A = tpu.sem_alloc : memref<!tpu.dma_semaphore, #tpu.memory_space<semaphore_mem>>
      %dma_start3A_184 = arith.constant 0 : i32
      %dma_start3A_185 = tpu.memref_slice %arg17[%add3A_16, %dma_start3A_184] : memref<10000x128xf32, #tpu.memory_space<vmem_shared>> -> memref<80x128xf32, #tpu.memory_space<vmem_shared>>
      %dma_start3A_186 = arith.constant 0 : i32
      %dma_start3A_187 = tpu.memref_slice %arg17[%add3A_16, %dma_start3A_186] : memref<10000x128xf32, #tpu.memory_space<vmem_shared>> -> memref<80x128xf32, #tpu.memory_space<vmem_shared>>
      tpu.enqueue_dma source(%arg8 : memref<80x128xf32, #tpu.memory_space<vmem>>) target(%dma_start3A_187 : memref<80x128xf32, #tpu.memory_space<vmem_shared>>) target_semaphore(%run_scoped3A : memref<!tpu.dma_semaphore, #tpu.memory_space<semaphore_mem>>)
      %dma_wait3A_188 = arith.constant 0 : i32
      %dma_wait3A_189 = tpu.memref_slice %arg17[%add3A_16, %dma_wait3A_188] : memref<10000x128xf32, #tpu.memory_space<vmem_shared>> -> memref<80x128xf32, #tpu.memory_space<vmem_shared>>
      %dma_wait3A_190 = arith.constant 0 : i32
      %dma_wait3A_191 = tpu.memref_slice %arg17[%add3A_16, %dma_wait3A_190] : memref<10000x128xf32, #tpu.memory_space<vmem_shared>> -> memref<80x128xf32, #tpu.memory_space<vmem_shared>>
      tpu.wait_dma2 semaphore(%run_scoped3A : memref<!tpu.dma_semaphore, #tpu.memory_space<semaphore_mem>>) src(%arg8 : memref<80x128xf32, #tpu.memory_space<vmem>>) dst(%dma_wait3A_191 : memref<80x128xf32, #tpu.memory_space<vmem_shared>>)
      tpu.yield
    }) : () -> ()
    %add3A_17 = arith.constant 240 : i32
    %add3A_18 = arith.addi %multiple_of3A, %add3A_17 : i32
    "tpu.region"() ({
      %run_scoped3A = tpu.sem_alloc : memref<!tpu.dma_semaphore, #tpu.memory_space<semaphore_mem>>
      %dma_start3A_184 = arith.constant 0 : i32
      %dma_start3A_185 = tpu.memref_slice %arg17[%add3A_18, %dma_start3A_184] : memref<10000x128xf32, #tpu.memory_space<vmem_shared>> -> memref<80x128xf32, #tpu.memory_space<vmem_shared>>
      %dma_start3A_186 = arith.constant 0 : i32
      %dma_start3A_187 = tpu.memref_slice %arg17[%add3A_18, %dma_start3A_186] : memref<10000x128xf32, #tpu.memory_space<vmem_shared>> -> memref<80x128xf32, #tpu.memory_space<vmem_shared>>
      tpu.enqueue_dma source(%arg8 : memref<80x128xf32, #tpu.memory_space<vmem>>) target(%dma_start3A_187 : memref<80x128xf32, #tpu.memory_space<vmem_shared>>) target_semaphore(%run_scoped3A : memref<!tpu.dma_semaphore, #tpu.memory_space<semaphore_mem>>)
      %dma_wait3A_188 = arith.constant 0 : i32
      %dma_wait3A_189 = tpu.memref_slice %arg17[%add3A_18, %dma_wait3A_188] : memref<10000x128xf32, #tpu.memory_space<vmem_shared>> -> memref<80x128xf32, #tpu.memory_space<vmem_shared>>
      %dma_wait3A_190 = arith.constant 0 : i32
      %dma_wait3A_191 = tpu.memref_slice %arg17[%add3A_18, %dma_wait3A_190] : memref<10000x128xf32, #tpu.memory_space<vmem_shared>> -> memref<80x128xf32, #tpu.memory_space<vmem_shared>>
      tpu.wait_dma2 semaphore(%run_scoped3A : memref<!tpu.dma_semaphore, #tpu.memory_space<semaphore_mem>>) src(%arg8 : memref<80x128xf32, #tpu.memory_space<vmem>>) dst(%dma_wait3A_191 : memref<80x128xf32, #tpu.memory_space<vmem_shared>>)
      tpu.yield
    }) : () -> ()
    %add3A_19 = arith.constant 320 : i32
    %add3A_20 = arith.addi %multiple_of3A, %add3A_19 : i32
    "tpu.region"() ({
      %run_scoped3A = tpu.sem_alloc : memref<!tpu.dma_semaphore, #tpu.memory_space<semaphore_mem>>
      %dma_start3A_184 = arith.constant 0 : i32
      %dma_start3A_185 = tpu.memref_slice %arg17[%add3A_20, %dma_start3A_184] : memref<10000x128xf32, #tpu.memory_space<vmem_shared>> -> memref<80x128xf32, #tpu.memory_space<vmem_shared>>
      %dma_start3A_186 = arith.constant 0 : i32
      %dma_start3A_187 = tpu.memref_slice %arg17[%add3A_20, %dma_start3A_186] : memref<10000x128xf32, #tpu.memory_space<vmem_shared>> -> memref<80x128xf32, #tpu.memory_space<vmem_shared>>
      tpu.enqueue_dma source(%arg8 : memref<80x128xf32, #tpu.memory_space<vmem>>) target(%dma_start3A_187 : memref<80x128xf32, #tpu.memory_space<vmem_shared>>) target_semaphore(%run_scoped3A : memref<!tpu.dma_semaphore, #tpu.memory_space<semaphore_mem>>)
      %dma_wait3A_188 = arith.constant 0 : i32
      %dma_wait3A_189 = tpu.memref_slice %arg17[%add3A_20, %dma_wait3A_188] : memref<10000x128xf32, #tpu.memory_space<vmem_shared>> -> memref<80x128xf32, #tpu.memory_space<vmem_shared>>
      %dma_wait3A_190 = arith.constant 0 : i32
      %dma_wait3A_191 = tpu.memref_slice %arg17[%add3A_20, %dma_wait3A_190] : memref<10000x128xf32, #tpu.memory_space<vmem_shared>> -> memref<80x128xf32, #tpu.memory_space<vmem_shared>>
      tpu.wait_dma2 semaphore(%run_scoped3A : memref<!tpu.dma_semaphore, #tpu.memory_space<semaphore_mem>>) src(%arg8 : memref<80x128xf32, #tpu.memory_space<vmem>>) dst(%dma_wait3A_191 : memref<80x128xf32, #tpu.memory_space<vmem_shared>>)
      tpu.yield
    }) : () -> ()
    %add3A_21 = arith.constant 400 : i32
    %add3A_22 = arith.addi %multiple_of3A, %add3A_21 : i32
    "tpu.region"() ({
      %run_scoped3A = tpu.sem_alloc : memref<!tpu.dma_semaphore, #tpu.memory_space<semaphore_mem>>
      %dma_start3A_184 = arith.constant 0 : i32
      %dma_start3A_185 = tpu.memref_slice %arg17[%add3A_22, %dma_start3A_184] : memref<10000x128xf32, #tpu.memory_space<vmem_shared>> -> memref<80x128xf32, #tpu.memory_space<vmem_shared>>
      %dma_start3A_186 = arith.constant 0 : i32
      %dma_start3A_187 = tpu.memref_slice %arg17[%add3A_22, %dma_start3A_186] : memref<10000x128xf32, #tpu.memory_space<vmem_shared>> -> memref<80x128xf32, #tpu.memory_space<vmem_shared>>
      tpu.enqueue_dma source(%arg8 : memref<80x128xf32, #tpu.memory_space<vmem>>) target(%dma_start3A_187 : memref<80x128xf32, #tpu.memory_space<vmem_shared>>) target_semaphore(%run_scoped3A : memref<!tpu.dma_semaphore, #tpu.memory_space<semaphore_mem>>)
      %dma_wait3A_188 = arith.constant 0 : i32
      %dma_wait3A_189 = tpu.memref_slice %arg17[%add3A_22, %dma_wait3A_188] : memref<10000x128xf32, #tpu.memory_space<vmem_shared>> -> memref<80x128xf32, #tpu.memory_space<vmem_shared>>
      %dma_wait3A_190 = arith.constant 0 : i32
      %dma_wait3A_191 = tpu.memref_slice %arg17[%add3A_22, %dma_wait3A_190] : memref<10000x128xf32, #tpu.memory_space<vmem_shared>> -> memref<80x128xf32, #tpu.memory_space<vmem_shared>>
      tpu.wait_dma2 semaphore(%run_scoped3A : memref<!tpu.dma_semaphore, #tpu.memory_space<semaphore_mem>>) src(%arg8 : memref<80x128xf32, #tpu.memory_space<vmem>>) dst(%dma_wait3A_191 : memref<80x128xf32, #tpu.memory_space<vmem_shared>>)
      tpu.yield
    }) : () -> ()
    %add3A_23 = arith.constant 480 : i32
    %add3A_24 = arith.addi %multiple_of3A, %add3A_23 : i32
    "tpu.region"() ({
      %run_scoped3A = tpu.sem_alloc : memref<!tpu.dma_semaphore, #tpu.memory_space<semaphore_mem>>
      %dma_start3A_184 = arith.constant 0 : i32
      %dma_start3A_185 = tpu.memref_slice %arg17[%add3A_24, %dma_start3A_184] : memref<10000x128xf32, #tpu.memory_space<vmem_shared>> -> memref<80x128xf32, #tpu.memory_space<vmem_shared>>
      %dma_start3A_186 = arith.constant 0 : i32
      %dma_start3A_187 = tpu.memref_slice %arg17[%add3A_24, %dma_start3A_186] : memref<10000x128xf32, #tpu.memory_space<vmem_shared>> -> memref<80x128xf32, #tpu.memory_space<vmem_shared>>
      tpu.enqueue_dma source(%arg8 : memref<80x128xf32, #tpu.memory_space<vmem>>) target(%dma_start3A_187 : memref<80x128xf32, #tpu.memory_space<vmem_shared>>) target_semaphore(%run_scoped3A : memref<!tpu.dma_semaphore, #tpu.memory_space<semaphore_mem>>)
      %dma_wait3A_188 = arith.constant 0 : i32
      %dma_wait3A_189 = tpu.memref_slice %arg17[%add3A_24, %dma_wait3A_188] : memref<10000x128xf32, #tpu.memory_space<vmem_shared>> -> memref<80x128xf32, #tpu.memory_space<vmem_shared>>
      %dma_wait3A_190 = arith.constant 0 : i32
      %dma_wait3A_191 = tpu.memref_slice %arg17[%add3A_24, %dma_wait3A_190] : memref<10000x128xf32, #tpu.memory_space<vmem_shared>> -> memref<80x128xf32, #tpu.memory_space<vmem_shared>>
      tpu.wait_dma2 semaphore(%run_scoped3A : memref<!tpu.dma_semaphore, #tpu.memory_space<semaphore_mem>>) src(%arg8 : memref<80x128xf32, #tpu.memory_space<vmem>>) dst(%dma_wait3A_191 : memref<80x128xf32, #tpu.memory_space<vmem_shared>>)
      tpu.yield
    }) : () -> ()
    %add3A_25 = arith.constant 560 : i32
    %add3A_26 = arith.addi %multiple_of3A, %add3A_25 : i32
    "tpu.region"() ({
      %run_scoped3A = tpu.sem_alloc : memref<!tpu.dma_semaphore, #tpu.memory_space<semaphore_mem>>
      %dma_start3A_184 = arith.constant 0 : i32
      %dma_start3A_185 = tpu.memref_slice %arg17[%add3A_26, %dma_start3A_184] : memref<10000x128xf32, #tpu.memory_space<vmem_shared>> -> memref<80x128xf32, #tpu.memory_space<vmem_shared>>
      %dma_start3A_186 = arith.constant 0 : i32
      %dma_start3A_187 = tpu.memref_slice %arg17[%add3A_26, %dma_start3A_186] : memref<10000x128xf32, #tpu.memory_space<vmem_shared>> -> memref<80x128xf32, #tpu.memory_space<vmem_shared>>
      tpu.enqueue_dma source(%arg8 : memref<80x128xf32, #tpu.memory_space<vmem>>) target(%dma_start3A_187 : memref<80x128xf32, #tpu.memory_space<vmem_shared>>) target_semaphore(%run_scoped3A : memref<!tpu.dma_semaphore, #tpu.memory_space<semaphore_mem>>)
      %dma_wait3A_188 = arith.constant 0 : i32
      %dma_wait3A_189 = tpu.memref_slice %arg17[%add3A_26, %dma_wait3A_188] : memref<10000x128xf32, #tpu.memory_space<vmem_shared>> -> memref<80x128xf32, #tpu.memory_space<vmem_shared>>
      %dma_wait3A_190 = arith.constant 0 : i32
      %dma_wait3A_191 = tpu.memref_slice %arg17[%add3A_26, %dma_wait3A_190] : memref<10000x128xf32, #tpu.memory_space<vmem_shared>> -> memref<80x128xf32, #tpu.memory_space<vmem_shared>>
      tpu.wait_dma2 semaphore(%run_scoped3A : memref<!tpu.dma_semaphore, #tpu.memory_space<semaphore_mem>>) src(%arg8 : memref<80x128xf32, #tpu.memory_space<vmem>>) dst(%dma_wait3A_191 : memref<80x128xf32, #tpu.memory_space<vmem_shared>>)
      tpu.yield
    }) : () -> ()
    %barrier3A = arith.constant 0 : index
    tpu.barrier barrier_id(%barrier3A)
    %multiple_of3A_27 = arith.constant 0 : i32
    %multiple_of3A_28 = tpu.assume_multiple %multiple_of3A_27, 8 : i32
    %dma_start3A = tpu.memref_slice %arg6[%multiple_of3A_28] : memref<10000xi32, #tpu.memory_space<vmem>> -> memref<80xi32, #tpu.memory_space<vmem>>
    %dma_start3A_29 = arith.constant 0 : i32
    %dma_start3A_30 = arith.constant 0 : i32
    %dma_start3A_31 = tpu.memref_slice %arg2[%dma_start3A_29, %dma_start3A_30] : memref<10000x128xf32, #tpu.memory_space<hbm>> -> memref<10000x128xf32, #tpu.memory_space<hbm>>
    tpu.enqueue_indirect_dma source(%dma_start3A_31 : memref<10000x128xf32, #tpu.memory_space<hbm>>) target(%arg8 : memref<80x128xf32, #tpu.memory_space<vmem>>) offsets(%dma_start3A : memref<80xi32, #tpu.memory_space<vmem>>) semaphore(%arg11 : memref<!tpu.dma_semaphore, #tpu.memory_space<semaphore_mem>>)
    %multiple_of3A_32 = arith.constant 80 : i32
    %multiple_of3A_33 = tpu.assume_multiple %multiple_of3A_32, 8 : i32
    %dma_start3A_34 = tpu.memref_slice %arg6[%multiple_of3A_33] : memref<10000xi32, #tpu.memory_space<vmem>> -> memref<80xi32, #tpu.memory_space<vmem>>
    %dma_start3A_35 = arith.constant 0 : i32
    %dma_start3A_36 = arith.constant 0 : i32
    %dma_start3A_37 = tpu.memref_slice %arg2[%dma_start3A_35, %dma_start3A_36] : memref<10000x128xf32, #tpu.memory_space<hbm>> -> memref<10000x128xf32, #tpu.memory_space<hbm>>
    tpu.enqueue_indirect_dma source(%dma_start3A_37 : memref<10000x128xf32, #tpu.memory_space<hbm>>) target(%arg9 : memref<80x128xf32, #tpu.memory_space<vmem>>) offsets(%dma_start3A_34 : memref<80xi32, #tpu.memory_space<vmem>>) semaphore(%arg12 : memref<!tpu.dma_semaphore, #tpu.memory_space<semaphore_mem>>)
    %multiple_of3A_38 = arith.constant 0 : i32
    %multiple_of3A_39 = tpu.assume_multiple %multiple_of3A_38, 8 : i32
    %dma_wait3A = tpu.memref_slice %arg6[%multiple_of3A_39] : memref<10000xi32, #tpu.memory_space<vmem>> -> memref<80xi32, #tpu.memory_space<vmem>>
    %dma_wait3A_40 = arith.constant 0 : i32
    %dma_wait3A_41 = arith.constant 0 : i32
    %dma_wait3A_42 = tpu.memref_slice %arg2[%dma_wait3A_40, %dma_wait3A_41] : memref<10000x128xf32, #tpu.memory_space<hbm>> -> memref<10000x128xf32, #tpu.memory_space<hbm>>
    tpu.wait_indirect_dma semaphore(%arg11 : memref<!tpu.dma_semaphore, #tpu.memory_space<semaphore_mem>>) src(%dma_wait3A_42 : memref<10000x128xf32, #tpu.memory_space<hbm>>) dst(%arg8 : memref<80x128xf32, #tpu.memory_space<vmem>>)
    %multiple_of3A_43 = arith.constant 0 : i32
    %multiple_of3A_44 = tpu.assume_multiple %multiple_of3A_43, 8 : i32
    %dma_start3A_45 = tpu.memref_slice %arg7[%multiple_of3A_44] : memref<10000xi32, #tpu.memory_space<vmem>> -> memref<80xi32, #tpu.memory_space<vmem>>
    %dma_start3A_46 = arith.constant 0 : i32
    %dma_start3A_47 = arith.constant 0 : i32
    %dma_start3A_48 = tpu.memref_slice %arg17[%dma_start3A_46, %dma_start3A_47] : memref<10000x128xf32, #tpu.memory_space<vmem_shared>> -> memref<10000x128xf32, #tpu.memory_space<vmem_shared>>
    tpu.enqueue_indirect_dma source(%arg8 : memref<80x128xf32, #tpu.memory_space<vmem>>) target(%dma_start3A_48 : memref<10000x128xf32, #tpu.memory_space<vmem_shared>>) offsets(%dma_start3A_45 : memref<80xi32, #tpu.memory_space<vmem>>) semaphore(%arg14 : memref<!tpu.dma_semaphore, #tpu.memory_space<semaphore_mem>>) {add = true}
    %multiple_of3A_49 = arith.constant 160 : i32
    %multiple_of3A_50 = tpu.assume_multiple %multiple_of3A_49, 8 : i32
    %dma_start3A_51 = tpu.memref_slice %arg6[%multiple_of3A_50] : memref<10000xi32, #tpu.memory_space<vmem>> -> memref<80xi32, #tpu.memory_space<vmem>>
    %dma_start3A_52 = arith.constant 0 : i32
    %dma_start3A_53 = arith.constant 0 : i32
    %dma_start3A_54 = tpu.memref_slice %arg2[%dma_start3A_52, %dma_start3A_53] : memref<10000x128xf32, #tpu.memory_space<hbm>> -> memref<10000x128xf32, #tpu.memory_space<hbm>>
    tpu.enqueue_indirect_dma source(%dma_start3A_54 : memref<10000x128xf32, #tpu.memory_space<hbm>>) target(%arg10 : memref<80x128xf32, #tpu.memory_space<vmem>>) offsets(%dma_start3A_51 : memref<80xi32, #tpu.memory_space<vmem>>) semaphore(%arg13 : memref<!tpu.dma_semaphore, #tpu.memory_space<semaphore_mem>>)
    %multiple_of3A_55 = arith.constant 0 : i32
    %multiple_of3A_56 = tpu.assume_multiple %multiple_of3A_55, 8 : i32
    %dma_wait3A_57 = tpu.memref_slice %arg6[%multiple_of3A_56] : memref<10000xi32, #tpu.memory_space<vmem>> -> memref<80xi32, #tpu.memory_space<vmem>>
    %dma_wait3A_58 = arith.constant 0 : i32
    %dma_wait3A_59 = arith.constant 0 : i32
    %dma_wait3A_60 = tpu.memref_slice %arg2[%dma_wait3A_58, %dma_wait3A_59] : memref<10000x128xf32, #tpu.memory_space<hbm>> -> memref<10000x128xf32, #tpu.memory_space<hbm>>
    tpu.wait_indirect_dma semaphore(%arg12 : memref<!tpu.dma_semaphore, #tpu.memory_space<semaphore_mem>>) src(%dma_wait3A_60 : memref<10000x128xf32, #tpu.memory_space<hbm>>) dst(%arg9 : memref<80x128xf32, #tpu.memory_space<vmem>>)
    %multiple_of3A_61 = arith.constant 80 : i32
    %multiple_of3A_62 = tpu.assume_multiple %multiple_of3A_61, 8 : i32
    %dma_start3A_63 = tpu.memref_slice %arg7[%multiple_of3A_62] : memref<10000xi32, #tpu.memory_space<vmem>> -> memref<80xi32, #tpu.memory_space<vmem>>
    %dma_start3A_64 = arith.constant 0 : i32
    %dma_start3A_65 = arith.constant 0 : i32
    %dma_start3A_66 = tpu.memref_slice %arg17[%dma_start3A_64, %dma_start3A_65] : memref<10000x128xf32, #tpu.memory_space<vmem_shared>> -> memref<10000x128xf32, #tpu.memory_space<vmem_shared>>
    tpu.enqueue_indirect_dma source(%arg9 : memref<80x128xf32, #tpu.memory_space<vmem>>) target(%dma_start3A_66 : memref<10000x128xf32, #tpu.memory_space<vmem_shared>>) offsets(%dma_start3A_63 : memref<80xi32, #tpu.memory_space<vmem>>) semaphore(%arg15 : memref<!tpu.dma_semaphore, #tpu.memory_space<semaphore_mem>>) {add = true}
    %scan3A_67 = arith.constant 0 : i32
    %scan3A_68 = arith.constant 0 : i32
    %scan3A_69 = arith.constant 40 : i32
    %scan3A_70 = arith.addi %scan3A_68, %scan3A_69 : i32
    %scan3A_71 = arith.constant 1 : i32
    scf.for %scan3A_184 = %scan3A_68 to %scan3A_70 step %scan3A_71  : i32 {
      %mul3A_185 = arith.constant 3 : i32
      %mul3A_186 = arith.muli %mul3A_185, %scan3A_184 : i32
      %add3A_187 = arith.constant 2 : i32
      %add3A_188 = arith.addi %add3A_187, %mul3A_186 : i32
      %add3A_189 = arith.constant 0 : i32
      %add3A_190 = arith.addi %add3A_188, %add3A_189 : i32
      %multiple_of3A_191 = arith.constant 0 : i32
      %multiple_of3A_192 = tpu.assume_multiple %multiple_of3A_191, 8 : i32
      %dma_wait3A_193 = tpu.memref_slice %arg7[%multiple_of3A_192] : memref<10000xi32, #tpu.memory_space<vmem>> -> memref<80xi32, #tpu.memory_space<vmem>>
      %dma_wait3A_194 = arith.constant 0 : i32
      %dma_wait3A_195 = arith.constant 0 : i32
      %dma_wait3A_196 = tpu.memref_slice %arg17[%dma_wait3A_194, %dma_wait3A_195] : memref<10000x128xf32, #tpu.memory_space<vmem_shared>> -> memref<10000x128xf32, #tpu.memory_space<vmem_shared>>
      tpu.wait_indirect_dma semaphore(%arg14 : memref<!tpu.dma_semaphore, #tpu.memory_space<semaphore_mem>>) src(%arg8 : memref<80x128xf32, #tpu.memory_space<vmem>>) dst(%dma_wait3A_196 : memref<10000x128xf32, #tpu.memory_space<vmem_shared>>)
      %add3A_197 = arith.constant 1 : i32
      %add3A_198 = arith.addi %add3A_190, %add3A_197 : i32
      %mul3A_199 = arith.constant 80 : i32
      %mul3A_200 = arith.muli %add3A_198, %mul3A_199 : i32
      %multiple_of3A_201 = tpu.assume_multiple %mul3A_200, 8 : i32
      %dma_start3A_202 = tpu.memref_slice %arg6[%multiple_of3A_201] : memref<10000xi32, #tpu.memory_space<vmem>> -> memref<80xi32, #tpu.memory_space<vmem>>
      %dma_start3A_203 = arith.constant 0 : i32
      %dma_start3A_204 = arith.constant 0 : i32
      %dma_start3A_205 = tpu.memref_slice %arg2[%dma_start3A_203, %dma_start3A_204] : memref<10000x128xf32, #tpu.memory_space<hbm>> -> memref<10000x128xf32, #tpu.memory_space<hbm>>
      tpu.enqueue_indirect_dma source(%dma_start3A_205 : memref<10000x128xf32, #tpu.memory_space<hbm>>) target(%arg8 : memref<80x128xf32, #tpu.memory_space<vmem>>) offsets(%dma_start3A_202 : memref<80xi32, #tpu.memory_space<vmem>>) semaphore(%arg11 : memref<!tpu.dma_semaphore, #tpu.memory_space<semaphore_mem>>)
      %multiple_of3A_206 = arith.constant 0 : i32
      %multiple_of3A_207 = tpu.assume_multiple %multiple_of3A_206, 8 : i32
      %dma_wait3A_208 = tpu.memref_slice %arg6[%multiple_of3A_207] : memref<10000xi32, #tpu.memory_space<vmem>> -> memref<80xi32, #tpu.memory_space<vmem>>
      %dma_wait3A_209 = arith.constant 0 : i32
      %dma_wait3A_210 = arith.constant 0 : i32
      %dma_wait3A_211 = tpu.memref_slice %arg2[%dma_wait3A_209, %dma_wait3A_210] : memref<10000x128xf32, #tpu.memory_space<hbm>> -> memref<10000x128xf32, #tpu.memory_space<hbm>>
      tpu.wait_indirect_dma semaphore(%arg13 : memref<!tpu.dma_semaphore, #tpu.memory_space<semaphore_mem>>) src(%dma_wait3A_211 : memref<10000x128xf32, #tpu.memory_space<hbm>>) dst(%arg10 : memref<80x128xf32, #tpu.memory_space<vmem>>)
      %mul3A_212 = arith.constant 80 : i32
      %mul3A_213 = arith.muli %add3A_190, %mul3A_212 : i32
      %multiple_of3A_214 = tpu.assume_multiple %mul3A_213, 8 : i32
      %dma_start3A_215 = tpu.memref_slice %arg7[%multiple_of3A_214] : memref<10000xi32, #tpu.memory_space<vmem>> -> memref<80xi32, #tpu.memory_space<vmem>>
      %dma_start3A_216 = arith.constant 0 : i32
      %dma_start3A_217 = arith.constant 0 : i32
      %dma_start3A_218 = tpu.memref_slice %arg17[%dma_start3A_216, %dma_start3A_217] : memref<10000x128xf32, #tpu.memory_space<vmem_shared>> -> memref<10000x128xf32, #tpu.memory_space<vmem_shared>>
      tpu.enqueue_indirect_dma source(%arg10 : memref<80x128xf32, #tpu.memory_space<vmem>>) target(%dma_start3A_218 : memref<10000x128xf32, #tpu.memory_space<vmem_shared>>) offsets(%dma_start3A_215 : memref<80xi32, #tpu.memory_space<vmem>>) semaphore(%arg16 : memref<!tpu.dma_semaphore, #tpu.memory_space<semaphore_mem>>) {add = true}
      %mul3A_219 = arith.constant 3 : i32
      %mul3A_220 = arith.muli %mul3A_219, %scan3A_184 : i32
      %add3A_221 = arith.constant 2 : i32
      %add3A_222 = arith.addi %add3A_221, %mul3A_220 : i32
      %add3A_223 = arith.constant 1 : i32
      %add3A_224 = arith.addi %add3A_222, %add3A_223 : i32
      %multiple_of3A_225 = arith.constant 0 : i32
      %multiple_of3A_226 = tpu.assume_multiple %multiple_of3A_225, 8 : i32
      %dma_wait3A_227 = tpu.memref_slice %arg7[%multiple_of3A_226] : memref<10000xi32, #tpu.memory_space<vmem>> -> memref<80xi32, #tpu.memory_space<vmem>>
      %dma_wait3A_228 = arith.constant 0 : i32
      %dma_wait3A_229 = arith.constant 0 : i32
      %dma_wait3A_230 = tpu.memref_slice %arg17[%dma_wait3A_228, %dma_wait3A_229] : memref<10000x128xf32, #tpu.memory_space<vmem_shared>> -> memref<10000x128xf32, #tpu.memory_space<vmem_shared>>
      tpu.wait_indirect_dma semaphore(%arg15 : memref<!tpu.dma_semaphore, #tpu.memory_space<semaphore_mem>>) src(%arg9 : memref<80x128xf32, #tpu.memory_space<vmem>>) dst(%dma_wait3A_230 : memref<10000x128xf32, #tpu.memory_space<vmem_shared>>)
      %add3A_231 = arith.constant 1 : i32
      %add3A_232 = arith.addi %add3A_224, %add3A_231 : i32
      %mul3A_233 = arith.constant 80 : i32
      %mul3A_234 = arith.muli %add3A_232, %mul3A_233 : i32
      %multiple_of3A_235 = tpu.assume_multiple %mul3A_234, 8 : i32
      %dma_start3A_236 = tpu.memref_slice %arg6[%multiple_of3A_235] : memref<10000xi32, #tpu.memory_space<vmem>> -> memref<80xi32, #tpu.memory_space<vmem>>
      %dma_start3A_237 = arith.constant 0 : i32
      %dma_start3A_238 = arith.constant 0 : i32
      %dma_start3A_239 = tpu.memref_slice %arg2[%dma_start3A_237, %dma_start3A_238] : memref<10000x128xf32, #tpu.memory_space<hbm>> -> memref<10000x128xf32, #tpu.memory_space<hbm>>
      tpu.enqueue_indirect_dma source(%dma_start3A_239 : memref<10000x128xf32, #tpu.memory_space<hbm>>) target(%arg9 : memref<80x128xf32, #tpu.memory_space<vmem>>) offsets(%dma_start3A_236 : memref<80xi32, #tpu.memory_space<vmem>>) semaphore(%arg12 : memref<!tpu.dma_semaphore, #tpu.memory_space<semaphore_mem>>)
      %multiple_of3A_240 = arith.constant 0 : i32
      %multiple_of3A_241 = tpu.assume_multiple %multiple_of3A_240, 8 : i32
      %dma_wait3A_242 = tpu.memref_slice %arg6[%multiple_of3A_241] : memref<10000xi32, #tpu.memory_space<vmem>> -> memref<80xi32, #tpu.memory_space<vmem>>
      %dma_wait3A_243 = arith.constant 0 : i32
      %dma_wait3A_244 = arith.constant 0 : i32
      %dma_wait3A_245 = tpu.memref_slice %arg2[%dma_wait3A_243, %dma_wait3A_244] : memref<10000x128xf32, #tpu.memory_space<hbm>> -> memref<10000x128xf32, #tpu.memory_space<hbm>>
      tpu.wait_indirect_dma semaphore(%arg11 : memref<!tpu.dma_semaphore, #tpu.memory_space<semaphore_mem>>) src(%dma_wait3A_245 : memref<10000x128xf32, #tpu.memory_space<hbm>>) dst(%arg8 : memref<80x128xf32, #tpu.memory_space<vmem>>)
      %mul3A_246 = arith.constant 80 : i32
      %mul3A_247 = arith.muli %add3A_224, %mul3A_246 : i32
      %multiple_of3A_248 = tpu.assume_multiple %mul3A_247, 8 : i32
      %dma_start3A_249 = tpu.memref_slice %arg7[%multiple_of3A_248] : memref<10000xi32, #tpu.memory_space<vmem>> -> memref<80xi32, #tpu.memory_space<vmem>>
      %dma_start3A_250 = arith.constant 0 : i32
      %dma_start3A_251 = arith.constant 0 : i32
      %dma_start3A_252 = tpu.memref_slice %arg17[%dma_start3A_250, %dma_start3A_251] : memref<10000x128xf32, #tpu.memory_space<vmem_shared>> -> memref<10000x128xf32, #tpu.memory_space<vmem_shared>>
      tpu.enqueue_indirect_dma source(%arg8 : memref<80x128xf32, #tpu.memory_space<vmem>>) target(%dma_start3A_252 : memref<10000x128xf32, #tpu.memory_space<vmem_shared>>) offsets(%dma_start3A_249 : memref<80xi32, #tpu.memory_space<vmem>>) semaphore(%arg14 : memref<!tpu.dma_semaphore, #tpu.memory_space<semaphore_mem>>) {add = true}
      %mul3A_253 = arith.constant 3 : i32
      %mul3A_254 = arith.muli %mul3A_253, %scan3A_184 : i32
      %add3A_255 = arith.constant 2 : i32
      %add3A_256 = arith.addi %add3A_255, %mul3A_254 : i32
      %add3A_257 = arith.constant 2 : i32
      %add3A_258 = arith.addi %add3A_256, %add3A_257 : i32
      %multiple_of3A_259 = arith.constant 0 : i32
      %multiple_of3A_260 = tpu.assume_multiple %multiple_of3A_259, 8 : i32
      %dma_wait3A_261 = tpu.memref_slice %arg7[%multiple_of3A_260] : memref<10000xi32, #tpu.memory_space<vmem>> -> memref<80xi32, #tpu.memory_space<vmem>>
      %dma_wait3A_262 = arith.constant 0 : i32
      %dma_wait3A_263 = arith.constant 0 : i32
      %dma_wait3A_264 = tpu.memref_slice %arg17[%dma_wait3A_262, %dma_wait3A_263] : memref<10000x128xf32, #tpu.memory_space<vmem_shared>> -> memref<10000x128xf32, #tpu.memory_space<vmem_shared>>
      tpu.wait_indirect_dma semaphore(%arg16 : memref<!tpu.dma_semaphore, #tpu.memory_space<semaphore_mem>>) src(%arg10 : memref<80x128xf32, #tpu.memory_space<vmem>>) dst(%dma_wait3A_264 : memref<10000x128xf32, #tpu.memory_space<vmem_shared>>)
      %add3A_265 = arith.constant 1 : i32
      %add3A_266 = arith.addi %add3A_258, %add3A_265 : i32
      %mul3A_267 = arith.constant 80 : i32
      %mul3A_268 = arith.muli %add3A_266, %mul3A_267 : i32
      %multiple_of3A_269 = tpu.assume_multiple %mul3A_268, 8 : i32
      %dma_start3A_270 = tpu.memref_slice %arg6[%multiple_of3A_269] : memref<10000xi32, #tpu.memory_space<vmem>> -> memref<80xi32, #tpu.memory_space<vmem>>
      %dma_start3A_271 = arith.constant 0 : i32
      %dma_start3A_272 = arith.constant 0 : i32
      %dma_start3A_273 = tpu.memref_slice %arg2[%dma_start3A_271, %dma_start3A_272] : memref<10000x128xf32, #tpu.memory_space<hbm>> -> memref<10000x128xf32, #tpu.memory_space<hbm>>
      tpu.enqueue_indirect_dma source(%dma_start3A_273 : memref<10000x128xf32, #tpu.memory_space<hbm>>) target(%arg10 : memref<80x128xf32, #tpu.memory_space<vmem>>) offsets(%dma_start3A_270 : memref<80xi32, #tpu.memory_space<vmem>>) semaphore(%arg13 : memref<!tpu.dma_semaphore, #tpu.memory_space<semaphore_mem>>)
      %multiple_of3A_274 = arith.constant 0 : i32
      %multiple_of3A_275 = tpu.assume_multiple %multiple_of3A_274, 8 : i32
      %dma_wait3A_276 = tpu.memref_slice %arg6[%multiple_of3A_275] : memref<10000xi32, #tpu.memory_space<vmem>> -> memref<80xi32, #tpu.memory_space<vmem>>
      %dma_wait3A_277 = arith.constant 0 : i32
      %dma_wait3A_278 = arith.constant 0 : i32
      %dma_wait3A_279 = tpu.memref_slice %arg2[%dma_wait3A_277, %dma_wait3A_278] : memref<10000x128xf32, #tpu.memory_space<hbm>> -> memref<10000x128xf32, #tpu.memory_space<hbm>>
      tpu.wait_indirect_dma semaphore(%arg12 : memref<!tpu.dma_semaphore, #tpu.memory_space<semaphore_mem>>) src(%dma_wait3A_279 : memref<10000x128xf32, #tpu.memory_space<hbm>>) dst(%arg9 : memref<80x128xf32, #tpu.memory_space<vmem>>)
      %mul3A_280 = arith.constant 80 : i32
      %mul3A_281 = arith.muli %add3A_258, %mul3A_280 : i32
      %multiple_of3A_282 = tpu.assume_multiple %mul3A_281, 8 : i32
      %dma_start3A_283 = tpu.memref_slice %arg7[%multiple_of3A_282] : memref<10000xi32, #tpu.memory_space<vmem>> -> memref<80xi32, #tpu.memory_space<vmem>>
      %dma_start3A_284 = arith.constant 0 : i32
      %dma_start3A_285 = arith.constant 0 : i32
      %dma_start3A_286 = tpu.memref_slice %arg17[%dma_start3A_284, %dma_start3A_285] : memref<10000x128xf32, #tpu.memory_space<vmem_shared>> -> memref<10000x128xf32, #tpu.memory_space<vmem_shared>>
      tpu.enqueue_indirect_dma source(%arg9 : memref<80x128xf32, #tpu.memory_space<vmem>>) target(%dma_start3A_286 : memref<10000x128xf32, #tpu.memory_space<vmem_shared>>) offsets(%dma_start3A_283 : memref<80xi32, #tpu.memory_space<vmem>>) semaphore(%arg15 : memref<!tpu.dma_semaphore, #tpu.memory_space<semaphore_mem>>) {add = true}
    }
    %scan3A_72 = arith.constant 40 : i32
    %multiple_of3A_73 = arith.constant 0 : i32
    %multiple_of3A_74 = tpu.assume_multiple %multiple_of3A_73, 8 : i32
    %dma_wait3A_75 = tpu.memref_slice %arg7[%multiple_of3A_74] : memref<10000xi32, #tpu.memory_space<vmem>> -> memref<80xi32, #tpu.memory_space<vmem>>
    %dma_wait3A_76 = arith.constant 0 : i32
    %dma_wait3A_77 = arith.constant 0 : i32
    %dma_wait3A_78 = tpu.memref_slice %arg17[%dma_wait3A_76, %dma_wait3A_77] : memref<10000x128xf32, #tpu.memory_space<vmem_shared>> -> memref<10000x128xf32, #tpu.memory_space<vmem_shared>>
    tpu.wait_indirect_dma semaphore(%arg14 : memref<!tpu.dma_semaphore, #tpu.memory_space<semaphore_mem>>) src(%arg8 : memref<80x128xf32, #tpu.memory_space<vmem>>) dst(%dma_wait3A_78 : memref<10000x128xf32, #tpu.memory_space<vmem_shared>>)
    %multiple_of3A_79 = arith.constant 9840 : i32
    %multiple_of3A_80 = tpu.assume_multiple %multiple_of3A_79, 8 : i32
    %dma_start3A_81 = tpu.memref_slice %arg6[%multiple_of3A_80] : memref<10000xi32, #tpu.memory_space<vmem>> -> memref<80xi32, #tpu.memory_space<vmem>>
    %dma_start3A_82 = arith.constant 0 : i32
    %dma_start3A_83 = arith.constant 0 : i32
    %dma_start3A_84 = tpu.memref_slice %arg2[%dma_start3A_82, %dma_start3A_83] : memref<10000x128xf32, #tpu.memory_space<hbm>> -> memref<10000x128xf32, #tpu.memory_space<hbm>>
    tpu.enqueue_indirect_dma source(%dma_start3A_84 : memref<10000x128xf32, #tpu.memory_space<hbm>>) target(%arg8 : memref<80x128xf32, #tpu.memory_space<vmem>>) offsets(%dma_start3A_81 : memref<80xi32, #tpu.memory_space<vmem>>) semaphore(%arg11 : memref<!tpu.dma_semaphore, #tpu.memory_space<semaphore_mem>>)
    %multiple_of3A_85 = arith.constant 0 : i32
    %multiple_of3A_86 = tpu.assume_multiple %multiple_of3A_85, 8 : i32
    %dma_wait3A_87 = tpu.memref_slice %arg6[%multiple_of3A_86] : memref<10000xi32, #tpu.memory_space<vmem>> -> memref<80xi32, #tpu.memory_space<vmem>>
    %dma_wait3A_88 = arith.constant 0 : i32
    %dma_wait3A_89 = arith.constant 0 : i32
    %dma_wait3A_90 = tpu.memref_slice %arg2[%dma_wait3A_88, %dma_wait3A_89] : memref<10000x128xf32, #tpu.memory_space<hbm>> -> memref<10000x128xf32, #tpu.memory_space<hbm>>
    tpu.wait_indirect_dma semaphore(%arg13 : memref<!tpu.dma_semaphore, #tpu.memory_space<semaphore_mem>>) src(%dma_wait3A_90 : memref<10000x128xf32, #tpu.memory_space<hbm>>) dst(%arg10 : memref<80x128xf32, #tpu.memory_space<vmem>>)
    %multiple_of3A_91 = arith.constant 9760 : i32
    %multiple_of3A_92 = tpu.assume_multiple %multiple_of3A_91, 8 : i32
    %dma_start3A_93 = tpu.memref_slice %arg7[%multiple_of3A_92] : memref<10000xi32, #tpu.memory_space<vmem>> -> memref<80xi32, #tpu.memory_space<vmem>>
    %dma_start3A_94 = arith.constant 0 : i32
    %dma_start3A_95 = arith.constant 0 : i32
    %dma_start3A_96 = tpu.memref_slice %arg17[%dma_start3A_94, %dma_start3A_95] : memref<10000x128xf32, #tpu.memory_space<vmem_shared>> -> memref<10000x128xf32, #tpu.memory_space<vmem_shared>>
    tpu.enqueue_indirect_dma source(%arg10 : memref<80x128xf32, #tpu.memory_space<vmem>>) target(%dma_start3A_96 : memref<10000x128xf32, #tpu.memory_space<vmem_shared>>) offsets(%dma_start3A_93 : memref<80xi32, #tpu.memory_space<vmem>>) semaphore(%arg16 : memref<!tpu.dma_semaphore, #tpu.memory_space<semaphore_mem>>) {add = true}
    %multiple_of3A_97 = arith.constant 0 : i32
    %multiple_of3A_98 = tpu.assume_multiple %multiple_of3A_97, 8 : i32
    %dma_wait3A_99 = tpu.memref_slice %arg7[%multiple_of3A_98] : memref<10000xi32, #tpu.memory_space<vmem>> -> memref<80xi32, #tpu.memory_space<vmem>>
    %dma_wait3A_100 = arith.constant 0 : i32
    %dma_wait3A_101 = arith.constant 0 : i32
    %dma_wait3A_102 = tpu.memref_slice %arg17[%dma_wait3A_100, %dma_wait3A_101] : memref<10000x128xf32, #tpu.memory_space<vmem_shared>> -> memref<10000x128xf32, #tpu.memory_space<vmem_shared>>
    tpu.wait_indirect_dma semaphore(%arg15 : memref<!tpu.dma_semaphore, #tpu.memory_space<semaphore_mem>>) src(%arg9 : memref<80x128xf32, #tpu.memory_space<vmem>>) dst(%dma_wait3A_102 : memref<10000x128xf32, #tpu.memory_space<vmem_shared>>)
    %multiple_of3A_103 = arith.constant 9920 : i32
    %multiple_of3A_104 = tpu.assume_multiple %multiple_of3A_103, 8 : i32
    %dma_start3A_105 = tpu.memref_slice %arg6[%multiple_of3A_104] : memref<10000xi32, #tpu.memory_space<vmem>> -> memref<80xi32, #tpu.memory_space<vmem>>
    %dma_start3A_106 = arith.constant 0 : i32
    %dma_start3A_107 = arith.constant 0 : i32
    %dma_start3A_108 = tpu.memref_slice %arg2[%dma_start3A_106, %dma_start3A_107] : memref<10000x128xf32, #tpu.memory_space<hbm>> -> memref<10000x128xf32, #tpu.memory_space<hbm>>
    tpu.enqueue_indirect_dma source(%dma_start3A_108 : memref<10000x128xf32, #tpu.memory_space<hbm>>) target(%arg9 : memref<80x128xf32, #tpu.memory_space<vmem>>) offsets(%dma_start3A_105 : memref<80xi32, #tpu.memory_space<vmem>>) semaphore(%arg12 : memref<!tpu.dma_semaphore, #tpu.memory_space<semaphore_mem>>)
    %multiple_of3A_109 = arith.constant 0 : i32
    %multiple_of3A_110 = tpu.assume_multiple %multiple_of3A_109, 8 : i32
    %dma_wait3A_111 = tpu.memref_slice %arg6[%multiple_of3A_110] : memref<10000xi32, #tpu.memory_space<vmem>> -> memref<80xi32, #tpu.memory_space<vmem>>
    %dma_wait3A_112 = arith.constant 0 : i32
    %dma_wait3A_113 = arith.constant 0 : i32
    %dma_wait3A_114 = tpu.memref_slice %arg2[%dma_wait3A_112, %dma_wait3A_113] : memref<10000x128xf32, #tpu.memory_space<hbm>> -> memref<10000x128xf32, #tpu.memory_space<hbm>>
    tpu.wait_indirect_dma semaphore(%arg11 : memref<!tpu.dma_semaphore, #tpu.memory_space<semaphore_mem>>) src(%dma_wait3A_114 : memref<10000x128xf32, #tpu.memory_space<hbm>>) dst(%arg8 : memref<80x128xf32, #tpu.memory_space<vmem>>)
    %multiple_of3A_115 = arith.constant 9840 : i32
    %multiple_of3A_116 = tpu.assume_multiple %multiple_of3A_115, 8 : i32
    %dma_start3A_117 = tpu.memref_slice %arg7[%multiple_of3A_116] : memref<10000xi32, #tpu.memory_space<vmem>> -> memref<80xi32, #tpu.memory_space<vmem>>
    %dma_start3A_118 = arith.constant 0 : i32
    %dma_start3A_119 = arith.constant 0 : i32
    %dma_start3A_120 = tpu.memref_slice %arg17[%dma_start3A_118, %dma_start3A_119] : memref<10000x128xf32, #tpu.memory_space<vmem_shared>> -> memref<10000x128xf32, #tpu.memory_space<vmem_shared>>
    tpu.enqueue_indirect_dma source(%arg8 : memref<80x128xf32, #tpu.memory_space<vmem>>) target(%dma_start3A_120 : memref<10000x128xf32, #tpu.memory_space<vmem_shared>>) offsets(%dma_start3A_117 : memref<80xi32, #tpu.memory_space<vmem>>) semaphore(%arg14 : memref<!tpu.dma_semaphore, #tpu.memory_space<semaphore_mem>>) {add = true}
    %multiple_of3A_121 = arith.constant 0 : i32
    %multiple_of3A_122 = tpu.assume_multiple %multiple_of3A_121, 8 : i32
    %dma_wait3A_123 = tpu.memref_slice %arg6[%multiple_of3A_122] : memref<10000xi32, #tpu.memory_space<vmem>> -> memref<80xi32, #tpu.memory_space<vmem>>
    %dma_wait3A_124 = arith.constant 0 : i32
    %dma_wait3A_125 = arith.constant 0 : i32
    %dma_wait3A_126 = tpu.memref_slice %arg2[%dma_wait3A_124, %dma_wait3A_125] : memref<10000x128xf32, #tpu.memory_space<hbm>> -> memref<10000x128xf32, #tpu.memory_space<hbm>>
    tpu.wait_indirect_dma semaphore(%arg12 : memref<!tpu.dma_semaphore, #tpu.memory_space<semaphore_mem>>) src(%dma_wait3A_126 : memref<10000x128xf32, #tpu.memory_space<hbm>>) dst(%arg9 : memref<80x128xf32, #tpu.memory_space<vmem>>)
    %multiple_of3A_127 = arith.constant 9920 : i32
    %multiple_of3A_128 = tpu.assume_multiple %multiple_of3A_127, 8 : i32
    %dma_start3A_129 = tpu.memref_slice %arg7[%multiple_of3A_128] : memref<10000xi32, #tpu.memory_space<vmem>> -> memref<80xi32, #tpu.memory_space<vmem>>
    %dma_start3A_130 = arith.constant 0 : i32
    %dma_start3A_131 = arith.constant 0 : i32
    %dma_start3A_132 = tpu.memref_slice %arg17[%dma_start3A_130, %dma_start3A_131] : memref<10000x128xf32, #tpu.memory_space<vmem_shared>> -> memref<10000x128xf32, #tpu.memory_space<vmem_shared>>
    tpu.enqueue_indirect_dma source(%arg9 : memref<80x128xf32, #tpu.memory_space<vmem>>) target(%dma_start3A_132 : memref<10000x128xf32, #tpu.memory_space<vmem_shared>>) offsets(%dma_start3A_129 : memref<80xi32, #tpu.memory_space<vmem>>) semaphore(%arg15 : memref<!tpu.dma_semaphore, #tpu.memory_space<semaphore_mem>>) {add = true}
    %multiple_of3A_133 = arith.constant 0 : i32
    %multiple_of3A_134 = tpu.assume_multiple %multiple_of3A_133, 8 : i32
    %dma_wait3A_135 = tpu.memref_slice %arg7[%multiple_of3A_134] : memref<10000xi32, #tpu.memory_space<vmem>> -> memref<80xi32, #tpu.memory_space<vmem>>
    %dma_wait3A_136 = arith.constant 0 : i32
    %dma_wait3A_137 = arith.constant 0 : i32
    %dma_wait3A_138 = tpu.memref_slice %arg17[%dma_wait3A_136, %dma_wait3A_137] : memref<10000x128xf32, #tpu.memory_space<vmem_shared>> -> memref<10000x128xf32, #tpu.memory_space<vmem_shared>>
    tpu.wait_indirect_dma semaphore(%arg14 : memref<!tpu.dma_semaphore, #tpu.memory_space<semaphore_mem>>) src(%arg8 : memref<80x128xf32, #tpu.memory_space<vmem>>) dst(%dma_wait3A_138 : memref<10000x128xf32, #tpu.memory_space<vmem_shared>>)
    %multiple_of3A_139 = arith.constant 0 : i32
    %multiple_of3A_140 = tpu.assume_multiple %multiple_of3A_139, 8 : i32
    %dma_wait3A_141 = tpu.memref_slice %arg7[%multiple_of3A_140] : memref<10000xi32, #tpu.memory_space<vmem>> -> memref<80xi32, #tpu.memory_space<vmem>>
    %dma_wait3A_142 = arith.constant 0 : i32
    %dma_wait3A_143 = arith.constant 0 : i32
    %dma_wait3A_144 = tpu.memref_slice %arg17[%dma_wait3A_142, %dma_wait3A_143] : memref<10000x128xf32, #tpu.memory_space<vmem_shared>> -> memref<10000x128xf32, #tpu.memory_space<vmem_shared>>
    tpu.wait_indirect_dma semaphore(%arg15 : memref<!tpu.dma_semaphore, #tpu.memory_space<semaphore_mem>>) src(%arg9 : memref<80x128xf32, #tpu.memory_space<vmem>>) dst(%dma_wait3A_144 : memref<10000x128xf32, #tpu.memory_space<vmem_shared>>)
    %multiple_of3A_145 = arith.constant 0 : i32
    %multiple_of3A_146 = tpu.assume_multiple %multiple_of3A_145, 8 : i32
    %dma_wait3A_147 = tpu.memref_slice %arg7[%multiple_of3A_146] : memref<10000xi32, #tpu.memory_space<vmem>> -> memref<80xi32, #tpu.memory_space<vmem>>
    %dma_wait3A_148 = arith.constant 0 : i32
    %dma_wait3A_149 = arith.constant 0 : i32
    %dma_wait3A_150 = tpu.memref_slice %arg17[%dma_wait3A_148, %dma_wait3A_149] : memref<10000x128xf32, #tpu.memory_space<vmem_shared>> -> memref<10000x128xf32, #tpu.memory_space<vmem_shared>>
    tpu.wait_indirect_dma semaphore(%arg16 : memref<!tpu.dma_semaphore, #tpu.memory_space<semaphore_mem>>) src(%arg10 : memref<80x128xf32, #tpu.memory_space<vmem>>) dst(%dma_wait3A_150 : memref<10000x128xf32, #tpu.memory_space<vmem_shared>>)
    %barrier3A_151 = arith.constant 0 : index
    tpu.barrier barrier_id(%barrier3A_151)
    %add3A_152 = arith.constant 0 : i32
    %add3A_153 = arith.addi %multiple_of3A, %add3A_152 : i32
    "tpu.region"() ({
      %run_scoped3A = tpu.sem_alloc : memref<!tpu.dma_semaphore, #tpu.memory_space<semaphore_mem>>
      %dma_start3A_184 = arith.constant 0 : i32
      %dma_start3A_185 = tpu.memref_slice %arg17[%add3A_153, %dma_start3A_184] : memref<10000x128xf32, #tpu.memory_space<vmem_shared>> -> memref<80x128xf32, #tpu.memory_space<vmem_shared>>
      %dma_start3A_186 = arith.constant 0 : i32
      %dma_start3A_187 = tpu.memref_slice %arg17[%add3A_153, %dma_start3A_186] : memref<10000x128xf32, #tpu.memory_space<vmem_shared>> -> memref<80x128xf32, #tpu.memory_space<vmem_shared>>
      tpu.enqueue_dma source(%dma_start3A_187 : memref<80x128xf32, #tpu.memory_space<vmem_shared>>) target(%arg8 : memref<80x128xf32, #tpu.memory_space<vmem>>) target_semaphore(%run_scoped3A : memref<!tpu.dma_semaphore, #tpu.memory_space<semaphore_mem>>)
      %dma_wait3A_188 = arith.constant 0 : i32
      %dma_wait3A_189 = tpu.memref_slice %arg17[%add3A_153, %dma_wait3A_188] : memref<10000x128xf32, #tpu.memory_space<vmem_shared>> -> memref<80x128xf32, #tpu.memory_space<vmem_shared>>
      %dma_wait3A_190 = arith.constant 0 : i32
      %dma_wait3A_191 = tpu.memref_slice %arg17[%add3A_153, %dma_wait3A_190] : memref<10000x128xf32, #tpu.memory_space<vmem_shared>> -> memref<80x128xf32, #tpu.memory_space<vmem_shared>>
      tpu.wait_dma2 semaphore(%run_scoped3A : memref<!tpu.dma_semaphore, #tpu.memory_space<semaphore_mem>>) src(%dma_wait3A_191 : memref<80x128xf32, #tpu.memory_space<vmem_shared>>) dst(%arg8 : memref<80x128xf32, #tpu.memory_space<vmem>>)
      tpu.yield
    }) : () -> ()
    %add3A_154 = arith.constant 0 : i32
    %add3A_155 = arith.addi %multiple_of3A, %add3A_154 : i32
    "tpu.region"() ({
      %run_scoped3A = tpu.sem_alloc : memref<!tpu.dma_semaphore, #tpu.memory_space<semaphore_mem>>
      %dma_start3A_184 = arith.constant 0 : i32
      %dma_start3A_185 = tpu.memref_slice %arg5[%arg0, %add3A_155, %dma_start3A_184] : memref<2x10000x128xf32, #tpu.memory_space<hbm>> -> memref<1x80x128xf32, #tpu.memory_space<hbm>>
      %dma_start3A_186 = tpu.memref_squeeze %dma_start3A_185 : memref<1x80x128xf32, #tpu.memory_space<hbm>> -> memref<80x128xf32, #tpu.memory_space<hbm>>
      %dma_start3A_187 = arith.constant 0 : i32
      %dma_start3A_188 = tpu.memref_slice %arg5[%arg0, %add3A_155, %dma_start3A_187] : memref<2x10000x128xf32, #tpu.memory_space<hbm>> -> memref<1x80x128xf32, #tpu.memory_space<hbm>>
      %dma_start3A_189 = tpu.memref_squeeze %dma_start3A_188 : memref<1x80x128xf32, #tpu.memory_space<hbm>> -> memref<80x128xf32, #tpu.memory_space<hbm>>
      tpu.enqueue_dma source(%arg8 : memref<80x128xf32, #tpu.memory_space<vmem>>) target(%dma_start3A_189 : memref<80x128xf32, #tpu.memory_space<hbm>>) target_semaphore(%run_scoped3A : memref<!tpu.dma_semaphore, #tpu.memory_space<semaphore_mem>>)
      %dma_wait3A_190 = arith.constant 0 : i32
      %dma_wait3A_191 = tpu.memref_slice %arg5[%arg0, %add3A_155, %dma_wait3A_190] : memref<2x10000x128xf32, #tpu.memory_space<hbm>> -> memref<1x80x128xf32, #tpu.memory_space<hbm>>
      %dma_wait3A_192 = tpu.memref_squeeze %dma_wait3A_191 : memref<1x80x128xf32, #tpu.memory_space<hbm>> -> memref<80x128xf32, #tpu.memory_space<hbm>>
      %dma_wait3A_193 = arith.constant 0 : i32
      %dma_wait3A_194 = tpu.memref_slice %arg5[%arg0, %add3A_155, %dma_wait3A_193] : memref<2x10000x128xf32, #tpu.memory_space<hbm>> -> memref<1x80x128xf32, #tpu.memory_space<hbm>>
      %dma_wait3A_195 = tpu.memref_squeeze %dma_wait3A_194 : memref<1x80x128xf32, #tpu.memory_space<hbm>> -> memref<80x128xf32, #tpu.memory_space<hbm>>
      tpu.wait_dma2 semaphore(%run_scoped3A : memref<!tpu.dma_semaphore, #tpu.memory_space<semaphore_mem>>) src(%arg8 : memref<80x128xf32, #tpu.memory_space<vmem>>) dst(%dma_wait3A_195 : memref<80x128xf32, #tpu.memory_space<hbm>>)
      tpu.yield
    }) : () -> ()
    %add3A_156 = arith.constant 80 : i32
    %add3A_157 = arith.addi %multiple_of3A, %add3A_156 : i32
    "tpu.region"() ({
      %run_scoped3A = tpu.sem_alloc : memref<!tpu.dma_semaphore, #tpu.memory_space<semaphore_mem>>
      %dma_start3A_184 = arith.constant 0 : i32
      %dma_start3A_185 = tpu.memref_slice %arg17[%add3A_157, %dma_start3A_184] : memref<10000x128xf32, #tpu.memory_space<vmem_shared>> -> memref<80x128xf32, #tpu.memory_space<vmem_shared>>
      %dma_start3A_186 = arith.constant 0 : i32
      %dma_start3A_187 = tpu.memref_slice %arg17[%add3A_157, %dma_start3A_186] : memref<10000x128xf32, #tpu.memory_space<vmem_shared>> -> memref<80x128xf32, #tpu.memory_space<vmem_shared>>
      tpu.enqueue_dma source(%dma_start3A_187 : memref<80x128xf32, #tpu.memory_space<vmem_shared>>) target(%arg8 : memref<80x128xf32, #tpu.memory_space<vmem>>) target_semaphore(%run_scoped3A : memref<!tpu.dma_semaphore, #tpu.memory_space<semaphore_mem>>)
      %dma_wait3A_188 = arith.constant 0 : i32
      %dma_wait3A_189 = tpu.memref_slice %arg17[%add3A_157, %dma_wait3A_188] : memref<10000x128xf32, #tpu.memory_space<vmem_shared>> -> memref<80x128xf32, #tpu.memory_space<vmem_shared>>
      %dma_wait3A_190 = arith.constant 0 : i32
      %dma_wait3A_191 = tpu.memref_slice %arg17[%add3A_157, %dma_wait3A_190] : memref<10000x128xf32, #tpu.memory_space<vmem_shared>> -> memref<80x128xf32, #tpu.memory_space<vmem_shared>>
      tpu.wait_dma2 semaphore(%run_scoped3A : memref<!tpu.dma_semaphore, #tpu.memory_space<semaphore_mem>>) src(%dma_wait3A_191 : memref<80x128xf32, #tpu.memory_space<vmem_shared>>) dst(%arg8 : memref<80x128xf32, #tpu.memory_space<vmem>>)
      tpu.yield
    }) : () -> ()
    %add3A_158 = arith.constant 80 : i32
    %add3A_159 = arith.addi %multiple_of3A, %add3A_158 : i32
    "tpu.region"() ({
      %run_scoped3A = tpu.sem_alloc : memref<!tpu.dma_semaphore, #tpu.memory_space<semaphore_mem>>
      %dma_start3A_184 = arith.constant 0 : i32
      %dma_start3A_185 = tpu.memref_slice %arg5[%arg0, %add3A_159, %dma_start3A_184] : memref<2x10000x128xf32, #tpu.memory_space<hbm>> -> memref<1x80x128xf32, #tpu.memory_space<hbm>>
      %dma_start3A_186 = tpu.memref_squeeze %dma_start3A_185 : memref<1x80x128xf32, #tpu.memory_space<hbm>> -> memref<80x128xf32, #tpu.memory_space<hbm>>
      %dma_start3A_187 = arith.constant 0 : i32
      %dma_start3A_188 = tpu.memref_slice %arg5[%arg0, %add3A_159, %dma_start3A_187] : memref<2x10000x128xf32, #tpu.memory_space<hbm>> -> memref<1x80x128xf32, #tpu.memory_space<hbm>>
      %dma_start3A_189 = tpu.memref_squeeze %dma_start3A_188 : memref<1x80x128xf32, #tpu.memory_space<hbm>> -> memref<80x128xf32, #tpu.memory_space<hbm>>
      tpu.enqueue_dma source(%arg8 : memref<80x128xf32, #tpu.memory_space<vmem>>) target(%dma_start3A_189 : memref<80x128xf32, #tpu.memory_space<hbm>>) target_semaphore(%run_scoped3A : memref<!tpu.dma_semaphore, #tpu.memory_space<semaphore_mem>>)
      %dma_wait3A_190 = arith.constant 0 : i32
      %dma_wait3A_191 = tpu.memref_slice %arg5[%arg0, %add3A_159, %dma_wait3A_190] : memref<2x10000x128xf32, #tpu.memory_space<hbm>> -> memref<1x80x128xf32, #tpu.memory_space<hbm>>
      %dma_wait3A_192 = tpu.memref_squeeze %dma_wait3A_191 : memref<1x80x128xf32, #tpu.memory_space<hbm>> -> memref<80x128xf32, #tpu.memory_space<hbm>>
      %dma_wait3A_193 = arith.constant 0 : i32
      %dma_wait3A_194 = tpu.memref_slice %arg5[%arg0, %add3A_159, %dma_wait3A_193] : memref<2x10000x128xf32, #tpu.memory_space<hbm>> -> memref<1x80x128xf32, #tpu.memory_space<hbm>>
      %dma_wait3A_195 = tpu.memref_squeeze %dma_wait3A_194 : memref<1x80x128xf32, #tpu.memory_space<hbm>> -> memref<80x128xf32, #tpu.memory_space<hbm>>
      tpu.wait_dma2 semaphore(%run_scoped3A : memref<!tpu.dma_semaphore, #tpu.memory_space<semaphore_mem>>) src(%arg8 : memref<80x128xf32, #tpu.memory_space<vmem>>) dst(%dma_wait3A_195 : memref<80x128xf32, #tpu.memory_space<hbm>>)
      tpu.yield
    }) : () -> ()
    %add3A_160 = arith.constant 160 : i32
    %add3A_161 = arith.addi %multiple_of3A, %add3A_160 : i32
    "tpu.region"() ({
      %run_scoped3A = tpu.sem_alloc : memref<!tpu.dma_semaphore, #tpu.memory_space<semaphore_mem>>
      %dma_start3A_184 = arith.constant 0 : i32
      %dma_start3A_185 = tpu.memref_slice %arg17[%add3A_161, %dma_start3A_184] : memref<10000x128xf32, #tpu.memory_space<vmem_shared>> -> memref<80x128xf32, #tpu.memory_space<vmem_shared>>
      %dma_start3A_186 = arith.constant 0 : i32
      %dma_start3A_187 = tpu.memref_slice %arg17[%add3A_161, %dma_start3A_186] : memref<10000x128xf32, #tpu.memory_space<vmem_shared>> -> memref<80x128xf32, #tpu.memory_space<vmem_shared>>
      tpu.enqueue_dma source(%dma_start3A_187 : memref<80x128xf32, #tpu.memory_space<vmem_shared>>) target(%arg8 : memref<80x128xf32, #tpu.memory_space<vmem>>) target_semaphore(%run_scoped3A : memref<!tpu.dma_semaphore, #tpu.memory_space<semaphore_mem>>)
      %dma_wait3A_188 = arith.constant 0 : i32
      %dma_wait3A_189 = tpu.memref_slice %arg17[%add3A_161, %dma_wait3A_188] : memref<10000x128xf32, #tpu.memory_space<vmem_shared>> -> memref<80x128xf32, #tpu.memory_space<vmem_shared>>
      %dma_wait3A_190 = arith.constant 0 : i32
      %dma_wait3A_191 = tpu.memref_slice %arg17[%add3A_161, %dma_wait3A_190] : memref<10000x128xf32, #tpu.memory_space<vmem_shared>> -> memref<80x128xf32, #tpu.memory_space<vmem_shared>>
      tpu.wait_dma2 semaphore(%run_scoped3A : memref<!tpu.dma_semaphore, #tpu.memory_space<semaphore_mem>>) src(%dma_wait3A_191 : memref<80x128xf32, #tpu.memory_space<vmem_shared>>) dst(%arg8 : memref<80x128xf32, #tpu.memory_space<vmem>>)
      tpu.yield
    }) : () -> ()
    %add3A_162 = arith.constant 160 : i32
    %add3A_163 = arith.addi %multiple_of3A, %add3A_162 : i32
    "tpu.region"() ({
      %run_scoped3A = tpu.sem_alloc : memref<!tpu.dma_semaphore, #tpu.memory_space<semaphore_mem>>
      %dma_start3A_184 = arith.constant 0 : i32
      %dma_start3A_185 = tpu.memref_slice %arg5[%arg0, %add3A_163, %dma_start3A_184] : memref<2x10000x128xf32, #tpu.memory_space<hbm>> -> memref<1x80x128xf32, #tpu.memory_space<hbm>>
      %dma_start3A_186 = tpu.memref_squeeze %dma_start3A_185 : memref<1x80x128xf32, #tpu.memory_space<hbm>> -> memref<80x128xf32, #tpu.memory_space<hbm>>
      %dma_start3A_187 = arith.constant 0 : i32
      %dma_start3A_188 = tpu.memref_slice %arg5[%arg0, %add3A_163, %dma_start3A_187] : memref<2x10000x128xf32, #tpu.memory_space<hbm>> -> memref<1x80x128xf32, #tpu.memory_space<hbm>>
      %dma_start3A_189 = tpu.memref_squeeze %dma_start3A_188 : memref<1x80x128xf32, #tpu.memory_space<hbm>> -> memref<80x128xf32, #tpu.memory_space<hbm>>
      tpu.enqueue_dma source(%arg8 : memref<80x128xf32, #tpu.memory_space<vmem>>) target(%dma_start3A_189 : memref<80x128xf32, #tpu.memory_space<hbm>>) target_semaphore(%run_scoped3A : memref<!tpu.dma_semaphore, #tpu.memory_space<semaphore_mem>>)
      %dma_wait3A_190 = arith.constant 0 : i32
      %dma_wait3A_191 = tpu.memref_slice %arg5[%arg0, %add3A_163, %dma_wait3A_190] : memref<2x10000x128xf32, #tpu.memory_space<hbm>> -> memref<1x80x128xf32, #tpu.memory_space<hbm>>
      %dma_wait3A_192 = tpu.memref_squeeze %dma_wait3A_191 : memref<1x80x128xf32, #tpu.memory_space<hbm>> -> memref<80x128xf32, #tpu.memory_space<hbm>>
      %dma_wait3A_193 = arith.constant 0 : i32
      %dma_wait3A_194 = tpu.memref_slice %arg5[%arg0, %add3A_163, %dma_wait3A_193] : memref<2x10000x128xf32, #tpu.memory_space<hbm>> -> memref<1x80x128xf32, #tpu.memory_space<hbm>>
      %dma_wait3A_195 = tpu.memref_squeeze %dma_wait3A_194 : memref<1x80x128xf32, #tpu.memory_space<hbm>> -> memref<80x128xf32, #tpu.memory_space<hbm>>
      tpu.wait_dma2 semaphore(%run_scoped3A : memref<!tpu.dma_semaphore, #tpu.memory_space<semaphore_mem>>) src(%arg8 : memref<80x128xf32, #tpu.memory_space<vmem>>) dst(%dma_wait3A_195 : memref<80x128xf32, #tpu.memory_space<hbm>>)
      tpu.yield
    }) : () -> ()
    %add3A_164 = arith.constant 240 : i32
    %add3A_165 = arith.addi %multiple_of3A, %add3A_164 : i32
    "tpu.region"() ({
      %run_scoped3A = tpu.sem_alloc : memref<!tpu.dma_semaphore, #tpu.memory_space<semaphore_mem>>
      %dma_start3A_184 = arith.constant 0 : i32
      %dma_start3A_185 = tpu.memref_slice %arg17[%add3A_165, %dma_start3A_184] : memref<10000x128xf32, #tpu.memory_space<vmem_shared>> -> memref<80x128xf32, #tpu.memory_space<vmem_shared>>
      %dma_start3A_186 = arith.constant 0 : i32
      %dma_start3A_187 = tpu.memref_slice %arg17[%add3A_165, %dma_start3A_186] : memref<10000x128xf32, #tpu.memory_space<vmem_shared>> -> memref<80x128xf32, #tpu.memory_space<vmem_shared>>
      tpu.enqueue_dma source(%dma_start3A_187 : memref<80x128xf32, #tpu.memory_space<vmem_shared>>) target(%arg8 : memref<80x128xf32, #tpu.memory_space<vmem>>) target_semaphore(%run_scoped3A : memref<!tpu.dma_semaphore, #tpu.memory_space<semaphore_mem>>)
      %dma_wait3A_188 = arith.constant 0 : i32
      %dma_wait3A_189 = tpu.memref_slice %arg17[%add3A_165, %dma_wait3A_188] : memref<10000x128xf32, #tpu.memory_space<vmem_shared>> -> memref<80x128xf32, #tpu.memory_space<vmem_shared>>
      %dma_wait3A_190 = arith.constant 0 : i32
      %dma_wait3A_191 = tpu.memref_slice %arg17[%add3A_165, %dma_wait3A_190] : memref<10000x128xf32, #tpu.memory_space<vmem_shared>> -> memref<80x128xf32, #tpu.memory_space<vmem_shared>>
      tpu.wait_dma2 semaphore(%run_scoped3A : memref<!tpu.dma_semaphore, #tpu.memory_space<semaphore_mem>>) src(%dma_wait3A_191 : memref<80x128xf32, #tpu.memory_space<vmem_shared>>) dst(%arg8 : memref<80x128xf32, #tpu.memory_space<vmem>>)
      tpu.yield
    }) : () -> ()
    %add3A_166 = arith.constant 240 : i32
    %add3A_167 = arith.addi %multiple_of3A, %add3A_166 : i32
    "tpu.region"() ({
      %run_scoped3A = tpu.sem_alloc : memref<!tpu.dma_semaphore, #tpu.memory_space<semaphore_mem>>
      %dma_start3A_184 = arith.constant 0 : i32
      %dma_start3A_185 = tpu.memref_slice %arg5[%arg0, %add3A_167, %dma_start3A_184] : memref<2x10000x128xf32, #tpu.memory_space<hbm>> -> memref<1x80x128xf32, #tpu.memory_space<hbm>>
      %dma_start3A_186 = tpu.memref_squeeze %dma_start3A_185 : memref<1x80x128xf32, #tpu.memory_space<hbm>> -> memref<80x128xf32, #tpu.memory_space<hbm>>
      %dma_start3A_187 = arith.constant 0 : i32
      %dma_start3A_188 = tpu.memref_slice %arg5[%arg0, %add3A_167, %dma_start3A_187] : memref<2x10000x128xf32, #tpu.memory_space<hbm>> -> memref<1x80x128xf32, #tpu.memory_space<hbm>>
      %dma_start3A_189 = tpu.memref_squeeze %dma_start3A_188 : memref<1x80x128xf32, #tpu.memory_space<hbm>> -> memref<80x128xf32, #tpu.memory_space<hbm>>
      tpu.enqueue_dma source(%arg8 : memref<80x128xf32, #tpu.memory_space<vmem>>) target(%dma_start3A_189 : memref<80x128xf32, #tpu.memory_space<hbm>>) target_semaphore(%run_scoped3A : memref<!tpu.dma_semaphore, #tpu.memory_space<semaphore_mem>>)
      %dma_wait3A_190 = arith.constant 0 : i32
      %dma_wait3A_191 = tpu.memref_slice %arg5[%arg0, %add3A_167, %dma_wait3A_190] : memref<2x10000x128xf32, #tpu.memory_space<hbm>> -> memref<1x80x128xf32, #tpu.memory_space<hbm>>
      %dma_wait3A_192 = tpu.memref_squeeze %dma_wait3A_191 : memref<1x80x128xf32, #tpu.memory_space<hbm>> -> memref<80x128xf32, #tpu.memory_space<hbm>>
      %dma_wait3A_193 = arith.constant 0 : i32
      %dma_wait3A_194 = tpu.memref_slice %arg5[%arg0, %add3A_167, %dma_wait3A_193] : memref<2x10000x128xf32, #tpu.memory_space<hbm>> -> memref<1x80x128xf32, #tpu.memory_space<hbm>>
      %dma_wait3A_195 = tpu.memref_squeeze %dma_wait3A_194 : memref<1x80x128xf32, #tpu.memory_space<hbm>> -> memref<80x128xf32, #tpu.memory_space<hbm>>
      tpu.wait_dma2 semaphore(%run_scoped3A : memref<!tpu.dma_semaphore, #tpu.memory_space<semaphore_mem>>) src(%arg8 : memref<80x128xf32, #tpu.memory_space<vmem>>) dst(%dma_wait3A_195 : memref<80x128xf32, #tpu.memory_space<hbm>>)
      tpu.yield
    }) : () -> ()
    %add3A_168 = arith.constant 320 : i32
    %add3A_169 = arith.addi %multiple_of3A, %add3A_168 : i32
    "tpu.region"() ({
      %run_scoped3A = tpu.sem_alloc : memref<!tpu.dma_semaphore, #tpu.memory_space<semaphore_mem>>
      %dma_start3A_184 = arith.constant 0 : i32
      %dma_start3A_185 = tpu.memref_slice %arg17[%add3A_169, %dma_start3A_184] : memref<10000x128xf32, #tpu.memory_space<vmem_shared>> -> memref<80x128xf32, #tpu.memory_space<vmem_shared>>
      %dma_start3A_186 = arith.constant 0 : i32
      %dma_start3A_187 = tpu.memref_slice %arg17[%add3A_169, %dma_start3A_186] : memref<10000x128xf32, #tpu.memory_space<vmem_shared>> -> memref<80x128xf32, #tpu.memory_space<vmem_shared>>
      tpu.enqueue_dma source(%dma_start3A_187 : memref<80x128xf32, #tpu.memory_space<vmem_shared>>) target(%arg8 : memref<80x128xf32, #tpu.memory_space<vmem>>) target_semaphore(%run_scoped3A : memref<!tpu.dma_semaphore, #tpu.memory_space<semaphore_mem>>)
      %dma_wait3A_188 = arith.constant 0 : i32
      %dma_wait3A_189 = tpu.memref_slice %arg17[%add3A_169, %dma_wait3A_188] : memref<10000x128xf32, #tpu.memory_space<vmem_shared>> -> memref<80x128xf32, #tpu.memory_space<vmem_shared>>
      %dma_wait3A_190 = arith.constant 0 : i32
      %dma_wait3A_191 = tpu.memref_slice %arg17[%add3A_169, %dma_wait3A_190] : memref<10000x128xf32, #tpu.memory_space<vmem_shared>> -> memref<80x128xf32, #tpu.memory_space<vmem_shared>>
      tpu.wait_dma2 semaphore(%run_scoped3A : memref<!tpu.dma_semaphore, #tpu.memory_space<semaphore_mem>>) src(%dma_wait3A_191 : memref<80x128xf32, #tpu.memory_space<vmem_shared>>) dst(%arg8 : memref<80x128xf32, #tpu.memory_space<vmem>>)
      tpu.yield
    }) : () -> ()
    %add3A_170 = arith.constant 320 : i32
    %add3A_171 = arith.addi %multiple_of3A, %add3A_170 : i32
    "tpu.region"() ({
      %run_scoped3A = tpu.sem_alloc : memref<!tpu.dma_semaphore, #tpu.memory_space<semaphore_mem>>
      %dma_start3A_184 = arith.constant 0 : i32
      %dma_start3A_185 = tpu.memref_slice %arg5[%arg0, %add3A_171, %dma_start3A_184] : memref<2x10000x128xf32, #tpu.memory_space<hbm>> -> memref<1x80x128xf32, #tpu.memory_space<hbm>>
      %dma_start3A_186 = tpu.memref_squeeze %dma_start3A_185 : memref<1x80x128xf32, #tpu.memory_space<hbm>> -> memref<80x128xf32, #tpu.memory_space<hbm>>
      %dma_start3A_187 = arith.constant 0 : i32
      %dma_start3A_188 = tpu.memref_slice %arg5[%arg0, %add3A_171, %dma_start3A_187] : memref<2x10000x128xf32, #tpu.memory_space<hbm>> -> memref<1x80x128xf32, #tpu.memory_space<hbm>>
      %dma_start3A_189 = tpu.memref_squeeze %dma_start3A_188 : memref<1x80x128xf32, #tpu.memory_space<hbm>> -> memref<80x128xf32, #tpu.memory_space<hbm>>
      tpu.enqueue_dma source(%arg8 : memref<80x128xf32, #tpu.memory_space<vmem>>) target(%dma_start3A_189 : memref<80x128xf32, #tpu.memory_space<hbm>>) target_semaphore(%run_scoped3A : memref<!tpu.dma_semaphore, #tpu.memory_space<semaphore_mem>>)
      %dma_wait3A_190 = arith.constant 0 : i32
      %dma_wait3A_191 = tpu.memref_slice %arg5[%arg0, %add3A_171, %dma_wait3A_190] : memref<2x10000x128xf32, #tpu.memory_space<hbm>> -> memref<1x80x128xf32, #tpu.memory_space<hbm>>
      %dma_wait3A_192 = tpu.memref_squeeze %dma_wait3A_191 : memref<1x80x128xf32, #tpu.memory_space<hbm>> -> memref<80x128xf32, #tpu.memory_space<hbm>>
      %dma_wait3A_193 = arith.constant 0 : i32
      %dma_wait3A_194 = tpu.memref_slice %arg5[%arg0, %add3A_171, %dma_wait3A_193] : memref<2x10000x128xf32, #tpu.memory_space<hbm>> -> memref<1x80x128xf32, #tpu.memory_space<hbm>>
      %dma_wait3A_195 = tpu.memref_squeeze %dma_wait3A_194 : memref<1x80x128xf32, #tpu.memory_space<hbm>> -> memref<80x128xf32, #tpu.memory_space<hbm>>
      tpu.wait_dma2 semaphore(%run_scoped3A : memref<!tpu.dma_semaphore, #tpu.memory_space<semaphore_mem>>) src(%arg8 : memref<80x128xf32, #tpu.memory_space<vmem>>) dst(%dma_wait3A_195 : memref<80x128xf32, #tpu.memory_space<hbm>>)
      tpu.yield
    }) : () -> ()
    %add3A_172 = arith.constant 400 : i32
    %add3A_173 = arith.addi %multiple_of3A, %add3A_172 : i32
    "tpu.region"() ({
      %run_scoped3A = tpu.sem_alloc : memref<!tpu.dma_semaphore, #tpu.memory_space<semaphore_mem>>
      %dma_start3A_184 = arith.constant 0 : i32
      %dma_start3A_185 = tpu.memref_slice %arg17[%add3A_173, %dma_start3A_184] : memref<10000x128xf32, #tpu.memory_space<vmem_shared>> -> memref<80x128xf32, #tpu.memory_space<vmem_shared>>
      %dma_start3A_186 = arith.constant 0 : i32
      %dma_start3A_187 = tpu.memref_slice %arg17[%add3A_173, %dma_start3A_186] : memref<10000x128xf32, #tpu.memory_space<vmem_shared>> -> memref<80x128xf32, #tpu.memory_space<vmem_shared>>
      tpu.enqueue_dma source(%dma_start3A_187 : memref<80x128xf32, #tpu.memory_space<vmem_shared>>) target(%arg8 : memref<80x128xf32, #tpu.memory_space<vmem>>) target_semaphore(%run_scoped3A : memref<!tpu.dma_semaphore, #tpu.memory_space<semaphore_mem>>)
      %dma_wait3A_188 = arith.constant 0 : i32
      %dma_wait3A_189 = tpu.memref_slice %arg17[%add3A_173, %dma_wait3A_188] : memref<10000x128xf32, #tpu.memory_space<vmem_shared>> -> memref<80x128xf32, #tpu.memory_space<vmem_shared>>
      %dma_wait3A_190 = arith.constant 0 : i32
      %dma_wait3A_191 = tpu.memref_slice %arg17[%add3A_173, %dma_wait3A_190] : memref<10000x128xf32, #tpu.memory_space<vmem_shared>> -> memref<80x128xf32, #tpu.memory_space<vmem_shared>>
      tpu.wait_dma2 semaphore(%run_scoped3A : memref<!tpu.dma_semaphore, #tpu.memory_space<semaphore_mem>>) src(%dma_wait3A_191 : memref<80x128xf32, #tpu.memory_space<vmem_shared>>) dst(%arg8 : memref<80x128xf32, #tpu.memory_space<vmem>>)
      tpu.yield
    }) : () -> ()
    %add3A_174 = arith.constant 400 : i32
    %add3A_175 = arith.addi %multiple_of3A, %add3A_174 : i32
    "tpu.region"() ({
      %run_scoped3A = tpu.sem_alloc : memref<!tpu.dma_semaphore, #tpu.memory_space<semaphore_mem>>
      %dma_start3A_184 = arith.constant 0 : i32
      %dma_start3A_185 = tpu.memref_slice %arg5[%arg0, %add3A_175, %dma_start3A_184] : memref<2x10000x128xf32, #tpu.memory_space<hbm>> -> memref<1x80x128xf32, #tpu.memory_space<hbm>>
      %dma_start3A_186 = tpu.memref_squeeze %dma_start3A_185 : memref<1x80x128xf32, #tpu.memory_space<hbm>> -> memref<80x128xf32, #tpu.memory_space<hbm>>
      %dma_start3A_187 = arith.constant 0 : i32
      %dma_start3A_188 = tpu.memref_slice %arg5[%arg0, %add3A_175, %dma_start3A_187] : memref<2x10000x128xf32, #tpu.memory_space<hbm>> -> memref<1x80x128xf32, #tpu.memory_space<hbm>>
      %dma_start3A_189 = tpu.memref_squeeze %dma_start3A_188 : memref<1x80x128xf32, #tpu.memory_space<hbm>> -> memref<80x128xf32, #tpu.memory_space<hbm>>
      tpu.enqueue_dma source(%arg8 : memref<80x128xf32, #tpu.memory_space<vmem>>) target(%dma_start3A_189 : memref<80x128xf32, #tpu.memory_space<hbm>>) target_semaphore(%run_scoped3A : memref<!tpu.dma_semaphore, #tpu.memory_space<semaphore_mem>>)
      %dma_wait3A_190 = arith.constant 0 : i32
      %dma_wait3A_191 = tpu.memref_slice %arg5[%arg0, %add3A_175, %dma_wait3A_190] : memref<2x10000x128xf32, #tpu.memory_space<hbm>> -> memref<1x80x128xf32, #tpu.memory_space<hbm>>
      %dma_wait3A_192 = tpu.memref_squeeze %dma_wait3A_191 : memref<1x80x128xf32, #tpu.memory_space<hbm>> -> memref<80x128xf32, #tpu.memory_space<hbm>>
      %dma_wait3A_193 = arith.constant 0 : i32
      %dma_wait3A_194 = tpu.memref_slice %arg5[%arg0, %add3A_175, %dma_wait3A_193] : memref<2x10000x128xf32, #tpu.memory_space<hbm>> -> memref<1x80x128xf32, #tpu.memory_space<hbm>>
      %dma_wait3A_195 = tpu.memref_squeeze %dma_wait3A_194 : memref<1x80x128xf32, #tpu.memory_space<hbm>> -> memref<80x128xf32, #tpu.memory_space<hbm>>
      tpu.wait_dma2 semaphore(%run_scoped3A : memref<!tpu.dma_semaphore, #tpu.memory_space<semaphore_mem>>) src(%arg8 : memref<80x128xf32, #tpu.memory_space<vmem>>) dst(%dma_wait3A_195 : memref<80x128xf32, #tpu.memory_space<hbm>>)
      tpu.yield
    }) : () -> ()
    %add3A_176 = arith.constant 480 : i32
    %add3A_177 = arith.addi %multiple_of3A, %add3A_176 : i32
    "tpu.region"() ({
      %run_scoped3A = tpu.sem_alloc : memref<!tpu.dma_semaphore, #tpu.memory_space<semaphore_mem>>
      %dma_start3A_184 = arith.constant 0 : i32
      %dma_start3A_185 = tpu.memref_slice %arg17[%add3A_177, %dma_start3A_184] : memref<10000x128xf32, #tpu.memory_space<vmem_shared>> -> memref<80x128xf32, #tpu.memory_space<vmem_shared>>
      %dma_start3A_186 = arith.constant 0 : i32
      %dma_start3A_187 = tpu.memref_slice %arg17[%add3A_177, %dma_start3A_186] : memref<10000x128xf32, #tpu.memory_space<vmem_shared>> -> memref<80x128xf32, #tpu.memory_space<vmem_shared>>
      tpu.enqueue_dma source(%dma_start3A_187 : memref<80x128xf32, #tpu.memory_space<vmem_shared>>) target(%arg8 : memref<80x128xf32, #tpu.memory_space<vmem>>) target_semaphore(%run_scoped3A : memref<!tpu.dma_semaphore, #tpu.memory_space<semaphore_mem>>)
      %dma_wait3A_188 = arith.constant 0 : i32
      %dma_wait3A_189 = tpu.memref_slice %arg17[%add3A_177, %dma_wait3A_188] : memref<10000x128xf32, #tpu.memory_space<vmem_shared>> -> memref<80x128xf32, #tpu.memory_space<vmem_shared>>
      %dma_wait3A_190 = arith.constant 0 : i32
      %dma_wait3A_191 = tpu.memref_slice %arg17[%add3A_177, %dma_wait3A_190] : memref<10000x128xf32, #tpu.memory_space<vmem_shared>> -> memref<80x128xf32, #tpu.memory_space<vmem_shared>>
      tpu.wait_dma2 semaphore(%run_scoped3A : memref<!tpu.dma_semaphore, #tpu.memory_space<semaphore_mem>>) src(%dma_wait3A_191 : memref<80x128xf32, #tpu.memory_space<vmem_shared>>) dst(%arg8 : memref<80x128xf32, #tpu.memory_space<vmem>>)
      tpu.yield
    }) : () -> ()
    %add3A_178 = arith.constant 480 : i32
    %add3A_179 = arith.addi %multiple_of3A, %add3A_178 : i32
    "tpu.region"() ({
      %run_scoped3A = tpu.sem_alloc : memref<!tpu.dma_semaphore, #tpu.memory_space<semaphore_mem>>
      %dma_start3A_184 = arith.constant 0 : i32
      %dma_start3A_185 = tpu.memref_slice %arg5[%arg0, %add3A_179, %dma_start3A_184] : memref<2x10000x128xf32, #tpu.memory_space<hbm>> -> memref<1x80x128xf32, #tpu.memory_space<hbm>>
      %dma_start3A_186 = tpu.memref_squeeze %dma_start3A_185 : memref<1x80x128xf32, #tpu.memory_space<hbm>> -> memref<80x128xf32, #tpu.memory_space<hbm>>
      %dma_start3A_187 = arith.constant 0 : i32
      %dma_start3A_188 = tpu.memref_slice %arg5[%arg0, %add3A_179, %dma_start3A_187] : memref<2x10000x128xf32, #tpu.memory_space<hbm>> -> memref<1x80x128xf32, #tpu.memory_space<hbm>>
      %dma_start3A_189 = tpu.memref_squeeze %dma_start3A_188 : memref<1x80x128xf32, #tpu.memory_space<hbm>> -> memref<80x128xf32, #tpu.memory_space<hbm>>
      tpu.enqueue_dma source(%arg8 : memref<80x128xf32, #tpu.memory_space<vmem>>) target(%dma_start3A_189 : memref<80x128xf32, #tpu.memory_space<hbm>>) target_semaphore(%run_scoped3A : memref<!tpu.dma_semaphore, #tpu.memory_space<semaphore_mem>>)
      %dma_wait3A_190 = arith.constant 0 : i32
      %dma_wait3A_191 = tpu.memref_slice %arg5[%arg0, %add3A_179, %dma_wait3A_190] : memref<2x10000x128xf32, #tpu.memory_space<hbm>> -> memref<1x80x128xf32, #tpu.memory_space<hbm>>
      %dma_wait3A_192 = tpu.memref_squeeze %dma_wait3A_191 : memref<1x80x128xf32, #tpu.memory_space<hbm>> -> memref<80x128xf32, #tpu.memory_space<hbm>>
      %dma_wait3A_193 = arith.constant 0 : i32
      %dma_wait3A_194 = tpu.memref_slice %arg5[%arg0, %add3A_179, %dma_wait3A_193] : memref<2x10000x128xf32, #tpu.memory_space<hbm>> -> memref<1x80x128xf32, #tpu.memory_space<hbm>>
      %dma_wait3A_195 = tpu.memref_squeeze %dma_wait3A_194 : memref<1x80x128xf32, #tpu.memory_space<hbm>> -> memref<80x128xf32, #tpu.memory_space<hbm>>
      tpu.wait_dma2 semaphore(%run_scoped3A : memref<!tpu.dma_semaphore, #tpu.memory_space<semaphore_mem>>) src(%arg8 : memref<80x128xf32, #tpu.memory_space<vmem>>) dst(%dma_wait3A_195 : memref<80x128xf32, #tpu.memory_space<hbm>>)
      tpu.yield
    }) : () -> ()
    %add3A_180 = arith.constant 560 : i32
    %add3A_181 = arith.addi %multiple_of3A, %add3A_180 : i32
    "tpu.region"() ({
      %run_scoped3A = tpu.sem_alloc : memref<!tpu.dma_semaphore, #tpu.memory_space<semaphore_mem>>
      %dma_start3A_184 = arith.constant 0 : i32
      %dma_start3A_185 = tpu.memref_slice %arg17[%add3A_181, %dma_start3A_184] : memref<10000x128xf32, #tpu.memory_space<vmem_shared>> -> memref<80x128xf32, #tpu.memory_space<vmem_shared>>
      %dma_start3A_186 = arith.constant 0 : i32
      %dma_start3A_187 = tpu.memref_slice %arg17[%add3A_181, %dma_start3A_186] : memref<10000x128xf32, #tpu.memory_space<vmem_shared>> -> memref<80x128xf32, #tpu.memory_space<vmem_shared>>
      tpu.enqueue_dma source(%dma_start3A_187 : memref<80x128xf32, #tpu.memory_space<vmem_shared>>) target(%arg8 : memref<80x128xf32, #tpu.memory_space<vmem>>) target_semaphore(%run_scoped3A : memref<!tpu.dma_semaphore, #tpu.memory_space<semaphore_mem>>)
      %dma_wait3A_188 = arith.constant 0 : i32
      %dma_wait3A_189 = tpu.memref_slice %arg17[%add3A_181, %dma_wait3A_188] : memref<10000x128xf32, #tpu.memory_space<vmem_shared>> -> memref<80x128xf32, #tpu.memory_space<vmem_shared>>
      %dma_wait3A_190 = arith.constant 0 : i32
      %dma_wait3A_191 = tpu.memref_slice %arg17[%add3A_181, %dma_wait3A_190] : memref<10000x128xf32, #tpu.memory_space<vmem_shared>> -> memref<80x128xf32, #tpu.memory_space<vmem_shared>>
      tpu.wait_dma2 semaphore(%run_scoped3A : memref<!tpu.dma_semaphore, #tpu.memory_space<semaphore_mem>>) src(%dma_wait3A_191 : memref<80x128xf32, #tpu.memory_space<vmem_shared>>) dst(%arg8 : memref<80x128xf32, #tpu.memory_space<vmem>>)
      tpu.yield
    }) : () -> ()
    %add3A_182 = arith.constant 560 : i32
    %add3A_183 = arith.addi %multiple_of3A, %add3A_182 : i32
    "tpu.region"() ({
      %run_scoped3A = tpu.sem_alloc : memref<!tpu.dma_semaphore, #tpu.memory_space<semaphore_mem>>
      %dma_start3A_184 = arith.constant 0 : i32
      %dma_start3A_185 = tpu.memref_slice %arg5[%arg0, %add3A_183, %dma_start3A_184] : memref<2x10000x128xf32, #tpu.memory_space<hbm>> -> memref<1x80x128xf32, #tpu.memory_space<hbm>>
      %dma_start3A_186 = tpu.memref_squeeze %dma_start3A_185 : memref<1x80x128xf32, #tpu.memory_space<hbm>> -> memref<80x128xf32, #tpu.memory_space<hbm>>
      %dma_start3A_187 = arith.constant 0 : i32
      %dma_start3A_188 = tpu.memref_slice %arg5[%arg0, %add3A_183, %dma_start3A_187] : memref<2x10000x128xf32, #tpu.memory_space<hbm>> -> memref<1x80x128xf32, #tpu.memory_space<hbm>>
      %dma_start3A_189 = tpu.memref_squeeze %dma_start3A_188 : memref<1x80x128xf32, #tpu.memory_space<hbm>> -> memref<80x128xf32, #tpu.memory_space<hbm>>
      tpu.enqueue_dma source(%arg8 : memref<80x128xf32, #tpu.memory_space<vmem>>) target(%dma_start3A_189 : memref<80x128xf32, #tpu.memory_space<hbm>>) target_semaphore(%run_scoped3A : memref<!tpu.dma_semaphore, #tpu.memory_space<semaphore_mem>>)
      %dma_wait3A_190 = arith.constant 0 : i32
      %dma_wait3A_191 = tpu.memref_slice %arg5[%arg0, %add3A_183, %dma_wait3A_190] : memref<2x10000x128xf32, #tpu.memory_space<hbm>> -> memref<1x80x128xf32, #tpu.memory_space<hbm>>
      %dma_wait3A_192 = tpu.memref_squeeze %dma_wait3A_191 : memref<1x80x128xf32, #tpu.memory_space<hbm>> -> memref<80x128xf32, #tpu.memory_space<hbm>>
      %dma_wait3A_193 = arith.constant 0 : i32
      %dma_wait3A_194 = tpu.memref_slice %arg5[%arg0, %add3A_183, %dma_wait3A_193] : memref<2x10000x128xf32, #tpu.memory_space<hbm>> -> memref<1x80x128xf32, #tpu.memory_space<hbm>>
      %dma_wait3A_195 = tpu.memref_squeeze %dma_wait3A_194 : memref<1x80x128xf32, #tpu.memory_space<hbm>> -> memref<80x128xf32, #tpu.memory_space<hbm>>
      tpu.wait_dma2 semaphore(%run_scoped3A : memref<!tpu.dma_semaphore, #tpu.memory_space<semaphore_mem>>) src(%arg8 : memref<80x128xf32, #tpu.memory_space<vmem>>) dst(%dma_wait3A_195 : memref<80x128xf32, #tpu.memory_space<hbm>>)
      tpu.yield
    }) : () -> ()
    return
  }
}

#map = affine_map<(d0, d1) -> (0, 0)>
#map1 = affine_map<(d0, d1) -> (0)>
#map2 = affine_map<(d0, d1) -> (0, 0, 0)>
module attributes {stable_mosaic.version = 14 : i64} {
  func.func @_agg(%arg0: i32, %arg1: i32, %arg2: memref<10000x128xf32, #tpu.memory_space<hbm>>, %arg3: memref<320000xi32, #tpu.memory_space<hbm>>, %arg4: memref<320000xi32, #tpu.memory_space<hbm>>, %arg5: memref<2x10000x128xf32, #tpu.memory_space<hbm>>, %arg6: memref<10000xi32, #tpu.memory_space<vmem>>, %arg7: memref<10000xi32, #tpu.memory_space<vmem>>, %arg8: memref<80x128xf32, #tpu.memory_space<vmem>>, %arg9: memref<80x128xf32, #tpu.memory_space<vmem>>, %arg10: memref<80x128xf32, #tpu.memory_space<vmem>>, %arg11: memref<!tpu.dma_semaphore, #tpu.memory_space<semaphore_mem>>, %arg12: memref<!tpu.dma_semaphore, #tpu.memory_space<semaphore_mem>>, %arg13: memref<!tpu.dma_semaphore, #tpu.memory_space<semaphore_mem>>, %arg14: memref<!tpu.dma_semaphore, #tpu.memory_space<semaphore_mem>>, %arg15: memref<!tpu.dma_semaphore, #tpu.memory_space<semaphore_mem>>, %arg16: memref<!tpu.dma_semaphore, #tpu.memory_space<semaphore_mem>>, %arg17: memref<10000x128xf32, #tpu.memory_space<vmem_shared>>) attributes {dimension_semantics = [#tpu.dimension_semantics<core_parallel>, #tpu.dimension_semantics<subcore_parallel>], iteration_bounds = array<i64: 2, 16>, scalar_prefetch = 0 : i64, scratch_operands = 12 : i64, tpu.core_type = #tpu.core_type<sc_vector_subcore>, window_params = [{transform_indices = #map}, {transform_indices = #map1}, {transform_indices = #map1}, {transform_indices = #map2}]} {
    %mul3A = arith.constant 2 : i32
    %mul3A_0 = arith.muli %arg1, %mul3A : i32
    %add3A = arith.addi %mul3A_0, %arg0 : i32
    %mul3A_1 = arith.constant 624 : i32
    %mul3A_2 = arith.muli %arg1, %mul3A_1 : i32
    %multiple_of3A = tpu.assume_multiple %mul3A_2, 8 : i32
    %mul3A_3 = arith.constant 10000 : i32
    %mul3A_4 = arith.muli %add3A, %mul3A_3 : i32
    %multiple_of3A_5 = tpu.assume_multiple %mul3A_4, 8 : i32
    "tpu.region"() ({
      %run_scoped3A = tpu.sem_alloc : memref<!tpu.dma_semaphore, #tpu.memory_space<semaphore_mem>>
      %dma_start3A_184 = tpu.memref_slice %arg3[%multiple_of3A_5] : memref<320000xi32, #tpu.memory_space<hbm>> -> memref<10000xi32, #tpu.memory_space<hbm>>
      %dma_start3A_185 = tpu.memref_slice %arg3[%multiple_of3A_5] : memref<320000xi32, #tpu.memory_space<hbm>> -> memref<10000xi32, #tpu.memory_space<hbm>>
      tpu.enqueue_dma source(%dma_start3A_185 : memref<10000xi32, #tpu.memory_space<hbm>>) target(%arg6 : memref<10000xi32, #tpu.memory_space<vmem>>) target_semaphore(%run_scoped3A : memref<!tpu.dma_semaphore, #tpu.memory_space<semaphore_mem>>)
      %dma_wait3A_186 = tpu.memref_slice %arg3[%multiple_of3A_5] : memref<320000xi32, #tpu.memory_space<hbm>> -> memref<10000xi32, #tpu.memory_space<hbm>>
      %dma_wait3A_187 = tpu.memref_slice %arg3[%multiple_of3A_5] : memref<320000xi32, #tpu.memory_space<hbm>> -> memref<10000xi32, #tpu.memory_space<hbm>>
      tpu.wait_dma2 semaphore(%run_scoped3A : memref<!tpu.dma_semaphore, #tpu.memory_space<semaphore_mem>>) src(%dma_wait3A_187 : memref<10000xi32, #tpu.memory_space<hbm>>) dst(%arg6 : memref<10000xi32, #tpu.memory_space<vmem>>)
      tpu.yield
    }) : () -> ()
    "tpu.region"() ({
      %run_scoped3A = tpu.sem_alloc : memref<!tpu.dma_semaphore, #tpu.memory_space<semaphore_mem>>
      %dma_start3A_184 = tpu.memref_slice %arg4[%multiple_of3A_5] : memref<320000xi32, #tpu.memory_space<hbm>> -> memref<10000xi32, #tpu.memory_space<hbm>>
      %dma_start3A_185 = tpu.memref_slice %arg4[%multiple_of3A_5] : memref<320000xi32, #tpu.memory_space<hbm>> -> memref<10000xi32, #tpu.memory_space<hbm>>
      tpu.enqueue_dma source(%dma_start3A_185 : memref<10000xi32, #tpu.memory_space<hbm>>) target(%arg7 : memref<10000xi32, #tpu.memory_space<vmem>>) target_semaphore(%run_scoped3A : memref<!tpu.dma_semaphore, #tpu.memory_space<semaphore_mem>>)
      %dma_wait3A_186 = tpu.memref_slice %arg4[%multiple_of3A_5] : memref<320000xi32, #tpu.memory_space<hbm>> -> memref<10000xi32, #tpu.memory_space<hbm>>
      %dma_wait3A_187 = tpu.memref_slice %arg4[%multiple_of3A_5] : memref<320000xi32, #tpu.memory_space<hbm>> -> memref<10000xi32, #tpu.memory_space<hbm>>
      tpu.wait_dma2 semaphore(%run_scoped3A : memref<!tpu.dma_semaphore, #tpu.memory_space<semaphore_mem>>) src(%dma_wait3A_187 : memref<10000xi32, #tpu.memory_space<hbm>>) dst(%arg7 : memref<10000xi32, #tpu.memory_space<vmem>>)
      tpu.yield
    }) : () -> ()
    %scan3A = arith.constant 0 : i32
    %scan3A_6 = arith.constant 0 : i32
    %scan3A_7 = arith.constant 80 : i32
    %scan3A_8 = arith.addi %scan3A_6, %scan3A_7 : i32
    %scan3A_9 = arith.constant 1 : i32
    scf.for %scan3A_184 = %scan3A_6 to %scan3A_8 step %scan3A_9  : i32 {
      %broadcast_in_dim3A = arith.constant 0.000000e+00 : f32
      %broadcast_in_dim3A_185 = vector.broadcast %broadcast_in_dim3A : f32 to vector<16xf32>
      %swap3A = arith.index_cast %scan3A_184 : i32 to index
      %swap3A_186 = arith.constant 0 : index
      %swap3A_187 = tpu.vector_load %arg8[%swap3A, %swap3A_186] {strides = array<i32>} : memref<80x128xf32, #tpu.memory_space<vmem>>, vector<1x16xf32>,
      %swap3A_188 = vector.shape_cast %swap3A_187 : vector<1x16xf32> to vector<16xf32>
      %swap3A_189 = vector.shape_cast %broadcast_in_dim3A_185 : vector<16xf32> to vector<1x16xf32>
      tpu.vector_store %arg8[%swap3A, %swap3A_186], %swap3A_189 {strides = array<i32>} : memref<80x128xf32, #tpu.memory_space<vmem>>, vector<1x16xf32>,
      %broadcast_in_dim3A_190 = arith.constant 0.000000e+00 : f32
      %broadcast_in_dim3A_191 = vector.broadcast %broadcast_in_dim3A_190 : f32 to vector<16xf32>
      %swap3A_192 = arith.index_cast %scan3A_184 : i32 to index
      %swap3A_193 = arith.constant 16 : index
      %swap3A_194 = tpu.vector_load %arg8[%swap3A_192, %swap3A_193] {strides = array<i32>} : memref<80x128xf32, #tpu.memory_space<vmem>>, vector<1x16xf32>,
      %swap3A_195 = vector.shape_cast %swap3A_194 : vector<1x16xf32> to vector<16xf32>
      %swap3A_196 = vector.shape_cast %broadcast_in_dim3A_191 : vector<16xf32> to vector<1x16xf32>
      tpu.vector_store %arg8[%swap3A_192, %swap3A_193], %swap3A_196 {strides = array<i32>} : memref<80x128xf32, #tpu.memory_space<vmem>>, vector<1x16xf32>,
      %broadcast_in_dim3A_197 = arith.constant 0.000000e+00 : f32
      %broadcast_in_dim3A_198 = vector.broadcast %broadcast_in_dim3A_197 : f32 to vector<16xf32>
      %swap3A_199 = arith.index_cast %scan3A_184 : i32 to index
      %swap3A_200 = arith.constant 32 : index
      %swap3A_201 = tpu.vector_load %arg8[%swap3A_199, %swap3A_200] {strides = array<i32>} : memref<80x128xf32, #tpu.memory_space<vmem>>, vector<1x16xf32>,
      %swap3A_202 = vector.shape_cast %swap3A_201 : vector<1x16xf32> to vector<16xf32>
      %swap3A_203 = vector.shape_cast %broadcast_in_dim3A_198 : vector<16xf32> to vector<1x16xf32>
      tpu.vector_store %arg8[%swap3A_199, %swap3A_200], %swap3A_203 {strides = array<i32>} : memref<80x128xf32, #tpu.memory_space<vmem>>, vector<1x16xf32>,
      %broadcast_in_dim3A_204 = arith.constant 0.000000e+00 : f32
      %broadcast_in_dim3A_205 = vector.broadcast %broadcast_in_dim3A_204 : f32 to vector<16xf32>
      %swap3A_206 = arith.index_cast %scan3A_184 : i32 to index
      %swap3A_207 = arith.constant 48 : index
      %swap3A_208 = tpu.vector_load %arg8[%swap3A_206, %swap3A_207] {strides = array<i32>} : memref<80x128xf32, #tpu.memory_space<vmem>>, vector<1x16xf32>,
      %swap3A_209 = vector.shape_cast %swap3A_208 : vector<1x16xf32> to vector<16xf32>
      %swap3A_210 = vector.shape_cast %broadcast_in_dim3A_205 : vector<16xf32> to vector<1x16xf32>
      tpu.vector_store %arg8[%swap3A_206, %swap3A_207], %swap3A_210 {strides = array<i32>} : memref<80x128xf32, #tpu.memory_space<vmem>>, vector<1x16xf32>,
      %broadcast_in_dim3A_211 = arith.constant 0.000000e+00 : f32
      %broadcast_in_dim3A_212 = vector.broadcast %broadcast_in_dim3A_211 : f32 to vector<16xf32>
      %swap3A_213 = arith.index_cast %scan3A_184 : i32 to index
      %swap3A_214 = arith.constant 64 : index
      %swap3A_215 = tpu.vector_load %arg8[%swap3A_213, %swap3A_214] {strides = array<i32>} : memref<80x128xf32, #tpu.memory_space<vmem>>, vector<1x16xf32>,
      %swap3A_216 = vector.shape_cast %swap3A_215 : vector<1x16xf32> to vector<16xf32>
      %swap3A_217 = vector.shape_cast %broadcast_in_dim3A_212 : vector<16xf32> to vector<1x16xf32>
      tpu.vector_store %arg8[%swap3A_213, %swap3A_214], %swap3A_217 {strides = array<i32>} : memref<80x128xf32, #tpu.memory_space<vmem>>, vector<1x16xf32>,
      %broadcast_in_dim3A_218 = arith.constant 0.000000e+00 : f32
      %broadcast_in_dim3A_219 = vector.broadcast %broadcast_in_dim3A_218 : f32 to vector<16xf32>
      %swap3A_220 = arith.index_cast %scan3A_184 : i32 to index
      %swap3A_221 = arith.constant 80 : index
      %swap3A_222 = tpu.vector_load %arg8[%swap3A_220, %swap3A_221] {strides = array<i32>} : memref<80x128xf32, #tpu.memory_space<vmem>>, vector<1x16xf32>,
      %swap3A_223 = vector.shape_cast %swap3A_222 : vector<1x16xf32> to vector<16xf32>
      %swap3A_224 = vector.shape_cast %broadcast_in_dim3A_219 : vector<16xf32> to vector<1x16xf32>
      tpu.vector_store %arg8[%swap3A_220, %swap3A_221], %swap3A_224 {strides = array<i32>} : memref<80x128xf32, #tpu.memory_space<vmem>>, vector<1x16xf32>,
      %broadcast_in_dim3A_225 = arith.constant 0.000000e+00 : f32
      %broadcast_in_dim3A_226 = vector.broadcast %broadcast_in_dim3A_225 : f32 to vector<16xf32>
      %swap3A_227 = arith.index_cast %scan3A_184 : i32 to index
      %swap3A_228 = arith.constant 96 : index
      %swap3A_229 = tpu.vector_load %arg8[%swap3A_227, %swap3A_228] {strides = array<i32>} : memref<80x128xf32, #tpu.memory_space<vmem>>, vector<1x16xf32>,
      %swap3A_230 = vector.shape_cast %swap3A_229 : vector<1x16xf32> to vector<16xf32>
      %swap3A_231 = vector.shape_cast %broadcast_in_dim3A_226 : vector<16xf32> to vector<1x16xf32>
      tpu.vector_store %arg8[%swap3A_227, %swap3A_228], %swap3A_231 {strides = array<i32>} : memref<80x128xf32, #tpu.memory_space<vmem>>, vector<1x16xf32>,
      %broadcast_in_dim3A_232 = arith.constant 0.000000e+00 : f32
      %broadcast_in_dim3A_233 = vector.broadcast %broadcast_in_dim3A_232 : f32 to vector<16xf32>
      %swap3A_234 = arith.index_cast %scan3A_184 : i32 to index
      %swap3A_235 = arith.constant 112 : index
      %swap3A_236 = tpu.vector_load %arg8[%swap3A_234, %swap3A_235] {strides = array<i32>} : memref<80x128xf32, #tpu.memory_space<vmem>>, vector<1x16xf32>,
      %swap3A_237 = vector.shape_cast %swap3A_236 : vector<1x16xf32> to vector<16xf32>
      %swap3A_238 = vector.shape_cast %broadcast_in_dim3A_233 : vector<16xf32> to vector<1x16xf32>
      tpu.vector_store %arg8[%swap3A_234, %swap3A_235], %swap3A_238 {strides = array<i32>} : memref<80x128xf32, #tpu.memory_space<vmem>>, vector<1x16xf32>,
    }
    %scan3A_10 = arith.constant 80 : i32
    %add3A_11 = arith.constant 0 : i32
    %add3A_12 = arith.addi %multiple_of3A, %add3A_11 : i32
    "tpu.region"() ({
      %run_scoped3A = tpu.sem_alloc : memref<!tpu.dma_semaphore, #tpu.memory_space<semaphore_mem>>
      %dma_start3A_184 = arith.constant 0 : i32
      %dma_start3A_185 = tpu.memref_slice %arg17[%add3A_12, %dma_start3A_184] : memref<10000x128xf32, #tpu.memory_space<vmem_shared>> -> memref<80x128xf32, #tpu.memory_space<vmem_shared>>
      %dma_start3A_186 = arith.constant 0 : i32
      %dma_start3A_187 = tpu.memref_slice %arg17[%add3A_12, %dma_start3A_186] : memref<10000x128xf32, #tpu.memory_space<vmem_shared>> -> memref<80x128xf32, #tpu.memory_space<vmem_shared>>
      tpu.enqueue_dma source(%arg8 : memref<80x128xf32, #tpu.memory_space<vmem>>) target(%dma_start3A_187 : memref<80x128xf32, #tpu.memory_space<vmem_shared>>) target_semaphore(%run_scoped3A : memref<!tpu.dma_semaphore, #tpu.memory_space<semaphore_mem>>)
      %dma_wait3A_188 = arith.constant 0 : i32
      %dma_wait3A_189 = tpu.memref_slice %arg17[%add3A_12, %dma_wait3A_188] : memref<10000x128xf32, #tpu.memory_space<vmem_shared>> -> memref<80x128xf32, #tpu.memory_space<vmem_shared>>
      %dma_wait3A_190 = arith.constant 0 : i32
      %dma_wait3A_191 = tpu.memref_slice %arg17[%add3A_12, %dma_wait3A_190] : memref<10000x128xf32, #tpu.memory_space<vmem_shared>> -> memref<80x128xf32, #tpu.memory_space<vmem_shared>>
      tpu.wait_dma2 semaphore(%run_scoped3A : memref<!tpu.dma_semaphore, #tpu.memory_space<semaphore_mem>>) src(%arg8 : memref<80x128xf32, #tpu.memory_space<vmem>>) dst(%dma_wait3A_191 : memref<80x128xf32, #tpu.memory_space<vmem_shared>>)
      tpu.yield
    }) : () -> ()
    %add3A_13 = arith.constant 80 : i32
    %add3A_14 = arith.addi %multiple_of3A, %add3A_13 : i32
    "tpu.region"() ({
      %run_scoped3A = tpu.sem_alloc : memref<!tpu.dma_semaphore, #tpu.memory_space<semaphore_mem>>
      %dma_start3A_184 = arith.constant 0 : i32
      %dma_start3A_185 = tpu.memref_slice %arg17[%add3A_14, %dma_start3A_184] : memref<10000x128xf32, #tpu.memory_space<vmem_shared>> -> memref<80x128xf32, #tpu.memory_space<vmem_shared>>
      %dma_start3A_186 = arith.constant 0 : i32
      %dma_start3A_187 = tpu.memref_slice %arg17[%add3A_14, %dma_start3A_186] : memref<10000x128xf32, #tpu.memory_space<vmem_shared>> -> memref<80x128xf32, #tpu.memory_space<vmem_shared>>
      tpu.enqueue_dma source(%arg8 : memref<80x128xf32, #tpu.memory_space<vmem>>) target(%dma_start3A_187 : memref<80x128xf32, #tpu.memory_space<vmem_shared>>) target_semaphore(%run_scoped3A : memref<!tpu.dma_semaphore, #tpu.memory_space<semaphore_mem>>)
      %dma_wait3A_188 = arith.constant 0 : i32
      %dma_wait3A_189 = tpu.memref_slice %arg17[%add3A_14, %dma_wait3A_188] : memref<10000x128xf32, #tpu.memory_space<vmem_shared>> -> memref<80x128xf32, #tpu.memory_space<vmem_shared>>
      %dma_wait3A_190 = arith.constant 0 : i32
      %dma_wait3A_191 = tpu.memref_slice %arg17[%add3A_14, %dma_wait3A_190] : memref<10000x128xf32, #tpu.memory_space<vmem_shared>> -> memref<80x128xf32, #tpu.memory_space<vmem_shared>>
      tpu.wait_dma2 semaphore(%run_scoped3A : memref<!tpu.dma_semaphore, #tpu.memory_space<semaphore_mem>>) src(%arg8 : memref<80x128xf32, #tpu.memory_space<vmem>>) dst(%dma_wait3A_191 : memref<80x128xf32, #tpu.memory_space<vmem_shared>>)
      tpu.yield
    }) : () -> ()
    %add3A_15 = arith.constant 160 : i32
    %add3A_16 = arith.addi %multiple_of3A, %add3A_15 : i32
    "tpu.region"() ({
      %run_scoped3A = tpu.sem_alloc : memref<!tpu.dma_semaphore, #tpu.memory_space<semaphore_mem>>
      %dma_start3A_184 = arith.constant 0 : i32
      %dma_start3A_185 = tpu.memref_slice %arg17[%add3A_16, %dma_start3A_184] : memref<10000x128xf32, #tpu.memory_space<vmem_shared>> -> memref<80x128xf32, #tpu.memory_space<vmem_shared>>
      %dma_start3A_186 = arith.constant 0 : i32
      %dma_start3A_187 = tpu.memref_slice %arg17[%add3A_16, %dma_start3A_186] : memref<10000x128xf32, #tpu.memory_space<vmem_shared>> -> memref<80x128xf32, #tpu.memory_space<vmem_shared>>
      tpu.enqueue_dma source(%arg8 : memref<80x128xf32, #tpu.memory_space<vmem>>) target(%dma_start3A_187 : memref<80x128xf32, #tpu.memory_space<vmem_shared>>) target_semaphore(%run_scoped3A : memref<!tpu.dma_semaphore, #tpu.memory_space<semaphore_mem>>)
      %dma_wait3A_188 = arith.constant 0 : i32
      %dma_wait3A_189 = tpu.memref_slice %arg17[%add3A_16, %dma_wait3A_188] : memref<10000x128xf32, #tpu.memory_space<vmem_shared>> -> memref<80x128xf32, #tpu.memory_space<vmem_shared>>
      %dma_wait3A_190 = arith.constant 0 : i32
      %dma_wait3A_191 = tpu.memref_slice %arg17[%add3A_16, %dma_wait3A_190] : memref<10000x128xf32, #tpu.memory_space<vmem_shared>> -> memref<80x128xf32, #tpu.memory_space<vmem_shared>>
      tpu.wait_dma2 semaphore(%run_scoped3A : memref<!tpu.dma_semaphore, #tpu.memory_space<semaphore_mem>>) src(%arg8 : memref<80x128xf32, #tpu.memory_space<vmem>>) dst(%dma_wait3A_191 : memref<80x128xf32, #tpu.memory_space<vmem_shared>>)
      tpu.yield
    }) : () -> ()
    %add3A_17 = arith.constant 240 : i32
    %add3A_18 = arith.addi %multiple_of3A, %add3A_17 : i32
    "tpu.region"() ({
      %run_scoped3A = tpu.sem_alloc : memref<!tpu.dma_semaphore, #tpu.memory_space<semaphore_mem>>
      %dma_start3A_184 = arith.constant 0 : i32
      %dma_start3A_185 = tpu.memref_slice %arg17[%add3A_18, %dma_start3A_184] : memref<10000x128xf32, #tpu.memory_space<vmem_shared>> -> memref<80x128xf32, #tpu.memory_space<vmem_shared>>
      %dma_start3A_186 = arith.constant 0 : i32
      %dma_start3A_187 = tpu.memref_slice %arg17[%add3A_18, %dma_start3A_186] : memref<10000x128xf32, #tpu.memory_space<vmem_shared>> -> memref<80x128xf32, #tpu.memory_space<vmem_shared>>
      tpu.enqueue_dma source(%arg8 : memref<80x128xf32, #tpu.memory_space<vmem>>) target(%dma_start3A_187 : memref<80x128xf32, #tpu.memory_space<vmem_shared>>) target_semaphore(%run_scoped3A : memref<!tpu.dma_semaphore, #tpu.memory_space<semaphore_mem>>)
      %dma_wait3A_188 = arith.constant 0 : i32
      %dma_wait3A_189 = tpu.memref_slice %arg17[%add3A_18, %dma_wait3A_188] : memref<10000x128xf32, #tpu.memory_space<vmem_shared>> -> memref<80x128xf32, #tpu.memory_space<vmem_shared>>
      %dma_wait3A_190 = arith.constant 0 : i32
      %dma_wait3A_191 = tpu.memref_slice %arg17[%add3A_18, %dma_wait3A_190] : memref<10000x128xf32, #tpu.memory_space<vmem_shared>> -> memref<80x128xf32, #tpu.memory_space<vmem_shared>>
      tpu.wait_dma2 semaphore(%run_scoped3A : memref<!tpu.dma_semaphore, #tpu.memory_space<semaphore_mem>>) src(%arg8 : memref<80x128xf32, #tpu.memory_space<vmem>>) dst(%dma_wait3A_191 : memref<80x128xf32, #tpu.memory_space<vmem_shared>>)
      tpu.yield
    }) : () -> ()
    %add3A_19 = arith.constant 320 : i32
    %add3A_20 = arith.addi %multiple_of3A, %add3A_19 : i32
    "tpu.region"() ({
      %run_scoped3A = tpu.sem_alloc : memref<!tpu.dma_semaphore, #tpu.memory_space<semaphore_mem>>
      %dma_start3A_184 = arith.constant 0 : i32
      %dma_start3A_185 = tpu.memref_slice %arg17[%add3A_20, %dma_start3A_184] : memref<10000x128xf32, #tpu.memory_space<vmem_shared>> -> memref<80x128xf32, #tpu.memory_space<vmem_shared>>
      %dma_start3A_186 = arith.constant 0 : i32
      %dma_start3A_187 = tpu.memref_slice %arg17[%add3A_20, %dma_start3A_186] : memref<10000x128xf32, #tpu.memory_space<vmem_shared>> -> memref<80x128xf32, #tpu.memory_space<vmem_shared>>
      tpu.enqueue_dma source(%arg8 : memref<80x128xf32, #tpu.memory_space<vmem>>) target(%dma_start3A_187 : memref<80x128xf32, #tpu.memory_space<vmem_shared>>) target_semaphore(%run_scoped3A : memref<!tpu.dma_semaphore, #tpu.memory_space<semaphore_mem>>)
      %dma_wait3A_188 = arith.constant 0 : i32
      %dma_wait3A_189 = tpu.memref_slice %arg17[%add3A_20, %dma_wait3A_188] : memref<10000x128xf32, #tpu.memory_space<vmem_shared>> -> memref<80x128xf32, #tpu.memory_space<vmem_shared>>
      %dma_wait3A_190 = arith.constant 0 : i32
      %dma_wait3A_191 = tpu.memref_slice %arg17[%add3A_20, %dma_wait3A_190] : memref<10000x128xf32, #tpu.memory_space<vmem_shared>> -> memref<80x128xf32, #tpu.memory_space<vmem_shared>>
      tpu.wait_dma2 semaphore(%run_scoped3A : memref<!tpu.dma_semaphore, #tpu.memory_space<semaphore_mem>>) src(%arg8 : memref<80x128xf32, #tpu.memory_space<vmem>>) dst(%dma_wait3A_191 : memref<80x128xf32, #tpu.memory_space<vmem_shared>>)
      tpu.yield
    }) : () -> ()
    %add3A_21 = arith.constant 400 : i32
    %add3A_22 = arith.addi %multiple_of3A, %add3A_21 : i32
    "tpu.region"() ({
      %run_scoped3A = tpu.sem_alloc : memref<!tpu.dma_semaphore, #tpu.memory_space<semaphore_mem>>
      %dma_start3A_184 = arith.constant 0 : i32
      %dma_start3A_185 = tpu.memref_slice %arg17[%add3A_22, %dma_start3A_184] : memref<10000x128xf32, #tpu.memory_space<vmem_shared>> -> memref<80x128xf32, #tpu.memory_space<vmem_shared>>
      %dma_start3A_186 = arith.constant 0 : i32
      %dma_start3A_187 = tpu.memref_slice %arg17[%add3A_22, %dma_start3A_186] : memref<10000x128xf32, #tpu.memory_space<vmem_shared>> -> memref<80x128xf32, #tpu.memory_space<vmem_shared>>
      tpu.enqueue_dma source(%arg8 : memref<80x128xf32, #tpu.memory_space<vmem>>) target(%dma_start3A_187 : memref<80x128xf32, #tpu.memory_space<vmem_shared>>) target_semaphore(%run_scoped3A : memref<!tpu.dma_semaphore, #tpu.memory_space<semaphore_mem>>)
      %dma_wait3A_188 = arith.constant 0 : i32
      %dma_wait3A_189 = tpu.memref_slice %arg17[%add3A_22, %dma_wait3A_188] : memref<10000x128xf32, #tpu.memory_space<vmem_shared>> -> memref<80x128xf32, #tpu.memory_space<vmem_shared>>
      %dma_wait3A_190 = arith.constant 0 : i32
      %dma_wait3A_191 = tpu.memref_slice %arg17[%add3A_22, %dma_wait3A_190] : memref<10000x128xf32, #tpu.memory_space<vmem_shared>> -> memref<80x128xf32, #tpu.memory_space<vmem_shared>>
      tpu.wait_dma2 semaphore(%run_scoped3A : memref<!tpu.dma_semaphore, #tpu.memory_space<semaphore_mem>>) src(%arg8 : memref<80x128xf32, #tpu.memory_space<vmem>>) dst(%dma_wait3A_191 : memref<80x128xf32, #tpu.memory_space<vmem_shared>>)
      tpu.yield
    }) : () -> ()
    %add3A_23 = arith.constant 480 : i32
    %add3A_24 = arith.addi %multiple_of3A, %add3A_23 : i32
    "tpu.region"() ({
      %run_scoped3A = tpu.sem_alloc : memref<!tpu.dma_semaphore, #tpu.memory_space<semaphore_mem>>
      %dma_start3A_184 = arith.constant 0 : i32
      %dma_start3A_185 = tpu.memref_slice %arg17[%add3A_24, %dma_start3A_184] : memref<10000x128xf32, #tpu.memory_space<vmem_shared>> -> memref<80x128xf32, #tpu.memory_space<vmem_shared>>
      %dma_start3A_186 = arith.constant 0 : i32
      %dma_start3A_187 = tpu.memref_slice %arg17[%add3A_24, %dma_start3A_186] : memref<10000x128xf32, #tpu.memory_space<vmem_shared>> -> memref<80x128xf32, #tpu.memory_space<vmem_shared>>
      tpu.enqueue_dma source(%arg8 : memref<80x128xf32, #tpu.memory_space<vmem>>) target(%dma_start3A_187 : memref<80x128xf32, #tpu.memory_space<vmem_shared>>) target_semaphore(%run_scoped3A : memref<!tpu.dma_semaphore, #tpu.memory_space<semaphore_mem>>)
      %dma_wait3A_188 = arith.constant 0 : i32
      %dma_wait3A_189 = tpu.memref_slice %arg17[%add3A_24, %dma_wait3A_188] : memref<10000x128xf32, #tpu.memory_space<vmem_shared>> -> memref<80x128xf32, #tpu.memory_space<vmem_shared>>
      %dma_wait3A_190 = arith.constant 0 : i32
      %dma_wait3A_191 = tpu.memref_slice %arg17[%add3A_24, %dma_wait3A_190] : memref<10000x128xf32, #tpu.memory_space<vmem_shared>> -> memref<80x128xf32, #tpu.memory_space<vmem_shared>>
      tpu.wait_dma2 semaphore(%run_scoped3A : memref<!tpu.dma_semaphore, #tpu.memory_space<semaphore_mem>>) src(%arg8 : memref<80x128xf32, #tpu.memory_space<vmem>>) dst(%dma_wait3A_191 : memref<80x128xf32, #tpu.memory_space<vmem_shared>>)
      tpu.yield
    }) : () -> ()
    %add3A_25 = arith.constant 560 : i32
    %add3A_26 = arith.addi %multiple_of3A, %add3A_25 : i32
    "tpu.region"() ({
      %run_scoped3A = tpu.sem_alloc : memref<!tpu.dma_semaphore, #tpu.memory_space<semaphore_mem>>
      %dma_start3A_184 = arith.constant 0 : i32
      %dma_start3A_185 = tpu.memref_slice %arg17[%add3A_26, %dma_start3A_184] : memref<10000x128xf32, #tpu.memory_space<vmem_shared>> -> memref<80x128xf32, #tpu.memory_space<vmem_shared>>
      %dma_start3A_186 = arith.constant 0 : i32
      %dma_start3A_187 = tpu.memref_slice %arg17[%add3A_26, %dma_start3A_186] : memref<10000x128xf32, #tpu.memory_space<vmem_shared>> -> memref<80x128xf32, #tpu.memory_space<vmem_shared>>
      tpu.enqueue_dma source(%arg8 : memref<80x128xf32, #tpu.memory_space<vmem>>) target(%dma_start3A_187 : memref<80x128xf32, #tpu.memory_space<vmem_shared>>) target_semaphore(%run_scoped3A : memref<!tpu.dma_semaphore, #tpu.memory_space<semaphore_mem>>)
      %dma_wait3A_188 = arith.constant 0 : i32
      %dma_wait3A_189 = tpu.memref_slice %arg17[%add3A_26, %dma_wait3A_188] : memref<10000x128xf32, #tpu.memory_space<vmem_shared>> -> memref<80x128xf32, #tpu.memory_space<vmem_shared>>
      %dma_wait3A_190 = arith.constant 0 : i32
      %dma_wait3A_191 = tpu.memref_slice %arg17[%add3A_26, %dma_wait3A_190] : memref<10000x128xf32, #tpu.memory_space<vmem_shared>> -> memref<80x128xf32, #tpu.memory_space<vmem_shared>>
      tpu.wait_dma2 semaphore(%run_scoped3A : memref<!tpu.dma_semaphore, #tpu.memory_space<semaphore_mem>>) src(%arg8 : memref<80x128xf32, #tpu.memory_space<vmem>>) dst(%dma_wait3A_191 : memref<80x128xf32, #tpu.memory_space<vmem_shared>>)
      tpu.yield
    }) : () -> ()
    %barrier3A = arith.constant 0 : index
    tpu.barrier barrier_id(%barrier3A)
    %multiple_of3A_27 = arith.constant 0 : i32
    %multiple_of3A_28 = tpu.assume_multiple %multiple_of3A_27, 8 : i32
    %dma_start3A = tpu.memref_slice %arg6[%multiple_of3A_28] : memref<10000xi32, #tpu.memory_space<vmem>> -> memref<80xi32, #tpu.memory_space<vmem>>
    %dma_start3A_29 = arith.constant 0 : i32
    %dma_start3A_30 = arith.constant 0 : i32
    %dma_start3A_31 = tpu.memref_slice %arg2[%dma_start3A_29, %dma_start3A_30] : memref<10000x128xf32, #tpu.memory_space<hbm>> -> memref<10000x128xf32, #tpu.memory_space<hbm>>
    tpu.enqueue_indirect_dma source(%dma_start3A_31 : memref<10000x128xf32, #tpu.memory_space<hbm>>) target(%arg8 : memref<80x128xf32, #tpu.memory_space<vmem>>) offsets(%dma_start3A : memref<80xi32, #tpu.memory_space<vmem>>) semaphore(%arg11 : memref<!tpu.dma_semaphore, #tpu.memory_space<semaphore_mem>>)
    %multiple_of3A_32 = arith.constant 80 : i32
    %multiple_of3A_33 = tpu.assume_multiple %multiple_of3A_32, 8 : i32
    %dma_start3A_34 = tpu.memref_slice %arg6[%multiple_of3A_33] : memref<10000xi32, #tpu.memory_space<vmem>> -> memref<80xi32, #tpu.memory_space<vmem>>
    %dma_start3A_35 = arith.constant 0 : i32
    %dma_start3A_36 = arith.constant 0 : i32
    %dma_start3A_37 = tpu.memref_slice %arg2[%dma_start3A_35, %dma_start3A_36] : memref<10000x128xf32, #tpu.memory_space<hbm>> -> memref<10000x128xf32, #tpu.memory_space<hbm>>
    tpu.enqueue_indirect_dma source(%dma_start3A_37 : memref<10000x128xf32, #tpu.memory_space<hbm>>) target(%arg9 : memref<80x128xf32, #tpu.memory_space<vmem>>) offsets(%dma_start3A_34 : memref<80xi32, #tpu.memory_space<vmem>>) semaphore(%arg12 : memref<!tpu.dma_semaphore, #tpu.memory_space<semaphore_mem>>)
    %multiple_of3A_38 = arith.constant 0 : i32
    %multiple_of3A_39 = tpu.assume_multiple %multiple_of3A_38, 8 : i32
    %dma_wait3A = tpu.memref_slice %arg6[%multiple_of3A_39] : memref<10000xi32, #tpu.memory_space<vmem>> -> memref<80xi32, #tpu.memory_space<vmem>>
    %dma_wait3A_40 = arith.constant 0 : i32
    %dma_wait3A_41 = arith.constant 0 : i32
    %dma_wait3A_42 = tpu.memref_slice %arg2[%dma_wait3A_40, %dma_wait3A_41] : memref<10000x128xf32, #tpu.memory_space<hbm>> -> memref<10000x128xf32, #tpu.memory_space<hbm>>
    tpu.wait_indirect_dma semaphore(%arg11 : memref<!tpu.dma_semaphore, #tpu.memory_space<semaphore_mem>>) src(%dma_wait3A_42 : memref<10000x128xf32, #tpu.memory_space<hbm>>) dst(%arg8 : memref<80x128xf32, #tpu.memory_space<vmem>>)
    %multiple_of3A_43 = arith.constant 0 : i32
    %multiple_of3A_44 = tpu.assume_multiple %multiple_of3A_43, 8 : i32
    %dma_start3A_45 = tpu.memref_slice %arg7[%multiple_of3A_44] : memref<10000xi32, #tpu.memory_space<vmem>> -> memref<80xi32, #tpu.memory_space<vmem>>
    %dma_start3A_46 = arith.constant 0 : i32
    %dma_start3A_47 = arith.constant 0 : i32
    %dma_start3A_48 = tpu.memref_slice %arg17[%dma_start3A_46, %dma_start3A_47] : memref<10000x128xf32, #tpu.memory_space<vmem_shared>> -> memref<10000x128xf32, #tpu.memory_space<vmem_shared>>
    tpu.enqueue_indirect_dma source(%arg8 : memref<80x128xf32, #tpu.memory_space<vmem>>) target(%dma_start3A_48 : memref<10000x128xf32, #tpu.memory_space<vmem_shared>>) offsets(%dma_start3A_45 : memref<80xi32, #tpu.memory_space<vmem>>) semaphore(%arg14 : memref<!tpu.dma_semaphore, #tpu.memory_space<semaphore_mem>>) {add = true}
    %multiple_of3A_49 = arith.constant 160 : i32
    %multiple_of3A_50 = tpu.assume_multiple %multiple_of3A_49, 8 : i32
    %dma_start3A_51 = tpu.memref_slice %arg6[%multiple_of3A_50] : memref<10000xi32, #tpu.memory_space<vmem>> -> memref<80xi32, #tpu.memory_space<vmem>>
    %dma_start3A_52 = arith.constant 0 : i32
    %dma_start3A_53 = arith.constant 0 : i32
    %dma_start3A_54 = tpu.memref_slice %arg2[%dma_start3A_52, %dma_start3A_53] : memref<10000x128xf32, #tpu.memory_space<hbm>> -> memref<10000x128xf32, #tpu.memory_space<hbm>>
    tpu.enqueue_indirect_dma source(%dma_start3A_54 : memref<10000x128xf32, #tpu.memory_space<hbm>>) target(%arg10 : memref<80x128xf32, #tpu.memory_space<vmem>>) offsets(%dma_start3A_51 : memref<80xi32, #tpu.memory_space<vmem>>) semaphore(%arg13 : memref<!tpu.dma_semaphore, #tpu.memory_space<semaphore_mem>>)
    %multiple_of3A_55 = arith.constant 0 : i32
    %multiple_of3A_56 = tpu.assume_multiple %multiple_of3A_55, 8 : i32
    %dma_wait3A_57 = tpu.memref_slice %arg6[%multiple_of3A_56] : memref<10000xi32, #tpu.memory_space<vmem>> -> memref<80xi32, #tpu.memory_space<vmem>>
    %dma_wait3A_58 = arith.constant 0 : i32
    %dma_wait3A_59 = arith.constant 0 : i32
    %dma_wait3A_60 = tpu.memref_slice %arg2[%dma_wait3A_58, %dma_wait3A_59] : memref<10000x128xf32, #tpu.memory_space<hbm>> -> memref<10000x128xf32, #tpu.memory_space<hbm>>
    tpu.wait_indirect_dma semaphore(%arg12 : memref<!tpu.dma_semaphore, #tpu.memory_space<semaphore_mem>>) src(%dma_wait3A_60 : memref<10000x128xf32, #tpu.memory_space<hbm>>) dst(%arg9 : memref<80x128xf32, #tpu.memory_space<vmem>>)
    %multiple_of3A_61 = arith.constant 80 : i32
    %multiple_of3A_62 = tpu.assume_multiple %multiple_of3A_61, 8 : i32
    %dma_start3A_63 = tpu.memref_slice %arg7[%multiple_of3A_62] : memref<10000xi32, #tpu.memory_space<vmem>> -> memref<80xi32, #tpu.memory_space<vmem>>
    %dma_start3A_64 = arith.constant 0 : i32
    %dma_start3A_65 = arith.constant 0 : i32
    %dma_start3A_66 = tpu.memref_slice %arg17[%dma_start3A_64, %dma_start3A_65] : memref<10000x128xf32, #tpu.memory_space<vmem_shared>> -> memref<10000x128xf32, #tpu.memory_space<vmem_shared>>
    tpu.enqueue_indirect_dma source(%arg9 : memref<80x128xf32, #tpu.memory_space<vmem>>) target(%dma_start3A_66 : memref<10000x128xf32, #tpu.memory_space<vmem_shared>>) offsets(%dma_start3A_63 : memref<80xi32, #tpu.memory_space<vmem>>) semaphore(%arg15 : memref<!tpu.dma_semaphore, #tpu.memory_space<semaphore_mem>>) {add = true}
    %scan3A_67 = arith.constant 0 : i32
    %scan3A_68 = arith.constant 0 : i32
    %scan3A_69 = arith.constant 40 : i32
    %scan3A_70 = arith.addi %scan3A_68, %scan3A_69 : i32
    %scan3A_71 = arith.constant 1 : i32
    scf.for %scan3A_184 = %scan3A_68 to %scan3A_70 step %scan3A_71  : i32 {
      %mul3A_185 = arith.constant 3 : i32
      %mul3A_186 = arith.muli %mul3A_185, %scan3A_184 : i32
      %add3A_187 = arith.constant 2 : i32
      %add3A_188 = arith.addi %add3A_187, %mul3A_186 : i32
      %add3A_189 = arith.constant 0 : i32
      %add3A_190 = arith.addi %add3A_188, %add3A_189 : i32
      %multiple_of3A_191 = arith.constant 0 : i32
      %multiple_of3A_192 = tpu.assume_multiple %multiple_of3A_191, 8 : i32
      %dma_wait3A_193 = tpu.memref_slice %arg7[%multiple_of3A_192] : memref<10000xi32, #tpu.memory_space<vmem>> -> memref<80xi32, #tpu.memory_space<vmem>>
      %dma_wait3A_194 = arith.constant 0 : i32
      %dma_wait3A_195 = arith.constant 0 : i32
      %dma_wait3A_196 = tpu.memref_slice %arg17[%dma_wait3A_194, %dma_wait3A_195] : memref<10000x128xf32, #tpu.memory_space<vmem_shared>> -> memref<10000x128xf32, #tpu.memory_space<vmem_shared>>
      tpu.wait_indirect_dma semaphore(%arg14 : memref<!tpu.dma_semaphore, #tpu.memory_space<semaphore_mem>>) src(%arg8 : memref<80x128xf32, #tpu.memory_space<vmem>>) dst(%dma_wait3A_196 : memref<10000x128xf32, #tpu.memory_space<vmem_shared>>)
      %add3A_197 = arith.constant 1 : i32
      %add3A_198 = arith.addi %add3A_190, %add3A_197 : i32
      %mul3A_199 = arith.constant 80 : i32
      %mul3A_200 = arith.muli %add3A_198, %mul3A_199 : i32
      %multiple_of3A_201 = tpu.assume_multiple %mul3A_200, 8 : i32
      %dma_start3A_202 = tpu.memref_slice %arg6[%multiple_of3A_201] : memref<10000xi32, #tpu.memory_space<vmem>> -> memref<80xi32, #tpu.memory_space<vmem>>
      %dma_start3A_203 = arith.constant 0 : i32
      %dma_start3A_204 = arith.constant 0 : i32
      %dma_start3A_205 = tpu.memref_slice %arg2[%dma_start3A_203, %dma_start3A_204] : memref<10000x128xf32, #tpu.memory_space<hbm>> -> memref<10000x128xf32, #tpu.memory_space<hbm>>
      tpu.enqueue_indirect_dma source(%dma_start3A_205 : memref<10000x128xf32, #tpu.memory_space<hbm>>) target(%arg8 : memref<80x128xf32, #tpu.memory_space<vmem>>) offsets(%dma_start3A_202 : memref<80xi32, #tpu.memory_space<vmem>>) semaphore(%arg11 : memref<!tpu.dma_semaphore, #tpu.memory_space<semaphore_mem>>)
      %multiple_of3A_206 = arith.constant 0 : i32
      %multiple_of3A_207 = tpu.assume_multiple %multiple_of3A_206, 8 : i32
      %dma_wait3A_208 = tpu.memref_slice %arg6[%multiple_of3A_207] : memref<10000xi32, #tpu.memory_space<vmem>> -> memref<80xi32, #tpu.memory_space<vmem>>
      %dma_wait3A_209 = arith.constant 0 : i32
      %dma_wait3A_210 = arith.constant 0 : i32
      %dma_wait3A_211 = tpu.memref_slice %arg2[%dma_wait3A_209, %dma_wait3A_210] : memref<10000x128xf32, #tpu.memory_space<hbm>> -> memref<10000x128xf32, #tpu.memory_space<hbm>>
      tpu.wait_indirect_dma semaphore(%arg13 : memref<!tpu.dma_semaphore, #tpu.memory_space<semaphore_mem>>) src(%dma_wait3A_211 : memref<10000x128xf32, #tpu.memory_space<hbm>>) dst(%arg10 : memref<80x128xf32, #tpu.memory_space<vmem>>)
      %mul3A_212 = arith.constant 80 : i32
      %mul3A_213 = arith.muli %add3A_190, %mul3A_212 : i32
      %multiple_of3A_214 = tpu.assume_multiple %mul3A_213, 8 : i32
      %dma_start3A_215 = tpu.memref_slice %arg7[%multiple_of3A_214] : memref<10000xi32, #tpu.memory_space<vmem>> -> memref<80xi32, #tpu.memory_space<vmem>>
      %dma_start3A_216 = arith.constant 0 : i32
      %dma_start3A_217 = arith.constant 0 : i32
      %dma_start3A_218 = tpu.memref_slice %arg17[%dma_start3A_216, %dma_start3A_217] : memref<10000x128xf32, #tpu.memory_space<vmem_shared>> -> memref<10000x128xf32, #tpu.memory_space<vmem_shared>>
      tpu.enqueue_indirect_dma source(%arg10 : memref<80x128xf32, #tpu.memory_space<vmem>>) target(%dma_start3A_218 : memref<10000x128xf32, #tpu.memory_space<vmem_shared>>) offsets(%dma_start3A_215 : memref<80xi32, #tpu.memory_space<vmem>>) semaphore(%arg16 : memref<!tpu.dma_semaphore, #tpu.memory_space<semaphore_mem>>) {add = true}
      %mul3A_219 = arith.constant 3 : i32
      %mul3A_220 = arith.muli %mul3A_219, %scan3A_184 : i32
      %add3A_221 = arith.constant 2 : i32
      %add3A_222 = arith.addi %add3A_221, %mul3A_220 : i32
      %add3A_223 = arith.constant 1 : i32
      %add3A_224 = arith.addi %add3A_222, %add3A_223 : i32
      %multiple_of3A_225 = arith.constant 0 : i32
      %multiple_of3A_226 = tpu.assume_multiple %multiple_of3A_225, 8 : i32
      %dma_wait3A_227 = tpu.memref_slice %arg7[%multiple_of3A_226] : memref<10000xi32, #tpu.memory_space<vmem>> -> memref<80xi32, #tpu.memory_space<vmem>>
      %dma_wait3A_228 = arith.constant 0 : i32
      %dma_wait3A_229 = arith.constant 0 : i32
      %dma_wait3A_230 = tpu.memref_slice %arg17[%dma_wait3A_228, %dma_wait3A_229] : memref<10000x128xf32, #tpu.memory_space<vmem_shared>> -> memref<10000x128xf32, #tpu.memory_space<vmem_shared>>
      tpu.wait_indirect_dma semaphore(%arg15 : memref<!tpu.dma_semaphore, #tpu.memory_space<semaphore_mem>>) src(%arg9 : memref<80x128xf32, #tpu.memory_space<vmem>>) dst(%dma_wait3A_230 : memref<10000x128xf32, #tpu.memory_space<vmem_shared>>)
      %add3A_231 = arith.constant 1 : i32
      %add3A_232 = arith.addi %add3A_224, %add3A_231 : i32
      %mul3A_233 = arith.constant 80 : i32
      %mul3A_234 = arith.muli %add3A_232, %mul3A_233 : i32
      %multiple_of3A_235 = tpu.assume_multiple %mul3A_234, 8 : i32
      %dma_start3A_236 = tpu.memref_slice %arg6[%multiple_of3A_235] : memref<10000xi32, #tpu.memory_space<vmem>> -> memref<80xi32, #tpu.memory_space<vmem>>
      %dma_start3A_237 = arith.constant 0 : i32
      %dma_start3A_238 = arith.constant 0 : i32
      %dma_start3A_239 = tpu.memref_slice %arg2[%dma_start3A_237, %dma_start3A_238] : memref<10000x128xf32, #tpu.memory_space<hbm>> -> memref<10000x128xf32, #tpu.memory_space<hbm>>
      tpu.enqueue_indirect_dma source(%dma_start3A_239 : memref<10000x128xf32, #tpu.memory_space<hbm>>) target(%arg9 : memref<80x128xf32, #tpu.memory_space<vmem>>) offsets(%dma_start3A_236 : memref<80xi32, #tpu.memory_space<vmem>>) semaphore(%arg12 : memref<!tpu.dma_semaphore, #tpu.memory_space<semaphore_mem>>)
      %multiple_of3A_240 = arith.constant 0 : i32
      %multiple_of3A_241 = tpu.assume_multiple %multiple_of3A_240, 8 : i32
      %dma_wait3A_242 = tpu.memref_slice %arg6[%multiple_of3A_241] : memref<10000xi32, #tpu.memory_space<vmem>> -> memref<80xi32, #tpu.memory_space<vmem>>
      %dma_wait3A_243 = arith.constant 0 : i32
      %dma_wait3A_244 = arith.constant 0 : i32
      %dma_wait3A_245 = tpu.memref_slice %arg2[%dma_wait3A_243, %dma_wait3A_244] : memref<10000x128xf32, #tpu.memory_space<hbm>> -> memref<10000x128xf32, #tpu.memory_space<hbm>>
      tpu.wait_indirect_dma semaphore(%arg11 : memref<!tpu.dma_semaphore, #tpu.memory_space<semaphore_mem>>) src(%dma_wait3A_245 : memref<10000x128xf32, #tpu.memory_space<hbm>>) dst(%arg8 : memref<80x128xf32, #tpu.memory_space<vmem>>)
      %mul3A_246 = arith.constant 80 : i32
      %mul3A_247 = arith.muli %add3A_224, %mul3A_246 : i32
      %multiple_of3A_248 = tpu.assume_multiple %mul3A_247, 8 : i32
      %dma_start3A_249 = tpu.memref_slice %arg7[%multiple_of3A_248] : memref<10000xi32, #tpu.memory_space<vmem>> -> memref<80xi32, #tpu.memory_space<vmem>>
      %dma_start3A_250 = arith.constant 0 : i32
      %dma_start3A_251 = arith.constant 0 : i32
      %dma_start3A_252 = tpu.memref_slice %arg17[%dma_start3A_250, %dma_start3A_251] : memref<10000x128xf32, #tpu.memory_space<vmem_shared>> -> memref<10000x128xf32, #tpu.memory_space<vmem_shared>>
      tpu.enqueue_indirect_dma source(%arg8 : memref<80x128xf32, #tpu.memory_space<vmem>>) target(%dma_start3A_252 : memref<10000x128xf32, #tpu.memory_space<vmem_shared>>) offsets(%dma_start3A_249 : memref<80xi32, #tpu.memory_space<vmem>>) semaphore(%arg14 : memref<!tpu.dma_semaphore, #tpu.memory_space<semaphore_mem>>) {add = true}
      %mul3A_253 = arith.constant 3 : i32
      %mul3A_254 = arith.muli %mul3A_253, %scan3A_184 : i32
      %add3A_255 = arith.constant 2 : i32
      %add3A_256 = arith.addi %add3A_255, %mul3A_254 : i32
      %add3A_257 = arith.constant 2 : i32
      %add3A_258 = arith.addi %add3A_256, %add3A_257 : i32
      %multiple_of3A_259 = arith.constant 0 : i32
      %multiple_of3A_260 = tpu.assume_multiple %multiple_of3A_259, 8 : i32
      %dma_wait3A_261 = tpu.memref_slice %arg7[%multiple_of3A_260] : memref<10000xi32, #tpu.memory_space<vmem>> -> memref<80xi32, #tpu.memory_space<vmem>>
      %dma_wait3A_262 = arith.constant 0 : i32
      %dma_wait3A_263 = arith.constant 0 : i32
      %dma_wait3A_264 = tpu.memref_slice %arg17[%dma_wait3A_262, %dma_wait3A_263] : memref<10000x128xf32, #tpu.memory_space<vmem_shared>> -> memref<10000x128xf32, #tpu.memory_space<vmem_shared>>
      tpu.wait_indirect_dma semaphore(%arg16 : memref<!tpu.dma_semaphore, #tpu.memory_space<semaphore_mem>>) src(%arg10 : memref<80x128xf32, #tpu.memory_space<vmem>>) dst(%dma_wait3A_264 : memref<10000x128xf32, #tpu.memory_space<vmem_shared>>)
      %add3A_265 = arith.constant 1 : i32
      %add3A_266 = arith.addi %add3A_258, %add3A_265 : i32
      %mul3A_267 = arith.constant 80 : i32
      %mul3A_268 = arith.muli %add3A_266, %mul3A_267 : i32
      %multiple_of3A_269 = tpu.assume_multiple %mul3A_268, 8 : i32
      %dma_start3A_270 = tpu.memref_slice %arg6[%multiple_of3A_269] : memref<10000xi32, #tpu.memory_space<vmem>> -> memref<80xi32, #tpu.memory_space<vmem>>
      %dma_start3A_271 = arith.constant 0 : i32
      %dma_start3A_272 = arith.constant 0 : i32
      %dma_start3A_273 = tpu.memref_slice %arg2[%dma_start3A_271, %dma_start3A_272] : memref<10000x128xf32, #tpu.memory_space<hbm>> -> memref<10000x128xf32, #tpu.memory_space<hbm>>
      tpu.enqueue_indirect_dma source(%dma_start3A_273 : memref<10000x128xf32, #tpu.memory_space<hbm>>) target(%arg10 : memref<80x128xf32, #tpu.memory_space<vmem>>) offsets(%dma_start3A_270 : memref<80xi32, #tpu.memory_space<vmem>>) semaphore(%arg13 : memref<!tpu.dma_semaphore, #tpu.memory_space<semaphore_mem>>)
      %multiple_of3A_274 = arith.constant 0 : i32
      %multiple_of3A_275 = tpu.assume_multiple %multiple_of3A_274, 8 : i32
      %dma_wait3A_276 = tpu.memref_slice %arg6[%multiple_of3A_275] : memref<10000xi32, #tpu.memory_space<vmem>> -> memref<80xi32, #tpu.memory_space<vmem>>
      %dma_wait3A_277 = arith.constant 0 : i32
      %dma_wait3A_278 = arith.constant 0 : i32
      %dma_wait3A_279 = tpu.memref_slice %arg2[%dma_wait3A_277, %dma_wait3A_278] : memref<10000x128xf32, #tpu.memory_space<hbm>> -> memref<10000x128xf32, #tpu.memory_space<hbm>>
      tpu.wait_indirect_dma semaphore(%arg12 : memref<!tpu.dma_semaphore, #tpu.memory_space<semaphore_mem>>) src(%dma_wait3A_279 : memref<10000x128xf32, #tpu.memory_space<hbm>>) dst(%arg9 : memref<80x128xf32, #tpu.memory_space<vmem>>)
      %mul3A_280 = arith.constant 80 : i32
      %mul3A_281 = arith.muli %add3A_258, %mul3A_280 : i32
      %multiple_of3A_282 = tpu.assume_multiple %mul3A_281, 8 : i32
      %dma_start3A_283 = tpu.memref_slice %arg7[%multiple_of3A_282] : memref<10000xi32, #tpu.memory_space<vmem>> -> memref<80xi32, #tpu.memory_space<vmem>>
      %dma_start3A_284 = arith.constant 0 : i32
      %dma_start3A_285 = arith.constant 0 : i32
      %dma_start3A_286 = tpu.memref_slice %arg17[%dma_start3A_284, %dma_start3A_285] : memref<10000x128xf32, #tpu.memory_space<vmem_shared>> -> memref<10000x128xf32, #tpu.memory_space<vmem_shared>>
      tpu.enqueue_indirect_dma source(%arg9 : memref<80x128xf32, #tpu.memory_space<vmem>>) target(%dma_start3A_286 : memref<10000x128xf32, #tpu.memory_space<vmem_shared>>) offsets(%dma_start3A_283 : memref<80xi32, #tpu.memory_space<vmem>>) semaphore(%arg15 : memref<!tpu.dma_semaphore, #tpu.memory_space<semaphore_mem>>) {add = true}
    }
    %scan3A_72 = arith.constant 40 : i32
    %multiple_of3A_73 = arith.constant 0 : i32
    %multiple_of3A_74 = tpu.assume_multiple %multiple_of3A_73, 8 : i32
    %dma_wait3A_75 = tpu.memref_slice %arg7[%multiple_of3A_74] : memref<10000xi32, #tpu.memory_space<vmem>> -> memref<80xi32, #tpu.memory_space<vmem>>
    %dma_wait3A_76 = arith.constant 0 : i32
    %dma_wait3A_77 = arith.constant 0 : i32
    %dma_wait3A_78 = tpu.memref_slice %arg17[%dma_wait3A_76, %dma_wait3A_77] : memref<10000x128xf32, #tpu.memory_space<vmem_shared>> -> memref<10000x128xf32, #tpu.memory_space<vmem_shared>>
    tpu.wait_indirect_dma semaphore(%arg14 : memref<!tpu.dma_semaphore, #tpu.memory_space<semaphore_mem>>) src(%arg8 : memref<80x128xf32, #tpu.memory_space<vmem>>) dst(%dma_wait3A_78 : memref<10000x128xf32, #tpu.memory_space<vmem_shared>>)
    %multiple_of3A_79 = arith.constant 9840 : i32
    %multiple_of3A_80 = tpu.assume_multiple %multiple_of3A_79, 8 : i32
    %dma_start3A_81 = tpu.memref_slice %arg6[%multiple_of3A_80] : memref<10000xi32, #tpu.memory_space<vmem>> -> memref<80xi32, #tpu.memory_space<vmem>>
    %dma_start3A_82 = arith.constant 0 : i32
    %dma_start3A_83 = arith.constant 0 : i32
    %dma_start3A_84 = tpu.memref_slice %arg2[%dma_start3A_82, %dma_start3A_83] : memref<10000x128xf32, #tpu.memory_space<hbm>> -> memref<10000x128xf32, #tpu.memory_space<hbm>>
    tpu.enqueue_indirect_dma source(%dma_start3A_84 : memref<10000x128xf32, #tpu.memory_space<hbm>>) target(%arg8 : memref<80x128xf32, #tpu.memory_space<vmem>>) offsets(%dma_start3A_81 : memref<80xi32, #tpu.memory_space<vmem>>) semaphore(%arg11 : memref<!tpu.dma_semaphore, #tpu.memory_space<semaphore_mem>>)
    %multiple_of3A_85 = arith.constant 0 : i32
    %multiple_of3A_86 = tpu.assume_multiple %multiple_of3A_85, 8 : i32
    %dma_wait3A_87 = tpu.memref_slice %arg6[%multiple_of3A_86] : memref<10000xi32, #tpu.memory_space<vmem>> -> memref<80xi32, #tpu.memory_space<vmem>>
    %dma_wait3A_88 = arith.constant 0 : i32
    %dma_wait3A_89 = arith.constant 0 : i32
    %dma_wait3A_90 = tpu.memref_slice %arg2[%dma_wait3A_88, %dma_wait3A_89] : memref<10000x128xf32, #tpu.memory_space<hbm>> -> memref<10000x128xf32, #tpu.memory_space<hbm>>
    tpu.wait_indirect_dma semaphore(%arg13 : memref<!tpu.dma_semaphore, #tpu.memory_space<semaphore_mem>>) src(%dma_wait3A_90 : memref<10000x128xf32, #tpu.memory_space<hbm>>) dst(%arg10 : memref<80x128xf32, #tpu.memory_space<vmem>>)
    %multiple_of3A_91 = arith.constant 9760 : i32
    %multiple_of3A_92 = tpu.assume_multiple %multiple_of3A_91, 8 : i32
    %dma_start3A_93 = tpu.memref_slice %arg7[%multiple_of3A_92] : memref<10000xi32, #tpu.memory_space<vmem>> -> memref<80xi32, #tpu.memory_space<vmem>>
    %dma_start3A_94 = arith.constant 0 : i32
    %dma_start3A_95 = arith.constant 0 : i32
    %dma_start3A_96 = tpu.memref_slice %arg17[%dma_start3A_94, %dma_start3A_95] : memref<10000x128xf32, #tpu.memory_space<vmem_shared>> -> memref<10000x128xf32, #tpu.memory_space<vmem_shared>>
    tpu.enqueue_indirect_dma source(%arg10 : memref<80x128xf32, #tpu.memory_space<vmem>>) target(%dma_start3A_96 : memref<10000x128xf32, #tpu.memory_space<vmem_shared>>) offsets(%dma_start3A_93 : memref<80xi32, #tpu.memory_space<vmem>>) semaphore(%arg16 : memref<!tpu.dma_semaphore, #tpu.memory_space<semaphore_mem>>) {add = true}
    %multiple_of3A_97 = arith.constant 0 : i32
    %multiple_of3A_98 = tpu.assume_multiple %multiple_of3A_97, 8 : i32
    %dma_wait3A_99 = tpu.memref_slice %arg7[%multiple_of3A_98] : memref<10000xi32, #tpu.memory_space<vmem>> -> memref<80xi32, #tpu.memory_space<vmem>>
    %dma_wait3A_100 = arith.constant 0 : i32
    %dma_wait3A_101 = arith.constant 0 : i32
    %dma_wait3A_102 = tpu.memref_slice %arg17[%dma_wait3A_100, %dma_wait3A_101] : memref<10000x128xf32, #tpu.memory_space<vmem_shared>> -> memref<10000x128xf32, #tpu.memory_space<vmem_shared>>
    tpu.wait_indirect_dma semaphore(%arg15 : memref<!tpu.dma_semaphore, #tpu.memory_space<semaphore_mem>>) src(%arg9 : memref<80x128xf32, #tpu.memory_space<vmem>>) dst(%dma_wait3A_102 : memref<10000x128xf32, #tpu.memory_space<vmem_shared>>)
    %multiple_of3A_103 = arith.constant 9920 : i32
    %multiple_of3A_104 = tpu.assume_multiple %multiple_of3A_103, 8 : i32
    %dma_start3A_105 = tpu.memref_slice %arg6[%multiple_of3A_104] : memref<10000xi32, #tpu.memory_space<vmem>> -> memref<80xi32, #tpu.memory_space<vmem>>
    %dma_start3A_106 = arith.constant 0 : i32
    %dma_start3A_107 = arith.constant 0 : i32
    %dma_start3A_108 = tpu.memref_slice %arg2[%dma_start3A_106, %dma_start3A_107] : memref<10000x128xf32, #tpu.memory_space<hbm>> -> memref<10000x128xf32, #tpu.memory_space<hbm>>
    tpu.enqueue_indirect_dma source(%dma_start3A_108 : memref<10000x128xf32, #tpu.memory_space<hbm>>) target(%arg9 : memref<80x128xf32, #tpu.memory_space<vmem>>) offsets(%dma_start3A_105 : memref<80xi32, #tpu.memory_space<vmem>>) semaphore(%arg12 : memref<!tpu.dma_semaphore, #tpu.memory_space<semaphore_mem>>)
    %multiple_of3A_109 = arith.constant 0 : i32
    %multiple_of3A_110 = tpu.assume_multiple %multiple_of3A_109, 8 : i32
    %dma_wait3A_111 = tpu.memref_slice %arg6[%multiple_of3A_110] : memref<10000xi32, #tpu.memory_space<vmem>> -> memref<80xi32, #tpu.memory_space<vmem>>
    %dma_wait3A_112 = arith.constant 0 : i32
    %dma_wait3A_113 = arith.constant 0 : i32
    %dma_wait3A_114 = tpu.memref_slice %arg2[%dma_wait3A_112, %dma_wait3A_113] : memref<10000x128xf32, #tpu.memory_space<hbm>> -> memref<10000x128xf32, #tpu.memory_space<hbm>>
    tpu.wait_indirect_dma semaphore(%arg11 : memref<!tpu.dma_semaphore, #tpu.memory_space<semaphore_mem>>) src(%dma_wait3A_114 : memref<10000x128xf32, #tpu.memory_space<hbm>>) dst(%arg8 : memref<80x128xf32, #tpu.memory_space<vmem>>)
    %multiple_of3A_115 = arith.constant 9840 : i32
    %multiple_of3A_116 = tpu.assume_multiple %multiple_of3A_115, 8 : i32
    %dma_start3A_117 = tpu.memref_slice %arg7[%multiple_of3A_116] : memref<10000xi32, #tpu.memory_space<vmem>> -> memref<80xi32, #tpu.memory_space<vmem>>
    %dma_start3A_118 = arith.constant 0 : i32
    %dma_start3A_119 = arith.constant 0 : i32
    %dma_start3A_120 = tpu.memref_slice %arg17[%dma_start3A_118, %dma_start3A_119] : memref<10000x128xf32, #tpu.memory_space<vmem_shared>> -> memref<10000x128xf32, #tpu.memory_space<vmem_shared>>
    tpu.enqueue_indirect_dma source(%arg8 : memref<80x128xf32, #tpu.memory_space<vmem>>) target(%dma_start3A_120 : memref<10000x128xf32, #tpu.memory_space<vmem_shared>>) offsets(%dma_start3A_117 : memref<80xi32, #tpu.memory_space<vmem>>) semaphore(%arg14 : memref<!tpu.dma_semaphore, #tpu.memory_space<semaphore_mem>>) {add = true}
    %multiple_of3A_121 = arith.constant 0 : i32
    %multiple_of3A_122 = tpu.assume_multiple %multiple_of3A_121, 8 : i32
    %dma_wait3A_123 = tpu.memref_slice %arg6[%multiple_of3A_122] : memref<10000xi32, #tpu.memory_space<vmem>> -> memref<80xi32, #tpu.memory_space<vmem>>
    %dma_wait3A_124 = arith.constant 0 : i32
    %dma_wait3A_125 = arith.constant 0 : i32
    %dma_wait3A_126 = tpu.memref_slice %arg2[%dma_wait3A_124, %dma_wait3A_125] : memref<10000x128xf32, #tpu.memory_space<hbm>> -> memref<10000x128xf32, #tpu.memory_space<hbm>>
    tpu.wait_indirect_dma semaphore(%arg12 : memref<!tpu.dma_semaphore, #tpu.memory_space<semaphore_mem>>) src(%dma_wait3A_126 : memref<10000x128xf32, #tpu.memory_space<hbm>>) dst(%arg9 : memref<80x128xf32, #tpu.memory_space<vmem>>)
    %multiple_of3A_127 = arith.constant 9920 : i32
    %multiple_of3A_128 = tpu.assume_multiple %multiple_of3A_127, 8 : i32
    %dma_start3A_129 = tpu.memref_slice %arg7[%multiple_of3A_128] : memref<10000xi32, #tpu.memory_space<vmem>> -> memref<80xi32, #tpu.memory_space<vmem>>
    %dma_start3A_130 = arith.constant 0 : i32
    %dma_start3A_131 = arith.constant 0 : i32
    %dma_start3A_132 = tpu.memref_slice %arg17[%dma_start3A_130, %dma_start3A_131] : memref<10000x128xf32, #tpu.memory_space<vmem_shared>> -> memref<10000x128xf32, #tpu.memory_space<vmem_shared>>
    tpu.enqueue_indirect_dma source(%arg9 : memref<80x128xf32, #tpu.memory_space<vmem>>) target(%dma_start3A_132 : memref<10000x128xf32, #tpu.memory_space<vmem_shared>>) offsets(%dma_start3A_129 : memref<80xi32, #tpu.memory_space<vmem>>) semaphore(%arg15 : memref<!tpu.dma_semaphore, #tpu.memory_space<semaphore_mem>>) {add = true}
    %multiple_of3A_133 = arith.constant 0 : i32
    %multiple_of3A_134 = tpu.assume_multiple %multiple_of3A_133, 8 : i32
    %dma_wait3A_135 = tpu.memref_slice %arg7[%multiple_of3A_134] : memref<10000xi32, #tpu.memory_space<vmem>> -> memref<80xi32, #tpu.memory_space<vmem>>
    %dma_wait3A_136 = arith.constant 0 : i32
    %dma_wait3A_137 = arith.constant 0 : i32
    %dma_wait3A_138 = tpu.memref_slice %arg17[%dma_wait3A_136, %dma_wait3A_137] : memref<10000x128xf32, #tpu.memory_space<vmem_shared>> -> memref<10000x128xf32, #tpu.memory_space<vmem_shared>>
    tpu.wait_indirect_dma semaphore(%arg14 : memref<!tpu.dma_semaphore, #tpu.memory_space<semaphore_mem>>) src(%arg8 : memref<80x128xf32, #tpu.memory_space<vmem>>) dst(%dma_wait3A_138 : memref<10000x128xf32, #tpu.memory_space<vmem_shared>>)
    %multiple_of3A_139 = arith.constant 0 : i32
    %multiple_of3A_140 = tpu.assume_multiple %multiple_of3A_139, 8 : i32
    %dma_wait3A_141 = tpu.memref_slice %arg7[%multiple_of3A_140] : memref<10000xi32, #tpu.memory_space<vmem>> -> memref<80xi32, #tpu.memory_space<vmem>>
    %dma_wait3A_142 = arith.constant 0 : i32
    %dma_wait3A_143 = arith.constant 0 : i32
    %dma_wait3A_144 = tpu.memref_slice %arg17[%dma_wait3A_142, %dma_wait3A_143] : memref<10000x128xf32, #tpu.memory_space<vmem_shared>> -> memref<10000x128xf32, #tpu.memory_space<vmem_shared>>
    tpu.wait_indirect_dma semaphore(%arg15 : memref<!tpu.dma_semaphore, #tpu.memory_space<semaphore_mem>>) src(%arg9 : memref<80x128xf32, #tpu.memory_space<vmem>>) dst(%dma_wait3A_144 : memref<10000x128xf32, #tpu.memory_space<vmem_shared>>)
    %multiple_of3A_145 = arith.constant 0 : i32
    %multiple_of3A_146 = tpu.assume_multiple %multiple_of3A_145, 8 : i32
    %dma_wait3A_147 = tpu.memref_slice %arg7[%multiple_of3A_146] : memref<10000xi32, #tpu.memory_space<vmem>> -> memref<80xi32, #tpu.memory_space<vmem>>
    %dma_wait3A_148 = arith.constant 0 : i32
    %dma_wait3A_149 = arith.constant 0 : i32
    %dma_wait3A_150 = tpu.memref_slice %arg17[%dma_wait3A_148, %dma_wait3A_149] : memref<10000x128xf32, #tpu.memory_space<vmem_shared>> -> memref<10000x128xf32, #tpu.memory_space<vmem_shared>>
    tpu.wait_indirect_dma semaphore(%arg16 : memref<!tpu.dma_semaphore, #tpu.memory_space<semaphore_mem>>) src(%arg10 : memref<80x128xf32, #tpu.memory_space<vmem>>) dst(%dma_wait3A_150 : memref<10000x128xf32, #tpu.memory_space<vmem_shared>>)
    %barrier3A_151 = arith.constant 0 : index
    tpu.barrier barrier_id(%barrier3A_151)
    %add3A_152 = arith.constant 0 : i32
    %add3A_153 = arith.addi %multiple_of3A, %add3A_152 : i32
    "tpu.region"() ({
      %run_scoped3A = tpu.sem_alloc : memref<!tpu.dma_semaphore, #tpu.memory_space<semaphore_mem>>
      %dma_start3A_184 = arith.constant 0 : i32
      %dma_start3A_185 = tpu.memref_slice %arg17[%add3A_153, %dma_start3A_184] : memref<10000x128xf32, #tpu.memory_space<vmem_shared>> -> memref<80x128xf32, #tpu.memory_space<vmem_shared>>
      %dma_start3A_186 = arith.constant 0 : i32
      %dma_start3A_187 = tpu.memref_slice %arg17[%add3A_153, %dma_start3A_186] : memref<10000x128xf32, #tpu.memory_space<vmem_shared>> -> memref<80x128xf32, #tpu.memory_space<vmem_shared>>
      tpu.enqueue_dma source(%dma_start3A_187 : memref<80x128xf32, #tpu.memory_space<vmem_shared>>) target(%arg8 : memref<80x128xf32, #tpu.memory_space<vmem>>) target_semaphore(%run_scoped3A : memref<!tpu.dma_semaphore, #tpu.memory_space<semaphore_mem>>)
      %dma_wait3A_188 = arith.constant 0 : i32
      %dma_wait3A_189 = tpu.memref_slice %arg17[%add3A_153, %dma_wait3A_188] : memref<10000x128xf32, #tpu.memory_space<vmem_shared>> -> memref<80x128xf32, #tpu.memory_space<vmem_shared>>
      %dma_wait3A_190 = arith.constant 0 : i32
      %dma_wait3A_191 = tpu.memref_slice %arg17[%add3A_153, %dma_wait3A_190] : memref<10000x128xf32, #tpu.memory_space<vmem_shared>> -> memref<80x128xf32, #tpu.memory_space<vmem_shared>>
      tpu.wait_dma2 semaphore(%run_scoped3A : memref<!tpu.dma_semaphore, #tpu.memory_space<semaphore_mem>>) src(%dma_wait3A_191 : memref<80x128xf32, #tpu.memory_space<vmem_shared>>) dst(%arg8 : memref<80x128xf32, #tpu.memory_space<vmem>>)
      tpu.yield
    }) : () -> ()
    %add3A_154 = arith.constant 0 : i32
    %add3A_155 = arith.addi %multiple_of3A, %add3A_154 : i32
    "tpu.region"() ({
      %run_scoped3A = tpu.sem_alloc : memref<!tpu.dma_semaphore, #tpu.memory_space<semaphore_mem>>
      %dma_start3A_184 = arith.constant 0 : i32
      %dma_start3A_185 = tpu.memref_slice %arg5[%arg0, %add3A_155, %dma_start3A_184] : memref<2x10000x128xf32, #tpu.memory_space<hbm>> -> memref<1x80x128xf32, #tpu.memory_space<hbm>>
      %dma_start3A_186 = tpu.memref_squeeze %dma_start3A_185 : memref<1x80x128xf32, #tpu.memory_space<hbm>> -> memref<80x128xf32, #tpu.memory_space<hbm>>
      %dma_start3A_187 = arith.constant 0 : i32
      %dma_start3A_188 = tpu.memref_slice %arg5[%arg0, %add3A_155, %dma_start3A_187] : memref<2x10000x128xf32, #tpu.memory_space<hbm>> -> memref<1x80x128xf32, #tpu.memory_space<hbm>>
      %dma_start3A_189 = tpu.memref_squeeze %dma_start3A_188 : memref<1x80x128xf32, #tpu.memory_space<hbm>> -> memref<80x128xf32, #tpu.memory_space<hbm>>
      tpu.enqueue_dma source(%arg8 : memref<80x128xf32, #tpu.memory_space<vmem>>) target(%dma_start3A_189 : memref<80x128xf32, #tpu.memory_space<hbm>>) target_semaphore(%run_scoped3A : memref<!tpu.dma_semaphore, #tpu.memory_space<semaphore_mem>>)
      %dma_wait3A_190 = arith.constant 0 : i32
      %dma_wait3A_191 = tpu.memref_slice %arg5[%arg0, %add3A_155, %dma_wait3A_190] : memref<2x10000x128xf32, #tpu.memory_space<hbm>> -> memref<1x80x128xf32, #tpu.memory_space<hbm>>
      %dma_wait3A_192 = tpu.memref_squeeze %dma_wait3A_191 : memref<1x80x128xf32, #tpu.memory_space<hbm>> -> memref<80x128xf32, #tpu.memory_space<hbm>>
      %dma_wait3A_193 = arith.constant 0 : i32
      %dma_wait3A_194 = tpu.memref_slice %arg5[%arg0, %add3A_155, %dma_wait3A_193] : memref<2x10000x128xf32, #tpu.memory_space<hbm>> -> memref<1x80x128xf32, #tpu.memory_space<hbm>>
      %dma_wait3A_195 = tpu.memref_squeeze %dma_wait3A_194 : memref<1x80x128xf32, #tpu.memory_space<hbm>> -> memref<80x128xf32, #tpu.memory_space<hbm>>
      tpu.wait_dma2 semaphore(%run_scoped3A : memref<!tpu.dma_semaphore, #tpu.memory_space<semaphore_mem>>) src(%arg8 : memref<80x128xf32, #tpu.memory_space<vmem>>) dst(%dma_wait3A_195 : memref<80x128xf32, #tpu.memory_space<hbm>>)
      tpu.yield
    }) : () -> ()
    %add3A_156 = arith.constant 80 : i32
    %add3A_157 = arith.addi %multiple_of3A, %add3A_156 : i32
    "tpu.region"() ({
      %run_scoped3A = tpu.sem_alloc : memref<!tpu.dma_semaphore, #tpu.memory_space<semaphore_mem>>
      %dma_start3A_184 = arith.constant 0 : i32
      %dma_start3A_185 = tpu.memref_slice %arg17[%add3A_157, %dma_start3A_184] : memref<10000x128xf32, #tpu.memory_space<vmem_shared>> -> memref<80x128xf32, #tpu.memory_space<vmem_shared>>
      %dma_start3A_186 = arith.constant 0 : i32
      %dma_start3A_187 = tpu.memref_slice %arg17[%add3A_157, %dma_start3A_186] : memref<10000x128xf32, #tpu.memory_space<vmem_shared>> -> memref<80x128xf32, #tpu.memory_space<vmem_shared>>
      tpu.enqueue_dma source(%dma_start3A_187 : memref<80x128xf32, #tpu.memory_space<vmem_shared>>) target(%arg8 : memref<80x128xf32, #tpu.memory_space<vmem>>) target_semaphore(%run_scoped3A : memref<!tpu.dma_semaphore, #tpu.memory_space<semaphore_mem>>)
      %dma_wait3A_188 = arith.constant 0 : i32
      %dma_wait3A_189 = tpu.memref_slice %arg17[%add3A_157, %dma_wait3A_188] : memref<10000x128xf32, #tpu.memory_space<vmem_shared>> -> memref<80x128xf32, #tpu.memory_space<vmem_shared>>
      %dma_wait3A_190 = arith.constant 0 : i32
      %dma_wait3A_191 = tpu.memref_slice %arg17[%add3A_157, %dma_wait3A_190] : memref<10000x128xf32, #tpu.memory_space<vmem_shared>> -> memref<80x128xf32, #tpu.memory_space<vmem_shared>>
      tpu.wait_dma2 semaphore(%run_scoped3A : memref<!tpu.dma_semaphore, #tpu.memory_space<semaphore_mem>>) src(%dma_wait3A_191 : memref<80x128xf32, #tpu.memory_space<vmem_shared>>) dst(%arg8 : memref<80x128xf32, #tpu.memory_space<vmem>>)
      tpu.yield
    }) : () -> ()
    %add3A_158 = arith.constant 80 : i32
    %add3A_159 = arith.addi %multiple_of3A, %add3A_158 : i32
    "tpu.region"() ({
      %run_scoped3A = tpu.sem_alloc : memref<!tpu.dma_semaphore, #tpu.memory_space<semaphore_mem>>
      %dma_start3A_184 = arith.constant 0 : i32
      %dma_start3A_185 = tpu.memref_slice %arg5[%arg0, %add3A_159, %dma_start3A_184] : memref<2x10000x128xf32, #tpu.memory_space<hbm>> -> memref<1x80x128xf32, #tpu.memory_space<hbm>>
      %dma_start3A_186 = tpu.memref_squeeze %dma_start3A_185 : memref<1x80x128xf32, #tpu.memory_space<hbm>> -> memref<80x128xf32, #tpu.memory_space<hbm>>
      %dma_start3A_187 = arith.constant 0 : i32
      %dma_start3A_188 = tpu.memref_slice %arg5[%arg0, %add3A_159, %dma_start3A_187] : memref<2x10000x128xf32, #tpu.memory_space<hbm>> -> memref<1x80x128xf32, #tpu.memory_space<hbm>>
      %dma_start3A_189 = tpu.memref_squeeze %dma_start3A_188 : memref<1x80x128xf32, #tpu.memory_space<hbm>> -> memref<80x128xf32, #tpu.memory_space<hbm>>
      tpu.enqueue_dma source(%arg8 : memref<80x128xf32, #tpu.memory_space<vmem>>) target(%dma_start3A_189 : memref<80x128xf32, #tpu.memory_space<hbm>>) target_semaphore(%run_scoped3A : memref<!tpu.dma_semaphore, #tpu.memory_space<semaphore_mem>>)
      %dma_wait3A_190 = arith.constant 0 : i32
      %dma_wait3A_191 = tpu.memref_slice %arg5[%arg0, %add3A_159, %dma_wait3A_190] : memref<2x10000x128xf32, #tpu.memory_space<hbm>> -> memref<1x80x128xf32, #tpu.memory_space<hbm>>
      %dma_wait3A_192 = tpu.memref_squeeze %dma_wait3A_191 : memref<1x80x128xf32, #tpu.memory_space<hbm>> -> memref<80x128xf32, #tpu.memory_space<hbm>>
      %dma_wait3A_193 = arith.constant 0 : i32
      %dma_wait3A_194 = tpu.memref_slice %arg5[%arg0, %add3A_159, %dma_wait3A_193] : memref<2x10000x128xf32, #tpu.memory_space<hbm>> -> memref<1x80x128xf32, #tpu.memory_space<hbm>>
      %dma_wait3A_195 = tpu.memref_squeeze %dma_wait3A_194 : memref<1x80x128xf32, #tpu.memory_space<hbm>> -> memref<80x128xf32, #tpu.memory_space<hbm>>
      tpu.wait_dma2 semaphore(%run_scoped3A : memref<!tpu.dma_semaphore, #tpu.memory_space<semaphore_mem>>) src(%arg8 : memref<80x128xf32, #tpu.memory_space<vmem>>) dst(%dma_wait3A_195 : memref<80x128xf32, #tpu.memory_space<hbm>>)
      tpu.yield
    }) : () -> ()
    %add3A_160 = arith.constant 160 : i32
    %add3A_161 = arith.addi %multiple_of3A, %add3A_160 : i32
    "tpu.region"() ({
      %run_scoped3A = tpu.sem_alloc : memref<!tpu.dma_semaphore, #tpu.memory_space<semaphore_mem>>
      %dma_start3A_184 = arith.constant 0 : i32
      %dma_start3A_185 = tpu.memref_slice %arg17[%add3A_161, %dma_start3A_184] : memref<10000x128xf32, #tpu.memory_space<vmem_shared>> -> memref<80x128xf32, #tpu.memory_space<vmem_shared>>
      %dma_start3A_186 = arith.constant 0 : i32
      %dma_start3A_187 = tpu.memref_slice %arg17[%add3A_161, %dma_start3A_186] : memref<10000x128xf32, #tpu.memory_space<vmem_shared>> -> memref<80x128xf32, #tpu.memory_space<vmem_shared>>
      tpu.enqueue_dma source(%dma_start3A_187 : memref<80x128xf32, #tpu.memory_space<vmem_shared>>) target(%arg8 : memref<80x128xf32, #tpu.memory_space<vmem>>) target_semaphore(%run_scoped3A : memref<!tpu.dma_semaphore, #tpu.memory_space<semaphore_mem>>)
      %dma_wait3A_188 = arith.constant 0 : i32
      %dma_wait3A_189 = tpu.memref_slice %arg17[%add3A_161, %dma_wait3A_188] : memref<10000x128xf32, #tpu.memory_space<vmem_shared>> -> memref<80x128xf32, #tpu.memory_space<vmem_shared>>
      %dma_wait3A_190 = arith.constant 0 : i32
      %dma_wait3A_191 = tpu.memref_slice %arg17[%add3A_161, %dma_wait3A_190] : memref<10000x128xf32, #tpu.memory_space<vmem_shared>> -> memref<80x128xf32, #tpu.memory_space<vmem_shared>>
      tpu.wait_dma2 semaphore(%run_scoped3A : memref<!tpu.dma_semaphore, #tpu.memory_space<semaphore_mem>>) src(%dma_wait3A_191 : memref<80x128xf32, #tpu.memory_space<vmem_shared>>) dst(%arg8 : memref<80x128xf32, #tpu.memory_space<vmem>>)
      tpu.yield
    }) : () -> ()
    %add3A_162 = arith.constant 160 : i32
    %add3A_163 = arith.addi %multiple_of3A, %add3A_162 : i32
    "tpu.region"() ({
      %run_scoped3A = tpu.sem_alloc : memref<!tpu.dma_semaphore, #tpu.memory_space<semaphore_mem>>
      %dma_start3A_184 = arith.constant 0 : i32
      %dma_start3A_185 = tpu.memref_slice %arg5[%arg0, %add3A_163, %dma_start3A_184] : memref<2x10000x128xf32, #tpu.memory_space<hbm>> -> memref<1x80x128xf32, #tpu.memory_space<hbm>>
      %dma_start3A_186 = tpu.memref_squeeze %dma_start3A_185 : memref<1x80x128xf32, #tpu.memory_space<hbm>> -> memref<80x128xf32, #tpu.memory_space<hbm>>
      %dma_start3A_187 = arith.constant 0 : i32
      %dma_start3A_188 = tpu.memref_slice %arg5[%arg0, %add3A_163, %dma_start3A_187] : memref<2x10000x128xf32, #tpu.memory_space<hbm>> -> memref<1x80x128xf32, #tpu.memory_space<hbm>>
      %dma_start3A_189 = tpu.memref_squeeze %dma_start3A_188 : memref<1x80x128xf32, #tpu.memory_space<hbm>> -> memref<80x128xf32, #tpu.memory_space<hbm>>
      tpu.enqueue_dma source(%arg8 : memref<80x128xf32, #tpu.memory_space<vmem>>) target(%dma_start3A_189 : memref<80x128xf32, #tpu.memory_space<hbm>>) target_semaphore(%run_scoped3A : memref<!tpu.dma_semaphore, #tpu.memory_space<semaphore_mem>>)
      %dma_wait3A_190 = arith.constant 0 : i32
      %dma_wait3A_191 = tpu.memref_slice %arg5[%arg0, %add3A_163, %dma_wait3A_190] : memref<2x10000x128xf32, #tpu.memory_space<hbm>> -> memref<1x80x128xf32, #tpu.memory_space<hbm>>
      %dma_wait3A_192 = tpu.memref_squeeze %dma_wait3A_191 : memref<1x80x128xf32, #tpu.memory_space<hbm>> -> memref<80x128xf32, #tpu.memory_space<hbm>>
      %dma_wait3A_193 = arith.constant 0 : i32
      %dma_wait3A_194 = tpu.memref_slice %arg5[%arg0, %add3A_163, %dma_wait3A_193] : memref<2x10000x128xf32, #tpu.memory_space<hbm>> -> memref<1x80x128xf32, #tpu.memory_space<hbm>>
      %dma_wait3A_195 = tpu.memref_squeeze %dma_wait3A_194 : memref<1x80x128xf32, #tpu.memory_space<hbm>> -> memref<80x128xf32, #tpu.memory_space<hbm>>
      tpu.wait_dma2 semaphore(%run_scoped3A : memref<!tpu.dma_semaphore, #tpu.memory_space<semaphore_mem>>) src(%arg8 : memref<80x128xf32, #tpu.memory_space<vmem>>) dst(%dma_wait3A_195 : memref<80x128xf32, #tpu.memory_space<hbm>>)
      tpu.yield
    }) : () -> ()
    %add3A_164 = arith.constant 240 : i32
    %add3A_165 = arith.addi %multiple_of3A, %add3A_164 : i32
    "tpu.region"() ({
      %run_scoped3A = tpu.sem_alloc : memref<!tpu.dma_semaphore, #tpu.memory_space<semaphore_mem>>
      %dma_start3A_184 = arith.constant 0 : i32
      %dma_start3A_185 = tpu.memref_slice %arg17[%add3A_165, %dma_start3A_184] : memref<10000x128xf32, #tpu.memory_space<vmem_shared>> -> memref<80x128xf32, #tpu.memory_space<vmem_shared>>
      %dma_start3A_186 = arith.constant 0 : i32
      %dma_start3A_187 = tpu.memref_slice %arg17[%add3A_165, %dma_start3A_186] : memref<10000x128xf32, #tpu.memory_space<vmem_shared>> -> memref<80x128xf32, #tpu.memory_space<vmem_shared>>
      tpu.enqueue_dma source(%dma_start3A_187 : memref<80x128xf32, #tpu.memory_space<vmem_shared>>) target(%arg8 : memref<80x128xf32, #tpu.memory_space<vmem>>) target_semaphore(%run_scoped3A : memref<!tpu.dma_semaphore, #tpu.memory_space<semaphore_mem>>)
      %dma_wait3A_188 = arith.constant 0 : i32
      %dma_wait3A_189 = tpu.memref_slice %arg17[%add3A_165, %dma_wait3A_188] : memref<10000x128xf32, #tpu.memory_space<vmem_shared>> -> memref<80x128xf32, #tpu.memory_space<vmem_shared>>
      %dma_wait3A_190 = arith.constant 0 : i32
      %dma_wait3A_191 = tpu.memref_slice %arg17[%add3A_165, %dma_wait3A_190] : memref<10000x128xf32, #tpu.memory_space<vmem_shared>> -> memref<80x128xf32, #tpu.memory_space<vmem_shared>>
      tpu.wait_dma2 semaphore(%run_scoped3A : memref<!tpu.dma_semaphore, #tpu.memory_space<semaphore_mem>>) src(%dma_wait3A_191 : memref<80x128xf32, #tpu.memory_space<vmem_shared>>) dst(%arg8 : memref<80x128xf32, #tpu.memory_space<vmem>>)
      tpu.yield
    }) : () -> ()
    %add3A_166 = arith.constant 240 : i32
    %add3A_167 = arith.addi %multiple_of3A, %add3A_166 : i32
    "tpu.region"() ({
      %run_scoped3A = tpu.sem_alloc : memref<!tpu.dma_semaphore, #tpu.memory_space<semaphore_mem>>
      %dma_start3A_184 = arith.constant 0 : i32
      %dma_start3A_185 = tpu.memref_slice %arg5[%arg0, %add3A_167, %dma_start3A_184] : memref<2x10000x128xf32, #tpu.memory_space<hbm>> -> memref<1x80x128xf32, #tpu.memory_space<hbm>>
      %dma_start3A_186 = tpu.memref_squeeze %dma_start3A_185 : memref<1x80x128xf32, #tpu.memory_space<hbm>> -> memref<80x128xf32, #tpu.memory_space<hbm>>
      %dma_start3A_187 = arith.constant 0 : i32
      %dma_start3A_188 = tpu.memref_slice %arg5[%arg0, %add3A_167, %dma_start3A_187] : memref<2x10000x128xf32, #tpu.memory_space<hbm>> -> memref<1x80x128xf32, #tpu.memory_space<hbm>>
      %dma_start3A_189 = tpu.memref_squeeze %dma_start3A_188 : memref<1x80x128xf32, #tpu.memory_space<hbm>> -> memref<80x128xf32, #tpu.memory_space<hbm>>
      tpu.enqueue_dma source(%arg8 : memref<80x128xf32, #tpu.memory_space<vmem>>) target(%dma_start3A_189 : memref<80x128xf32, #tpu.memory_space<hbm>>) target_semaphore(%run_scoped3A : memref<!tpu.dma_semaphore, #tpu.memory_space<semaphore_mem>>)
      %dma_wait3A_190 = arith.constant 0 : i32
      %dma_wait3A_191 = tpu.memref_slice %arg5[%arg0, %add3A_167, %dma_wait3A_190] : memref<2x10000x128xf32, #tpu.memory_space<hbm>> -> memref<1x80x128xf32, #tpu.memory_space<hbm>>
      %dma_wait3A_192 = tpu.memref_squeeze %dma_wait3A_191 : memref<1x80x128xf32, #tpu.memory_space<hbm>> -> memref<80x128xf32, #tpu.memory_space<hbm>>
      %dma_wait3A_193 = arith.constant 0 : i32
      %dma_wait3A_194 = tpu.memref_slice %arg5[%arg0, %add3A_167, %dma_wait3A_193] : memref<2x10000x128xf32, #tpu.memory_space<hbm>> -> memref<1x80x128xf32, #tpu.memory_space<hbm>>
      %dma_wait3A_195 = tpu.memref_squeeze %dma_wait3A_194 : memref<1x80x128xf32, #tpu.memory_space<hbm>> -> memref<80x128xf32, #tpu.memory_space<hbm>>
      tpu.wait_dma2 semaphore(%run_scoped3A : memref<!tpu.dma_semaphore, #tpu.memory_space<semaphore_mem>>) src(%arg8 : memref<80x128xf32, #tpu.memory_space<vmem>>) dst(%dma_wait3A_195 : memref<80x128xf32, #tpu.memory_space<hbm>>)
      tpu.yield
    }) : () -> ()
    %add3A_168 = arith.constant 320 : i32
    %add3A_169 = arith.addi %multiple_of3A, %add3A_168 : i32
    "tpu.region"() ({
      %run_scoped3A = tpu.sem_alloc : memref<!tpu.dma_semaphore, #tpu.memory_space<semaphore_mem>>
      %dma_start3A_184 = arith.constant 0 : i32
      %dma_start3A_185 = tpu.memref_slice %arg17[%add3A_169, %dma_start3A_184] : memref<10000x128xf32, #tpu.memory_space<vmem_shared>> -> memref<80x128xf32, #tpu.memory_space<vmem_shared>>
      %dma_start3A_186 = arith.constant 0 : i32
      %dma_start3A_187 = tpu.memref_slice %arg17[%add3A_169, %dma_start3A_186] : memref<10000x128xf32, #tpu.memory_space<vmem_shared>> -> memref<80x128xf32, #tpu.memory_space<vmem_shared>>
      tpu.enqueue_dma source(%dma_start3A_187 : memref<80x128xf32, #tpu.memory_space<vmem_shared>>) target(%arg8 : memref<80x128xf32, #tpu.memory_space<vmem>>) target_semaphore(%run_scoped3A : memref<!tpu.dma_semaphore, #tpu.memory_space<semaphore_mem>>)
      %dma_wait3A_188 = arith.constant 0 : i32
      %dma_wait3A_189 = tpu.memref_slice %arg17[%add3A_169, %dma_wait3A_188] : memref<10000x128xf32, #tpu.memory_space<vmem_shared>> -> memref<80x128xf32, #tpu.memory_space<vmem_shared>>
      %dma_wait3A_190 = arith.constant 0 : i32
      %dma_wait3A_191 = tpu.memref_slice %arg17[%add3A_169, %dma_wait3A_190] : memref<10000x128xf32, #tpu.memory_space<vmem_shared>> -> memref<80x128xf32, #tpu.memory_space<vmem_shared>>
      tpu.wait_dma2 semaphore(%run_scoped3A : memref<!tpu.dma_semaphore, #tpu.memory_space<semaphore_mem>>) src(%dma_wait3A_191 : memref<80x128xf32, #tpu.memory_space<vmem_shared>>) dst(%arg8 : memref<80x128xf32, #tpu.memory_space<vmem>>)
      tpu.yield
    }) : () -> ()
    %add3A_170 = arith.constant 320 : i32
    %add3A_171 = arith.addi %multiple_of3A, %add3A_170 : i32
    "tpu.region"() ({
      %run_scoped3A = tpu.sem_alloc : memref<!tpu.dma_semaphore, #tpu.memory_space<semaphore_mem>>
      %dma_start3A_184 = arith.constant 0 : i32
      %dma_start3A_185 = tpu.memref_slice %arg5[%arg0, %add3A_171, %dma_start3A_184] : memref<2x10000x128xf32, #tpu.memory_space<hbm>> -> memref<1x80x128xf32, #tpu.memory_space<hbm>>
      %dma_start3A_186 = tpu.memref_squeeze %dma_start3A_185 : memref<1x80x128xf32, #tpu.memory_space<hbm>> -> memref<80x128xf32, #tpu.memory_space<hbm>>
      %dma_start3A_187 = arith.constant 0 : i32
      %dma_start3A_188 = tpu.memref_slice %arg5[%arg0, %add3A_171, %dma_start3A_187] : memref<2x10000x128xf32, #tpu.memory_space<hbm>> -> memref<1x80x128xf32, #tpu.memory_space<hbm>>
      %dma_start3A_189 = tpu.memref_squeeze %dma_start3A_188 : memref<1x80x128xf32, #tpu.memory_space<hbm>> -> memref<80x128xf32, #tpu.memory_space<hbm>>
      tpu.enqueue_dma source(%arg8 : memref<80x128xf32, #tpu.memory_space<vmem>>) target(%dma_start3A_189 : memref<80x128xf32, #tpu.memory_space<hbm>>) target_semaphore(%run_scoped3A : memref<!tpu.dma_semaphore, #tpu.memory_space<semaphore_mem>>)
      %dma_wait3A_190 = arith.constant 0 : i32
      %dma_wait3A_191 = tpu.memref_slice %arg5[%arg0, %add3A_171, %dma_wait3A_190] : memref<2x10000x128xf32, #tpu.memory_space<hbm>> -> memref<1x80x128xf32, #tpu.memory_space<hbm>>
      %dma_wait3A_192 = tpu.memref_squeeze %dma_wait3A_191 : memref<1x80x128xf32, #tpu.memory_space<hbm>> -> memref<80x128xf32, #tpu.memory_space<hbm>>
      %dma_wait3A_193 = arith.constant 0 : i32
      %dma_wait3A_194 = tpu.memref_slice %arg5[%arg0, %add3A_171, %dma_wait3A_193] : memref<2x10000x128xf32, #tpu.memory_space<hbm>> -> memref<1x80x128xf32, #tpu.memory_space<hbm>>
      %dma_wait3A_195 = tpu.memref_squeeze %dma_wait3A_194 : memref<1x80x128xf32, #tpu.memory_space<hbm>> -> memref<80x128xf32, #tpu.memory_space<hbm>>
      tpu.wait_dma2 semaphore(%run_scoped3A : memref<!tpu.dma_semaphore, #tpu.memory_space<semaphore_mem>>) src(%arg8 : memref<80x128xf32, #tpu.memory_space<vmem>>) dst(%dma_wait3A_195 : memref<80x128xf32, #tpu.memory_space<hbm>>)
      tpu.yield
    }) : () -> ()
    %add3A_172 = arith.constant 400 : i32
    %add3A_173 = arith.addi %multiple_of3A, %add3A_172 : i32
    "tpu.region"() ({
      %run_scoped3A = tpu.sem_alloc : memref<!tpu.dma_semaphore, #tpu.memory_space<semaphore_mem>>
      %dma_start3A_184 = arith.constant 0 : i32
      %dma_start3A_185 = tpu.memref_slice %arg17[%add3A_173, %dma_start3A_184] : memref<10000x128xf32, #tpu.memory_space<vmem_shared>> -> memref<80x128xf32, #tpu.memory_space<vmem_shared>>
      %dma_start3A_186 = arith.constant 0 : i32
      %dma_start3A_187 = tpu.memref_slice %arg17[%add3A_173, %dma_start3A_186] : memref<10000x128xf32, #tpu.memory_space<vmem_shared>> -> memref<80x128xf32, #tpu.memory_space<vmem_shared>>
      tpu.enqueue_dma source(%dma_start3A_187 : memref<80x128xf32, #tpu.memory_space<vmem_shared>>) target(%arg8 : memref<80x128xf32, #tpu.memory_space<vmem>>) target_semaphore(%run_scoped3A : memref<!tpu.dma_semaphore, #tpu.memory_space<semaphore_mem>>)
      %dma_wait3A_188 = arith.constant 0 : i32
      %dma_wait3A_189 = tpu.memref_slice %arg17[%add3A_173, %dma_wait3A_188] : memref<10000x128xf32, #tpu.memory_space<vmem_shared>> -> memref<80x128xf32, #tpu.memory_space<vmem_shared>>
      %dma_wait3A_190 = arith.constant 0 : i32
      %dma_wait3A_191 = tpu.memref_slice %arg17[%add3A_173, %dma_wait3A_190] : memref<10000x128xf32, #tpu.memory_space<vmem_shared>> -> memref<80x128xf32, #tpu.memory_space<vmem_shared>>
      tpu.wait_dma2 semaphore(%run_scoped3A : memref<!tpu.dma_semaphore, #tpu.memory_space<semaphore_mem>>) src(%dma_wait3A_191 : memref<80x128xf32, #tpu.memory_space<vmem_shared>>) dst(%arg8 : memref<80x128xf32, #tpu.memory_space<vmem>>)
      tpu.yield
    }) : () -> ()
    %add3A_174 = arith.constant 400 : i32
    %add3A_175 = arith.addi %multiple_of3A, %add3A_174 : i32
    "tpu.region"() ({
      %run_scoped3A = tpu.sem_alloc : memref<!tpu.dma_semaphore, #tpu.memory_space<semaphore_mem>>
      %dma_start3A_184 = arith.constant 0 : i32
      %dma_start3A_185 = tpu.memref_slice %arg5[%arg0, %add3A_175, %dma_start3A_184] : memref<2x10000x128xf32, #tpu.memory_space<hbm>> -> memref<1x80x128xf32, #tpu.memory_space<hbm>>
      %dma_start3A_186 = tpu.memref_squeeze %dma_start3A_185 : memref<1x80x128xf32, #tpu.memory_space<hbm>> -> memref<80x128xf32, #tpu.memory_space<hbm>>
      %dma_start3A_187 = arith.constant 0 : i32
      %dma_start3A_188 = tpu.memref_slice %arg5[%arg0, %add3A_175, %dma_start3A_187] : memref<2x10000x128xf32, #tpu.memory_space<hbm>> -> memref<1x80x128xf32, #tpu.memory_space<hbm>>
      %dma_start3A_189 = tpu.memref_squeeze %dma_start3A_188 : memref<1x80x128xf32, #tpu.memory_space<hbm>> -> memref<80x128xf32, #tpu.memory_space<hbm>>
      tpu.enqueue_dma source(%arg8 : memref<80x128xf32, #tpu.memory_space<vmem>>) target(%dma_start3A_189 : memref<80x128xf32, #tpu.memory_space<hbm>>) target_semaphore(%run_scoped3A : memref<!tpu.dma_semaphore, #tpu.memory_space<semaphore_mem>>)
      %dma_wait3A_190 = arith.constant 0 : i32
      %dma_wait3A_191 = tpu.memref_slice %arg5[%arg0, %add3A_175, %dma_wait3A_190] : memref<2x10000x128xf32, #tpu.memory_space<hbm>> -> memref<1x80x128xf32, #tpu.memory_space<hbm>>
      %dma_wait3A_192 = tpu.memref_squeeze %dma_wait3A_191 : memref<1x80x128xf32, #tpu.memory_space<hbm>> -> memref<80x128xf32, #tpu.memory_space<hbm>>
      %dma_wait3A_193 = arith.constant 0 : i32
      %dma_wait3A_194 = tpu.memref_slice %arg5[%arg0, %add3A_175, %dma_wait3A_193] : memref<2x10000x128xf32, #tpu.memory_space<hbm>> -> memref<1x80x128xf32, #tpu.memory_space<hbm>>
      %dma_wait3A_195 = tpu.memref_squeeze %dma_wait3A_194 : memref<1x80x128xf32, #tpu.memory_space<hbm>> -> memref<80x128xf32, #tpu.memory_space<hbm>>
      tpu.wait_dma2 semaphore(%run_scoped3A : memref<!tpu.dma_semaphore, #tpu.memory_space<semaphore_mem>>) src(%arg8 : memref<80x128xf32, #tpu.memory_space<vmem>>) dst(%dma_wait3A_195 : memref<80x128xf32, #tpu.memory_space<hbm>>)
      tpu.yield
    }) : () -> ()
    %add3A_176 = arith.constant 480 : i32
    %add3A_177 = arith.addi %multiple_of3A, %add3A_176 : i32
    "tpu.region"() ({
      %run_scoped3A = tpu.sem_alloc : memref<!tpu.dma_semaphore, #tpu.memory_space<semaphore_mem>>
      %dma_start3A_184 = arith.constant 0 : i32
      %dma_start3A_185 = tpu.memref_slice %arg17[%add3A_177, %dma_start3A_184] : memref<10000x128xf32, #tpu.memory_space<vmem_shared>> -> memref<80x128xf32, #tpu.memory_space<vmem_shared>>
      %dma_start3A_186 = arith.constant 0 : i32
      %dma_start3A_187 = tpu.memref_slice %arg17[%add3A_177, %dma_start3A_186] : memref<10000x128xf32, #tpu.memory_space<vmem_shared>> -> memref<80x128xf32, #tpu.memory_space<vmem_shared>>
      tpu.enqueue_dma source(%dma_start3A_187 : memref<80x128xf32, #tpu.memory_space<vmem_shared>>) target(%arg8 : memref<80x128xf32, #tpu.memory_space<vmem>>) target_semaphore(%run_scoped3A : memref<!tpu.dma_semaphore, #tpu.memory_space<semaphore_mem>>)
      %dma_wait3A_188 = arith.constant 0 : i32
      %dma_wait3A_189 = tpu.memref_slice %arg17[%add3A_177, %dma_wait3A_188] : memref<10000x128xf32, #tpu.memory_space<vmem_shared>> -> memref<80x128xf32, #tpu.memory_space<vmem_shared>>
      %dma_wait3A_190 = arith.constant 0 : i32
      %dma_wait3A_191 = tpu.memref_slice %arg17[%add3A_177, %dma_wait3A_190] : memref<10000x128xf32, #tpu.memory_space<vmem_shared>> -> memref<80x128xf32, #tpu.memory_space<vmem_shared>>
      tpu.wait_dma2 semaphore(%run_scoped3A : memref<!tpu.dma_semaphore, #tpu.memory_space<semaphore_mem>>) src(%dma_wait3A_191 : memref<80x128xf32, #tpu.memory_space<vmem_shared>>) dst(%arg8 : memref<80x128xf32, #tpu.memory_space<vmem>>)
      tpu.yield
    }) : () -> ()
    %add3A_178 = arith.constant 480 : i32
    %add3A_179 = arith.addi %multiple_of3A, %add3A_178 : i32
    "tpu.region"() ({
      %run_scoped3A = tpu.sem_alloc : memref<!tpu.dma_semaphore, #tpu.memory_space<semaphore_mem>>
      %dma_start3A_184 = arith.constant 0 : i32
      %dma_start3A_185 = tpu.memref_slice %arg5[%arg0, %add3A_179, %dma_start3A_184] : memref<2x10000x128xf32, #tpu.memory_space<hbm>> -> memref<1x80x128xf32, #tpu.memory_space<hbm>>
      %dma_start3A_186 = tpu.memref_squeeze %dma_start3A_185 : memref<1x80x128xf32, #tpu.memory_space<hbm>> -> memref<80x128xf32, #tpu.memory_space<hbm>>
      %dma_start3A_187 = arith.constant 0 : i32
      %dma_start3A_188 = tpu.memref_slice %arg5[%arg0, %add3A_179, %dma_start3A_187] : memref<2x10000x128xf32, #tpu.memory_space<hbm>> -> memref<1x80x128xf32, #tpu.memory_space<hbm>>
      %dma_start3A_189 = tpu.memref_squeeze %dma_start3A_188 : memref<1x80x128xf32, #tpu.memory_space<hbm>> -> memref<80x128xf32, #tpu.memory_space<hbm>>
      tpu.enqueue_dma source(%arg8 : memref<80x128xf32, #tpu.memory_space<vmem>>) target(%dma_start3A_189 : memref<80x128xf32, #tpu.memory_space<hbm>>) target_semaphore(%run_scoped3A : memref<!tpu.dma_semaphore, #tpu.memory_space<semaphore_mem>>)
      %dma_wait3A_190 = arith.constant 0 : i32
      %dma_wait3A_191 = tpu.memref_slice %arg5[%arg0, %add3A_179, %dma_wait3A_190] : memref<2x10000x128xf32, #tpu.memory_space<hbm>> -> memref<1x80x128xf32, #tpu.memory_space<hbm>>
      %dma_wait3A_192 = tpu.memref_squeeze %dma_wait3A_191 : memref<1x80x128xf32, #tpu.memory_space<hbm>> -> memref<80x128xf32, #tpu.memory_space<hbm>>
      %dma_wait3A_193 = arith.constant 0 : i32
      %dma_wait3A_194 = tpu.memref_slice %arg5[%arg0, %add3A_179, %dma_wait3A_193] : memref<2x10000x128xf32, #tpu.memory_space<hbm>> -> memref<1x80x128xf32, #tpu.memory_space<hbm>>
      %dma_wait3A_195 = tpu.memref_squeeze %dma_wait3A_194 : memref<1x80x128xf32, #tpu.memory_space<hbm>> -> memref<80x128xf32, #tpu.memory_space<hbm>>
      tpu.wait_dma2 semaphore(%run_scoped3A : memref<!tpu.dma_semaphore, #tpu.memory_space<semaphore_mem>>) src(%arg8 : memref<80x128xf32, #tpu.memory_space<vmem>>) dst(%dma_wait3A_195 : memref<80x128xf32, #tpu.memory_space<hbm>>)
      tpu.yield
    }) : () -> ()
    %add3A_180 = arith.constant 560 : i32
    %add3A_181 = arith.addi %multiple_of3A, %add3A_180 : i32
    "tpu.region"() ({
      %run_scoped3A = tpu.sem_alloc : memref<!tpu.dma_semaphore, #tpu.memory_space<semaphore_mem>>
      %dma_start3A_184 = arith.constant 0 : i32
      %dma_start3A_185 = tpu.memref_slice %arg17[%add3A_181, %dma_start3A_184] : memref<10000x128xf32, #tpu.memory_space<vmem_shared>> -> memref<80x128xf32, #tpu.memory_space<vmem_shared>>
      %dma_start3A_186 = arith.constant 0 : i32
      %dma_start3A_187 = tpu.memref_slice %arg17[%add3A_181, %dma_start3A_186] : memref<10000x128xf32, #tpu.memory_space<vmem_shared>> -> memref<80x128xf32, #tpu.memory_space<vmem_shared>>
      tpu.enqueue_dma source(%dma_start3A_187 : memref<80x128xf32, #tpu.memory_space<vmem_shared>>) target(%arg8 : memref<80x128xf32, #tpu.memory_space<vmem>>) target_semaphore(%run_scoped3A : memref<!tpu.dma_semaphore, #tpu.memory_space<semaphore_mem>>)
      %dma_wait3A_188 = arith.constant 0 : i32
      %dma_wait3A_189 = tpu.memref_slice %arg17[%add3A_181, %dma_wait3A_188] : memref<10000x128xf32, #tpu.memory_space<vmem_shared>> -> memref<80x128xf32, #tpu.memory_space<vmem_shared>>
      %dma_wait3A_190 = arith.constant 0 : i32
      %dma_wait3A_191 = tpu.memref_slice %arg17[%add3A_181, %dma_wait3A_190] : memref<10000x128xf32, #tpu.memory_space<vmem_shared>> -> memref<80x128xf32, #tpu.memory_space<vmem_shared>>
      tpu.wait_dma2 semaphore(%run_scoped3A : memref<!tpu.dma_semaphore, #tpu.memory_space<semaphore_mem>>) src(%dma_wait3A_191 : memref<80x128xf32, #tpu.memory_space<vmem_shared>>) dst(%arg8 : memref<80x128xf32, #tpu.memory_space<vmem>>)
      tpu.yield
    }) : () -> ()
    %add3A_182 = arith.constant 560 : i32
    %add3A_183 = arith.addi %multiple_of3A, %add3A_182 : i32
    "tpu.region"() ({
      %run_scoped3A = tpu.sem_alloc : memref<!tpu.dma_semaphore, #tpu.memory_space<semaphore_mem>>
      %dma_start3A_184 = arith.constant 0 : i32
      %dma_start3A_185 = tpu.memref_slice %arg5[%arg0, %add3A_183, %dma_start3A_184] : memref<2x10000x128xf32, #tpu.memory_space<hbm>> -> memref<1x80x128xf32, #tpu.memory_space<hbm>>
      %dma_start3A_186 = tpu.memref_squeeze %dma_start3A_185 : memref<1x80x128xf32, #tpu.memory_space<hbm>> -> memref<80x128xf32, #tpu.memory_space<hbm>>
      %dma_start3A_187 = arith.constant 0 : i32
      %dma_start3A_188 = tpu.memref_slice %arg5[%arg0, %add3A_183, %dma_start3A_187] : memref<2x10000x128xf32, #tpu.memory_space<hbm>> -> memref<1x80x128xf32, #tpu.memory_space<hbm>>
      %dma_start3A_189 = tpu.memref_squeeze %dma_start3A_188 : memref<1x80x128xf32, #tpu.memory_space<hbm>> -> memref<80x128xf32, #tpu.memory_space<hbm>>
      tpu.enqueue_dma source(%arg8 : memref<80x128xf32, #tpu.memory_space<vmem>>) target(%dma_start3A_189 : memref<80x128xf32, #tpu.memory_space<hbm>>) target_semaphore(%run_scoped3A : memref<!tpu.dma_semaphore, #tpu.memory_space<semaphore_mem>>)
      %dma_wait3A_190 = arith.constant 0 : i32
      %dma_wait3A_191 = tpu.memref_slice %arg5[%arg0, %add3A_183, %dma_wait3A_190] : memref<2x10000x128xf32, #tpu.memory_space<hbm>> -> memref<1x80x128xf32, #tpu.memory_space<hbm>>
      %dma_wait3A_192 = tpu.memref_squeeze %dma_wait3A_191 : memref<1x80x128xf32, #tpu.memory_space<hbm>> -> memref<80x128xf32, #tpu.memory_space<hbm>>
      %dma_wait3A_193 = arith.constant 0 : i32
      %dma_wait3A_194 = tpu.memref_slice %arg5[%arg0, %add3A_183, %dma_wait3A_193] : memref<2x10000x128xf32, #tpu.memory_space<hbm>> -> memref<1x80x128xf32, #tpu.memory_space<hbm>>
      %dma_wait3A_195 = tpu.memref_squeeze %dma_wait3A_194 : memref<1x80x128xf32, #tpu.memory_space<hbm>> -> memref<80x128xf32, #tpu.memory_space<hbm>>
      tpu.wait_dma2 semaphore(%run_scoped3A : memref<!tpu.dma_semaphore, #tpu.memory_space<semaphore_mem>>) src(%arg8 : memref<80x128xf32, #tpu.memory_space<vmem>>) dst(%dma_wait3A_195 : memref<80x128xf32, #tpu.memory_space<hbm>>)
      tpu.yield
    }) : () -> ()
    return
  }
}

module attributes {stable_mosaic.version = 14 : i64} {
  func.func @_tc_a_body(%arg0: i32, %arg1: memref<1000x128xf32, #tpu.memory_space<vmem>>, %arg2: memref<128x128xf32, #tpu.memory_space<vmem>>, %arg3: memref<2x1000x1xf32, #tpu.memory_space<vmem>>, %arg4: memref<1000x128xf32, #tpu.memory_space<vmem>>) attributes {dimension_semantics = [#tpu.dimension_semantics<arbitrary>], iteration_bounds = array<i64: 10>, scalar_prefetch = 0 : i64, scratch_operands = 0 : i64, tpu.core_type = #tpu.core_type<tc>, window_params = [{transform_indices = @transform_0, window_bounds = array<i64: 1000, 128>}, {pipeline_mode = #tpu.pipeline_mode<synchronous>, transform_indices = @transform_1, window_bounds = array<i64: 128, 128>}, {transform_indices = @transform_2, window_bounds = array<i64: 2, 1000, 1>}, {transform_indices = @transform_3, window_bounds = array<i64: 1000, 128>}]} {
    %get3A = arith.constant 0 : index
    %get3A_0 = arith.constant 0 : index
    %get3A_1 = arith.constant 0 : index
    %get3A_2 = vector.load %arg3[%get3A, %get3A_0, %get3A_1] : memref<2x1000x1xf32, #tpu.memory_space<vmem>>, vector<2x1000x1xf32>
    %slice3A = vector.extract_strided_slice %get3A_2 {offsets = [0, 0, 0], sizes = [1, 1000, 1], strides = [1, 1, 1]} : vector<2x1000x1xf32> to vector<1x1000x1xf32>
    %squeeze3A = vector.shape_cast %slice3A : vector<1x1000x1xf32> to vector<1000x1xf32>
    %slice3A_3 = vector.extract_strided_slice %get3A_2 {offsets = [1, 0, 0], sizes = [1, 1000, 1], strides = [1, 1, 1]} : vector<2x1000x1xf32> to vector<1x1000x1xf32>
    %squeeze3A_4 = vector.shape_cast %slice3A_3 : vector<1x1000x1xf32> to vector<1000x1xf32>
    %add3A = arith.addf %squeeze3A, %squeeze3A_4 : vector<1000x1xf32>
    %max3A = arith.constant 1.000000e+00 : f32
    %max3A_5 = vector.broadcast %max3A : f32 to vector<1000x1xf32>
    %max3A_6 = arith.maximumf %add3A, %max3A_5 : vector<1000x1xf32>
    %rsqrt3A = math.rsqrt %max3A_6 : vector<1000x1xf32>
    %get3A_7 = arith.constant 0 : index
    %get3A_8 = arith.constant 0 : index
    %get3A_9 = vector.load %arg1[%get3A_7, %get3A_8] : memref<1000x128xf32, #tpu.memory_space<vmem>>, vector<1000x128xf32>
    %get3A_10 = arith.constant 0 : index
    %get3A_11 = arith.constant 0 : index
    %get3A_12 = vector.load %arg2[%get3A_10, %get3A_11] : memref<128x128xf32, #tpu.memory_space<vmem>>, vector<128x128xf32>
    %dot_general3A = arith.constant dense<0.000000e+00> : vector<1000x128xf32>
    %dot_general3A_13 = tpu.matmul %get3A_9, %get3A_12, %dot_general3A {dimension_numbers = #tpu.dot_dimension_numbers<[1], [0], [0], [1], [0, 0, 1, 1], [], []>, transpose_lhs_hint = false} : vector<1000x128xf32>, vector<128x128xf32>, vector<1000x128xf32> -> vector<1000x128xf32>
    %mul3A = vector.broadcast %rsqrt3A : vector<1000x1xf32> to vector<1000x128xf32>
    %mul3A_14 = arith.mulf %dot_general3A_13, %mul3A : vector<1000x128xf32>
    %swap3A = arith.constant 0 : index
    %swap3A_15 = arith.constant 0 : index
    %swap3A_16 = vector.load %arg4[%swap3A, %swap3A_15] : memref<1000x128xf32, #tpu.memory_space<vmem>>, vector<1000x128xf32>
    tpu.vector_store %arg4[%swap3A, %swap3A_15], %mul3A_14 {strides = array<i32>} : memref<1000x128xf32, #tpu.memory_space<vmem>>, vector<1000x128xf32>,
    return
  }
  func.func @transform_0(%arg0: i32) -> (i32, i32) {
    %c0_i32 = arith.constant 0 : i32
    %c0_i32_0 = arith.constant 0 : i32
    return %arg0, %c0_i32 : i32, i32
  }
  func.func @transform_1(%arg0: i32) -> (i32, i32) {
    %c0_i32 = arith.constant 0 : i32
    %c0_i32_0 = arith.constant 0 : i32
    %c0_i32_1 = arith.constant 0 : i32
    return %c0_i32, %c0_i32_0 : i32, i32
  }
  func.func @transform_2(%arg0: i32) -> (i32, i32, i32) {
    %c0_i32 = arith.constant 0 : i32
    %c0_i32_0 = arith.constant 0 : i32
    %c0_i32_1 = arith.constant 0 : i32
    return %c0_i32, %arg0, %c0_i32_0 : i32, i32, i32
  }
  func.func @transform_3(%arg0: i32) -> (i32, i32) {
    %c0_i32 = arith.constant 0 : i32
    %c0_i32_0 = arith.constant 0 : i32
    return %arg0, %c0_i32 : i32, i32
  }
}

module attributes {stable_mosaic.version = 14 : i64} {
  func.func @_tc_bc_body(%arg0: i32, %arg1: memref<2x1000x128xf32, #tpu.memory_space<vmem>>, %arg2: memref<2x1000x1xf32, #tpu.memory_space<vmem>>, %arg3: memref<1x128xf32, #tpu.memory_space<vmem>>, %arg4: memref<128x128xf32, #tpu.memory_space<vmem>>, %arg5: memref<2x1000x1xf32, #tpu.memory_space<vmem>>, %arg6: memref<1000x128xf32, #tpu.memory_space<vmem>>) attributes {dimension_semantics = [#tpu.dimension_semantics<arbitrary>], iteration_bounds = array<i64: 10>, scalar_prefetch = 0 : i64, scratch_operands = 0 : i64, tpu.core_type = #tpu.core_type<tc>, window_params = [{transform_indices = @transform_0, window_bounds = array<i64: 2, 1000, 128>}, {transform_indices = @transform_1, window_bounds = array<i64: 2, 1000, 1>}, {pipeline_mode = #tpu.pipeline_mode<synchronous>, transform_indices = @transform_2, window_bounds = array<i64: 1, 128>}, {pipeline_mode = #tpu.pipeline_mode<synchronous>, transform_indices = @transform_3, window_bounds = array<i64: 128, 128>}, {transform_indices = @transform_4, window_bounds = array<i64: 2, 1000, 1>}, {transform_indices = @transform_5, window_bounds = array<i64: 1000, 128>}]} {
    %get3A = arith.constant 0 : index
    %get3A_0 = arith.constant 0 : index
    %get3A_1 = arith.constant 0 : index
    %get3A_2 = vector.load %arg2[%get3A, %get3A_0, %get3A_1] : memref<2x1000x1xf32, #tpu.memory_space<vmem>>, vector<2x1000x1xf32>
    %slice3A = vector.extract_strided_slice %get3A_2 {offsets = [0, 0, 0], sizes = [1, 1000, 1], strides = [1, 1, 1]} : vector<2x1000x1xf32> to vector<1x1000x1xf32>
    %squeeze3A = vector.shape_cast %slice3A : vector<1x1000x1xf32> to vector<1000x1xf32>
    %slice3A_3 = vector.extract_strided_slice %get3A_2 {offsets = [1, 0, 0], sizes = [1, 1000, 1], strides = [1, 1, 1]} : vector<2x1000x1xf32> to vector<1x1000x1xf32>
    %squeeze3A_4 = vector.shape_cast %slice3A_3 : vector<1x1000x1xf32> to vector<1000x1xf32>
    %add3A = arith.addf %squeeze3A, %squeeze3A_4 : vector<1000x1xf32>
    %max3A = arith.constant 1.000000e+00 : f32
    %max3A_5 = vector.broadcast %max3A : f32 to vector<1000x1xf32>
    %max3A_6 = arith.maximumf %add3A, %max3A_5 : vector<1000x1xf32>
    %rsqrt3A = math.rsqrt %max3A_6 : vector<1000x1xf32>
    %get3A_7 = arith.constant 0 : index
    %get3A_8 = arith.constant 0 : index
    %get3A_9 = arith.constant 0 : index
    %get3A_10 = vector.load %arg1[%get3A_7, %get3A_8, %get3A_9] : memref<2x1000x128xf32, #tpu.memory_space<vmem>>, vector<1x1000x128xf32>
    %get3A_11 = vector.shape_cast %get3A_10 : vector<1x1000x128xf32> to vector<1000x128xf32>
    %get3A_12 = arith.constant 1 : index
    %get3A_13 = arith.constant 0 : index
    %get3A_14 = arith.constant 0 : index
    %get3A_15 = vector.load %arg1[%get3A_12, %get3A_13, %get3A_14] : memref<2x1000x128xf32, #tpu.memory_space<vmem>>, vector<1x1000x128xf32>
    %get3A_16 = vector.shape_cast %get3A_15 : vector<1x1000x128xf32> to vector<1000x128xf32>
    %add3A_17 = arith.addf %get3A_11, %get3A_16 : vector<1000x128xf32>
    %mul3A = vector.broadcast %rsqrt3A : vector<1000x1xf32> to vector<1000x128xf32>
    %mul3A_18 = arith.mulf %add3A_17, %mul3A : vector<1000x128xf32>
    %get3A_19 = arith.constant 0 : index
    %get3A_20 = arith.constant 0 : index
    %get3A_21 = vector.load %arg3[%get3A_19, %get3A_20] : memref<1x128xf32, #tpu.memory_space<vmem>>, vector<1x128xf32>
    %add3A_22 = vector.broadcast %get3A_21 : vector<1x128xf32> to vector<1000x128xf32>
    %add3A_23 = arith.addf %mul3A_18, %add3A_22 : vector<1000x128xf32>
    %max3A_24 = arith.constant 0.000000e+00 : f32
    %max3A_25 = vector.broadcast %max3A_24 : f32 to vector<1000x128xf32>
    %max3A_26 = arith.maximumf %add3A_23, %max3A_25 : vector<1000x128xf32>
    %get3A_27 = arith.constant 0 : index
    %get3A_28 = arith.constant 0 : index
    %get3A_29 = arith.constant 0 : index
    %get3A_30 = vector.load %arg5[%get3A_27, %get3A_28, %get3A_29] : memref<2x1000x1xf32, #tpu.memory_space<vmem>>, vector<2x1000x1xf32>
    %slice3A_31 = vector.extract_strided_slice %get3A_30 {offsets = [0, 0, 0], sizes = [1, 1000, 1], strides = [1, 1, 1]} : vector<2x1000x1xf32> to vector<1x1000x1xf32>
    %squeeze3A_32 = vector.shape_cast %slice3A_31 : vector<1x1000x1xf32> to vector<1000x1xf32>
    %slice3A_33 = vector.extract_strided_slice %get3A_30 {offsets = [1, 0, 0], sizes = [1, 1000, 1], strides = [1, 1, 1]} : vector<2x1000x1xf32> to vector<1x1000x1xf32>
    %squeeze3A_34 = vector.shape_cast %slice3A_33 : vector<1x1000x1xf32> to vector<1000x1xf32>
    %add3A_35 = arith.addf %squeeze3A_32, %squeeze3A_34 : vector<1000x1xf32>
    %max3A_36 = arith.constant 1.000000e+00 : f32
    %max3A_37 = vector.broadcast %max3A_36 : f32 to vector<1000x1xf32>
    %max3A_38 = arith.maximumf %add3A_35, %max3A_37 : vector<1000x1xf32>
    %rsqrt3A_39 = math.rsqrt %max3A_38 : vector<1000x1xf32>
    %get3A_40 = arith.constant 0 : index
    %get3A_41 = arith.constant 0 : index
    %get3A_42 = vector.load %arg4[%get3A_40, %get3A_41] : memref<128x128xf32, #tpu.memory_space<vmem>>, vector<128x128xf32>
    %dot_general3A = arith.constant dense<0.000000e+00> : vector<1000x128xf32>
    %dot_general3A_43 = tpu.matmul %max3A_26, %get3A_42, %dot_general3A {dimension_numbers = #tpu.dot_dimension_numbers<[1], [0], [0], [1], [0, 0, 1, 1], [], []>, transpose_lhs_hint = false} : vector<1000x128xf32>, vector<128x128xf32>, vector<1000x128xf32> -> vector<1000x128xf32>
    %mul3A_44 = vector.broadcast %rsqrt3A_39 : vector<1000x1xf32> to vector<1000x128xf32>
    %mul3A_45 = arith.mulf %dot_general3A_43, %mul3A_44 : vector<1000x128xf32>
    %swap3A = arith.constant 0 : index
    %swap3A_46 = arith.constant 0 : index
    %swap3A_47 = vector.load %arg6[%swap3A, %swap3A_46] : memref<1000x128xf32, #tpu.memory_space<vmem>>, vector<1000x128xf32>
    tpu.vector_store %arg6[%swap3A, %swap3A_46], %mul3A_45 {strides = array<i32>} : memref<1000x128xf32, #tpu.memory_space<vmem>>, vector<1000x128xf32>,
    return
  }
  func.func @transform_0(%arg0: i32) -> (i32, i32, i32) {
    %c0_i32 = arith.constant 0 : i32
    %c0_i32_0 = arith.constant 0 : i32
    %c0_i32_1 = arith.constant 0 : i32
    return %c0_i32, %arg0, %c0_i32_0 : i32, i32, i32
  }
  func.func @transform_1(%arg0: i32) -> (i32, i32, i32) {
    %c0_i32 = arith.constant 0 : i32
    %c0_i32_0 = arith.constant 0 : i32
    %c0_i32_1 = arith.constant 0 : i32
    return %c0_i32, %arg0, %c0_i32_0 : i32, i32, i32
  }
  func.func @transform_2(%arg0: i32) -> (i32, i32) {
    %c0_i32 = arith.constant 0 : i32
    %c0_i32_0 = arith.constant 0 : i32
    %c0_i32_1 = arith.constant 0 : i32
    return %c0_i32, %c0_i32_0 : i32, i32
  }
  func.func @transform_3(%arg0: i32) -> (i32, i32) {
    %c0_i32 = arith.constant 0 : i32
    %c0_i32_0 = arith.constant 0 : i32
    %c0_i32_1 = arith.constant 0 : i32
    return %c0_i32, %c0_i32_0 : i32, i32
  }
  func.func @transform_4(%arg0: i32) -> (i32, i32, i32) {
    %c0_i32 = arith.constant 0 : i32
    %c0_i32_0 = arith.constant 0 : i32
    %c0_i32_1 = arith.constant 0 : i32
    return %c0_i32, %arg0, %c0_i32_0 : i32, i32, i32
  }
  func.func @transform_5(%arg0: i32) -> (i32, i32) {
    %c0_i32 = arith.constant 0 : i32
    %c0_i32_0 = arith.constant 0 : i32
    return %arg0, %c0_i32 : i32, i32
  }
}

module attributes {stable_mosaic.version = 14 : i64} {
  func.func @_tc_d_body(%arg0: i32, %arg1: memref<2x1000x128xf32, #tpu.memory_space<vmem>>, %arg2: memref<2x1000x1xf32, #tpu.memory_space<vmem>>, %arg3: memref<1x64xf32, #tpu.memory_space<vmem>>, %arg4: memref<1000x64xf32, #tpu.memory_space<vmem>>) attributes {dimension_semantics = [#tpu.dimension_semantics<arbitrary>], iteration_bounds = array<i64: 10>, scalar_prefetch = 0 : i64, scratch_operands = 0 : i64, tpu.core_type = #tpu.core_type<tc>, window_params = [{transform_indices = @transform_0, window_bounds = array<i64: 2, 1000, 128>}, {transform_indices = @transform_1, window_bounds = array<i64: 2, 1000, 1>}, {pipeline_mode = #tpu.pipeline_mode<synchronous>, transform_indices = @transform_2, window_bounds = array<i64: 1, 64>}, {transform_indices = @transform_3, window_bounds = array<i64: 1000, 64>}]} {
    %get3A = arith.constant 0 : index
    %get3A_0 = arith.constant 0 : index
    %get3A_1 = arith.constant 0 : index
    %get3A_2 = vector.load %arg2[%get3A, %get3A_0, %get3A_1] : memref<2x1000x1xf32, #tpu.memory_space<vmem>>, vector<2x1000x1xf32>
    %slice3A = vector.extract_strided_slice %get3A_2 {offsets = [0, 0, 0], sizes = [1, 1000, 1], strides = [1, 1, 1]} : vector<2x1000x1xf32> to vector<1x1000x1xf32>
    %squeeze3A = vector.shape_cast %slice3A : vector<1x1000x1xf32> to vector<1000x1xf32>
    %slice3A_3 = vector.extract_strided_slice %get3A_2 {offsets = [1, 0, 0], sizes = [1, 1000, 1], strides = [1, 1, 1]} : vector<2x1000x1xf32> to vector<1x1000x1xf32>
    %squeeze3A_4 = vector.shape_cast %slice3A_3 : vector<1x1000x1xf32> to vector<1000x1xf32>
    %add3A = arith.addf %squeeze3A, %squeeze3A_4 : vector<1000x1xf32>
    %max3A = arith.constant 1.000000e+00 : f32
    %max3A_5 = vector.broadcast %max3A : f32 to vector<1000x1xf32>
    %max3A_6 = arith.maximumf %add3A, %max3A_5 : vector<1000x1xf32>
    %rsqrt3A = math.rsqrt %max3A_6 : vector<1000x1xf32>
    %get3A_7 = arith.constant 0 : index
    %get3A_8 = arith.constant 0 : index
    %get3A_9 = arith.constant 0 : index
    %get3A_10 = vector.load %arg1[%get3A_7, %get3A_8, %get3A_9] : memref<2x1000x128xf32, #tpu.memory_space<vmem>>, vector<1x1000x128xf32>
    %get3A_11 = vector.shape_cast %get3A_10 : vector<1x1000x128xf32> to vector<1000x128xf32>
    %slice3A_12 = vector.extract_strided_slice %get3A_11 {offsets = [0, 0], sizes = [1000, 64], strides = [1, 1]} : vector<1000x128xf32> to vector<1000x64xf32>
    %get3A_13 = arith.constant 1 : index
    %get3A_14 = arith.constant 0 : index
    %get3A_15 = arith.constant 0 : index
    %get3A_16 = vector.load %arg1[%get3A_13, %get3A_14, %get3A_15] : memref<2x1000x128xf32, #tpu.memory_space<vmem>>, vector<1x1000x128xf32>
    %get3A_17 = vector.shape_cast %get3A_16 : vector<1x1000x128xf32> to vector<1000x128xf32>
    %slice3A_18 = vector.extract_strided_slice %get3A_17 {offsets = [0, 0], sizes = [1000, 64], strides = [1, 1]} : vector<1000x128xf32> to vector<1000x64xf32>
    %add3A_19 = arith.addf %slice3A_12, %slice3A_18 : vector<1000x64xf32>
    %mul3A = vector.broadcast %rsqrt3A : vector<1000x1xf32> to vector<1000x64xf32>
    %mul3A_20 = arith.mulf %add3A_19, %mul3A : vector<1000x64xf32>
    %get3A_21 = arith.constant 0 : index
    %get3A_22 = arith.constant 0 : index
    %get3A_23 = vector.load %arg3[%get3A_21, %get3A_22] : memref<1x64xf32, #tpu.memory_space<vmem>>, vector<1x64xf32>
    %add3A_24 = vector.broadcast %get3A_23 : vector<1x64xf32> to vector<1000x64xf32>
    %add3A_25 = arith.addf %mul3A_20, %add3A_24 : vector<1000x64xf32>
    %swap3A = arith.constant 0 : index
    %swap3A_26 = arith.constant 0 : index
    %swap3A_27 = vector.load %arg4[%swap3A, %swap3A_26] : memref<1000x64xf32, #tpu.memory_space<vmem>>, vector<1000x64xf32>
    tpu.vector_store %arg4[%swap3A, %swap3A_26], %add3A_25 {strides = array<i32>} : memref<1000x64xf32, #tpu.memory_space<vmem>>, vector<1000x64xf32>,
    return
  }
  func.func @transform_0(%arg0: i32) -> (i32, i32, i32) {
    %c0_i32 = arith.constant 0 : i32
    %c0_i32_0 = arith.constant 0 : i32
    %c0_i32_1 = arith.constant 0 : i32
    return %c0_i32, %arg0, %c0_i32_0 : i32, i32, i32
  }
  func.func @transform_1(%arg0: i32) -> (i32, i32, i32) {
    %c0_i32 = arith.constant 0 : i32
    %c0_i32_0 = arith.constant 0 : i32
    %c0_i32_1 = arith.constant 0 : i32
    return %c0_i32, %arg0, %c0_i32_0 : i32, i32, i32
  }
  func.func @transform_2(%arg0: i32) -> (i32, i32) {
    %c0_i32 = arith.constant 0 : i32
    %c0_i32_0 = arith.constant 0 : i32
    %c0_i32_1 = arith.constant 0 : i32
    return %c0_i32, %c0_i32_0 : i32, i32
  }
  func.func @transform_3(%arg0: i32) -> (i32, i32) {
    %c0_i32 = arith.constant 0 : i32
    %c0_i32_0 = arith.constant 0 : i32
    return %arg0, %c0_i32 : i32, i32
  }
}

</mosaic_0001>

<sc_bundles>
// kernel: kernel.10.cloned.1.call-start
scs
__scs_entry_jumppad:
0x0: {  	(pc) =	sbr.rel $0x88, $3  }
0x1: {  	(tag) =	ssettag $0x0;
	lr =	simm.s32 $0x1  }
0x2: {  	[smem:$0x3F99] =	sst lr;
	_ =	strace $0xD0000000  }
0x3: {  	_ = 	snop  }
0x4: {  	_ = 	snop  }
0x5: {  	_ = 	snop  }
0x6: {  	_ = 	snop  }
0x7: {  	_ = 	snop  }
__scs_overlays_trampoline_lowered:
0x8: {  	[smem:$0x3FA8] =	sst s0  }
0x9: {  	[smem:$0x3FA9] =	sst s1  }
0xa: {  	[smem:$0x3FAA] =	sst s2  }
0xb: {  	[smem:$0x3FAB] =	sst s3  }
0xc: {  	[smem:$0x3FAC] =	sst s4  }
0xd: {  	[smem:$0x3FAD] =	sst s5  }
0xe: {  	[smem:$0x3FAE] =	sst s6  }
0xf: {  	[smem:$0x3FAF] =	sst s7  }
0x10: {  	[smem:$0x3FB0] =	sst s8  }
0x11: {  	[smem:$0x3FB1] =	sst s9;
	s0 =	simm.s32 @!p0 $0x0  }
0x12: {  	s1 =	sld [smem:$0x3F97];
	s0 =	simm.s32 @p0 $0x1  }
0x13: {  	[smem:$0x3FB2] =	sst s0;
	s0 =	simm.s32 @!p1 $0x0  }
0x14: {  	s2 =	sld [smem:$0x3F96];
	s0 =	simm.s32 @p1 $0x1  }
0x15: {  	[smem:$0x3FB3] =	sst s0;
	s0 =	simm.s32 @!p2 $0x0  }
0x16: {  	s3 =	sld [smem:$0x3FDB];
	s0 =	simm.s32 @p2 $0x1  }
0x17: {  	s4 =	simm.s32 $0x1BF5;
	[smem:$0x3FB5] =	sst s0  }
0x18: {  	s0 =	sld [smem:$0x3F98];
	_ =	swait.ge [sflag:s4], $0x0  }
0x19: {  	s7 =	sld [smem:$0x3F99]  }
0x1a: {  	s8 =	sadd.s32 $0xFFFFE003, lr  }
0x1b: {  	s9 =	sadd.s32 $0xFFFFFEF7, lr;
	s5 =	simm.s32 $0xFFFFFFFF;
	p2 =	slt.u32 s8, $0xFFFFF086  }
0x1c: {  	p1 =	slt.u32 s9, $0xF7A;
	s5 =	simm.s32 @!p2 $0x0  }
0x1d: {  	s5 =	simm.s32 @p1 $0x1;
	p0 =	seq.s32 s7, s2  }
0x1e: {  	s7 =	smul.u32 @!p0 $0xF7A, s2;
	p2 =	seq.s32 @!p0 s5, $0x0  }
0x1f: {  	s9 =	smul.u32 $0xF7A, s1;
	s8 =	simm.s32 @!p0 $0x1BF5;
	p2 =	por !p2, p0  }
0x20: {  	[sflag:s8] =	ssyncset.s32 @!p0 $0xFFFFF086;
	s6 =	sadd.s32 @!p0 s3, s7;
	s7 =	simm.s32 @!p0 $0x108  }
0x21: {  	s3 =	sadd.s32 s3, s9;
	s6 =	sadd.s32 @!p0 $0x88, s6;
	s7 =	simm.s32 @p2 $0x1082  }
0x22: {  	[simem:s7], [sflag:s8] =	dma.local @!p0 [hbm:s6], $0xF7A  }
0x23: {  	s9 =	sor.u32 $0xD0000000, s2;
	s6 =	simm.s32 $0x108;
	_ =	swait.ge @!p0 [sflag:s8], $0x0  }
0x24: {  	s3 =	sadd.s32 $0x88, s3;
	s6 =	simm.s32 @!p1 $0x1082;
	[sflag:s4] =	ssyncset.s32 $0xFFFFF086  }
0x25: {  	[simem:s6], [sflag:s4] =	dma.local [hbm:s3], $0xF7A  }
0x26: {  	[smem:$0x3F99] =	sst s1;
	(tag) =	ssettag s2;
	_ =	strace s9  }
0x27: {  	s1 =	sld [smem:$0x3FA9]  }
0x28: {  	s2 =	sld [smem:$0x3FAA]  }
0x29: {  	s4 =	sld [smem:$0x3FAC]  }
0x2a: {  	p0 =	seq.s32 s5, $0x0;
	s5 =	sld [smem:$0x3FAD]  }
0x2b: {  	s6 =	sld [smem:$0x3FAE]  }
0x2c: {  	s7 =	sld [smem:$0x3FAF]  }
0x2d: {  	s3 =	simm.s32 $0x108;
	s8 =	sld [smem:$0x3FB0]  }
0x2e: {  	s3 =	simm.s32 @!p0 $0x1082;
	s9 =	sld [smem:$0x3FB1]  }
0x2f: {  	lr =	sadd.s32 s0, s3;
	s0 =	sld [smem:$0x3FA8]  }
0x30: {  	s3 =	sld [smem:$0x3FAB]  }
0x31: {  	[smem:$0x3FB4] =	sst s10  }
0x32: {  	s10 =	sld [smem:$0x3FB2];
	_ =	sdelay $0x3  }
0x33: {  	p0 =	seq.s32 s10, $0x1;
	s10 =	sld [smem:$0x3FB4];
	_ =	sdelay $0x3  }
0x34: {  	[smem:$0x3FB4] =	sst s10  }
0x35: {  	s10 =	sld [smem:$0x3FB3];
	_ =	sdelay $0x3  }
0x36: {  	p1 =	seq.s32 s10, $0x1;
	s10 =	sld [smem:$0x3FB4];
	_ =	sdelay $0x3  }
0x37: {  	[smem:$0x3FB4] =	sst s10  }
0x38: {  	s10 =	sld [smem:$0x3FB5]  }
0x39: {  	_ = 	snop;
	(pc) =	sbr.ind lr, $3  }
0x3a: {  	_ = 	snop  }
0x3b: {  	_ = 	snop  }
0x3c: {  	p2 =	seq.s32 s10, $0x1;
	s10 =	sld [smem:$0x3FB4]  }
0x3d: {  	_ =	shalt  }
0x3e: {  	_ =	shalt  }
0x3f: {  	_ =	shalt  }
0x40: {  	_ =	shalt  }
0x41: {  	_ =	shalt  }
0x42: {  	_ =	shalt  }
0x43: {  	_ =	shalt  }
0x44: {  	_ =	shalt  }
0x45: {  	_ =	shalt  }
0x46: {  	_ =	shalt  }
0x47: {  	_ =	shalt  }
0x48: {  	_ =	shalt  }
0x49: {  	_ =	shalt  }
0x4a: {  	_ =	shalt  }
0x4b: {  	_ =	shalt  }
0x4c: {  	_ =	shalt  }
0x4d: {  	_ =	shalt  }
0x4e: {  	_ =	shalt  }
0x4f: {  	_ =	shalt  }
0x50: {  	_ =	shalt  }
0x51: {  	_ =	shalt  }
0x52: {  	_ =	shalt  }
0x53: {  	_ =	shalt  }
0x54: {  	_ =	shalt  }
0x55: {  	_ =	shalt  }
0x56: {  	_ =	shalt  }
0x57: {  	_ =	shalt  }
0x58: {  	_ =	shalt  }
0x59: {  	_ =	shalt  }
0x5a: {  	_ =	shalt  }
0x5b: {  	_ =	shalt  }
0x5c: {  	_ =	shalt  }
0x5d: {  	_ =	shalt  }
0x5e: {  	_ =	shalt  }
0x5f: {  	_ =	shalt  }
0x60: {  	_ =	shalt  }
0x61: {  	_ =	shalt  }
0x62: {  	_ =	shalt  }
0x63: {  	_ =	shalt  }
0x64: {  	_ =	shalt  }
0x65: {  	_ =	shalt  }
0x66: {  	_ =	shalt  }
0x67: {  	_ =	shalt  }
0x68: {  	_ =	shalt  }
0x69: {  	_ =	shalt  }
0x6a: {  	_ =	shalt  }
0x6b: {  	_ =	shalt  }
0x6c: {  	_ =	shalt  }
0x6d: {  	_ =	shalt  }
0x6e: {  	_ =	shalt  }
0x6f: {  	_ =	shalt  }
0x70: {  	_ =	shalt  }
0x71: {  	_ =	shalt  }
0x72: {  	_ =	shalt  }
0x73: {  	_ =	shalt  }
0x74: {  	_ =	shalt  }
0x75: {  	_ =	shalt  }
0x76: {  	_ =	shalt  }
0x77: {  	_ =	shalt  }
0x78: {  	_ =	shalt  }
0x79: {  	_ =	shalt  }
0x7a: {  	_ =	shalt  }
0x7b: {  	_ =	shalt  }
0x7c: {  	_ =	shalt  }
0x7d: {  	_ =	shalt  }
0x7e: {  	_ =	shalt  }
0x7f: {  	_ =	shalt  }
0x80: {  	_ =	shalt  }
0x81: {  	_ =	shalt  }
0x82: {  	_ =	shalt  }
0x83: {  	_ =	shalt  }
0x84: {  	_ =	shalt  }
0x85: {  	_ =	shalt  }
0x86: {  	_ =	shalt  }
0x87: {  	_ =	shalt  }
.Lfunc_end0:
.L_simem_size_0:
called_computation_lowered:
.L_overlay_start_0:
0x88: {  	s2 =	sld [smem:$0x3FD9]  }
0x89: {  	s3 =	sld [smem:$0x3FFE];
	_ =	sdelay $0x1  }
0x8a: {  	s1 =	srdreg.scid  }
0x8b: {  	s0 =	sand.u32 $0x1, s1  }
0x8c: {  	s17 =	sshll.u32 s0, $0xA;
	s2 =	sadd.s32 s3, s2  }
0x8d: {  	s2 =	sadd.s32 s2, s17  }
0x8e: {  	[smem:$0x3FC0] =	sst s2  }
0x8f: {  	_ = 	snop  }
0x90: {  	s2 =	sld [smem:$0x3FD0];
	(tm) =	ssettm $0x1  }
0x91: {  	s18 =	sld [smem:$0x3FFB];
	_ =	sdelay $0x3  }
0x92: {  	_ =	strace s18  }
0x93: {  	s3 =	sld [smem:$0x3FFC];
	_ =	sdelay $0x3  }
0x94: {  	_ =	strace s3  }
0x95: {  	s3 =	sld [smem:$0x3FFD];
	_ =	sdelay $0x3  }
0x96: {  	_ =	strace s3  }
0x97: {  	_ =	strace $0x8FFFFFFF  }
0x98: {  	s19 =	sld [smem:$0x3FDB];
	_ =	sdelay $0x1  }
0x99: {  	s4 =	simm.s32 $_scs_section_size  }
0x9a: {  	s5 =	simm.s32 $_size__tile_overlayer_lowered;
	s6 =	simm.s32 $_tile_overlayer_lowered  }
0x9b: {  	s22 =	simm.s32 $0x1BFF;
	s21 =	sshll.u32 s6, $0x1;
	s3 =	sadd.s32 s4, s19  }
0x9c: {  	s7 =	simm.s32 $0x0;
	s20 =	sshll.u32 s5, $0x1;
	s5 =	sadd.s32 s21, s3  }
0x9d: {  	[timem:s7], [sflag:s22] =	dma.local [hbm:s5], s20  }
0x9e: {  	_ =	swait.ge [sflag:s22], s20  }
0x9f: {  	s4 =	ssub.s32 $0x0, s20;
	[sflag:s22] =	ssyncset.done $0x0  }
0xa0: {  	[sflag:s22] =	ssyncadd.s32 s4;
	_ =	sdelay $0x1  }
0xa1: {  	s23 =	simm.s32 $0x1B8B  }
0xa2: {  	_ =	swait.ge [sflag:s23], $0x1  }
0xa3: {  	[sflag:s23] =	ssyncset.done $0x0  }
0xa4: {  	s25 =	simm.s32 $0x1B8E;
	s24 =	sld [smem:$0x3FFE];
	[sflag:s23] =	ssyncadd.s32 $0xFFFFFFFF  }
0xa5: {  	s26 =	simm.s32 $execute0_lowered;
	[smem:$0x3FD2] =	sst s25  }
0xa6: {  	s5 =	sshll.u32 s26, $0x1;
	_ =	strace $0x80000046;
	[dreg:$0x1] =	wrdreg $0xFFFFFFFF  }
0xa7: {  	s28 =	simm.s32 $_size_execute0_lowered;
	s3 =	sadd.s32 s3, s5;
	[dreg:$0x0] =	wrdreg $0x0  }
0xa8: {  	s5 =	sshll.u32 s28, $0x1;
	[dreg:$0x2] =	wrdreg s3  }
0xa9: {  	[dreg:$0x3] =	wrdreg s5  }
0xaa: {  	[dreg:$0x4] =	wrdreg $0xC0  }
0xab: {  	_ =	task [dreg:s7], $0x5FFFF  }
0xac: {  	[dreg:$0x1] =	wrdreg $0xFFFFFFFF  }
0xad: {  	[dreg:$0x0] =	wrdreg $0x60  }
0xae: {  	[dreg:$0x2] =	wrdreg s24  }
0xaf: {  	[dreg:$0x3] =	wrdreg s2  }
0xb0: {  	[dreg:$0x4] =	wrdreg $0x52000  }
0xb1: {  	[dreg:$0x5] =	wrdreg $0x54780  }
0xb2: {  	[dreg:$0x6] =	wrdreg $0x9  }
0xb3: {  	_ =	task.clear_ibuf [dreg:s7], $0x7FFFF;
	_ =	strace $0x90000046  }
0xb4: {  	s29 =	simm.s32 $0x9;
	_ =	strace $0x80000048  }
0xb5: {  	_ =	swait.ge [sflag:s29], $0x1  }
0xb6: {  	[sflag:s29] =	ssyncadd.s32 $0xFFFFFFFF  }
0xb7: {  	_ =	strace $0x90000048  }
0xb8: {  	_ =	sfence  }
0xb9: {  	s30 =	sld [smem:$0x0];
	_ =	sdelay $0x2  }
0xba: {  	s31 =	sshll.u32 s1, $0xD;
	s1 =	sshrl.u32 s1, $0x2  }
0xbb: {  	s3 =	sand.u32 $0x4000, s31;
	s1 =	sadd.s32 s1, s30  }
0xbc: {  	s0 =	sor.u32 s3, s0;
	s1 =	sshll.u32 s1, $0x11  }
0xbd: {  	s0 =	sor.u32 s1, s0  }
0xbe: {  	s0 =	sadd.s32 $0x8F2B, s0  }
0xbf: {  	[sflag:s0] =	ssyncadd.remote.s32 $0x1  }
0xc0: {  	_ =	sfence.sel $0xFFFF  }
0xc1: {  	[dreg:$0x0] =	wrdreg $0xFFFFFFFF;
	(pc) =	sbr.abs _section_cstart, $3  }
0xc2: {  	[dreg:$0x1] =	wrdreg $0xFFFFFFFF  }
0xc3: {  	_ =	task.clear_ibuf [dreg:s7], $0x2FFFF;
	_ =	strace $0x9FFFFFFF  }
0xc4: {  	(tm) =	ssettm $0x7FFFFFFF  }
0xc5: {  	_ =	shalt  }
tec
execute0_lowered:
.L_overlay_start_1:
0x0: {  	(tag) =	ssettag $0x1  }
0x1: {  	s5 =	rddreg [dreg:$0x0]  }
0x2: {  	s6 =	rddreg [dreg:$0x1]  }
0x3: {  	s2 =	rddreg [dreg:$0x2]  }
0x4: {  	s3 =	rddreg [dreg:$0x3];
	s4 =	srdreg.scid  }
0x5: {  	s1 =	stileid.u32;
	s0 =	rddreg [dreg:$0x4];
	s13 =	simm.s32 $0x2780  }
0x6: {  	s14 =	simm.s32 $0x4F80;
	s15 =	simm.s32 $0x50;
	s16 =	simm.s32 $0x4F00  }
0x7: {  	s17 =	simm.s32 $0x1;
	s18 =	simm.s32 $0x2;
	s19 =	simm.s32 $0x0  }
0x8: {  	s7 =	sand.u32 $0x1, s4;
	s8 =	smul.u32 $0x270, s1;
	s9 =	sshll.u32 s1, $0x1  }
0x9: {  	s4 =	simm.s32 $0x0;
	s10 =	smul.u32 $0x4E20, s7;
	s9 =	sor.u32 s7, s9  }
0xa: {  	[smem:$0x7FF] =	sst s4;
	s7 =	ssub.s32 $0x2, s7;
	s9 =	smul.u32 $0x4E2, s9  }
0xb: {  	_ =	strace $0x80000047;
	s11 =	sshrl.u32 s7, $0x1;
	s10 =	sadd.s32 s8, s10  }
0xc: {  	s11 =	ssub.s32 s7, s11;
	s7 =	sadd.s32 s8, s2;
	s8 =	sadd.s32 s8, s3  }
0xd: {  	s10 =	sshrl.u32 s10, $0x3;
	s12 =	sadd.s32 s9, s5;
	s6 =	sadd.s32 s6, s9  }
0xe: {  	s11 =	smax.u32 s11, $0x1;
	s10 =	sadd.s32 s10, s5;
	s5 =	sadd.s32 $0x2000, s12  }
0xf: {  	v0 =	vimm.f32 $1.000000000e+00;
	v1 =	vimm.f32 $0.0e+00;
	s12 =	simm.s32 $0x3;
	s9 =	sadd.s32 $0xBE00, s10;
	s10 =	sadd.s32 $0xC2E2, s10  }
.LBB2_1:
0x10: {  	[tilespmem:s4], [sflag:$0x3] =	stream.linear.gather [hbm4b:s5+s4], $0x2710, $0x38;
	[tilespmem:$0x56F0] =	vst v63  }
0x11: {  	_ =	swait.ge [sflag:s12], $0x2710  }
0x12: {  	[sflag:s12] =	ssyncset.done $0x0  }
0x13: {  	[sflag:s12] =	ssyncadd.s32 $0xFFFFD8F0  }
0x14: {  	[tilespmem:s13], [sflag:$0x3] =	stream.linear.gather [hbm4b:s6+s4], $0x2710, $0x38;
	[tilespmem:$0x56F0] =	vst v63  }
0x15: {  	_ =	swait.ge [sflag:s12], $0x2710  }
0x16: {  	[sflag:s12] =	ssyncset.done $0x0  }
0x17: {  	[sflag:s12] =	ssyncadd.s32 $0xFFFFD8F0  }
0x18: {  	[tilespmem:$0x4F00] =	vst v0  }
0x19: {  	[tilespmem:$0x4F10] =	vst v0  }
0x1a: {  	[tilespmem:$0x4F20] =	vst v0  }
0x1b: {  	[tilespmem:$0x4F30] =	vst v0  }
0x1c: {  	[tilespmem:$0x4F40] =	vst v0  }
0x1d: {  	[tilespmem:$0x4F80] =	vst v1  }
0x1e: {  	[tilespmem:$0x4F90] =	vst v1  }
0x1f: {  	[tilespmem:$0x4FA0] =	vst v1  }
0x20: {  	[tilespmem:$0x4FB0] =	vst v1  }
0x21: {  	[tilespmem:$0x4FC0] =	vst v1  }
0x22: {  	[tilespmem:$0x4FD0] =	vst v1  }
0x23: {  	[tilespmem:$0x4FE0] =	vst v1  }
0x24: {  	[tilespmem:$0x4FF0] =	vst v1  }
0x25: {  	[tilespmem:$0x5000] =	vst v1  }
0x26: {  	[tilespmem:$0x5010] =	vst v1  }
0x27: {  	[tilespmem:$0x5020] =	vst v1  }
0x28: {  	[tilespmem:$0x5030] =	vst v1  }
0x29: {  	[tilespmem:$0x5040] =	vst v1  }
0x2a: {  	[tilespmem:$0x5050] =	vst v1  }
0x2b: {  	[tilespmem:$0x5060] =	vst v1  }
0x2c: {  	[tilespmem:$0x5070] =	vst v1  }
0x2d: {  	[tilespmem:$0x5080] =	vst v1  }
0x2e: {  	[tilespmem:$0x5090] =	vst v1  }
0x2f: {  	[tilespmem:$0x50A0] =	vst v1  }
0x30: {  	[tilespmem:$0x50B0] =	vst v1  }
0x31: {  	[tilespmem:$0x50C0] =	vst v1  }
0x32: {  	[tilespmem:$0x50D0] =	vst v1  }
0x33: {  	[tilespmem:$0x50E0] =	vst v1  }
0x34: {  	[tilespmem:$0x50F0] =	vst v1  }
0x35: {  	[tilespmem:$0x5100] =	vst v1  }
0x36: {  	[tilespmem:$0x5110] =	vst v1  }
0x37: {  	[tilespmem:$0x5120] =	vst v1  }
0x38: {  	[tilespmem:$0x5130] =	vst v1  }
0x39: {  	[tilespmem:$0x5140] =	vst v1  }
0x3a: {  	[tilespmem:$0x5150] =	vst v1  }
0x3b: {  	[tilespmem:$0x5160] =	vst v1  }
0x3c: {  	[tilespmem:$0x5170] =	vst v1  }
0x3d: {  	[tilespmem:$0x5180] =	vst v1  }
0x3e: {  	[tilespmem:$0x5190] =	vst v1  }
0x3f: {  	[tilespmem:$0x51A0] =	vst v1  }
0x40: {  	[tilespmem:$0x51B0] =	vst v1  }
0x41: {  	[tilespmem:$0x51C0] =	vst v1  }
0x42: {  	[tilespmem:$0x51D0] =	vst v1  }
0x43: {  	[tilespmem:$0x51E0] =	vst v1  }
0x44: {  	[tilespmem:$0x51F0] =	vst v1  }
0x45: {  	[spmem:s7] =	stream.linear.scatter [tilespmem:s14], [sflag:$0x3], $0x280, $0x38;
	[tilespmem:$0x56F0] =	vst v63  }
0x46: {  	_ =	swait.ge [sflag:s12], $0x280  }
0x47: {  	[sflag:s12] =	ssyncset.done $0x0  }
0x48: {  	[sflag:s12] =	ssyncadd.s32 $0xFFFFFD80  }
0x49: {  	[spmem:s8] =	stream.linear.scatter [tilespmem:s14], [sflag:$0x3], $0x280, $0x38;
	[tilespmem:$0x56F0] =	vst v63  }
0x4a: {  	_ =	swait.ge [sflag:s12], $0x280  }
0x4b: {  	[sflag:s12] =	ssyncset.done $0x0  }
0x4c: {  	[sflag:s12] =	ssyncadd.s32 $0xFFFFFD80  }
0x4d: {  	s20 =	simm.s32 $0x0;
	[bflag:$0x0] =	sbarrier.arrive $0xFFFF  }
0x4e: {  	[spmem:s2] =	stream.indirect.scatter.add.f32 [tilespmem:s16], [sflag:$0x1], $0x1, s20, s15, $0xb8;
	[tilespmem:$0x56F0] =	vst v63  }
0x4f: {  	s21 =	simm.s32 $0x2780;
	s20 =	simm.s32 $0x140  }
.LBB2_2:
0x50: {  	[spmem:s3] =	stream.indirect.scatter.add.f32 [tilespmem:s16], [sflag:$0x2], $0x1, s21, s15, $0xb8;
	[tilespmem:$0x56F0] =	vst v63  }
0x51: {  	s21 =	smov.u32 s20;
	p0 =	sne.s32 s20, $0x9B00  }
.Ltmp0:
0x52: {  	s20 =	sadd.s32 $0x140, s20;
	(pc) =	sbr.rel @p0 .LBB2_2-.Ltmp0, $4  }
0x53: {  	_ = 	snop  }
0x54: {  	s21 =	sshra.s32 s21, $0x2  }
0x55: {  	[spmem:s2] =	stream.indirect.scatter.add.f32 [tilespmem:s16], [sflag:$0x1], $0x1, s21, s15, $0xb8;
	[tilespmem:$0x56F0] =	vst v63  }
0x56: {  	s21 =	sadd.s32 $0x2780, s21  }
0x57: {  	[spmem:s3] =	stream.indirect.scatter.add.f32 [tilespmem:s16], [sflag:$0x2], $0x1, s21, s15, $0xb8;
	[tilespmem:$0x56F0] =	vst v63  }
0x58: {  	_ =	swait.ge [sflag:s17], $0x50  }
0x59: {  	[sflag:s17] =	ssyncset.done $0x0  }
0x5a: {  	[sflag:s17] =	ssyncadd.s32 $0xFFFFFFB0  }
0x5b: {  	_ =	swait.ge [sflag:s18], $0x50  }
0x5c: {  	s20 =	simm.s32 $0x7C;
	[sflag:s18] =	ssyncset.done $0x0  }
.LBB2_4:
0x5d: {  	p0 =	sne.s32 s20, $0x1;
	s20 =	sadd.s32 $0xFFFFFFFF, s20;
	[sflag:s18] =	ssyncadd.s32 $0xFFFFFFB0  }
.Ltmp1:
0x5e: {  	_ =	swait.ge [sflag:s17], $0x50;
	(pc) =	sbr.rel @p0 .LBB2_4-.Ltmp1, $4  }
0x5f: {  	[sflag:s17] =	ssyncset.done $0x0  }
0x60: {  	[sflag:s17] =	ssyncadd.s32 $0xFFFFFFB0  }
0x61: {  	_ =	swait.ge [sflag:s18], $0x50  }
0x62: {  	[sflag:s18] =	ssyncset.done $0x0  }
0x63: {  	[sflag:s18] =	ssyncadd.s32 $0xFFFFFFB0  }
0x64: {  	[bflag:$0x0] =	sbarrier.arrive $0xFFFF  }
0x65: {  	[tilespmem:s14], [sflag:$0x3] =	stream.linear.gather [spmem:s7], $0x280, $0x38;
	[tilespmem:$0x56F0] =	vst v63  }
0x66: {  	_ =	swait.ge [sflag:s12], $0x280  }
0x67: {  	[sflag:s12] =	ssyncset.done $0x0  }
0x68: {  	[sflag:s12] =	ssyncadd.s32 $0xFFFFFD80  }
0x69: {  	[hbm4b:s9+s4] =	stream.linear.scatter [tilespmem:s14], [sflag:$0x3], $0x280, $0x38;
	[tilespmem:$0x56F0] =	vst v63  }
0x6a: {  	_ =	swait.ge [sflag:s12], $0x280  }
0x6b: {  	[sflag:s12] =	ssyncset.done $0x0  }
0x6c: {  	[sflag:s12] =	ssyncadd.s32 $0xFFFFFD80  }
0x6d: {  	[tilespmem:s14], [sflag:$0x3] =	stream.linear.gather [spmem:s8], $0x280, $0x38;
	[tilespmem:$0x56F0] =	vst v63  }
0x6e: {  	s19 =	sadd.s32 $0x1, s19;
	_ =	swait.ge [sflag:s12], $0x280  }
0x6f: {  	p0 =	sne.s32 s19, s11;
	[sflag:s12] =	ssyncset.done $0x0  }
.Ltmp2:
0x70: {  	[sflag:s12] =	ssyncadd.s32 $0xFFFFFD80;
	(pc) =	sbr.rel @p0 .LBB2_1-.Ltmp2, $4  }
0x71: {  	[hbm4b:s10+s4] =	stream.linear.scatter [tilespmem:s14], [sflag:$0x3], $0x280, $0x38;
	[tilespmem:$0x56F0] =	vst v63  }
0x72: {  	_ =	swait.ge [sflag:s12], $0x280  }
0x73: {  	[sflag:s12] =	ssyncset.done $0x0  }
0x74: {  	[sflag:s12] =	ssyncadd.s32 $0xFFFFFD80  }
0x75: {  	_ =	sfence.sel $0x180000  }
0x76: {  	[bflag:$0x0] =	sbarrier.arrive $0xFFFF  }
0x77: {  	p0 =	sne.s32 s1, $0x0;
	_ =	strace $0x90000047  }
0x78: {  	s0 =	sadd.s32 @!p0 $0x100000, s0;
	[bflag:$0x2] =	sbarrier.arrive $0xFFFF  }
0x79: {  	[sflag:s0] =	ssyncadd.tile.s32 @!p0 $0x1;
	_ =	shalt  }
.Lfunc_end2:
_tile_overlayer_lowered:
.L_overlay_start_2:
0x7a: {  	(tag) =	ssettag $0x2  }
0x7b: {  	s0 =	rddreg [dreg:$0x0];
	s2 =	stileid.u32  }
0x7c: {  	s1 =	rddreg [dreg:$0x1];
	p0 =	sne.s32 s2, $0x0  }
0x7d: {  	s3 =	rddreg [dreg:$0x2];
	[bflag:$0x3] =	sbarrier.arrive $0xFFFF;
	s2 =	simm.s32 @!p0 $0x1C03  }
0x7e: {  	[timem:s3], [sflag:s2] =	dma.local @!p0 [hbm:s0], s1  }
0x7f: {  	s0 =	simm.s32 @!p0 $0x3  }
0x80: {  	_ =	swait.ge @!p0 [sflag:s0], s1  }
0x81: {  	s1 =	ssub.s32 @!p0 $0x0, s1;
	[sflag:s0] =	ssyncset.done @!p0 $0x0  }
0x82: {  	[sflag:s0] =	ssyncadd.s32 @!p0 s1  }
0x83: {  	[bflag:$0x3] =	sbarrier.arrive $0xFFFF  }
0x84: {  	_ =	shalt  }

// kernel: kernel.13.cloned.1.call-start
scs
__scs_entry_jumppad:
0x0: {  	(pc) =	sbr.rel $0x88, $3  }
0x1: {  	(tag) =	ssettag $0x0;
	lr =	simm.s32 $0x1  }
0x2: {  	[smem:$0x3F99] =	sst lr;
	_ =	strace $0xD0000000  }
0x3: {  	_ = 	snop  }
0x4: {  	_ = 	snop  }
0x5: {  	_ = 	snop  }
0x6: {  	_ = 	snop  }
0x7: {  	_ = 	snop  }
__scs_overlays_trampoline_lowered:
0x8: {  	[smem:$0x3FA8] =	sst s0  }
0x9: {  	[smem:$0x3FA9] =	sst s1  }
0xa: {  	[smem:$0x3FAA] =	sst s2  }
0xb: {  	[smem:$0x3FAB] =	sst s3  }
0xc: {  	[smem:$0x3FAC] =	sst s4  }
0xd: {  	[smem:$0x3FAD] =	sst s5  }
0xe: {  	[smem:$0x3FAE] =	sst s6  }
0xf: {  	[smem:$0x3FAF] =	sst s7  }
0x10: {  	[smem:$0x3FB0] =	sst s8  }
0x11: {  	[smem:$0x3FB1] =	sst s9;
	s0 =	simm.s32 @!p0 $0x0  }
0x12: {  	s1 =	sld [smem:$0x3F97];
	s0 =	simm.s32 @p0 $0x1  }
0x13: {  	[smem:$0x3FB2] =	sst s0;
	s0 =	simm.s32 @!p1 $0x0  }
0x14: {  	s2 =	sld [smem:$0x3F96];
	s0 =	simm.s32 @p1 $0x1  }
0x15: {  	[smem:$0x3FB3] =	sst s0;
	s0 =	simm.s32 @!p2 $0x0  }
0x16: {  	s3 =	sld [smem:$0x3FDB];
	s0 =	simm.s32 @p2 $0x1  }
0x17: {  	s4 =	simm.s32 $0x1BF5;
	[smem:$0x3FB5] =	sst s0  }
0x18: {  	s0 =	sld [smem:$0x3F98];
	_ =	swait.ge [sflag:s4], $0x0  }
0x19: {  	s7 =	sld [smem:$0x3F99]  }
0x1a: {  	s8 =	sadd.s32 $0xFFFFE003, lr  }
0x1b: {  	s9 =	sadd.s32 $0xFFFFFEF7, lr;
	s5 =	simm.s32 $0xFFFFFFFF;
	p2 =	slt.u32 s8, $0xFFFFF086  }
0x1c: {  	p1 =	slt.u32 s9, $0xF7A;
	s5 =	simm.s32 @!p2 $0x0  }
0x1d: {  	s5 =	simm.s32 @p1 $0x1;
	p0 =	seq.s32 s7, s2  }
0x1e: {  	s7 =	smul.u32 @!p0 $0xF7A, s2;
	p2 =	seq.s32 @!p0 s5, $0x0  }
0x1f: {  	s9 =	smul.u32 $0xF7A, s1;
	s8 =	simm.s32 @!p0 $0x1BF5;
	p2 =	por !p2, p0  }
0x20: {  	[sflag:s8] =	ssyncset.s32 @!p0 $0xFFFFF086;
	s6 =	sadd.s32 @!p0 s3, s7;
	s7 =	simm.s32 @!p0 $0x108  }
0x21: {  	s3 =	sadd.s32 s3, s9;
	s6 =	sadd.s32 @!p0 $0x88, s6;
	s7 =	simm.s32 @p2 $0x1082  }
0x22: {  	[simem:s7], [sflag:s8] =	dma.local @!p0 [hbm:s6], $0xF7A  }
0x23: {  	s9 =	sor.u32 $0xD0000000, s2;
	s6 =	simm.s32 $0x108;
	_ =	swait.ge @!p0 [sflag:s8], $0x0  }
0x24: {  	s3 =	sadd.s32 $0x88, s3;
	s6 =	simm.s32 @!p1 $0x1082;
	[sflag:s4] =	ssyncset.s32 $0xFFFFF086  }
0x25: {  	[simem:s6], [sflag:s4] =	dma.local [hbm:s3], $0xF7A  }
0x26: {  	[smem:$0x3F99] =	sst s1;
	(tag) =	ssettag s2;
	_ =	strace s9  }
0x27: {  	s1 =	sld [smem:$0x3FA9]  }
0x28: {  	s2 =	sld [smem:$0x3FAA]  }
0x29: {  	s4 =	sld [smem:$0x3FAC]  }
0x2a: {  	p0 =	seq.s32 s5, $0x0;
	s5 =	sld [smem:$0x3FAD]  }
0x2b: {  	s6 =	sld [smem:$0x3FAE]  }
0x2c: {  	s7 =	sld [smem:$0x3FAF]  }
0x2d: {  	s3 =	simm.s32 $0x108;
	s8 =	sld [smem:$0x3FB0]  }
0x2e: {  	s3 =	simm.s32 @!p0 $0x1082;
	s9 =	sld [smem:$0x3FB1]  }
0x2f: {  	lr =	sadd.s32 s0, s3;
	s0 =	sld [smem:$0x3FA8]  }
0x30: {  	s3 =	sld [smem:$0x3FAB]  }
0x31: {  	[smem:$0x3FB4] =	sst s10  }
0x32: {  	s10 =	sld [smem:$0x3FB2];
	_ =	sdelay $0x3  }
0x33: {  	p0 =	seq.s32 s10, $0x1;
	s10 =	sld [smem:$0x3FB4];
	_ =	sdelay $0x3  }
0x34: {  	[smem:$0x3FB4] =	sst s10  }
0x35: {  	s10 =	sld [smem:$0x3FB3];
	_ =	sdelay $0x3  }
0x36: {  	p1 =	seq.s32 s10, $0x1;
	s10 =	sld [smem:$0x3FB4];
	_ =	sdelay $0x3  }
0x37: {  	[smem:$0x3FB4] =	sst s10  }
0x38: {  	s10 =	sld [smem:$0x3FB5]  }
0x39: {  	_ = 	snop;
	(pc) =	sbr.ind lr, $3  }
0x3a: {  	_ = 	snop  }
0x3b: {  	_ = 	snop  }
0x3c: {  	p2 =	seq.s32 s10, $0x1;
	s10 =	sld [smem:$0x3FB4]  }
0x3d: {  	_ =	shalt  }
0x3e: {  	_ =	shalt  }
0x3f: {  	_ =	shalt  }
0x40: {  	_ =	shalt  }
0x41: {  	_ =	shalt  }
0x42: {  	_ =	shalt  }
0x43: {  	_ =	shalt  }
0x44: {  	_ =	shalt  }
0x45: {  	_ =	shalt  }
0x46: {  	_ =	shalt  }
0x47: {  	_ =	shalt  }
0x48: {  	_ =	shalt  }
0x49: {  	_ =	shalt  }
0x4a: {  	_ =	shalt  }
0x4b: {  	_ =	shalt  }
0x4c: {  	_ =	shalt  }
0x4d: {  	_ =	shalt  }
0x4e: {  	_ =	shalt  }
0x4f: {  	_ =	shalt  }
0x50: {  	_ =	shalt  }
0x51: {  	_ =	shalt  }
0x52: {  	_ =	shalt  }
0x53: {  	_ =	shalt  }
0x54: {  	_ =	shalt  }
0x55: {  	_ =	shalt  }
0x56: {  	_ =	shalt  }
0x57: {  	_ =	shalt  }
0x58: {  	_ =	shalt  }
0x59: {  	_ =	shalt  }
0x5a: {  	_ =	shalt  }
0x5b: {  	_ =	shalt  }
0x5c: {  	_ =	shalt  }
0x5d: {  	_ =	shalt  }
0x5e: {  	_ =	shalt  }
0x5f: {  	_ =	shalt  }
0x60: {  	_ =	shalt  }
0x61: {  	_ =	shalt  }
0x62: {  	_ =	shalt  }
0x63: {  	_ =	shalt  }
0x64: {  	_ =	shalt  }
0x65: {  	_ =	shalt  }
0x66: {  	_ =	shalt  }
0x67: {  	_ =	shalt  }
0x68: {  	_ =	shalt  }
0x69: {  	_ =	shalt  }
0x6a: {  	_ =	shalt  }
0x6b: {  	_ =	shalt  }
0x6c: {  	_ =	shalt  }
0x6d: {  	_ =	shalt  }
0x6e: {  	_ =	shalt  }
0x6f: {  	_ =	shalt  }
0x70: {  	_ =	shalt  }
0x71: {  	_ =	shalt  }
0x72: {  	_ =	shalt  }
0x73: {  	_ =	shalt  }
0x74: {  	_ =	shalt  }
0x75: {  	_ =	shalt  }
0x76: {  	_ =	shalt  }
0x77: {  	_ =	shalt  }
0x78: {  	_ =	shalt  }
0x79: {  	_ =	shalt  }
0x7a: {  	_ =	shalt  }
0x7b: {  	_ =	shalt  }
0x7c: {  	_ =	shalt  }
0x7d: {  	_ =	shalt  }
0x7e: {  	_ =	shalt  }
0x7f: {  	_ =	shalt  }
0x80: {  	_ =	shalt  }
0x81: {  	_ =	shalt  }
0x82: {  	_ =	shalt  }
0x83: {  	_ =	shalt  }
0x84: {  	_ =	shalt  }
0x85: {  	_ =	shalt  }
0x86: {  	_ =	shalt  }
0x87: {  	_ =	shalt  }
.Lfunc_end0:
.L_simem_size_0:
called_computation.1_lowered:
.L_overlay_start_0:
0x88: {  	s2 =	sld [smem:$0x3FD9]  }
0x89: {  	s3 =	sld [smem:$0x3FFE];
	_ =	sdelay $0x1  }
0x8a: {  	s1 =	srdreg.scid  }
0x8b: {  	s0 =	sand.u32 $0x1, s1  }
0x8c: {  	s17 =	sshll.u32 s0, $0xA;
	s2 =	sadd.s32 s3, s2  }
0x8d: {  	s2 =	sadd.s32 s2, s17  }
0x8e: {  	[smem:$0x3FC0] =	sst s2  }
0x8f: {  	_ = 	snop  }
0x90: {  	s2 =	sld [smem:$0x3FD0];
	(tm) =	ssettm $0x1  }
0x91: {  	s18 =	sld [smem:$0x3FFB];
	_ =	sdelay $0x3  }
0x92: {  	_ =	strace s18  }
0x93: {  	s3 =	sld [smem:$0x3FFC];
	_ =	sdelay $0x3  }
0x94: {  	_ =	strace s3  }
0x95: {  	s3 =	sld [smem:$0x3FFD];
	_ =	sdelay $0x3  }
0x96: {  	_ =	strace s3  }
0x97: {  	_ =	strace $0x8FFFFFFF  }
0x98: {  	s19 =	sld [smem:$0x3FDB];
	_ =	sdelay $0x1  }
0x99: {  	s4 =	simm.s32 $_scs_section_size  }
0x9a: {  	s5 =	simm.s32 $_size__tile_overlayer_lowered;
	s6 =	simm.s32 $_tile_overlayer_lowered  }
0x9b: {  	s22 =	simm.s32 $0x1BFF;
	s21 =	sshll.u32 s6, $0x1;
	s3 =	sadd.s32 s4, s19  }
0x9c: {  	s7 =	simm.s32 $0x0;
	s20 =	sshll.u32 s5, $0x1;
	s5 =	sadd.s32 s21, s3  }
0x9d: {  	[timem:s7], [sflag:s22] =	dma.local [hbm:s5], s20  }
0x9e: {  	_ =	swait.ge [sflag:s22], s20  }
0x9f: {  	s4 =	ssub.s32 $0x0, s20;
	[sflag:s22] =	ssyncset.done $0x0  }
0xa0: {  	[sflag:s22] =	ssyncadd.s32 s4;
	_ =	sdelay $0x1  }
0xa1: {  	s23 =	simm.s32 $0x1B8B  }
0xa2: {  	_ =	swait.ge [sflag:s23], $0x1  }
0xa3: {  	[sflag:s23] =	ssyncset.done $0x0  }
0xa4: {  	s25 =	simm.s32 $0x1B8E;
	s24 =	sld [smem:$0x3FFE];
	[sflag:s23] =	ssyncadd.s32 $0xFFFFFFFF  }
0xa5: {  	s26 =	simm.s32 $execute0_lowered;
	[smem:$0x3FD2] =	sst s25  }
0xa6: {  	s5 =	sshll.u32 s26, $0x1;
	_ =	strace $0x80000049;
	[dreg:$0x1] =	wrdreg $0xFFFFFFFF  }
0xa7: {  	s28 =	simm.s32 $_size_execute0_lowered;
	s3 =	sadd.s32 s3, s5;
	[dreg:$0x0] =	wrdreg $0x0  }
0xa8: {  	s5 =	sshll.u32 s28, $0x1;
	[dreg:$0x2] =	wrdreg s3  }
0xa9: {  	[dreg:$0x3] =	wrdreg s5  }
0xaa: {  	[dreg:$0x4] =	wrdreg $0xC0  }
0xab: {  	_ =	task [dreg:s7], $0x5FFFF  }
0xac: {  	[dreg:$0x1] =	wrdreg $0xFFFFFFFF  }
0xad: {  	[dreg:$0x0] =	wrdreg $0x60  }
0xae: {  	[dreg:$0x2] =	wrdreg s24  }
0xaf: {  	[dreg:$0x3] =	wrdreg s2  }
0xb0: {  	[dreg:$0x4] =	wrdreg $0xC7000  }
0xb1: {  	[dreg:$0x5] =	wrdreg $0x9  }
0xb2: {  	_ =	task.clear_ibuf [dreg:s7], $0x6FFFF;
	_ =	strace $0x90000049  }
0xb3: {  	s29 =	simm.s32 $0x9;
	_ =	strace $0x8000004B  }
0xb4: {  	_ =	swait.ge [sflag:s29], $0x1  }
0xb5: {  	[sflag:s29] =	ssyncadd.s32 $0xFFFFFFFF  }
0xb6: {  	_ =	strace $0x9000004B  }
0xb7: {  	_ =	sfence  }
0xb8: {  	s30 =	sld [smem:$0x0];
	_ =	sdelay $0x2  }
0xb9: {  	s31 =	sshll.u32 s1, $0xD;
	s1 =	sshrl.u32 s1, $0x2  }
0xba: {  	s3 =	sand.u32 $0x4000, s31;
	s1 =	sadd.s32 s1, s30  }
0xbb: {  	s0 =	sor.u32 s3, s0;
	s1 =	sshll.u32 s1, $0x11  }
0xbc: {  	s0 =	sor.u32 s1, s0  }
0xbd: {  	s0 =	sadd.s32 $0x8F2B, s0  }
0xbe: {  	[sflag:s0] =	ssyncadd.remote.s32 $0x1  }
0xbf: {  	_ =	sfence.sel $0xFFFF  }
0xc0: {  	[dreg:$0x0] =	wrdreg $0xFFFFFFFF;
	(pc) =	sbr.abs _section_cstart, $3  }
0xc1: {  	[dreg:$0x1] =	wrdreg $0xFFFFFFFF  }
0xc2: {  	_ =	task.clear_ibuf [dreg:s7], $0x2FFFF;
	_ =	strace $0x9FFFFFFF  }
0xc3: {  	(tm) =	ssettm $0x7FFFFFFF  }
tec
execute0_lowered:
.L_overlay_start_1:
0x0: {  	(tag) =	ssettag $0x1  }
0x1: {  	s0 =	rddreg [dreg:$0x0]  }
0x2: {  	s1 =	rddreg [dreg:$0x1]  }
0x3: {  	s2 =	rddreg [dreg:$0x2]  }
0x4: {  	s4 =	srdreg.scid;
	s11 =	stileid.u32;
	s3 =	simm.s32 $0x0  }
0x5: {  	s28 =	simm.s32 $0x50;
	s29 =	simm.s32 $0x7700;
	s30 =	simm.s32 $0x1  }
0x6: {  	s31 =	simm.s32 $0x4;
	s5 =	sand.u32 $0x1, s4;
	s8 =	smul.u32 $0x4E000, s11  }
0x7: {  	s22 =	sshll.u32 s11, $0x1;
	[smem:$0x7FF] =	sst s3;
	s14 =	smul.u32 $0x13800, s11  }
0x8: {  	s4 =	sor.u32 s5, s22;
	s7 =	ssub.s32 $0x2, s5;
	s5 =	smul.u32 $0x138800, s5  }
0x9: {  	_ =	strace $0x8000004A;
	s6 =	smul.u32 $0x4E2, s4;
	s4 =	sadd.s32 $0x5A000, s0  }
0xa: {  	s10 =	sshrl.u32 s7, $0x1;
	s23 =	sshrl.u32 s8, $0x2;
	s25 =	sadd.s32 $0x2800, s14  }
0xb: {  	s26 =	sadd.s32 $0x5000, s14;
	s16 =	sadd.s32 $0x7800, s14;
	s17 =	sadd.s32 $0xA000, s14  }
0xc: {  	s18 =	sadd.s32 $0xC800, s14;
	s20 =	sadd.s32 $0xF000, s14;
	s21 =	sadd.s32 $0x11800, s14  }
0xd: {  	s15 =	ssub.s32 s7, s10;
	s7 =	sadd.s32 s23, s2;
	s8 =	sadd.s32 s25, s2  }
0xe: {  	s10 =	sadd.s32 s16, s2;
	s11 =	sadd.s32 s17, s2;
	s12 =	sadd.s32 s18, s2  }
0xf: {  	s13 =	sadd.s32 s20, s2;
	s19 =	sadd.s32 s14, s5;
	s14 =	sadd.s32 s21, s2  }
0x10: {  	s22 =	sadd.s32 s5, s17;
	s9 =	sadd.s32 s6, s0;
	s0 =	sadd.s32 $0x81200, s0  }
0x11: {  	s1 =	sadd.s32 s1, s6;
	s19 =	sshrl.u32 s19, $0x3;
	s6 =	sadd.s32 s5, s26  }
0x12: {  	s24 =	sadd.s32 $0x2000, s9;
	[dreg:$0x5] =	wrdreg s1;
	s9 =	sadd.s32 s26, s2  }
0x13: {  	s1 =	sadd.s32 s5, s25;
	s19 =	sadd.s32 s0, s19;
	s25 =	sadd.s32 s5, s18  }
0x14: {  	s26 =	sadd.s32 s5, s20;
	[dreg:$0x4] =	wrdreg s24;
	s1 =	sshrl.u32 s1, $0x3  }
0x15: {  	[dreg:$0x6] =	wrdreg s19;
	s19 =	sadd.s32 s5, s16;
	s16 =	sshrl.u32 s22, $0x3  }
0x16: {  	s5 =	sadd.s32 s5, s21;
	s1 =	sadd.s32 s0, s1;
	s24 =	sadd.s32 s0, s16  }
0x17: {  	s5 =	sshrl.u32 s5, $0x3;
	s16 =	simm.s32 $0x0;
	[dreg:$0x7] =	wrdreg s1  }
0x18: {  	s1 =	sshrl.u32 s6, $0x3;
	s6 =	sshrl.u32 s19, $0x3;
	[dreg:$0xa] =	wrdreg s24  }
0x19: {  	s22 =	sadd.s32 s0, s5;
	s24 =	simm.s32 $0x7;
	s1 =	sadd.s32 s0, s1  }
0x1a: {  	s5 =	simm.s32 $0x3;
	s23 =	sadd.s32 s0, s6;
	[dreg:$0x8] =	wrdreg s1  }
0x1b: {  	s6 =	sshrl.u32 s26, $0x3;
	s26 =	simm.s32 $0x4F00;
	[dreg:$0x9] =	wrdreg s23  }
0x1c: {  	s1 =	sshrl.u32 s25, $0x3;
	s21 =	sadd.s32 s0, s6;
	s23 =	smax.u32 s15, $0x1  }
0x1d: {  	s25 =	simm.s32 $0x2780;
	s6 =	simm.s32 $0x5;
	s15 =	simm.s32 $0x6  }
0x1e: {  	v0 =	vimm.f32 $0.0e+00;
	s20 =	sadd.s32 s0, s1;
	s0 =	simm.s32 $0x9F00;
	s1 =	simm.s32 $0x2  }
.LBB2_1:
0x1f: {  	s17 =	rddreg [dreg:$0x4]  }
0x20: {  	[tilespmem:s3], [sflag:$0x7] =	stream.linear.gather [hbm4b:s17+s3], $0x2710, $0x38;
	[tilespmem:$0x1FF80] =	vst v63  }
0x21: {  	_ =	swait.ge [sflag:s24], $0x2710  }
0x22: {  	[sflag:s24] =	ssyncset.done $0x0  }
0x23: {  	s19 =	rddreg [dreg:$0x5];
	[sflag:s24] =	ssyncadd.s32 $0xFFFFD8F0  }
0x24: {  	[tilespmem:s25], [sflag:$0x7] =	stream.linear.gather [hbm4b:s19+s3], $0x2710, $0x38;
	[tilespmem:$0x1FF80] =	vst v63  }
0x25: {  	_ =	swait.ge [sflag:s24], $0x2710  }
0x26: {  	[sflag:s24] =	ssyncset.done $0x0  }
0x27: {  	s18 =	simm.s32 $0x200;
	s17 =	simm.s32 $0x0;
	[sflag:s24] =	ssyncadd.s32 $0xFFFFD8F0  }
.LBB2_2:
0x28: {  	p0 =	sne.s32 s18, $0x9E00;
	[tilespmem:s17+$0x4F70] =	vst v0  }
0x29: {  	[tilespmem:s17+$0x4F00] =	vst v0  }
0x2a: {  	[tilespmem:s17+$0x4F10] =	vst v0  }
.Ltmp0:
0x2b: {  	[tilespmem:s17+$0x4F20] =	vst v0;
	(pc) =	sbr.rel @p0 .LBB2_2-.Ltmp0, $4  }
0x2c: {  	[tilespmem:s17+$0x4F30] =	vst v0  }
0x2d: {  	[tilespmem:s17+$0x4F40] =	vst v0  }
0x2e: {  	[tilespmem:s17+$0x4F50] =	vst v0  }
0x2f: {  	[tilespmem:s17+$0x4F60] =	vst v0;
	s17 =	sshra.s32 s18, $0x2;
	s18 =	sadd.s32 $0x200, s18  }
0x30: {  	[tilespmem:s17+$0x4F70] =	vst v0  }
0x31: {  	[tilespmem:s17+$0x4F00] =	vst v0  }
0x32: {  	[tilespmem:s17+$0x4F10] =	vst v0  }
0x33: {  	[tilespmem:s17+$0x4F20] =	vst v0  }
0x34: {  	[tilespmem:s17+$0x4F30] =	vst v0  }
0x35: {  	[tilespmem:s17+$0x4F40] =	vst v0  }
0x36: {  	[tilespmem:s17+$0x4F50] =	vst v0  }
0x37: {  	[tilespmem:s17+$0x4F60] =	vst v0  }
0x38: {  	[spmem:s7] =	stream.linear.scatter [tilespmem:s26], [sflag:$0x7], $0x2800, $0x38;
	[tilespmem:$0x1FF80] =	vst v63  }
0x39: {  	_ =	swait.ge [sflag:s24], $0x2800  }
0x3a: {  	[sflag:s24] =	ssyncset.done $0x0  }
0x3b: {  	[sflag:s24] =	ssyncadd.s32 $0xFFFFD800  }
0x3c: {  	[spmem:s8] =	stream.linear.scatter [tilespmem:s26], [sflag:$0x7], $0x2800, $0x38;
	[tilespmem:$0x1FF80] =	vst v63  }
0x3d: {  	_ =	swait.ge [sflag:s24], $0x2800  }
0x3e: {  	[sflag:s24] =	ssyncset.done $0x0  }
0x3f: {  	[sflag:s24] =	ssyncadd.s32 $0xFFFFD800  }
0x40: {  	[spmem:s9] =	stream.linear.scatter [tilespmem:s26], [sflag:$0x7], $0x2800, $0x38;
	[tilespmem:$0x1FF80] =	vst v63  }
0x41: {  	_ =	swait.ge [sflag:s24], $0x2800  }
0x42: {  	[sflag:s24] =	ssyncset.done $0x0  }
0x43: {  	[sflag:s24] =	ssyncadd.s32 $0xFFFFD800  }
0x44: {  	[spmem:s10] =	stream.linear.scatter [tilespmem:s26], [sflag:$0x7], $0x2800, $0x38;
	[tilespmem:$0x1FF80] =	vst v63  }
0x45: {  	_ =	swait.ge [sflag:s24], $0x2800  }
0x46: {  	[sflag:s24] =	ssyncset.done $0x0  }
0x47: {  	[sflag:s24] =	ssyncadd.s32 $0xFFFFD800  }
0x48: {  	[spmem:s11] =	stream.linear.scatter [tilespmem:s26], [sflag:$0x7], $0x2800, $0x38;
	[tilespmem:$0x1FF80] =	vst v63  }
0x49: {  	_ =	swait.ge [sflag:s24], $0x2800  }
0x4a: {  	[sflag:s24] =	ssyncset.done $0x0  }
0x4b: {  	[sflag:s24] =	ssyncadd.s32 $0xFFFFD800  }
0x4c: {  	[spmem:s12] =	stream.linear.scatter [tilespmem:s26], [sflag:$0x7], $0x2800, $0x38;
	[tilespmem:$0x1FF80] =	vst v63  }
0x4d: {  	_ =	swait.ge [sflag:s24], $0x2800  }
0x4e: {  	[sflag:s24] =	ssyncset.done $0x0  }
0x4f: {  	[sflag:s24] =	ssyncadd.s32 $0xFFFFD800  }
0x50: {  	[spmem:s13] =	stream.linear.scatter [tilespmem:s26], [sflag:$0x7], $0x2800, $0x38;
	[tilespmem:$0x1FF80] =	vst v63  }
0x51: {  	_ =	swait.ge [sflag:s24], $0x2800  }
0x52: {  	[sflag:s24] =	ssyncset.done $0x0  }
0x53: {  	[sflag:s24] =	ssyncadd.s32 $0xFFFFD800  }
0x54: {  	[spmem:s14] =	stream.linear.scatter [tilespmem:s26], [sflag:$0x7], $0x2800, $0x38;
	[tilespmem:$0x1FF80] =	vst v63  }
0x55: {  	_ =	swait.ge [sflag:s24], $0x2800  }
0x56: {  	[sflag:s24] =	ssyncset.done $0x0  }
0x57: {  	[sflag:s24] =	ssyncadd.s32 $0xFFFFD800  }
0x58: {  	s18 =	simm.s32 $0x0;
	[bflag:$0x0] =	sbarrier.arrive $0xFFFF  }
0x59: {  	[tilespmem:s26], [sflag:$0x1] =	stream.indirect.gather [hbm4b:s4+s28], $0x80, s18, s28, $0xb8;
	[tilespmem:$0x1FF80] =	vst v63  }
0x5a: {  	_ = 	snop  }
0x5b: {  	[tilespmem:s29], [sflag:$0x2] =	stream.indirect.gather [hbm4b:s4+s28], $0x80, s28, s28, $0xb8;
	[tilespmem:$0x1FF80] =	vst v63  }
0x5c: {  	_ =	swait.ge [sflag:s30], $0x2800  }
0x5d: {  	[sflag:s30] =	ssyncset.done $0x0  }
0x5e: {  	[sflag:s30] =	ssyncadd.s32 $0xFFFFD800  }
0x5f: {  	[spmem:s2] =	stream.indirect.scatter.add.f32 [tilespmem:s26], [sflag:$0x4], $0x80, s25, s28, $0xb8;
	[tilespmem:$0x1FF80] =	vst v63  }
0x60: {  	s19 =	simm.s32 $0xA0  }
0x61: {  	[tilespmem:s0], [sflag:$0x3] =	stream.indirect.gather [hbm4b:s4+s28], $0x80, s19, s28, $0xb8;
	[tilespmem:$0x1FF80] =	vst v63  }
0x62: {  	_ =	swait.ge [sflag:s1], $0x2800  }
0x63: {  	[sflag:s1] =	ssyncset.done $0x0  }
0x64: {  	s18 =	simm.s32 $0x27D0;
	[sflag:s1] =	ssyncadd.s32 $0xFFFFD800  }
0x65: {  	[spmem:s2] =	stream.indirect.scatter.add.f32 [tilespmem:s29], [sflag:$0x5], $0x80, s18, s28, $0xb8;
	[tilespmem:$0x1FF80] =	vst v63  }
0x66: {  	_ =	swait.ge [sflag:s31], $0x2800  }
0x67: {  	[sflag:s31] =	ssyncset.done $0x0  }
0x68: {  	s19 =	simm.s32 $0xF0;
	[sflag:s31] =	ssyncadd.s32 $0xFFFFD800  }
0x69: {  	[tilespmem:s26], [sflag:$0x1] =	stream.indirect.gather [hbm4b:s4+s28], $0x80, s19, s28, $0xb8;
	[tilespmem:$0x1FF80] =	vst v63  }
0x6a: {  	_ =	swait.ge [sflag:s5], $0x2800  }
0x6b: {  	[sflag:s5] =	ssyncset.done $0x0  }
0x6c: {  	s18 =	simm.s32 $0x2820;
	[sflag:s5] =	ssyncadd.s32 $0xFFFFD800  }
0x6d: {  	[spmem:s2] =	stream.indirect.scatter.add.f32 [tilespmem:s0], [sflag:$0x6], $0x80, s18, s28, $0xb8;
	[tilespmem:$0x1FF80] =	vst v63  }
0x6e: {  	_ =	swait.ge [sflag:s6], $0x2800  }
0x6f: {  	[sflag:s6] =	ssyncset.done $0x0  }
0x70: {  	s19 =	simm.s32 $0x140;
	[sflag:s6] =	ssyncadd.s32 $0xFFFFD800  }
0x71: {  	[tilespmem:s29], [sflag:$0x2] =	stream.indirect.gather [hbm4b:s4+s28], $0x80, s19, s28, $0xb8;
	[tilespmem:$0x1FF80] =	vst v63  }
0x72: {  	_ =	swait.ge [sflag:s30], $0x2800  }
0x73: {  	[sflag:s30] =	ssyncset.done $0x0  }
0x74: {  	s18 =	simm.s32 $0x2870;
	[sflag:s30] =	ssyncadd.s32 $0xFFFFD800  }
0x75: {  	[spmem:s2] =	stream.indirect.scatter.add.f32 [tilespmem:s26], [sflag:$0x4], $0x80, s18, s28, $0xb8;
	[tilespmem:$0x1FF80] =	vst v63  }
0x76: {  	_ =	swait.ge [sflag:s15], $0x2800  }
0x77: {  	[sflag:s15] =	ssyncset.done $0x0  }
0x78: {  	s19 =	simm.s32 $0x190;
	[sflag:s15] =	ssyncadd.s32 $0xFFFFD800  }
0x79: {  	[tilespmem:s0], [sflag:$0x3] =	stream.indirect.gather [hbm4b:s4+s28], $0x80, s19, s28, $0xb8;
	[tilespmem:$0x1FF80] =	vst v63  }
0x7a: {  	_ =	swait.ge [sflag:s1], $0x2800  }
0x7b: {  	[sflag:s1] =	ssyncset.done $0x0  }
0x7c: {  	s17 =	simm.s32 $0x3C0;
	s18 =	simm.s32 $0x28C0;
	[sflag:s1] =	ssyncadd.s32 $0xFFFFD800  }
.LBB2_4:
0x7d: {  	[spmem:s2] =	stream.indirect.scatter.add.f32 [tilespmem:s29], [sflag:$0x5], $0x80, s18, s28, $0xb8;
	[tilespmem:$0x1FF80] =	vst v63  }
0x7e: {  	s18 =	smov.u32 s17  }
0x7f: {  	p0 =	sne.s32 s17, $0x9240;
	s17 =	sadd.s32 $0x3C0, s17;
	_ =	swait.ge [sflag:s31], $0x2800  }
0x80: {  	s18 =	sshra.s32 s18, $0x2;
	[sflag:s31] =	ssyncset.done $0x0  }
0x81: {  	s19 =	sadd.s32 $0xF0, s18;
	[sflag:s31] =	ssyncadd.s32 $0xFFFFD800  }
0x82: {  	[tilespmem:s26], [sflag:$0x1] =	stream.indirect.gather [hbm4b:s4+s28], $0x80, s19, s28, $0xb8;
	[tilespmem:$0x1FF80] =	vst v63  }
0x83: {  	_ =	swait.ge [sflag:s5], $0x2800  }
0x84: {  	[sflag:s5] =	ssyncset.done $0x0  }
0x85: {  	s19 =	sadd.s32 $0x2820, s18;
	[sflag:s5] =	ssyncadd.s32 $0xFFFFD800  }
0x86: {  	[spmem:s2] =	stream.indirect.scatter.add.f32 [tilespmem:s0], [sflag:$0x6], $0x80, s19, s28, $0xb8;
	[tilespmem:$0x1FF80] =	vst v63  }
0x87: {  	_ =	swait.ge [sflag:s6], $0x2800  }
0x88: {  	[sflag:s6] =	ssyncset.done $0x0  }
0x89: {  	s19 =	sadd.s32 $0x140, s18;
	[sflag:s6] =	ssyncadd.s32 $0xFFFFD800  }
0x8a: {  	[tilespmem:s29], [sflag:$0x2] =	stream.indirect.gather [hbm4b:s4+s28], $0x80, s19, s28, $0xb8;
	[tilespmem:$0x1FF80] =	vst v63  }
0x8b: {  	_ =	swait.ge [sflag:s30], $0x2800  }
0x8c: {  	[sflag:s30] =	ssyncset.done $0x0  }
0x8d: {  	s19 =	sadd.s32 $0x2870, s18;
	[sflag:s30] =	ssyncadd.s32 $0xFFFFD800  }
0x8e: {  	[spmem:s2] =	stream.indirect.scatter.add.f32 [tilespmem:s26], [sflag:$0x4], $0x80, s19, s28, $0xb8;
	[tilespmem:$0x1FF80] =	vst v63  }
0x8f: {  	_ =	swait.ge [sflag:s15], $0x2800  }
0x90: {  	[sflag:s15] =	ssyncset.done $0x0  }
.Ltmp1:
0x91: {  	s19 =	sadd.s32 $0x190, s18;
	[sflag:s15] =	ssyncadd.s32 $0xFFFFD800;
	(pc) =	sbr.rel @p0 .LBB2_4-.Ltmp1, $4  }
0x92: {  	[tilespmem:s0], [sflag:$0x3] =	stream.indirect.gather [hbm4b:s4+s28], $0x80, s19, s28, $0xb8;
	[tilespmem:$0x1FF80] =	vst v63  }
0x93: {  	_ =	swait.ge [sflag:s1], $0x2800  }
0x94: {  	[sflag:s1] =	ssyncset.done $0x0  }
0x95: {  	s18 =	sadd.s32 $0x28C0, s18;
	[sflag:s1] =	ssyncadd.s32 $0xFFFFD800  }
0x96: {  	[spmem:s2] =	stream.indirect.scatter.add.f32 [tilespmem:s29], [sflag:$0x5], $0x80, s18, s28, $0xb8;
	[tilespmem:$0x1FF80] =	vst v63  }
0x97: {  	_ =	swait.ge [sflag:s31], $0x2800  }
0x98: {  	[sflag:s31] =	ssyncset.done $0x0  }
0x99: {  	s17 =	simm.s32 $0x2670;
	[sflag:s31] =	ssyncadd.s32 $0xFFFFD800  }
0x9a: {  	[tilespmem:s26], [sflag:$0x1] =	stream.indirect.gather [hbm4b:s4+s28], $0x80, s17, s28, $0xb8;
	[tilespmem:$0x1FF80] =	vst v63  }
0x9b: {  	_ =	swait.ge [sflag:s5], $0x2800  }
0x9c: {  	[sflag:s5] =	ssyncset.done $0x0  }
0x9d: {  	s19 =	simm.s32 $0x4DA0;
	[sflag:s5] =	ssyncadd.s32 $0xFFFFD800  }
0x9e: {  	[spmem:s2] =	stream.indirect.scatter.add.f32 [tilespmem:s0], [sflag:$0x6], $0x80, s19, s28, $0xb8;
	[tilespmem:$0x1FF80] =	vst v63  }
0x9f: {  	_ =	swait.ge [sflag:s6], $0x2800  }
0xa0: {  	[sflag:s6] =	ssyncset.done $0x0  }
0xa1: {  	s18 =	simm.s32 $0x26C0;
	[sflag:s6] =	ssyncadd.s32 $0xFFFFD800  }
0xa2: {  	[tilespmem:s29], [sflag:$0x2] =	stream.indirect.gather [hbm4b:s4+s28], $0x80, s18, s28, $0xb8;
	[tilespmem:$0x1FF80] =	vst v63  }
0xa3: {  	_ =	swait.ge [sflag:s30], $0x2800  }
0xa4: {  	[sflag:s30] =	ssyncset.done $0x0  }
0xa5: {  	s19 =	simm.s32 $0x4DF0;
	[sflag:s30] =	ssyncadd.s32 $0xFFFFD800  }
0xa6: {  	[spmem:s2] =	stream.indirect.scatter.add.f32 [tilespmem:s26], [sflag:$0x4], $0x80, s19, s28, $0xb8;
	[tilespmem:$0x1FF80] =	vst v63  }
0xa7: {  	_ =	swait.ge [sflag:s1], $0x2800  }
0xa8: {  	[sflag:s1] =	ssyncset.done $0x0  }
0xa9: {  	s18 =	simm.s32 $0x4E40;
	[sflag:s1] =	ssyncadd.s32 $0xFFFFD800  }
0xaa: {  	[spmem:s2] =	stream.indirect.scatter.add.f32 [tilespmem:s29], [sflag:$0x5], $0x80, s18, s28, $0xb8;
	[tilespmem:$0x1FF80] =	vst v63  }
0xab: {  	_ =	swait.ge [sflag:s31], $0x2800  }
0xac: {  	[sflag:s31] =	ssyncset.done $0x0  }
0xad: {  	[sflag:s31] =	ssyncadd.s32 $0xFFFFD800  }
0xae: {  	_ =	swait.ge [sflag:s6], $0x2800  }
0xaf: {  	[sflag:s6] =	ssyncset.done $0x0  }
0xb0: {  	[sflag:s6] =	ssyncadd.s32 $0xFFFFD800  }
0xb1: {  	_ =	swait.ge [sflag:s15], $0x2800  }
0xb2: {  	[sflag:s15] =	ssyncset.done $0x0  }
0xb3: {  	[sflag:s15] =	ssyncadd.s32 $0xFFFFD800  }
0xb4: {  	[bflag:$0x0] =	sbarrier.arrive $0xFFFF  }
0xb5: {  	[tilespmem:s26], [sflag:$0x7] =	stream.linear.gather [spmem:s7], $0x2800, $0x38;
	[tilespmem:$0x1FF80] =	vst v63  }
0xb6: {  	_ =	swait.ge [sflag:s24], $0x2800  }
0xb7: {  	[sflag:s24] =	ssyncset.done $0x0  }
0xb8: {  	s19 =	rddreg [dreg:$0x6];
	[sflag:s24] =	ssyncadd.s32 $0xFFFFD800  }
0xb9: {  	[hbm4b:s19+s3] =	stream.linear.scatter [tilespmem:s26], [sflag:$0x7], $0x2800, $0x38;
	[tilespmem:$0x1FF80] =	vst v63  }
0xba: {  	_ =	swait.ge [sflag:s24], $0x2800  }
0xbb: {  	[sflag:s24] =	ssyncset.done $0x0  }
0xbc: {  	[sflag:s24] =	ssyncadd.s32 $0xFFFFD800  }
0xbd: {  	[tilespmem:s26], [sflag:$0x7] =	stream.linear.gather [spmem:s8], $0x2800, $0x38;
	[tilespmem:$0x1FF80] =	vst v63  }
0xbe: {  	_ =	swait.ge [sflag:s24], $0x2800  }
0xbf: {  	[sflag:s24] =	ssyncset.done $0x0  }
0xc0: {  	s18 =	rddreg [dreg:$0x7];
	[sflag:s24] =	ssyncadd.s32 $0xFFFFD800  }
0xc1: {  	[hbm4b:s18+s3] =	stream.linear.scatter [tilespmem:s26], [sflag:$0x7], $0x2800, $0x38;
	[tilespmem:$0x1FF80] =	vst v63  }
0xc2: {  	_ =	swait.ge [sflag:s24], $0x2800  }
0xc3: {  	[sflag:s24] =	ssyncset.done $0x0  }
0xc4: {  	[sflag:s24] =	ssyncadd.s32 $0xFFFFD800  }
0xc5: {  	[tilespmem:s26], [sflag:$0x7] =	stream.linear.gather [spmem:s9], $0x2800, $0x38;
	[tilespmem:$0x1FF80] =	vst v63  }
0xc6: {  	_ =	swait.ge [sflag:s24], $0x2800  }
0xc7: {  	[sflag:s24] =	ssyncset.done $0x0  }
0xc8: {  	s19 =	rddreg [dreg:$0x8];
	[sflag:s24] =	ssyncadd.s32 $0xFFFFD800  }
0xc9: {  	[hbm4b:s19+s3] =	stream.linear.scatter [tilespmem:s26], [sflag:$0x7], $0x2800, $0x38;
	[tilespmem:$0x1FF80] =	vst v63  }
0xca: {  	_ =	swait.ge [sflag:s24], $0x2800  }
0xcb: {  	[sflag:s24] =	ssyncset.done $0x0  }
0xcc: {  	[sflag:s24] =	ssyncadd.s32 $0xFFFFD800  }
0xcd: {  	[tilespmem:s26], [sflag:$0x7] =	stream.linear.gather [spmem:s10], $0x2800, $0x38;
	[tilespmem:$0x1FF80] =	vst v63  }
0xce: {  	_ =	swait.ge [sflag:s24], $0x2800  }
0xcf: {  	[sflag:s24] =	ssyncset.done $0x0  }
0xd0: {  	s18 =	rddreg [dreg:$0x9];
	[sflag:s24] =	ssyncadd.s32 $0xFFFFD800  }
0xd1: {  	[hbm4b:s18+s3] =	stream.linear.scatter [tilespmem:s26], [sflag:$0x7], $0x2800, $0x38;
	[tilespmem:$0x1FF80] =	vst v63  }
0xd2: {  	_ =	swait.ge [sflag:s24], $0x2800  }
0xd3: {  	[sflag:s24] =	ssyncset.done $0x0  }
0xd4: {  	[sflag:s24] =	ssyncadd.s32 $0xFFFFD800  }
0xd5: {  	[tilespmem:s26], [sflag:$0x7] =	stream.linear.gather [spmem:s11], $0x2800, $0x38;
	[tilespmem:$0x1FF80] =	vst v63  }
0xd6: {  	_ =	swait.ge [sflag:s24], $0x2800  }
0xd7: {  	[sflag:s24] =	ssyncset.done $0x0  }
0xd8: {  	s19 =	rddreg [dreg:$0xa];
	[sflag:s24] =	ssyncadd.s32 $0xFFFFD800  }
0xd9: {  	[hbm4b:s19+s3] =	stream.linear.scatter [tilespmem:s26], [sflag:$0x7], $0x2800, $0x38;
	[tilespmem:$0x1FF80] =	vst v63  }
0xda: {  	_ =	swait.ge [sflag:s24], $0x2800  }
0xdb: {  	[sflag:s24] =	ssyncset.done $0x0  }
0xdc: {  	[sflag:s24] =	ssyncadd.s32 $0xFFFFD800  }
0xdd: {  	[tilespmem:s26], [sflag:$0x7] =	stream.linear.gather [spmem:s12], $0x2800, $0x38;
	[tilespmem:$0x1FF80] =	vst v63  }
0xde: {  	_ =	swait.ge [sflag:s24], $0x2800  }
0xdf: {  	[sflag:s24] =	ssyncset.done $0x0  }
0xe0: {  	[sflag:s24] =	ssyncadd.s32 $0xFFFFD800  }
0xe1: {  	[hbm4b:s20+s3] =	stream.linear.scatter [tilespmem:s26], [sflag:$0x7], $0x2800, $0x38;
	[tilespmem:$0x1FF80] =	vst v63  }
0xe2: {  	_ =	swait.ge [sflag:s24], $0x2800  }
0xe3: {  	[sflag:s24] =	ssyncset.done $0x0  }
0xe4: {  	[sflag:s24] =	ssyncadd.s32 $0xFFFFD800  }
0xe5: {  	[tilespmem:s26], [sflag:$0x7] =	stream.linear.gather [spmem:s13], $0x2800, $0x38;
	[tilespmem:$0x1FF80] =	vst v63  }
0xe6: {  	_ =	swait.ge [sflag:s24], $0x2800  }
0xe7: {  	[sflag:s24] =	ssyncset.done $0x0  }
0xe8: {  	[sflag:s24] =	ssyncadd.s32 $0xFFFFD800  }
0xe9: {  	[hbm4b:s21+s3] =	stream.linear.scatter [tilespmem:s26], [sflag:$0x7], $0x2800, $0x38;
	[tilespmem:$0x1FF80] =	vst v63  }
0xea: {  	_ =	swait.ge [sflag:s24], $0x2800  }
0xeb: {  	[sflag:s24] =	ssyncset.done $0x0  }
0xec: {  	[sflag:s24] =	ssyncadd.s32 $0xFFFFD800  }
0xed: {  	[tilespmem:s26], [sflag:$0x7] =	stream.linear.gather [spmem:s14], $0x2800, $0x38;
	[tilespmem:$0x1FF80] =	vst v63  }
0xee: {  	s16 =	sadd.s32 $0x1, s16;
	_ =	swait.ge [sflag:s24], $0x2800  }
0xef: {  	p0 =	sne.s32 s16, s23;
	[sflag:s24] =	ssyncset.done $0x0  }
.Ltmp2:
0xf0: {  	[sflag:s24] =	ssyncadd.s32 $0xFFFFD800;
	(pc) =	sbr.rel @p0 .LBB2_1-.Ltmp2, $4  }
0xf1: {  	[hbm4b:s22+s3] =	stream.linear.scatter [tilespmem:s26], [sflag:$0x7], $0x2800, $0x38;
	[tilespmem:$0x1FF80] =	vst v63  }
0xf2: {  	_ =	swait.ge [sflag:s24], $0x2800  }
0xf3: {  	[sflag:s24] =	ssyncset.done $0x0  }
0xf4: {  	[sflag:s24] =	ssyncadd.s32 $0xFFFFD800  }
0xf5: {  	_ =	sfence.sel $0x180000  }
0xf6: {  	[bflag:$0x0] =	sbarrier.arrive $0xFFFF  }
0xf7: {  	_ =	strace $0x9000004A  }
0xf8: {  	s0 =	stileid.u32;
	[bflag:$0x2] =	sbarrier.arrive $0xFFFF  }
0xf9: {  	p0 =	sne.s32 s0, $0x0;
	s0 =	rddreg [dreg:$0x3]  }
0xfa: {  	s0 =	sadd.s32 @!p0 $0x100000, s0  }
0xfb: {  	[sflag:s0] =	ssyncadd.tile.s32 @!p0 $0x1;
	_ =	shalt  }
.Lfunc_end2:
_tile_overlayer_lowered:
.L_overlay_start_2:
0xfc: {  	(tag) =	ssettag $0x2  }
0xfd: {  	s0 =	rddreg [dreg:$0x0];
	s2 =	stileid.u32  }
0xfe: {  	s1 =	rddreg [dreg:$0x1];
	p0 =	sne.s32 s2, $0x0  }
0xff: {  	s3 =	rddreg [dreg:$0x2];
	[bflag:$0x3] =	sbarrier.arrive $0xFFFF;
	s2 =	simm.s32 @!p0 $0x1C07  }
0x100: {  	[timem:s3], [sflag:s2] =	dma.local @!p0 [hbm:s0], s1  }
0x101: {  	s0 =	simm.s32 @!p0 $0x7  }
0x102: {  	_ =	swait.ge @!p0 [sflag:s0], s1  }
0x103: {  	s1 =	ssub.s32 @!p0 $0x0, s1;
	[sflag:s0] =	ssyncset.done @!p0 $0x0  }
0x104: {  	[sflag:s0] =	ssyncadd.s32 @!p0 s1  }
0x105: {  	[bflag:$0x3] =	sbarrier.arrive $0xFFFF  }
0x106: {  	_ =	shalt  }

// kernel: kernel.16.cloned.1.call-start
scs
__scs_entry_jumppad:
0x0: {  	(pc) =	sbr.rel $0x88, $3  }
0x1: {  	(tag) =	ssettag $0x0;
	lr =	simm.s32 $0x1  }
0x2: {  	[smem:$0x3F99] =	sst lr;
	_ =	strace $0xD0000000  }
0x3: {  	_ = 	snop  }
0x4: {  	_ = 	snop  }
0x5: {  	_ = 	snop  }
0x6: {  	_ = 	snop  }
0x7: {  	_ = 	snop  }
__scs_overlays_trampoline_lowered:
0x8: {  	[smem:$0x3FA8] =	sst s0  }
0x9: {  	[smem:$0x3FA9] =	sst s1  }
0xa: {  	[smem:$0x3FAA] =	sst s2  }
0xb: {  	[smem:$0x3FAB] =	sst s3  }
0xc: {  	[smem:$0x3FAC] =	sst s4  }
0xd: {  	[smem:$0x3FAD] =	sst s5  }
0xe: {  	[smem:$0x3FAE] =	sst s6  }
0xf: {  	[smem:$0x3FAF] =	sst s7  }
0x10: {  	[smem:$0x3FB0] =	sst s8  }
0x11: {  	[smem:$0x3FB1] =	sst s9;
	s0 =	simm.s32 @!p0 $0x0  }
0x12: {  	s1 =	sld [smem:$0x3F97];
	s0 =	simm.s32 @p0 $0x1  }
0x13: {  	[smem:$0x3FB2] =	sst s0;
	s0 =	simm.s32 @!p1 $0x0  }
0x14: {  	s2 =	sld [smem:$0x3F96];
	s0 =	simm.s32 @p1 $0x1  }
0x15: {  	[smem:$0x3FB3] =	sst s0;
	s0 =	simm.s32 @!p2 $0x0  }
0x16: {  	s3 =	sld [smem:$0x3FDB];
	s0 =	simm.s32 @p2 $0x1  }
0x17: {  	s4 =	simm.s32 $0x1BF5;
	[smem:$0x3FB5] =	sst s0  }
0x18: {  	s0 =	sld [smem:$0x3F98];
	_ =	swait.ge [sflag:s4], $0x0  }
0x19: {  	s7 =	sld [smem:$0x3F99]  }
0x1a: {  	s8 =	sadd.s32 $0xFFFFE003, lr  }
0x1b: {  	s9 =	sadd.s32 $0xFFFFFEF7, lr;
	s5 =	simm.s32 $0xFFFFFFFF;
	p2 =	slt.u32 s8, $0xFFFFF086  }
0x1c: {  	p1 =	slt.u32 s9, $0xF7A;
	s5 =	simm.s32 @!p2 $0x0  }
0x1d: {  	s5 =	simm.s32 @p1 $0x1;
	p0 =	seq.s32 s7, s2  }
0x1e: {  	s7 =	smul.u32 @!p0 $0xF7A, s2;
	p2 =	seq.s32 @!p0 s5, $0x0  }
0x1f: {  	s9 =	smul.u32 $0xF7A, s1;
	s8 =	simm.s32 @!p0 $0x1BF5;
	p2 =	por !p2, p0  }
0x20: {  	[sflag:s8] =	ssyncset.s32 @!p0 $0xFFFFF086;
	s6 =	sadd.s32 @!p0 s3, s7;
	s7 =	simm.s32 @!p0 $0x108  }
0x21: {  	s3 =	sadd.s32 s3, s9;
	s6 =	sadd.s32 @!p0 $0x88, s6;
	s7 =	simm.s32 @p2 $0x1082  }
0x22: {  	[simem:s7], [sflag:s8] =	dma.local @!p0 [hbm:s6], $0xF7A  }
0x23: {  	s9 =	sor.u32 $0xD0000000, s2;
	s6 =	simm.s32 $0x108;
	_ =	swait.ge @!p0 [sflag:s8], $0x0  }
0x24: {  	s3 =	sadd.s32 $0x88, s3;
	s6 =	simm.s32 @!p1 $0x1082;
	[sflag:s4] =	ssyncset.s32 $0xFFFFF086  }
0x25: {  	[simem:s6], [sflag:s4] =	dma.local [hbm:s3], $0xF7A  }
0x26: {  	[smem:$0x3F99] =	sst s1;
	(tag) =	ssettag s2;
	_ =	strace s9  }
0x27: {  	s1 =	sld [smem:$0x3FA9]  }
0x28: {  	s2 =	sld [smem:$0x3FAA]  }
0x29: {  	s4 =	sld [smem:$0x3FAC]  }
0x2a: {  	p0 =	seq.s32 s5, $0x0;
	s5 =	sld [smem:$0x3FAD]  }
0x2b: {  	s6 =	sld [smem:$0x3FAE]  }
0x2c: {  	s7 =	sld [smem:$0x3FAF]  }
0x2d: {  	s3 =	simm.s32 $0x108;
	s8 =	sld [smem:$0x3FB0]  }
0x2e: {  	s3 =	simm.s32 @!p0 $0x1082;
	s9 =	sld [smem:$0x3FB1]  }
0x2f: {  	lr =	sadd.s32 s0, s3;
	s0 =	sld [smem:$0x3FA8]  }
0x30: {  	s3 =	sld [smem:$0x3FAB]  }
0x31: {  	[smem:$0x3FB4] =	sst s10  }
0x32: {  	s10 =	sld [smem:$0x3FB2];
	_ =	sdelay $0x3  }
0x33: {  	p0 =	seq.s32 s10, $0x1;
	s10 =	sld [smem:$0x3FB4];
	_ =	sdelay $0x3  }
0x34: {  	[smem:$0x3FB4] =	sst s10  }
0x35: {  	s10 =	sld [smem:$0x3FB3];
	_ =	sdelay $0x3  }
0x36: {  	p1 =	seq.s32 s10, $0x1;
	s10 =	sld [smem:$0x3FB4];
	_ =	sdelay $0x3  }
0x37: {  	[smem:$0x3FB4] =	sst s10  }
0x38: {  	s10 =	sld [smem:$0x3FB5]  }
0x39: {  	_ = 	snop;
	(pc) =	sbr.ind lr, $3  }
0x3a: {  	_ = 	snop  }
0x3b: {  	_ = 	snop  }
0x3c: {  	p2 =	seq.s32 s10, $0x1;
	s10 =	sld [smem:$0x3FB4]  }
0x3d: {  	_ =	shalt  }
0x3e: {  	_ =	shalt  }
0x3f: {  	_ =	shalt  }
0x40: {  	_ =	shalt  }
0x41: {  	_ =	shalt  }
0x42: {  	_ =	shalt  }
0x43: {  	_ =	shalt  }
0x44: {  	_ =	shalt  }
0x45: {  	_ =	shalt  }
0x46: {  	_ =	shalt  }
0x47: {  	_ =	shalt  }
0x48: {  	_ =	shalt  }
0x49: {  	_ =	shalt  }
0x4a: {  	_ =	shalt  }
0x4b: {  	_ =	shalt  }
0x4c: {  	_ =	shalt  }
0x4d: {  	_ =	shalt  }
0x4e: {  	_ =	shalt  }
0x4f: {  	_ =	shalt  }
0x50: {  	_ =	shalt  }
0x51: {  	_ =	shalt  }
0x52: {  	_ =	shalt  }
0x53: {  	_ =	shalt  }
0x54: {  	_ =	shalt  }
0x55: {  	_ =	shalt  }
0x56: {  	_ =	shalt  }
0x57: {  	_ =	shalt  }
0x58: {  	_ =	shalt  }
0x59: {  	_ =	shalt  }
0x5a: {  	_ =	shalt  }
0x5b: {  	_ =	shalt  }
0x5c: {  	_ =	shalt  }
0x5d: {  	_ =	shalt  }
0x5e: {  	_ =	shalt  }
0x5f: {  	_ =	shalt  }
0x60: {  	_ =	shalt  }
0x61: {  	_ =	shalt  }
0x62: {  	_ =	shalt  }
0x63: {  	_ =	shalt  }
0x64: {  	_ =	shalt  }
0x65: {  	_ =	shalt  }
0x66: {  	_ =	shalt  }
0x67: {  	_ =	shalt  }
0x68: {  	_ =	shalt  }
0x69: {  	_ =	shalt  }
0x6a: {  	_ =	shalt  }
0x6b: {  	_ =	shalt  }
0x6c: {  	_ =	shalt  }
0x6d: {  	_ =	shalt  }
0x6e: {  	_ =	shalt  }
0x6f: {  	_ =	shalt  }
0x70: {  	_ =	shalt  }
0x71: {  	_ =	shalt  }
0x72: {  	_ =	shalt  }
0x73: {  	_ =	shalt  }
0x74: {  	_ =	shalt  }
0x75: {  	_ =	shalt  }
0x76: {  	_ =	shalt  }
0x77: {  	_ =	shalt  }
0x78: {  	_ =	shalt  }
0x79: {  	_ =	shalt  }
0x7a: {  	_ =	shalt  }
0x7b: {  	_ =	shalt  }
0x7c: {  	_ =	shalt  }
0x7d: {  	_ =	shalt  }
0x7e: {  	_ =	shalt  }
0x7f: {  	_ =	shalt  }
0x80: {  	_ =	shalt  }
0x81: {  	_ =	shalt  }
0x82: {  	_ =	shalt  }
0x83: {  	_ =	shalt  }
0x84: {  	_ =	shalt  }
0x85: {  	_ =	shalt  }
0x86: {  	_ =	shalt  }
0x87: {  	_ =	shalt  }
.Lfunc_end0:
.L_simem_size_0:
called_computation.2_lowered:
.L_overlay_start_0:
0x88: {  	s2 =	sld [smem:$0x3FD9]  }
0x89: {  	s3 =	sld [smem:$0x3FFE];
	_ =	sdelay $0x1  }
0x8a: {  	s1 =	srdreg.scid  }
0x8b: {  	s0 =	sand.u32 $0x1, s1  }
0x8c: {  	s17 =	sshll.u32 s0, $0xA;
	s2 =	sadd.s32 s3, s2  }
0x8d: {  	s2 =	sadd.s32 s2, s17  }
0x8e: {  	[smem:$0x3FC0] =	sst s2  }
0x8f: {  	_ = 	snop  }
0x90: {  	s2 =	sld [smem:$0x3FD0];
	(tm) =	ssettm $0x1  }
0x91: {  	s18 =	sld [smem:$0x3FFB];
	_ =	sdelay $0x3  }
0x92: {  	_ =	strace s18  }
0x93: {  	s3 =	sld [smem:$0x3FFC];
	_ =	sdelay $0x3  }
0x94: {  	_ =	strace s3  }
0x95: {  	s3 =	sld [smem:$0x3FFD];
	_ =	sdelay $0x3  }
0x96: {  	_ =	strace s3  }
0x97: {  	_ =	strace $0x8FFFFFFF  }
0x98: {  	s19 =	sld [smem:$0x3FDB];
	_ =	sdelay $0x1  }
0x99: {  	s4 =	simm.s32 $_scs_section_size  }
0x9a: {  	s5 =	simm.s32 $_size__tile_overlayer_lowered;
	s6 =	simm.s32 $_tile_overlayer_lowered  }
0x9b: {  	s22 =	simm.s32 $0x1BFF;
	s21 =	sshll.u32 s6, $0x1;
	s3 =	sadd.s32 s4, s19  }
0x9c: {  	s7 =	simm.s32 $0x0;
	s20 =	sshll.u32 s5, $0x1;
	s5 =	sadd.s32 s21, s3  }
0x9d: {  	[timem:s7], [sflag:s22] =	dma.local [hbm:s5], s20  }
0x9e: {  	_ =	swait.ge [sflag:s22], s20  }
0x9f: {  	s4 =	ssub.s32 $0x0, s20;
	[sflag:s22] =	ssyncset.done $0x0  }
0xa0: {  	[sflag:s22] =	ssyncadd.s32 s4;
	_ =	sdelay $0x1  }
0xa1: {  	s23 =	simm.s32 $0x1B8B  }
0xa2: {  	_ =	swait.ge [sflag:s23], $0x1  }
0xa3: {  	[sflag:s23] =	ssyncset.done $0x0  }
0xa4: {  	s25 =	simm.s32 $0x1B8E;
	s24 =	sld [smem:$0x3FFE];
	[sflag:s23] =	ssyncadd.s32 $0xFFFFFFFF  }
0xa5: {  	s26 =	simm.s32 $execute0_lowered;
	[smem:$0x3FD2] =	sst s25  }
0xa6: {  	s5 =	sshll.u32 s26, $0x1;
	_ =	strace $0x8000004C;
	[dreg:$0x1] =	wrdreg $0xFFFFFFFF  }
0xa7: {  	s28 =	simm.s32 $_size_execute0_lowered;
	s3 =	sadd.s32 s3, s5;
	[dreg:$0x0] =	wrdreg $0x0  }
0xa8: {  	s5 =	sshll.u32 s28, $0x1;
	[dreg:$0x2] =	wrdreg s3  }
0xa9: {  	[dreg:$0x3] =	wrdreg s5  }
0xaa: {  	[dreg:$0x4] =	wrdreg $0xC0  }
0xab: {  	_ =	task [dreg:s7], $0x5FFFF  }
0xac: {  	[dreg:$0x1] =	wrdreg $0xFFFFFFFF  }
0xad: {  	[dreg:$0x0] =	wrdreg $0x60  }
0xae: {  	[dreg:$0x2] =	wrdreg s24  }
0xaf: {  	[dreg:$0x3] =	wrdreg s2  }
0xb0: {  	[dreg:$0x4] =	wrdreg $0xC7000  }
0xb1: {  	[dreg:$0x5] =	wrdreg $0x9  }
0xb2: {  	_ =	task.clear_ibuf [dreg:s7], $0x6FFFF;
	_ =	strace $0x9000004C  }
0xb3: {  	s29 =	simm.s32 $0x9;
	_ =	strace $0x8000004E  }
0xb4: {  	_ =	swait.ge [sflag:s29], $0x1  }
0xb5: {  	[sflag:s29] =	ssyncadd.s32 $0xFFFFFFFF  }
0xb6: {  	_ =	strace $0x9000004E  }
0xb7: {  	_ =	sfence  }
0xb8: {  	s30 =	sld [smem:$0x0];
	_ =	sdelay $0x2  }
0xb9: {  	s31 =	sshll.u32 s1, $0xD;
	s1 =	sshrl.u32 s1, $0x2  }
0xba: {  	s3 =	sand.u32 $0x4000, s31;
	s1 =	sadd.s32 s1, s30  }
0xbb: {  	s0 =	sor.u32 s3, s0;
	s1 =	sshll.u32 s1, $0x11  }
0xbc: {  	s0 =	sor.u32 s1, s0  }
0xbd: {  	s0 =	sadd.s32 $0x8F2B, s0  }
0xbe: {  	[sflag:s0] =	ssyncadd.remote.s32 $0x1  }
0xbf: {  	_ =	sfence.sel $0xFFFF  }
0xc0: {  	[dreg:$0x0] =	wrdreg $0xFFFFFFFF;
	(pc) =	sbr.abs _section_cstart, $3  }
0xc1: {  	[dreg:$0x1] =	wrdreg $0xFFFFFFFF  }
0xc2: {  	_ =	task.clear_ibuf [dreg:s7], $0x2FFFF;
	_ =	strace $0x9FFFFFFF  }
0xc3: {  	(tm) =	ssettm $0x7FFFFFFF  }
tec
execute0_lowered:
.L_overlay_start_1:
0x0: {  	(tag) =	ssettag $0x1  }
0x1: {  	s0 =	rddreg [dreg:$0x0]  }
0x2: {  	s1 =	rddreg [dreg:$0x1]  }
0x3: {  	s2 =	rddreg [dreg:$0x2]  }
0x4: {  	s4 =	srdreg.scid;
	s11 =	stileid.u32;
	s3 =	simm.s32 $0x0  }
0x5: {  	s28 =	simm.s32 $0x50;
	s29 =	simm.s32 $0x7700;
	s30 =	simm.s32 $0x1  }
0x6: {  	s31 =	simm.s32 $0x4;
	s5 =	sand.u32 $0x1, s4;
	s8 =	smul.u32 $0x4E000, s11  }
0x7: {  	s22 =	sshll.u32 s11, $0x1;
	[smem:$0x7FF] =	sst s3;
	s14 =	smul.u32 $0x13800, s11  }
0x8: {  	s4 =	sor.u32 s5, s22;
	s7 =	ssub.s32 $0x2, s5;
	s5 =	smul.u32 $0x138800, s5  }
0x9: {  	_ =	strace $0x8000004D;
	s6 =	smul.u32 $0x4E2, s4;
	s4 =	sadd.s32 $0x5A000, s0  }
0xa: {  	s10 =	sshrl.u32 s7, $0x1;
	s23 =	sshrl.u32 s8, $0x2;
	s25 =	sadd.s32 $0x2800, s14  }
0xb: {  	s26 =	sadd.s32 $0x5000, s14;
	s16 =	sadd.s32 $0x7800, s14;
	s17 =	sadd.s32 $0xA000, s14  }
0xc: {  	s18 =	sadd.s32 $0xC800, s14;
	s20 =	sadd.s32 $0xF000, s14;
	s21 =	sadd.s32 $0x11800, s14  }
0xd: {  	s15 =	ssub.s32 s7, s10;
	s7 =	sadd.s32 s23, s2;
	s8 =	sadd.s32 s25, s2  }
0xe: {  	s10 =	sadd.s32 s16, s2;
	s11 =	sadd.s32 s17, s2;
	s12 =	sadd.s32 s18, s2  }
0xf: {  	s13 =	sadd.s32 s20, s2;
	s19 =	sadd.s32 s14, s5;
	s14 =	sadd.s32 s21, s2  }
0x10: {  	s22 =	sadd.s32 s5, s17;
	s9 =	sadd.s32 s6, s0;
	s0 =	sadd.s32 $0x81200, s0  }
0x11: {  	s1 =	sadd.s32 s1, s6;
	s19 =	sshrl.u32 s19, $0x3;
	s6 =	sadd.s32 s5, s26  }
0x12: {  	s24 =	sadd.s32 $0x2000, s9;
	[dreg:$0x5] =	wrdreg s1;
	s9 =	sadd.s32 s26, s2  }
0x13: {  	s1 =	sadd.s32 s5, s25;
	s19 =	sadd.s32 s0, s19;
	s25 =	sadd.s32 s5, s18  }
0x14: {  	s26 =	sadd.s32 s5, s20;
	[dreg:$0x4] =	wrdreg s24;
	s1 =	sshrl.u32 s1, $0x3  }
0x15: {  	[dreg:$0x6] =	wrdreg s19;
	s19 =	sadd.s32 s5, s16;
	s16 =	sshrl.u32 s22, $0x3  }
0x16: {  	s5 =	sadd.s32 s5, s21;
	s1 =	sadd.s32 s0, s1;
	s24 =	sadd.s32 s0, s16  }
0x17: {  	s5 =	sshrl.u32 s5, $0x3;
	s16 =	simm.s32 $0x0;
	[dreg:$0x7] =	wrdreg s1  }
0x18: {  	s1 =	sshrl.u32 s6, $0x3;
	s6 =	sshrl.u32 s19, $0x3;
	[dreg:$0xa] =	wrdreg s24  }
0x19: {  	s22 =	sadd.s32 s0, s5;
	s24 =	simm.s32 $0x7;
	s1 =	sadd.s32 s0, s1  }
0x1a: {  	s5 =	simm.s32 $0x3;
	s23 =	sadd.s32 s0, s6;
	[dreg:$0x8] =	wrdreg s1  }
0x1b: {  	s6 =	sshrl.u32 s26, $0x3;
	s26 =	simm.s32 $0x4F00;
	[dreg:$0x9] =	wrdreg s23  }
0x1c: {  	s1 =	sshrl.u32 s25, $0x3;
	s21 =	sadd.s32 s0, s6;
	s23 =	smax.u32 s15, $0x1  }
0x1d: {  	s25 =	simm.s32 $0x2780;
	s6 =	simm.s32 $0x5;
	s15 =	simm.s32 $0x6  }
0x1e: {  	v0 =	vimm.f32 $0.0e+00;
	s20 =	sadd.s32 s0, s1;
	s0 =	simm.s32 $0x9F00;
	s1 =	simm.s32 $0x2  }
.LBB2_1:
0x1f: {  	s17 =	rddreg [dreg:$0x4]  }
0x20: {  	[tilespmem:s3], [sflag:$0x7] =	stream.linear.gather [hbm4b:s17+s3], $0x2710, $0x38;
	[tilespmem:$0x1FF80] =	vst v63  }
0x21: {  	_ =	swait.ge [sflag:s24], $0x2710  }
0x22: {  	[sflag:s24] =	ssyncset.done $0x0  }
0x23: {  	s19 =	rddreg [dreg:$0x5];
	[sflag:s24] =	ssyncadd.s32 $0xFFFFD8F0  }
0x24: {  	[tilespmem:s25], [sflag:$0x7] =	stream.linear.gather [hbm4b:s19+s3], $0x2710, $0x38;
	[tilespmem:$0x1FF80] =	vst v63  }
0x25: {  	_ =	swait.ge [sflag:s24], $0x2710  }
0x26: {  	[sflag:s24] =	ssyncset.done $0x0  }
0x27: {  	s18 =	simm.s32 $0x200;
	s17 =	simm.s32 $0x0;
	[sflag:s24] =	ssyncadd.s32 $0xFFFFD8F0  }
.LBB2_2:
0x28: {  	p0 =	sne.s32 s18, $0x9E00;
	[tilespmem:s17+$0x4F70] =	vst v0  }
0x29: {  	[tilespmem:s17+$0x4F00] =	vst v0  }
0x2a: {  	[tilespmem:s17+$0x4F10] =	vst v0  }
.Ltmp0:
0x2b: {  	[tilespmem:s17+$0x4F20] =	vst v0;
	(pc) =	sbr.rel @p0 .LBB2_2-.Ltmp0, $4  }
0x2c: {  	[tilespmem:s17+$0x4F30] =	vst v0  }
0x2d: {  	[tilespmem:s17+$0x4F40] =	vst v0  }
0x2e: {  	[tilespmem:s17+$0x4F50] =	vst v0  }
0x2f: {  	[tilespmem:s17+$0x4F60] =	vst v0;
	s17 =	sshra.s32 s18, $0x2;
	s18 =	sadd.s32 $0x200, s18  }
0x30: {  	[tilespmem:s17+$0x4F70] =	vst v0  }
0x31: {  	[tilespmem:s17+$0x4F00] =	vst v0  }
0x32: {  	[tilespmem:s17+$0x4F10] =	vst v0  }
0x33: {  	[tilespmem:s17+$0x4F20] =	vst v0  }
0x34: {  	[tilespmem:s17+$0x4F30] =	vst v0  }
0x35: {  	[tilespmem:s17+$0x4F40] =	vst v0  }
0x36: {  	[tilespmem:s17+$0x4F50] =	vst v0  }
0x37: {  	[tilespmem:s17+$0x4F60] =	vst v0  }
0x38: {  	[spmem:s7] =	stream.linear.scatter [tilespmem:s26], [sflag:$0x7], $0x2800, $0x38;
	[tilespmem:$0x1FF80] =	vst v63  }
0x39: {  	_ =	swait.ge [sflag:s24], $0x2800  }
0x3a: {  	[sflag:s24] =	ssyncset.done $0x0  }
0x3b: {  	[sflag:s24] =	ssyncadd.s32 $0xFFFFD800  }
0x3c: {  	[spmem:s8] =	stream.linear.scatter [tilespmem:s26], [sflag:$0x7], $0x2800, $0x38;
	[tilespmem:$0x1FF80] =	vst v63  }
0x3d: {  	_ =	swait.ge [sflag:s24], $0x2800  }
0x3e: {  	[sflag:s24] =	ssyncset.done $0x0  }
0x3f: {  	[sflag:s24] =	ssyncadd.s32 $0xFFFFD800  }
0x40: {  	[spmem:s9] =	stream.linear.scatter [tilespmem:s26], [sflag:$0x7], $0x2800, $0x38;
	[tilespmem:$0x1FF80] =	vst v63  }
0x41: {  	_ =	swait.ge [sflag:s24], $0x2800  }
0x42: {  	[sflag:s24] =	ssyncset.done $0x0  }
0x43: {  	[sflag:s24] =	ssyncadd.s32 $0xFFFFD800  }
0x44: {  	[spmem:s10] =	stream.linear.scatter [tilespmem:s26], [sflag:$0x7], $0x2800, $0x38;
	[tilespmem:$0x1FF80] =	vst v63  }
0x45: {  	_ =	swait.ge [sflag:s24], $0x2800  }
0x46: {  	[sflag:s24] =	ssyncset.done $0x0  }
0x47: {  	[sflag:s24] =	ssyncadd.s32 $0xFFFFD800  }
0x48: {  	[spmem:s11] =	stream.linear.scatter [tilespmem:s26], [sflag:$0x7], $0x2800, $0x38;
	[tilespmem:$0x1FF80] =	vst v63  }
0x49: {  	_ =	swait.ge [sflag:s24], $0x2800  }
0x4a: {  	[sflag:s24] =	ssyncset.done $0x0  }
0x4b: {  	[sflag:s24] =	ssyncadd.s32 $0xFFFFD800  }
0x4c: {  	[spmem:s12] =	stream.linear.scatter [tilespmem:s26], [sflag:$0x7], $0x2800, $0x38;
	[tilespmem:$0x1FF80] =	vst v63  }
0x4d: {  	_ =	swait.ge [sflag:s24], $0x2800  }
0x4e: {  	[sflag:s24] =	ssyncset.done $0x0  }
0x4f: {  	[sflag:s24] =	ssyncadd.s32 $0xFFFFD800  }
0x50: {  	[spmem:s13] =	stream.linear.scatter [tilespmem:s26], [sflag:$0x7], $0x2800, $0x38;
	[tilespmem:$0x1FF80] =	vst v63  }
0x51: {  	_ =	swait.ge [sflag:s24], $0x2800  }
0x52: {  	[sflag:s24] =	ssyncset.done $0x0  }
0x53: {  	[sflag:s24] =	ssyncadd.s32 $0xFFFFD800  }
0x54: {  	[spmem:s14] =	stream.linear.scatter [tilespmem:s26], [sflag:$0x7], $0x2800, $0x38;
	[tilespmem:$0x1FF80] =	vst v63  }
0x55: {  	_ =	swait.ge [sflag:s24], $0x2800  }
0x56: {  	[sflag:s24] =	ssyncset.done $0x0  }
0x57: {  	[sflag:s24] =	ssyncadd.s32 $0xFFFFD800  }
0x58: {  	s18 =	simm.s32 $0x0;
	[bflag:$0x0] =	sbarrier.arrive $0xFFFF  }
0x59: {  	[tilespmem:s26], [sflag:$0x1] =	stream.indirect.gather [hbm4b:s4+s28], $0x80, s18, s28, $0xb8;
	[tilespmem:$0x1FF80] =	vst v63  }
0x5a: {  	_ = 	snop  }
0x5b: {  	[tilespmem:s29], [sflag:$0x2] =	stream.indirect.gather [hbm4b:s4+s28], $0x80, s28, s28, $0xb8;
	[tilespmem:$0x1FF80] =	vst v63  }
0x5c: {  	_ =	swait.ge [sflag:s30], $0x2800  }
0x5d: {  	[sflag:s30] =	ssyncset.done $0x0  }
0x5e: {  	[sflag:s30] =	ssyncadd.s32 $0xFFFFD800  }
0x5f: {  	[spmem:s2] =	stream.indirect.scatter.add.f32 [tilespmem:s26], [sflag:$0x4], $0x80, s25, s28, $0xb8;
	[tilespmem:$0x1FF80] =	vst v63  }
0x60: {  	s19 =	simm.s32 $0xA0  }
0x61: {  	[tilespmem:s0], [sflag:$0x3] =	stream.indirect.gather [hbm4b:s4+s28], $0x80, s19, s28, $0xb8;
	[tilespmem:$0x1FF80] =	vst v63  }
0x62: {  	_ =	swait.ge [sflag:s1], $0x2800  }
0x63: {  	[sflag:s1] =	ssyncset.done $0x0  }
0x64: {  	s18 =	simm.s32 $0x27D0;
	[sflag:s1] =	ssyncadd.s32 $0xFFFFD800  }
0x65: {  	[spmem:s2] =	stream.indirect.scatter.add.f32 [tilespmem:s29], [sflag:$0x5], $0x80, s18, s28, $0xb8;
	[tilespmem:$0x1FF80] =	vst v63  }
0x66: {  	_ =	swait.ge [sflag:s31], $0x2800  }
0x67: {  	[sflag:s31] =	ssyncset.done $0x0  }
0x68: {  	s19 =	simm.s32 $0xF0;
	[sflag:s31] =	ssyncadd.s32 $0xFFFFD800  }
0x69: {  	[tilespmem:s26], [sflag:$0x1] =	stream.indirect.gather [hbm4b:s4+s28], $0x80, s19, s28, $0xb8;
	[tilespmem:$0x1FF80] =	vst v63  }
0x6a: {  	_ =	swait.ge [sflag:s5], $0x2800  }
0x6b: {  	[sflag:s5] =	ssyncset.done $0x0  }
0x6c: {  	s18 =	simm.s32 $0x2820;
	[sflag:s5] =	ssyncadd.s32 $0xFFFFD800  }
0x6d: {  	[spmem:s2] =	stream.indirect.scatter.add.f32 [tilespmem:s0], [sflag:$0x6], $0x80, s18, s28, $0xb8;
	[tilespmem:$0x1FF80] =	vst v63  }
0x6e: {  	_ =	swait.ge [sflag:s6], $0x2800  }
0x6f: {  	[sflag:s6] =	ssyncset.done $0x0  }
0x70: {  	s19 =	simm.s32 $0x140;
	[sflag:s6] =	ssyncadd.s32 $0xFFFFD800  }
0x71: {  	[tilespmem:s29], [sflag:$0x2] =	stream.indirect.gather [hbm4b:s4+s28], $0x80, s19, s28, $0xb8;
	[tilespmem:$0x1FF80] =	vst v63  }
0x72: {  	_ =	swait.ge [sflag:s30], $0x2800  }
0x73: {  	[sflag:s30] =	ssyncset.done $0x0  }
0x74: {  	s18 =	simm.s32 $0x2870;
	[sflag:s30] =	ssyncadd.s32 $0xFFFFD800  }
0x75: {  	[spmem:s2] =	stream.indirect.scatter.add.f32 [tilespmem:s26], [sflag:$0x4], $0x80, s18, s28, $0xb8;
	[tilespmem:$0x1FF80] =	vst v63  }
0x76: {  	_ =	swait.ge [sflag:s15], $0x2800  }
0x77: {  	[sflag:s15] =	ssyncset.done $0x0  }
0x78: {  	s19 =	simm.s32 $0x190;
	[sflag:s15] =	ssyncadd.s32 $0xFFFFD800  }
0x79: {  	[tilespmem:s0], [sflag:$0x3] =	stream.indirect.gather [hbm4b:s4+s28], $0x80, s19, s28, $0xb8;
	[tilespmem:$0x1FF80] =	vst v63  }
0x7a: {  	_ =	swait.ge [sflag:s1], $0x2800  }
0x7b: {  	[sflag:s1] =	ssyncset.done $0x0  }
0x7c: {  	s17 =	simm.s32 $0x3C0;
	s18 =	simm.s32 $0x28C0;
	[sflag:s1] =	ssyncadd.s32 $0xFFFFD800  }
.LBB2_4:
0x7d: {  	[spmem:s2] =	stream.indirect.scatter.add.f32 [tilespmem:s29], [sflag:$0x5], $0x80, s18, s28, $0xb8;
	[tilespmem:$0x1FF80] =	vst v63  }
0x7e: {  	s18 =	smov.u32 s17  }
0x7f: {  	p0 =	sne.s32 s17, $0x9240;
	s17 =	sadd.s32 $0x3C0, s17;
	_ =	swait.ge [sflag:s31], $0x2800  }
0x80: {  	s18 =	sshra.s32 s18, $0x2;
	[sflag:s31] =	ssyncset.done $0x0  }
0x81: {  	s19 =	sadd.s32 $0xF0, s18;
	[sflag:s31] =	ssyncadd.s32 $0xFFFFD800  }
0x82: {  	[tilespmem:s26], [sflag:$0x1] =	stream.indirect.gather [hbm4b:s4+s28], $0x80, s19, s28, $0xb8;
	[tilespmem:$0x1FF80] =	vst v63  }
0x83: {  	_ =	swait.ge [sflag:s5], $0x2800  }
0x84: {  	[sflag:s5] =	ssyncset.done $0x0  }
0x85: {  	s19 =	sadd.s32 $0x2820, s18;
	[sflag:s5] =	ssyncadd.s32 $0xFFFFD800  }
0x86: {  	[spmem:s2] =	stream.indirect.scatter.add.f32 [tilespmem:s0], [sflag:$0x6], $0x80, s19, s28, $0xb8;
	[tilespmem:$0x1FF80] =	vst v63  }
0x87: {  	_ =	swait.ge [sflag:s6], $0x2800  }
0x88: {  	[sflag:s6] =	ssyncset.done $0x0  }
0x89: {  	s19 =	sadd.s32 $0x140, s18;
	[sflag:s6] =	ssyncadd.s32 $0xFFFFD800  }
0x8a: {  	[tilespmem:s29], [sflag:$0x2] =	stream.indirect.gather [hbm4b:s4+s28], $0x80, s19, s28, $0xb8;
	[tilespmem:$0x1FF80] =	vst v63  }
0x8b: {  	_ =	swait.ge [sflag:s30], $0x2800  }
0x8c: {  	[sflag:s30] =	ssyncset.done $0x0  }
0x8d: {  	s19 =	sadd.s32 $0x2870, s18;
	[sflag:s30] =	ssyncadd.s32 $0xFFFFD800  }
0x8e: {  	[spmem:s2] =	stream.indirect.scatter.add.f32 [tilespmem:s26], [sflag:$0x4], $0x80, s19, s28, $0xb8;
	[tilespmem:$0x1FF80] =	vst v63  }
0x8f: {  	_ =	swait.ge [sflag:s15], $0x2800  }
0x90: {  	[sflag:s15] =	ssyncset.done $0x0  }
.Ltmp1:
0x91: {  	s19 =	sadd.s32 $0x190, s18;
	[sflag:s15] =	ssyncadd.s32 $0xFFFFD800;
	(pc) =	sbr.rel @p0 .LBB2_4-.Ltmp1, $4  }
0x92: {  	[tilespmem:s0], [sflag:$0x3] =	stream.indirect.gather [hbm4b:s4+s28], $0x80, s19, s28, $0xb8;
	[tilespmem:$0x1FF80] =	vst v63  }
0x93: {  	_ =	swait.ge [sflag:s1], $0x2800  }
0x94: {  	[sflag:s1] =	ssyncset.done $0x0  }
0x95: {  	s18 =	sadd.s32 $0x28C0, s18;
	[sflag:s1] =	ssyncadd.s32 $0xFFFFD800  }
0x96: {  	[spmem:s2] =	stream.indirect.scatter.add.f32 [tilespmem:s29], [sflag:$0x5], $0x80, s18, s28, $0xb8;
	[tilespmem:$0x1FF80] =	vst v63  }
0x97: {  	_ =	swait.ge [sflag:s31], $0x2800  }
0x98: {  	[sflag:s31] =	ssyncset.done $0x0  }
0x99: {  	s17 =	simm.s32 $0x2670;
	[sflag:s31] =	ssyncadd.s32 $0xFFFFD800  }
0x9a: {  	[tilespmem:s26], [sflag:$0x1] =	stream.indirect.gather [hbm4b:s4+s28], $0x80, s17, s28, $0xb8;
	[tilespmem:$0x1FF80] =	vst v63  }
0x9b: {  	_ =	swait.ge [sflag:s5], $0x2800  }
0x9c: {  	[sflag:s5] =	ssyncset.done $0x0  }
0x9d: {  	s19 =	simm.s32 $0x4DA0;
	[sflag:s5] =	ssyncadd.s32 $0xFFFFD800  }
0x9e: {  	[spmem:s2] =	stream.indirect.scatter.add.f32 [tilespmem:s0], [sflag:$0x6], $0x80, s19, s28, $0xb8;
	[tilespmem:$0x1FF80] =	vst v63  }
0x9f: {  	_ =	swait.ge [sflag:s6], $0x2800  }
0xa0: {  	[sflag:s6] =	ssyncset.done $0x0  }
0xa1: {  	s18 =	simm.s32 $0x26C0;
	[sflag:s6] =	ssyncadd.s32 $0xFFFFD800  }
0xa2: {  	[tilespmem:s29], [sflag:$0x2] =	stream.indirect.gather [hbm4b:s4+s28], $0x80, s18, s28, $0xb8;
	[tilespmem:$0x1FF80] =	vst v63  }
0xa3: {  	_ =	swait.ge [sflag:s30], $0x2800  }
0xa4: {  	[sflag:s30] =	ssyncset.done $0x0  }
0xa5: {  	s19 =	simm.s32 $0x4DF0;
	[sflag:s30] =	ssyncadd.s32 $0xFFFFD800  }
0xa6: {  	[spmem:s2] =	stream.indirect.scatter.add.f32 [tilespmem:s26], [sflag:$0x4], $0x80, s19, s28, $0xb8;
	[tilespmem:$0x1FF80] =	vst v63  }
0xa7: {  	_ =	swait.ge [sflag:s1], $0x2800  }
0xa8: {  	[sflag:s1] =	ssyncset.done $0x0  }
0xa9: {  	s18 =	simm.s32 $0x4E40;
	[sflag:s1] =	ssyncadd.s32 $0xFFFFD800  }
0xaa: {  	[spmem:s2] =	stream.indirect.scatter.add.f32 [tilespmem:s29], [sflag:$0x5], $0x80, s18, s28, $0xb8;
	[tilespmem:$0x1FF80] =	vst v63  }
0xab: {  	_ =	swait.ge [sflag:s31], $0x2800  }
0xac: {  	[sflag:s31] =	ssyncset.done $0x0  }
0xad: {  	[sflag:s31] =	ssyncadd.s32 $0xFFFFD800  }
0xae: {  	_ =	swait.ge [sflag:s6], $0x2800  }
0xaf: {  	[sflag:s6] =	ssyncset.done $0x0  }
0xb0: {  	[sflag:s6] =	ssyncadd.s32 $0xFFFFD800  }
0xb1: {  	_ =	swait.ge [sflag:s15], $0x2800  }
0xb2: {  	[sflag:s15] =	ssyncset.done $0x0  }
0xb3: {  	[sflag:s15] =	ssyncadd.s32 $0xFFFFD800  }
0xb4: {  	[bflag:$0x0] =	sbarrier.arrive $0xFFFF  }
0xb5: {  	[tilespmem:s26], [sflag:$0x7] =	stream.linear.gather [spmem:s7], $0x2800, $0x38;
	[tilespmem:$0x1FF80] =	vst v63  }
0xb6: {  	_ =	swait.ge [sflag:s24], $0x2800  }
0xb7: {  	[sflag:s24] =	ssyncset.done $0x0  }
0xb8: {  	s19 =	rddreg [dreg:$0x6];
	[sflag:s24] =	ssyncadd.s32 $0xFFFFD800  }
0xb9: {  	[hbm4b:s19+s3] =	stream.linear.scatter [tilespmem:s26], [sflag:$0x7], $0x2800, $0x38;
	[tilespmem:$0x1FF80] =	vst v63  }
0xba: {  	_ =	swait.ge [sflag:s24], $0x2800  }
0xbb: {  	[sflag:s24] =	ssyncset.done $0x0  }
0xbc: {  	[sflag:s24] =	ssyncadd.s32 $0xFFFFD800  }
0xbd: {  	[tilespmem:s26], [sflag:$0x7] =	stream.linear.gather [spmem:s8], $0x2800, $0x38;
	[tilespmem:$0x1FF80] =	vst v63  }
0xbe: {  	_ =	swait.ge [sflag:s24], $0x2800  }
0xbf: {  	[sflag:s24] =	ssyncset.done $0x0  }
0xc0: {  	s18 =	rddreg [dreg:$0x7];
	[sflag:s24] =	ssyncadd.s32 $0xFFFFD800  }
0xc1: {  	[hbm4b:s18+s3] =	stream.linear.scatter [tilespmem:s26], [sflag:$0x7], $0x2800, $0x38;
	[tilespmem:$0x1FF80] =	vst v63  }
0xc2: {  	_ =	swait.ge [sflag:s24], $0x2800  }
0xc3: {  	[sflag:s24] =	ssyncset.done $0x0  }
0xc4: {  	[sflag:s24] =	ssyncadd.s32 $0xFFFFD800  }
0xc5: {  	[tilespmem:s26], [sflag:$0x7] =	stream.linear.gather [spmem:s9], $0x2800, $0x38;
	[tilespmem:$0x1FF80] =	vst v63  }
0xc6: {  	_ =	swait.ge [sflag:s24], $0x2800  }
0xc7: {  	[sflag:s24] =	ssyncset.done $0x0  }
0xc8: {  	s19 =	rddreg [dreg:$0x8];
	[sflag:s24] =	ssyncadd.s32 $0xFFFFD800  }
0xc9: {  	[hbm4b:s19+s3] =	stream.linear.scatter [tilespmem:s26], [sflag:$0x7], $0x2800, $0x38;
	[tilespmem:$0x1FF80] =	vst v63  }
0xca: {  	_ =	swait.ge [sflag:s24], $0x2800  }
0xcb: {  	[sflag:s24] =	ssyncset.done $0x0  }
0xcc: {  	[sflag:s24] =	ssyncadd.s32 $0xFFFFD800  }
0xcd: {  	[tilespmem:s26], [sflag:$0x7] =	stream.linear.gather [spmem:s10], $0x2800, $0x38;
	[tilespmem:$0x1FF80] =	vst v63  }
0xce: {  	_ =	swait.ge [sflag:s24], $0x2800  }
0xcf: {  	[sflag:s24] =	ssyncset.done $0x0  }
0xd0: {  	s18 =	rddreg [dreg:$0x9];
	[sflag:s24] =	ssyncadd.s32 $0xFFFFD800  }
0xd1: {  	[hbm4b:s18+s3] =	stream.linear.scatter [tilespmem:s26], [sflag:$0x7], $0x2800, $0x38;
	[tilespmem:$0x1FF80] =	vst v63  }
0xd2: {  	_ =	swait.ge [sflag:s24], $0x2800  }
0xd3: {  	[sflag:s24] =	ssyncset.done $0x0  }
0xd4: {  	[sflag:s24] =	ssyncadd.s32 $0xFFFFD800  }
0xd5: {  	[tilespmem:s26], [sflag:$0x7] =	stream.linear.gather [spmem:s11], $0x2800, $0x38;
	[tilespmem:$0x1FF80] =	vst v63  }
0xd6: {  	_ =	swait.ge [sflag:s24], $0x2800  }
0xd7: {  	[sflag:s24] =	ssyncset.done $0x0  }
0xd8: {  	s19 =	rddreg [dreg:$0xa];
	[sflag:s24] =	ssyncadd.s32 $0xFFFFD800  }
0xd9: {  	[hbm4b:s19+s3] =	stream.linear.scatter [tilespmem:s26], [sflag:$0x7], $0x2800, $0x38;
	[tilespmem:$0x1FF80] =	vst v63  }
0xda: {  	_ =	swait.ge [sflag:s24], $0x2800  }
0xdb: {  	[sflag:s24] =	ssyncset.done $0x0  }
0xdc: {  	[sflag:s24] =	ssyncadd.s32 $0xFFFFD800  }
0xdd: {  	[tilespmem:s26], [sflag:$0x7] =	stream.linear.gather [spmem:s12], $0x2800, $0x38;
	[tilespmem:$0x1FF80] =	vst v63  }
0xde: {  	_ =	swait.ge [sflag:s24], $0x2800  }
0xdf: {  	[sflag:s24] =	ssyncset.done $0x0  }
0xe0: {  	[sflag:s24] =	ssyncadd.s32 $0xFFFFD800  }
0xe1: {  	[hbm4b:s20+s3] =	stream.linear.scatter [tilespmem:s26], [sflag:$0x7], $0x2800, $0x38;
	[tilespmem:$0x1FF80] =	vst v63  }
0xe2: {  	_ =	swait.ge [sflag:s24], $0x2800  }
0xe3: {  	[sflag:s24] =	ssyncset.done $0x0  }
0xe4: {  	[sflag:s24] =	ssyncadd.s32 $0xFFFFD800  }
0xe5: {  	[tilespmem:s26], [sflag:$0x7] =	stream.linear.gather [spmem:s13], $0x2800, $0x38;
	[tilespmem:$0x1FF80] =	vst v63  }
0xe6: {  	_ =	swait.ge [sflag:s24], $0x2800  }
0xe7: {  	[sflag:s24] =	ssyncset.done $0x0  }
0xe8: {  	[sflag:s24] =	ssyncadd.s32 $0xFFFFD800  }
0xe9: {  	[hbm4b:s21+s3] =	stream.linear.scatter [tilespmem:s26], [sflag:$0x7], $0x2800, $0x38;
	[tilespmem:$0x1FF80] =	vst v63  }
0xea: {  	_ =	swait.ge [sflag:s24], $0x2800  }
0xeb: {  	[sflag:s24] =	ssyncset.done $0x0  }
0xec: {  	[sflag:s24] =	ssyncadd.s32 $0xFFFFD800  }
0xed: {  	[tilespmem:s26], [sflag:$0x7] =	stream.linear.gather [spmem:s14], $0x2800, $0x38;
	[tilespmem:$0x1FF80] =	vst v63  }
0xee: {  	s16 =	sadd.s32 $0x1, s16;
	_ =	swait.ge [sflag:s24], $0x2800  }
0xef: {  	p0 =	sne.s32 s16, s23;
	[sflag:s24] =	ssyncset.done $0x0  }
.Ltmp2:
0xf0: {  	[sflag:s24] =	ssyncadd.s32 $0xFFFFD800;
	(pc) =	sbr.rel @p0 .LBB2_1-.Ltmp2, $4  }
0xf1: {  	[hbm4b:s22+s3] =	stream.linear.scatter [tilespmem:s26], [sflag:$0x7], $0x2800, $0x38;
	[tilespmem:$0x1FF80] =	vst v63  }
0xf2: {  	_ =	swait.ge [sflag:s24], $0x2800  }
0xf3: {  	[sflag:s24] =	ssyncset.done $0x0  }
0xf4: {  	[sflag:s24] =	ssyncadd.s32 $0xFFFFD800  }
0xf5: {  	_ =	sfence.sel $0x180000  }
0xf6: {  	[bflag:$0x0] =	sbarrier.arrive $0xFFFF  }
0xf7: {  	_ =	strace $0x9000004D  }
0xf8: {  	s0 =	stileid.u32;
	[bflag:$0x2] =	sbarrier.arrive $0xFFFF  }
0xf9: {  	p0 =	sne.s32 s0, $0x0;
	s0 =	rddreg [dreg:$0x3]  }
0xfa: {  	s0 =	sadd.s32 @!p0 $0x100000, s0  }
0xfb: {  	[sflag:s0] =	ssyncadd.tile.s32 @!p0 $0x1;
	_ =	shalt  }
.Lfunc_end2:
_tile_overlayer_lowered:
.L_overlay_start_2:
0xfc: {  	(tag) =	ssettag $0x2  }
0xfd: {  	s0 =	rddreg [dreg:$0x0];
	s2 =	stileid.u32  }
0xfe: {  	s1 =	rddreg [dreg:$0x1];
	p0 =	sne.s32 s2, $0x0  }
0xff: {  	s3 =	rddreg [dreg:$0x2];
	[bflag:$0x3] =	sbarrier.arrive $0xFFFF;
	s2 =	simm.s32 @!p0 $0x1C07  }
0x100: {  	[timem:s3], [sflag:s2] =	dma.local @!p0 [hbm:s0], s1  }
0x101: {  	s0 =	simm.s32 @!p0 $0x7  }
0x102: {  	_ =	swait.ge @!p0 [sflag:s0], s1  }
0x103: {  	s1 =	ssub.s32 @!p0 $0x0, s1;
	[sflag:s0] =	ssyncset.done @!p0 $0x0  }
0x104: {  	[sflag:s0] =	ssyncadd.s32 @!p0 s1  }
0x105: {  	[bflag:$0x3] =	sbarrier.arrive $0xFFFF  }
0x106: {  	_ =	shalt  }

// kernel: kernel.19.cloned.1.call-start
scs
__scs_entry_jumppad:
0x0: {  	(pc) =	sbr.rel $0x88, $3  }
0x1: {  	(tag) =	ssettag $0x0;
	lr =	simm.s32 $0x1  }
0x2: {  	[smem:$0x3F99] =	sst lr;
	_ =	strace $0xD0000000  }
0x3: {  	_ = 	snop  }
0x4: {  	_ = 	snop  }
0x5: {  	_ = 	snop  }
0x6: {  	_ = 	snop  }
0x7: {  	_ = 	snop  }
__scs_overlays_trampoline_lowered:
0x8: {  	[smem:$0x3FA8] =	sst s0  }
0x9: {  	[smem:$0x3FA9] =	sst s1  }
0xa: {  	[smem:$0x3FAA] =	sst s2  }
0xb: {  	[smem:$0x3FAB] =	sst s3  }
0xc: {  	[smem:$0x3FAC] =	sst s4  }
0xd: {  	[smem:$0x3FAD] =	sst s5  }
0xe: {  	[smem:$0x3FAE] =	sst s6  }
0xf: {  	[smem:$0x3FAF] =	sst s7  }
0x10: {  	[smem:$0x3FB0] =	sst s8  }
0x11: {  	[smem:$0x3FB1] =	sst s9;
	s0 =	simm.s32 @!p0 $0x0  }
0x12: {  	s1 =	sld [smem:$0x3F97];
	s0 =	simm.s32 @p0 $0x1  }
0x13: {  	[smem:$0x3FB2] =	sst s0;
	s0 =	simm.s32 @!p1 $0x0  }
0x14: {  	s2 =	sld [smem:$0x3F96];
	s0 =	simm.s32 @p1 $0x1  }
0x15: {  	[smem:$0x3FB3] =	sst s0;
	s0 =	simm.s32 @!p2 $0x0  }
0x16: {  	s3 =	sld [smem:$0x3FDB];
	s0 =	simm.s32 @p2 $0x1  }
0x17: {  	s4 =	simm.s32 $0x1BF5;
	[smem:$0x3FB5] =	sst s0  }
0x18: {  	s0 =	sld [smem:$0x3F98];
	_ =	swait.ge [sflag:s4], $0x0  }
0x19: {  	s7 =	sld [smem:$0x3F99]  }
0x1a: {  	s8 =	sadd.s32 $0xFFFFE003, lr  }
0x1b: {  	s9 =	sadd.s32 $0xFFFFFEF7, lr;
	s5 =	simm.s32 $0xFFFFFFFF;
	p2 =	slt.u32 s8, $0xFFFFF086  }
0x1c: {  	p1 =	slt.u32 s9, $0xF7A;
	s5 =	simm.s32 @!p2 $0x0  }
0x1d: {  	s5 =	simm.s32 @p1 $0x1;
	p0 =	seq.s32 s7, s2  }
0x1e: {  	s7 =	smul.u32 @!p0 $0xF7A, s2;
	p2 =	seq.s32 @!p0 s5, $0x0  }
0x1f: {  	s9 =	smul.u32 $0xF7A, s1;
	s8 =	simm.s32 @!p0 $0x1BF5;
	p2 =	por !p2, p0  }
0x20: {  	[sflag:s8] =	ssyncset.s32 @!p0 $0xFFFFF086;
	s6 =	sadd.s32 @!p0 s3, s7;
	s7 =	simm.s32 @!p0 $0x108  }
0x21: {  	s3 =	sadd.s32 s3, s9;
	s6 =	sadd.s32 @!p0 $0x88, s6;
	s7 =	simm.s32 @p2 $0x1082  }
0x22: {  	[simem:s7], [sflag:s8] =	dma.local @!p0 [hbm:s6], $0xF7A  }
0x23: {  	s9 =	sor.u32 $0xD0000000, s2;
	s6 =	simm.s32 $0x108;
	_ =	swait.ge @!p0 [sflag:s8], $0x0  }
0x24: {  	s3 =	sadd.s32 $0x88, s3;
	s6 =	simm.s32 @!p1 $0x1082;
	[sflag:s4] =	ssyncset.s32 $0xFFFFF086  }
0x25: {  	[simem:s6], [sflag:s4] =	dma.local [hbm:s3], $0xF7A  }
0x26: {  	[smem:$0x3F99] =	sst s1;
	(tag) =	ssettag s2;
	_ =	strace s9  }
0x27: {  	s1 =	sld [smem:$0x3FA9]  }
0x28: {  	s2 =	sld [smem:$0x3FAA]  }
0x29: {  	s4 =	sld [smem:$0x3FAC]  }
0x2a: {  	p0 =	seq.s32 s5, $0x0;
	s5 =	sld [smem:$0x3FAD]  }
0x2b: {  	s6 =	sld [smem:$0x3FAE]  }
0x2c: {  	s7 =	sld [smem:$0x3FAF]  }
0x2d: {  	s3 =	simm.s32 $0x108;
	s8 =	sld [smem:$0x3FB0]  }
0x2e: {  	s3 =	simm.s32 @!p0 $0x1082;
	s9 =	sld [smem:$0x3FB1]  }
0x2f: {  	lr =	sadd.s32 s0, s3;
	s0 =	sld [smem:$0x3FA8]  }
0x30: {  	s3 =	sld [smem:$0x3FAB]  }
0x31: {  	[smem:$0x3FB4] =	sst s10  }
0x32: {  	s10 =	sld [smem:$0x3FB2];
	_ =	sdelay $0x3  }
0x33: {  	p0 =	seq.s32 s10, $0x1;
	s10 =	sld [smem:$0x3FB4];
	_ =	sdelay $0x3  }
0x34: {  	[smem:$0x3FB4] =	sst s10  }
0x35: {  	s10 =	sld [smem:$0x3FB3];
	_ =	sdelay $0x3  }
0x36: {  	p1 =	seq.s32 s10, $0x1;
	s10 =	sld [smem:$0x3FB4];
	_ =	sdelay $0x3  }
0x37: {  	[smem:$0x3FB4] =	sst s10  }
0x38: {  	s10 =	sld [smem:$0x3FB5]  }
0x39: {  	_ = 	snop;
	(pc) =	sbr.ind lr, $3  }
0x3a: {  	_ = 	snop  }
0x3b: {  	_ = 	snop  }
0x3c: {  	p2 =	seq.s32 s10, $0x1;
	s10 =	sld [smem:$0x3FB4]  }
0x3d: {  	_ =	shalt  }
0x3e: {  	_ =	shalt  }
0x3f: {  	_ =	shalt  }
0x40: {  	_ =	shalt  }
0x41: {  	_ =	shalt  }
0x42: {  	_ =	shalt  }
0x43: {  	_ =	shalt  }
0x44: {  	_ =	shalt  }
0x45: {  	_ =	shalt  }
0x46: {  	_ =	shalt  }
0x47: {  	_ =	shalt  }
0x48: {  	_ =	shalt  }
0x49: {  	_ =	shalt  }
0x4a: {  	_ =	shalt  }
0x4b: {  	_ =	shalt  }
0x4c: {  	_ =	shalt  }
0x4d: {  	_ =	shalt  }
0x4e: {  	_ =	shalt  }
0x4f: {  	_ =	shalt  }
0x50: {  	_ =	shalt  }
0x51: {  	_ =	shalt  }
0x52: {  	_ =	shalt  }
0x53: {  	_ =	shalt  }
0x54: {  	_ =	shalt  }
0x55: {  	_ =	shalt  }
0x56: {  	_ =	shalt  }
0x57: {  	_ =	shalt  }
0x58: {  	_ =	shalt  }
0x59: {  	_ =	shalt  }
0x5a: {  	_ =	shalt  }
0x5b: {  	_ =	shalt  }
0x5c: {  	_ =	shalt  }
0x5d: {  	_ =	shalt  }
0x5e: {  	_ =	shalt  }
0x5f: {  	_ =	shalt  }
0x60: {  	_ =	shalt  }
0x61: {  	_ =	shalt  }
0x62: {  	_ =	shalt  }
0x63: {  	_ =	shalt  }
0x64: {  	_ =	shalt  }
0x65: {  	_ =	shalt  }
0x66: {  	_ =	shalt  }
0x67: {  	_ =	shalt  }
0x68: {  	_ =	shalt  }
0x69: {  	_ =	shalt  }
0x6a: {  	_ =	shalt  }
0x6b: {  	_ =	shalt  }
0x6c: {  	_ =	shalt  }
0x6d: {  	_ =	shalt  }
0x6e: {  	_ =	shalt  }
0x6f: {  	_ =	shalt  }
0x70: {  	_ =	shalt  }
0x71: {  	_ =	shalt  }
0x72: {  	_ =	shalt  }
0x73: {  	_ =	shalt  }
0x74: {  	_ =	shalt  }
0x75: {  	_ =	shalt  }
0x76: {  	_ =	shalt  }
0x77: {  	_ =	shalt  }
0x78: {  	_ =	shalt  }
0x79: {  	_ =	shalt  }
0x7a: {  	_ =	shalt  }
0x7b: {  	_ =	shalt  }
0x7c: {  	_ =	shalt  }
0x7d: {  	_ =	shalt  }
0x7e: {  	_ =	shalt  }
0x7f: {  	_ =	shalt  }
0x80: {  	_ =	shalt  }
0x81: {  	_ =	shalt  }
0x82: {  	_ =	shalt  }
0x83: {  	_ =	shalt  }
0x84: {  	_ =	shalt  }
0x85: {  	_ =	shalt  }
0x86: {  	_ =	shalt  }
0x87: {  	_ =	shalt  }
.Lfunc_end0:
.L_simem_size_0:
called_computation.3_lowered:
.L_overlay_start_0:
0x88: {  	s2 =	sld [smem:$0x3FD9]  }
0x89: {  	s3 =	sld [smem:$0x3FFE];
	_ =	sdelay $0x1  }
0x8a: {  	s1 =	srdreg.scid  }
0x8b: {  	s0 =	sand.u32 $0x1, s1  }
0x8c: {  	s17 =	sshll.u32 s0, $0xA;
	s2 =	sadd.s32 s3, s2  }
0x8d: {  	s2 =	sadd.s32 s2, s17  }
0x8e: {  	[smem:$0x3FC0] =	sst s2  }
0x8f: {  	_ = 	snop  }
0x90: {  	s2 =	sld [smem:$0x3FD0];
	(tm) =	ssettm $0x1  }
0x91: {  	s18 =	sld [smem:$0x3FFB];
	_ =	sdelay $0x3  }
0x92: {  	_ =	strace s18  }
0x93: {  	s3 =	sld [smem:$0x3FFC];
	_ =	sdelay $0x3  }
0x94: {  	_ =	strace s3  }
0x95: {  	s3 =	sld [smem:$0x3FFD];
	_ =	sdelay $0x3  }
0x96: {  	_ =	strace s3  }
0x97: {  	_ =	strace $0x8FFFFFFF  }
0x98: {  	s19 =	sld [smem:$0x3FDB];
	_ =	sdelay $0x1  }
0x99: {  	s4 =	simm.s32 $_scs_section_size  }
0x9a: {  	s5 =	simm.s32 $_size__tile_overlayer_lowered;
	s6 =	simm.s32 $_tile_overlayer_lowered  }
0x9b: {  	s22 =	simm.s32 $0x1BFF;
	s21 =	sshll.u32 s6, $0x1;
	s3 =	sadd.s32 s4, s19  }
0x9c: {  	s7 =	simm.s32 $0x0;
	s20 =	sshll.u32 s5, $0x1;
	s5 =	sadd.s32 s21, s3  }
0x9d: {  	[timem:s7], [sflag:s22] =	dma.local [hbm:s5], s20  }
0x9e: {  	_ =	swait.ge [sflag:s22], s20  }
0x9f: {  	s4 =	ssub.s32 $0x0, s20;
	[sflag:s22] =	ssyncset.done $0x0  }
0xa0: {  	[sflag:s22] =	ssyncadd.s32 s4;
	_ =	sdelay $0x1  }
0xa1: {  	s23 =	simm.s32 $0x1B8B  }
0xa2: {  	_ =	swait.ge [sflag:s23], $0x1  }
0xa3: {  	[sflag:s23] =	ssyncset.done $0x0  }
0xa4: {  	s25 =	simm.s32 $0x1B8E;
	s24 =	sld [smem:$0x3FFE];
	[sflag:s23] =	ssyncadd.s32 $0xFFFFFFFF  }
0xa5: {  	s26 =	simm.s32 $execute0_lowered;
	[smem:$0x3FD2] =	sst s25  }
0xa6: {  	s5 =	sshll.u32 s26, $0x1;
	_ =	strace $0x8000004F;
	[dreg:$0x1] =	wrdreg $0xFFFFFFFF  }
0xa7: {  	s28 =	simm.s32 $_size_execute0_lowered;
	s3 =	sadd.s32 s3, s5;
	[dreg:$0x0] =	wrdreg $0x0  }
0xa8: {  	s5 =	sshll.u32 s28, $0x1;
	[dreg:$0x2] =	wrdreg s3  }
0xa9: {  	[dreg:$0x3] =	wrdreg s5  }
0xaa: {  	[dreg:$0x4] =	wrdreg $0xC0  }
0xab: {  	_ =	task [dreg:s7], $0x5FFFF  }
0xac: {  	[dreg:$0x1] =	wrdreg $0xFFFFFFFF  }
0xad: {  	[dreg:$0x0] =	wrdreg $0x60  }
0xae: {  	[dreg:$0x2] =	wrdreg s24  }
0xaf: {  	[dreg:$0x3] =	wrdreg s2  }
0xb0: {  	[dreg:$0x4] =	wrdreg $0xC7000  }
0xb1: {  	[dreg:$0x5] =	wrdreg $0x9  }
0xb2: {  	_ =	task.clear_ibuf [dreg:s7], $0x6FFFF;
	_ =	strace $0x9000004F  }
0xb3: {  	s29 =	simm.s32 $0x9;
	_ =	strace $0x80000051  }
0xb4: {  	_ =	swait.ge [sflag:s29], $0x1  }
0xb5: {  	[sflag:s29] =	ssyncadd.s32 $0xFFFFFFFF  }
0xb6: {  	_ =	strace $0x90000051  }
0xb7: {  	_ =	sfence  }
0xb8: {  	s30 =	sld [smem:$0x0];
	_ =	sdelay $0x2  }
0xb9: {  	s31 =	sshll.u32 s1, $0xD;
	s1 =	sshrl.u32 s1, $0x2  }
0xba: {  	s3 =	sand.u32 $0x4000, s31;
	s1 =	sadd.s32 s1, s30  }
0xbb: {  	s0 =	sor.u32 s3, s0;
	s1 =	sshll.u32 s1, $0x11  }
0xbc: {  	s0 =	sor.u32 s1, s0  }
0xbd: {  	s0 =	sadd.s32 $0x8F2B, s0  }
0xbe: {  	[sflag:s0] =	ssyncadd.remote.s32 $0x1  }
0xbf: {  	_ =	sfence.sel $0xFFFF  }
0xc0: {  	[dreg:$0x0] =	wrdreg $0xFFFFFFFF;
	(pc) =	sbr.abs _section_cstart, $3  }
0xc1: {  	[dreg:$0x1] =	wrdreg $0xFFFFFFFF  }
0xc2: {  	_ =	task.clear_ibuf [dreg:s7], $0x2FFFF;
	_ =	strace $0x9FFFFFFF  }
0xc3: {  	(tm) =	ssettm $0x7FFFFFFF  }
tec
execute0_lowered:
.L_overlay_start_1:
0x0: {  	(tag) =	ssettag $0x1  }
0x1: {  	s0 =	rddreg [dreg:$0x0]  }
0x2: {  	s1 =	rddreg [dreg:$0x1]  }
0x3: {  	s2 =	rddreg [dreg:$0x2]  }
0x4: {  	s4 =	srdreg.scid;
	s11 =	stileid.u32;
	s3 =	simm.s32 $0x0  }
0x5: {  	s28 =	simm.s32 $0x50;
	s29 =	simm.s32 $0x7700;
	s30 =	simm.s32 $0x1  }
0x6: {  	s31 =	simm.s32 $0x4;
	s5 =	sand.u32 $0x1, s4;
	s8 =	smul.u32 $0x4E000, s11  }
0x7: {  	s22 =	sshll.u32 s11, $0x1;
	[smem:$0x7FF] =	sst s3;
	s14 =	smul.u32 $0x13800, s11  }
0x8: {  	s4 =	sor.u32 s5, s22;
	s7 =	ssub.s32 $0x2, s5;
	s5 =	smul.u32 $0x138800, s5  }
0x9: {  	_ =	strace $0x80000050;
	s6 =	smul.u32 $0x4E2, s4;
	s4 =	sadd.s32 $0xBE00, s0  }
0xa: {  	s10 =	sshrl.u32 s7, $0x1;
	s23 =	sshrl.u32 s8, $0x2;
	s25 =	sadd.s32 $0x2800, s14  }
0xb: {  	s26 =	sadd.s32 $0x5000, s14;
	s16 =	sadd.s32 $0x7800, s14;
	s17 =	sadd.s32 $0xA000, s14  }
0xc: {  	s18 =	sadd.s32 $0xC800, s14;
	s20 =	sadd.s32 $0xF000, s14;
	s21 =	sadd.s32 $0x11800, s14  }
0xd: {  	s15 =	ssub.s32 s7, s10;
	s7 =	sadd.s32 s23, s2;
	s8 =	sadd.s32 s25, s2  }
0xe: {  	s10 =	sadd.s32 s16, s2;
	s11 =	sadd.s32 s17, s2;
	s12 =	sadd.s32 s18, s2  }
0xf: {  	s13 =	sadd.s32 s20, s2;
	s19 =	sadd.s32 s14, s5;
	s14 =	sadd.s32 s21, s2  }
0x10: {  	s22 =	sadd.s32 s5, s17;
	s9 =	sadd.s32 s6, s0;
	s0 =	sadd.s32 $0x33000, s0  }
0x11: {  	s1 =	sadd.s32 s1, s6;
	s19 =	sshrl.u32 s19, $0x3;
	s6 =	sadd.s32 s5, s26  }
0x12: {  	s24 =	sadd.s32 $0x2000, s9;
	[dreg:$0x5] =	wrdreg s1;
	s9 =	sadd.s32 s26, s2  }
0x13: {  	s1 =	sadd.s32 s5, s25;
	s19 =	sadd.s32 s0, s19;
	s25 =	sadd.s32 s5, s18  }
0x14: {  	s26 =	sadd.s32 s5, s20;
	[dreg:$0x4] =	wrdreg s24;
	s1 =	sshrl.u32 s1, $0x3  }
0x15: {  	[dreg:$0x6] =	wrdreg s19;
	s19 =	sadd.s32 s5, s16;
	s16 =	sshrl.u32 s22, $0x3  }
0x16: {  	s5 =	sadd.s32 s5, s21;
	s1 =	sadd.s32 s0, s1;
	s24 =	sadd.s32 s0, s16  }
0x17: {  	s5 =	sshrl.u32 s5, $0x3;
	s16 =	simm.s32 $0x0;
	[dreg:$0x7] =	wrdreg s1  }
0x18: {  	s1 =	sshrl.u32 s6, $0x3;
	s6 =	sshrl.u32 s19, $0x3;
	[dreg:$0xa] =	wrdreg s24  }
0x19: {  	s22 =	sadd.s32 s0, s5;
	s24 =	simm.s32 $0x7;
	s1 =	sadd.s32 s0, s1  }
0x1a: {  	s5 =	simm.s32 $0x3;
	s23 =	sadd.s32 s0, s6;
	[dreg:$0x8] =	wrdreg s1  }
0x1b: {  	s6 =	sshrl.u32 s26, $0x3;
	s26 =	simm.s32 $0x4F00;
	[dreg:$0x9] =	wrdreg s23  }
0x1c: {  	s1 =	sshrl.u32 s25, $0x3;
	s21 =	sadd.s32 s0, s6;
	s23 =	smax.u32 s15, $0x1  }
0x1d: {  	s25 =	simm.s32 $0x2780;
	s6 =	simm.s32 $0x5;
	s15 =	simm.s32 $0x6  }
0x1e: {  	v0 =	vimm.f32 $0.0e+00;
	s20 =	sadd.s32 s0, s1;
	s0 =	simm.s32 $0x9F00;
	s1 =	simm.s32 $0x2  }
.LBB2_1:
0x1f: {  	s17 =	rddreg [dreg:$0x4]  }
0x20: {  	[tilespmem:s3], [sflag:$0x7] =	stream.linear.gather [hbm4b:s17+s3], $0x2710, $0x38;
	[tilespmem:$0x1FF80] =	vst v63  }
0x21: {  	_ =	swait.ge [sflag:s24], $0x2710  }
0x22: {  	[sflag:s24] =	ssyncset.done $0x0  }
0x23: {  	s19 =	rddreg [dreg:$0x5];
	[sflag:s24] =	ssyncadd.s32 $0xFFFFD8F0  }
0x24: {  	[tilespmem:s25], [sflag:$0x7] =	stream.linear.gather [hbm4b:s19+s3], $0x2710, $0x38;
	[tilespmem:$0x1FF80] =	vst v63  }
0x25: {  	_ =	swait.ge [sflag:s24], $0x2710  }
0x26: {  	[sflag:s24] =	ssyncset.done $0x0  }
0x27: {  	s18 =	simm.s32 $0x200;
	s17 =	simm.s32 $0x0;
	[sflag:s24] =	ssyncadd.s32 $0xFFFFD8F0  }
.LBB2_2:
0x28: {  	p0 =	sne.s32 s18, $0x9E00;
	[tilespmem:s17+$0x4F70] =	vst v0  }
0x29: {  	[tilespmem:s17+$0x4F00] =	vst v0  }
0x2a: {  	[tilespmem:s17+$0x4F10] =	vst v0  }
.Ltmp0:
0x2b: {  	[tilespmem:s17+$0x4F20] =	vst v0;
	(pc) =	sbr.rel @p0 .LBB2_2-.Ltmp0, $4  }
0x2c: {  	[tilespmem:s17+$0x4F30] =	vst v0  }
0x2d: {  	[tilespmem:s17+$0x4F40] =	vst v0  }
0x2e: {  	[tilespmem:s17+$0x4F50] =	vst v0  }
0x2f: {  	[tilespmem:s17+$0x4F60] =	vst v0;
	s17 =	sshra.s32 s18, $0x2;
	s18 =	sadd.s32 $0x200, s18  }
0x30: {  	[tilespmem:s17+$0x4F70] =	vst v0  }
0x31: {  	[tilespmem:s17+$0x4F00] =	vst v0  }
0x32: {  	[tilespmem:s17+$0x4F10] =	vst v0  }
0x33: {  	[tilespmem:s17+$0x4F20] =	vst v0  }
0x34: {  	[tilespmem:s17+$0x4F30] =	vst v0  }
0x35: {  	[tilespmem:s17+$0x4F40] =	vst v0  }
0x36: {  	[tilespmem:s17+$0x4F50] =	vst v0  }
0x37: {  	[tilespmem:s17+$0x4F60] =	vst v0  }
0x38: {  	[spmem:s7] =	stream.linear.scatter [tilespmem:s26], [sflag:$0x7], $0x2800, $0x38;
	[tilespmem:$0x1FF80] =	vst v63  }
0x39: {  	_ =	swait.ge [sflag:s24], $0x2800  }
0x3a: {  	[sflag:s24] =	ssyncset.done $0x0  }
0x3b: {  	[sflag:s24] =	ssyncadd.s32 $0xFFFFD800  }
0x3c: {  	[spmem:s8] =	stream.linear.scatter [tilespmem:s26], [sflag:$0x7], $0x2800, $0x38;
	[tilespmem:$0x1FF80] =	vst v63  }
0x3d: {  	_ =	swait.ge [sflag:s24], $0x2800  }
0x3e: {  	[sflag:s24] =	ssyncset.done $0x0  }
0x3f: {  	[sflag:s24] =	ssyncadd.s32 $0xFFFFD800  }
0x40: {  	[spmem:s9] =	stream.linear.scatter [tilespmem:s26], [sflag:$0x7], $0x2800, $0x38;
	[tilespmem:$0x1FF80] =	vst v63  }
0x41: {  	_ =	swait.ge [sflag:s24], $0x2800  }
0x42: {  	[sflag:s24] =	ssyncset.done $0x0  }
0x43: {  	[sflag:s24] =	ssyncadd.s32 $0xFFFFD800  }
0x44: {  	[spmem:s10] =	stream.linear.scatter [tilespmem:s26], [sflag:$0x7], $0x2800, $0x38;
	[tilespmem:$0x1FF80] =	vst v63  }
0x45: {  	_ =	swait.ge [sflag:s24], $0x2800  }
0x46: {  	[sflag:s24] =	ssyncset.done $0x0  }
0x47: {  	[sflag:s24] =	ssyncadd.s32 $0xFFFFD800  }
0x48: {  	[spmem:s11] =	stream.linear.scatter [tilespmem:s26], [sflag:$0x7], $0x2800, $0x38;
	[tilespmem:$0x1FF80] =	vst v63  }
0x49: {  	_ =	swait.ge [sflag:s24], $0x2800  }
0x4a: {  	[sflag:s24] =	ssyncset.done $0x0  }
0x4b: {  	[sflag:s24] =	ssyncadd.s32 $0xFFFFD800  }
0x4c: {  	[spmem:s12] =	stream.linear.scatter [tilespmem:s26], [sflag:$0x7], $0x2800, $0x38;
	[tilespmem:$0x1FF80] =	vst v63  }
0x4d: {  	_ =	swait.ge [sflag:s24], $0x2800  }
0x4e: {  	[sflag:s24] =	ssyncset.done $0x0  }
0x4f: {  	[sflag:s24] =	ssyncadd.s32 $0xFFFFD800  }
0x50: {  	[spmem:s13] =	stream.linear.scatter [tilespmem:s26], [sflag:$0x7], $0x2800, $0x38;
	[tilespmem:$0x1FF80] =	vst v63  }
0x51: {  	_ =	swait.ge [sflag:s24], $0x2800  }
0x52: {  	[sflag:s24] =	ssyncset.done $0x0  }
0x53: {  	[sflag:s24] =	ssyncadd.s32 $0xFFFFD800  }
0x54: {  	[spmem:s14] =	stream.linear.scatter [tilespmem:s26], [sflag:$0x7], $0x2800, $0x38;
	[tilespmem:$0x1FF80] =	vst v63  }
0x55: {  	_ =	swait.ge [sflag:s24], $0x2800  }
0x56: {  	[sflag:s24] =	ssyncset.done $0x0  }
0x57: {  	[sflag:s24] =	ssyncadd.s32 $0xFFFFD800  }
0x58: {  	s18 =	simm.s32 $0x0;
	[bflag:$0x0] =	sbarrier.arrive $0xFFFF  }
0x59: {  	[tilespmem:s26], [sflag:$0x1] =	stream.indirect.gather [hbm4b:s4+s28], $0x80, s18, s28, $0xb8;
	[tilespmem:$0x1FF80] =	vst v63  }
0x5a: {  	_ = 	snop  }
0x5b: {  	[tilespmem:s29], [sflag:$0x2] =	stream.indirect.gather [hbm4b:s4+s28], $0x80, s28, s28, $0xb8;
	[tilespmem:$0x1FF80] =	vst v63  }
0x5c: {  	_ =	swait.ge [sflag:s30], $0x2800  }
0x5d: {  	[sflag:s30] =	ssyncset.done $0x0  }
0x5e: {  	[sflag:s30] =	ssyncadd.s32 $0xFFFFD800  }
0x5f: {  	[spmem:s2] =	stream.indirect.scatter.add.f32 [tilespmem:s26], [sflag:$0x4], $0x80, s25, s28, $0xb8;
	[tilespmem:$0x1FF80] =	vst v63  }
0x60: {  	s19 =	simm.s32 $0xA0  }
0x61: {  	[tilespmem:s0], [sflag:$0x3] =	stream.indirect.gather [hbm4b:s4+s28], $0x80, s19, s28, $0xb8;
	[tilespmem:$0x1FF80] =	vst v63  }
0x62: {  	_ =	swait.ge [sflag:s1], $0x2800  }
0x63: {  	[sflag:s1] =	ssyncset.done $0x0  }
0x64: {  	s18 =	simm.s32 $0x27D0;
	[sflag:s1] =	ssyncadd.s32 $0xFFFFD800  }
0x65: {  	[spmem:s2] =	stream.indirect.scatter.add.f32 [tilespmem:s29], [sflag:$0x5], $0x80, s18, s28, $0xb8;
	[tilespmem:$0x1FF80] =	vst v63  }
0x66: {  	_ =	swait.ge [sflag:s31], $0x2800  }
0x67: {  	[sflag:s31] =	ssyncset.done $0x0  }
0x68: {  	s19 =	simm.s32 $0xF0;
	[sflag:s31] =	ssyncadd.s32 $0xFFFFD800  }
0x69: {  	[tilespmem:s26], [sflag:$0x1] =	stream.indirect.gather [hbm4b:s4+s28], $0x80, s19, s28, $0xb8;
	[tilespmem:$0x1FF80] =	vst v63  }
0x6a: {  	_ =	swait.ge [sflag:s5], $0x2800  }
0x6b: {  	[sflag:s5] =	ssyncset.done $0x0  }
0x6c: {  	s18 =	simm.s32 $0x2820;
	[sflag:s5] =	ssyncadd.s32 $0xFFFFD800  }
0x6d: {  	[spmem:s2] =	stream.indirect.scatter.add.f32 [tilespmem:s0], [sflag:$0x6], $0x80, s18, s28, $0xb8;
	[tilespmem:$0x1FF80] =	vst v63  }
0x6e: {  	_ =	swait.ge [sflag:s6], $0x2800  }
0x6f: {  	[sflag:s6] =	ssyncset.done $0x0  }
0x70: {  	s19 =	simm.s32 $0x140;
	[sflag:s6] =	ssyncadd.s32 $0xFFFFD800  }
0x71: {  	[tilespmem:s29], [sflag:$0x2] =	stream.indirect.gather [hbm4b:s4+s28], $0x80, s19, s28, $0xb8;
	[tilespmem:$0x1FF80] =	vst v63  }
0x72: {  	_ =	swait.ge [sflag:s30], $0x2800  }
0x73: {  	[sflag:s30] =	ssyncset.done $0x0  }
0x74: {  	s18 =	simm.s32 $0x2870;
	[sflag:s30] =	ssyncadd.s32 $0xFFFFD800  }
0x75: {  	[spmem:s2] =	stream.indirect.scatter.add.f32 [tilespmem:s26], [sflag:$0x4], $0x80, s18, s28, $0xb8;
	[tilespmem:$0x1FF80] =	vst v63  }
0x76: {  	_ =	swait.ge [sflag:s15], $0x2800  }
0x77: {  	[sflag:s15] =	ssyncset.done $0x0  }
0x78: {  	s19 =	simm.s32 $0x190;
	[sflag:s15] =	ssyncadd.s32 $0xFFFFD800  }
0x79: {  	[tilespmem:s0], [sflag:$0x3] =	stream.indirect.gather [hbm4b:s4+s28], $0x80, s19, s28, $0xb8;
	[tilespmem:$0x1FF80] =	vst v63  }
0x7a: {  	_ =	swait.ge [sflag:s1], $0x2800  }
0x7b: {  	[sflag:s1] =	ssyncset.done $0x0  }
0x7c: {  	s17 =	simm.s32 $0x3C0;
	s18 =	simm.s32 $0x28C0;
	[sflag:s1] =	ssyncadd.s32 $0xFFFFD800  }
.LBB2_4:
0x7d: {  	[spmem:s2] =	stream.indirect.scatter.add.f32 [tilespmem:s29], [sflag:$0x5], $0x80, s18, s28, $0xb8;
	[tilespmem:$0x1FF80] =	vst v63  }
0x7e: {  	s18 =	smov.u32 s17  }
0x7f: {  	p0 =	sne.s32 s17, $0x9240;
	s17 =	sadd.s32 $0x3C0, s17;
	_ =	swait.ge [sflag:s31], $0x2800  }
0x80: {  	s18 =	sshra.s32 s18, $0x2;
	[sflag:s31] =	ssyncset.done $0x0  }
0x81: {  	s19 =	sadd.s32 $0xF0, s18;
	[sflag:s31] =	ssyncadd.s32 $0xFFFFD800  }
0x82: {  	[tilespmem:s26], [sflag:$0x1] =	stream.indirect.gather [hbm4b:s4+s28], $0x80, s19, s28, $0xb8;
	[tilespmem:$0x1FF80] =	vst v63  }
0x83: {  	_ =	swait.ge [sflag:s5], $0x2800  }
0x84: {  	[sflag:s5] =	ssyncset.done $0x0  }
0x85: {  	s19 =	sadd.s32 $0x2820, s18;
	[sflag:s5] =	ssyncadd.s32 $0xFFFFD800  }
0x86: {  	[spmem:s2] =	stream.indirect.scatter.add.f32 [tilespmem:s0], [sflag:$0x6], $0x80, s19, s28, $0xb8;
	[tilespmem:$0x1FF80] =	vst v63  }
0x87: {  	_ =	swait.ge [sflag:s6], $0x2800  }
0x88: {  	[sflag:s6] =	ssyncset.done $0x0  }
0x89: {  	s19 =	sadd.s32 $0x140, s18;
	[sflag:s6] =	ssyncadd.s32 $0xFFFFD800  }
0x8a: {  	[tilespmem:s29], [sflag:$0x2] =	stream.indirect.gather [hbm4b:s4+s28], $0x80, s19, s28, $0xb8;
	[tilespmem:$0x1FF80] =	vst v63  }
0x8b: {  	_ =	swait.ge [sflag:s30], $0x2800  }
0x8c: {  	[sflag:s30] =	ssyncset.done $0x0  }
0x8d: {  	s19 =	sadd.s32 $0x2870, s18;
	[sflag:s30] =	ssyncadd.s32 $0xFFFFD800  }
0x8e: {  	[spmem:s2] =	stream.indirect.scatter.add.f32 [tilespmem:s26], [sflag:$0x4], $0x80, s19, s28, $0xb8;
	[tilespmem:$0x1FF80] =	vst v63  }
0x8f: {  	_ =	swait.ge [sflag:s15], $0x2800  }
0x90: {  	[sflag:s15] =	ssyncset.done $0x0  }
.Ltmp1:
0x91: {  	s19 =	sadd.s32 $0x190, s18;
	[sflag:s15] =	ssyncadd.s32 $0xFFFFD800;
	(pc) =	sbr.rel @p0 .LBB2_4-.Ltmp1, $4  }
0x92: {  	[tilespmem:s0], [sflag:$0x3] =	stream.indirect.gather [hbm4b:s4+s28], $0x80, s19, s28, $0xb8;
	[tilespmem:$0x1FF80] =	vst v63  }
0x93: {  	_ =	swait.ge [sflag:s1], $0x2800  }
0x94: {  	[sflag:s1] =	ssyncset.done $0x0  }
0x95: {  	s18 =	sadd.s32 $0x28C0, s18;
	[sflag:s1] =	ssyncadd.s32 $0xFFFFD800  }
0x96: {  	[spmem:s2] =	stream.indirect.scatter.add.f32 [tilespmem:s29], [sflag:$0x5], $0x80, s18, s28, $0xb8;
	[tilespmem:$0x1FF80] =	vst v63  }
0x97: {  	_ =	swait.ge [sflag:s31], $0x2800  }
0x98: {  	[sflag:s31] =	ssyncset.done $0x0  }
0x99: {  	s17 =	simm.s32 $0x2670;
	[sflag:s31] =	ssyncadd.s32 $0xFFFFD800  }
0x9a: {  	[tilespmem:s26], [sflag:$0x1] =	stream.indirect.gather [hbm4b:s4+s28], $0x80, s17, s28, $0xb8;
	[tilespmem:$0x1FF80] =	vst v63  }
0x9b: {  	_ =	swait.ge [sflag:s5], $0x2800  }
0x9c: {  	[sflag:s5] =	ssyncset.done $0x0  }
0x9d: {  	s19 =	simm.s32 $0x4DA0;
	[sflag:s5] =	ssyncadd.s32 $0xFFFFD800  }
0x9e: {  	[spmem:s2] =	stream.indirect.scatter.add.f32 [tilespmem:s0], [sflag:$0x6], $0x80, s19, s28, $0xb8;
	[tilespmem:$0x1FF80] =	vst v63  }
0x9f: {  	_ =	swait.ge [sflag:s6], $0x2800  }
0xa0: {  	[sflag:s6] =	ssyncset.done $0x0  }
0xa1: {  	s18 =	simm.s32 $0x26C0;
	[sflag:s6] =	ssyncadd.s32 $0xFFFFD800  }
0xa2: {  	[tilespmem:s29], [sflag:$0x2] =	stream.indirect.gather [hbm4b:s4+s28], $0x80, s18, s28, $0xb8;
	[tilespmem:$0x1FF80] =	vst v63  }
0xa3: {  	_ =	swait.ge [sflag:s30], $0x2800  }
0xa4: {  	[sflag:s30] =	ssyncset.done $0x0  }
0xa5: {  	s19 =	simm.s32 $0x4DF0;
	[sflag:s30] =	ssyncadd.s32 $0xFFFFD800  }
0xa6: {  	[spmem:s2] =	stream.indirect.scatter.add.f32 [tilespmem:s26], [sflag:$0x4], $0x80, s19, s28, $0xb8;
	[tilespmem:$0x1FF80] =	vst v63  }
0xa7: {  	_ =	swait.ge [sflag:s1], $0x2800  }
0xa8: {  	[sflag:s1] =	ssyncset.done $0x0  }
0xa9: {  	s18 =	simm.s32 $0x4E40;
	[sflag:s1] =	ssyncadd.s32 $0xFFFFD800  }
0xaa: {  	[spmem:s2] =	stream.indirect.scatter.add.f32 [tilespmem:s29], [sflag:$0x5], $0x80, s18, s28, $0xb8;
	[tilespmem:$0x1FF80] =	vst v63  }
0xab: {  	_ =	swait.ge [sflag:s31], $0x2800  }
0xac: {  	[sflag:s31] =	ssyncset.done $0x0  }
0xad: {  	[sflag:s31] =	ssyncadd.s32 $0xFFFFD800  }
0xae: {  	_ =	swait.ge [sflag:s6], $0x2800  }
0xaf: {  	[sflag:s6] =	ssyncset.done $0x0  }
0xb0: {  	[sflag:s6] =	ssyncadd.s32 $0xFFFFD800  }
0xb1: {  	_ =	swait.ge [sflag:s15], $0x2800  }
0xb2: {  	[sflag:s15] =	ssyncset.done $0x0  }
0xb3: {  	[sflag:s15] =	ssyncadd.s32 $0xFFFFD800  }
0xb4: {  	[bflag:$0x0] =	sbarrier.arrive $0xFFFF  }
0xb5: {  	[tilespmem:s26], [sflag:$0x7] =	stream.linear.gather [spmem:s7], $0x2800, $0x38;
	[tilespmem:$0x1FF80] =	vst v63  }
0xb6: {  	_ =	swait.ge [sflag:s24], $0x2800  }
0xb7: {  	[sflag:s24] =	ssyncset.done $0x0  }
0xb8: {  	s19 =	rddreg [dreg:$0x6];
	[sflag:s24] =	ssyncadd.s32 $0xFFFFD800  }
0xb9: {  	[hbm4b:s19+s3] =	stream.linear.scatter [tilespmem:s26], [sflag:$0x7], $0x2800, $0x38;
	[tilespmem:$0x1FF80] =	vst v63  }
0xba: {  	_ =	swait.ge [sflag:s24], $0x2800  }
0xbb: {  	[sflag:s24] =	ssyncset.done $0x0  }
0xbc: {  	[sflag:s24] =	ssyncadd.s32 $0xFFFFD800  }
0xbd: {  	[tilespmem:s26], [sflag:$0x7] =	stream.linear.gather [spmem:s8], $0x2800, $0x38;
	[tilespmem:$0x1FF80] =	vst v63  }
0xbe: {  	_ =	swait.ge [sflag:s24], $0x2800  }
0xbf: {  	[sflag:s24] =	ssyncset.done $0x0  }
0xc0: {  	s18 =	rddreg [dreg:$0x7];
	[sflag:s24] =	ssyncadd.s32 $0xFFFFD800  }
0xc1: {  	[hbm4b:s18+s3] =	stream.linear.scatter [tilespmem:s26], [sflag:$0x7], $0x2800, $0x38;
	[tilespmem:$0x1FF80] =	vst v63  }
0xc2: {  	_ =	swait.ge [sflag:s24], $0x2800  }
0xc3: {  	[sflag:s24] =	ssyncset.done $0x0  }
0xc4: {  	[sflag:s24] =	ssyncadd.s32 $0xFFFFD800  }
0xc5: {  	[tilespmem:s26], [sflag:$0x7] =	stream.linear.gather [spmem:s9], $0x2800, $0x38;
	[tilespmem:$0x1FF80] =	vst v63  }
0xc6: {  	_ =	swait.ge [sflag:s24], $0x2800  }
0xc7: {  	[sflag:s24] =	ssyncset.done $0x0  }
0xc8: {  	s19 =	rddreg [dreg:$0x8];
	[sflag:s24] =	ssyncadd.s32 $0xFFFFD800  }
0xc9: {  	[hbm4b:s19+s3] =	stream.linear.scatter [tilespmem:s26], [sflag:$0x7], $0x2800, $0x38;
	[tilespmem:$0x1FF80] =	vst v63  }
0xca: {  	_ =	swait.ge [sflag:s24], $0x2800  }
0xcb: {  	[sflag:s24] =	ssyncset.done $0x0  }
0xcc: {  	[sflag:s24] =	ssyncadd.s32 $0xFFFFD800  }
0xcd: {  	[tilespmem:s26], [sflag:$0x7] =	stream.linear.gather [spmem:s10], $0x2800, $0x38;
	[tilespmem:$0x1FF80] =	vst v63  }
0xce: {  	_ =	swait.ge [sflag:s24], $0x2800  }
0xcf: {  	[sflag:s24] =	ssyncset.done $0x0  }
0xd0: {  	s18 =	rddreg [dreg:$0x9];
	[sflag:s24] =	ssyncadd.s32 $0xFFFFD800  }
0xd1: {  	[hbm4b:s18+s3] =	stream.linear.scatter [tilespmem:s26], [sflag:$0x7], $0x2800, $0x38;
	[tilespmem:$0x1FF80] =	vst v63  }
0xd2: {  	_ =	swait.ge [sflag:s24], $0x2800  }
0xd3: {  	[sflag:s24] =	ssyncset.done $0x0  }
0xd4: {  	[sflag:s24] =	ssyncadd.s32 $0xFFFFD800  }
0xd5: {  	[tilespmem:s26], [sflag:$0x7] =	stream.linear.gather [spmem:s11], $0x2800, $0x38;
	[tilespmem:$0x1FF80] =	vst v63  }
0xd6: {  	_ =	swait.ge [sflag:s24], $0x2800  }
0xd7: {  	[sflag:s24] =	ssyncset.done $0x0  }
0xd8: {  	s19 =	rddreg [dreg:$0xa];
	[sflag:s24] =	ssyncadd.s32 $0xFFFFD800  }
0xd9: {  	[hbm4b:s19+s3] =	stream.linear.scatter [tilespmem:s26], [sflag:$0x7], $0x2800, $0x38;
	[tilespmem:$0x1FF80] =	vst v63  }
0xda: {  	_ =	swait.ge [sflag:s24], $0x2800  }
0xdb: {  	[sflag:s24] =	ssyncset.done $0x0  }
0xdc: {  	[sflag:s24] =	ssyncadd.s32 $0xFFFFD800  }
0xdd: {  	[tilespmem:s26], [sflag:$0x7] =	stream.linear.gather [spmem:s12], $0x2800, $0x38;
	[tilespmem:$0x1FF80] =	vst v63  }
0xde: {  	_ =	swait.ge [sflag:s24], $0x2800  }
0xdf: {  	[sflag:s24] =	ssyncset.done $0x0  }
0xe0: {  	[sflag:s24] =	ssyncadd.s32 $0xFFFFD800  }
0xe1: {  	[hbm4b:s20+s3] =	stream.linear.scatter [tilespmem:s26], [sflag:$0x7], $0x2800, $0x38;
	[tilespmem:$0x1FF80] =	vst v63  }
0xe2: {  	_ =	swait.ge [sflag:s24], $0x2800  }
0xe3: {  	[sflag:s24] =	ssyncset.done $0x0  }
0xe4: {  	[sflag:s24] =	ssyncadd.s32 $0xFFFFD800  }
0xe5: {  	[tilespmem:s26], [sflag:$0x7] =	stream.linear.gather [spmem:s13], $0x2800, $0x38;
	[tilespmem:$0x1FF80] =	vst v63  }
0xe6: {  	_ =	swait.ge [sflag:s24], $0x2800  }
0xe7: {  	[sflag:s24] =	ssyncset.done $0x0  }
0xe8: {  	[sflag:s24] =	ssyncadd.s32 $0xFFFFD800  }
0xe9: {  	[hbm4b:s21+s3] =	stream.linear.scatter [tilespmem:s26], [sflag:$0x7], $0x2800, $0x38;
	[tilespmem:$0x1FF80] =	vst v63  }
0xea: {  	_ =	swait.ge [sflag:s24], $0x2800  }
0xeb: {  	[sflag:s24] =	ssyncset.done $0x0  }
0xec: {  	[sflag:s24] =	ssyncadd.s32 $0xFFFFD800  }
0xed: {  	[tilespmem:s26], [sflag:$0x7] =	stream.linear.gather [spmem:s14], $0x2800, $0x38;
	[tilespmem:$0x1FF80] =	vst v63  }
0xee: {  	s16 =	sadd.s32 $0x1, s16;
	_ =	swait.ge [sflag:s24], $0x2800  }
0xef: {  	p0 =	sne.s32 s16, s23;
	[sflag:s24] =	ssyncset.done $0x0  }
.Ltmp2:
0xf0: {  	[sflag:s24] =	ssyncadd.s32 $0xFFFFD800;
	(pc) =	sbr.rel @p0 .LBB2_1-.Ltmp2, $4  }
0xf1: {  	[hbm4b:s22+s3] =	stream.linear.scatter [tilespmem:s26], [sflag:$0x7], $0x2800, $0x38;
	[tilespmem:$0x1FF80] =	vst v63  }
0xf2: {  	_ =	swait.ge [sflag:s24], $0x2800  }
0xf3: {  	[sflag:s24] =	ssyncset.done $0x0  }
0xf4: {  	[sflag:s24] =	ssyncadd.s32 $0xFFFFD800  }
0xf5: {  	_ =	sfence.sel $0x180000  }
0xf6: {  	[bflag:$0x0] =	sbarrier.arrive $0xFFFF  }
0xf7: {  	_ =	strace $0x90000050  }
0xf8: {  	s0 =	stileid.u32;
	[bflag:$0x2] =	sbarrier.arrive $0xFFFF  }
0xf9: {  	p0 =	sne.s32 s0, $0x0;
	s0 =	rddreg [dreg:$0x3]  }
0xfa: {  	s0 =	sadd.s32 @!p0 $0x100000, s0  }
0xfb: {  	[sflag:s0] =	ssyncadd.tile.s32 @!p0 $0x1;
	_ =	shalt  }
.Lfunc_end2:
_tile_overlayer_lowered:
.L_overlay_start_2:
0xfc: {  	(tag) =	ssettag $0x2  }
0xfd: {  	s0 =	rddreg [dreg:$0x0];
	s2 =	stileid.u32  }
0xfe: {  	s1 =	rddreg [dreg:$0x1];
	p0 =	sne.s32 s2, $0x0  }
0xff: {  	s3 =	rddreg [dreg:$0x2];
	[bflag:$0x3] =	sbarrier.arrive $0xFFFF;
	s2 =	simm.s32 @!p0 $0x1C07  }
0x100: {  	[timem:s3], [sflag:s2] =	dma.local @!p0 [hbm:s0], s1  }
0x101: {  	s0 =	simm.s32 @!p0 $0x7  }
0x102: {  	_ =	swait.ge @!p0 [sflag:s0], s1  }
0x103: {  	s1 =	ssub.s32 @!p0 $0x0, s1;
	[sflag:s0] =	ssyncset.done @!p0 $0x0  }
0x104: {  	[sflag:s0] =	ssyncadd.s32 @!p0 s1  }
0x105: {  	[bflag:$0x3] =	sbarrier.arrive $0xFFFF  }
0x106: {  	_ =	shalt  }

</sc_bundles>
